<compile_context>
chip_gen: v7x
topology: tpu7x:2x2x1
jax: 0.10.2.dev20260603
libtpu: 0.0.44.dev20260713+nightly
codegen_flags: <defaults>
</compile_context>

<pallas_src>
import jax
import jax.numpy as jnp
from jax import lax
from jax.experimental import pallas as pl
from jax.experimental.pallas import tpu as pltpu
from jax.experimental.pallas import tpu_sc as plsc

N = 10000
E = 320000
IN_CH = 128
HID = 64
OUT = 2
F = 128

NW = 32
CH = 128
NCHUNK = E // CH
CPW = 78
NXTRA = NCHUNK - NW * CPW
N_PAD = 10240
RPT = N_PAD // 16

_MESH = plsc.VectorSubcoreMesh(core_axis_name="c", subcore_axis_name="s")


def _stage_edges(ei_hbm, idx_v, w):
    pltpu.sync_copy(ei_hbm.at[pl.ds(w * CPW, CPW)], idx_v.at[pl.ds(0, CPW)])

    @pl.when(w < NXTRA)
    def _():
        pltpu.sync_copy(ei_hbm.at[pl.ds(NW * CPW + w, 1)],
                        idx_v.at[pl.ds(CPW, 1)])


def _deg_body(ei_hbm, ones_hbm, z_hbm, out_hbm, idx_v, ones_v, acc, sem):
    c = lax.axis_index("c")
    s = lax.axis_index("s")
    w = c * 16 + s
    pltpu.sync_copy(z_hbm.at[pl.ds(s * RPT, RPT)], acc.at[pl.ds(s * RPT, RPT)])
    pltpu.sync_copy(ones_hbm, ones_v)
    _stage_edges(ei_hbm, idx_v, w)
    plsc.subcore_barrier()

    def group(g, carry):
        for b in range(13):
            pltpu.async_copy(ones_v, acc.at[idx_v.at[g * 13 + b, 1]], sem,
                             add=True)
        for b in range(13):
            pltpu.make_async_copy(ones_v, acc.at[idx_v.at[0, 1]], sem).wait()
        return carry

    lax.fori_loop(0, CPW // 13, group, 0)

    @pl.when(w < NXTRA)
    def _():
        pltpu.sync_copy(ones_v, acc.at[idx_v.at[CPW, 1]], add=True)

    plsc.subcore_barrier()
    pltpu.sync_copy(acc.at[pl.ds(s * RPT, RPT)],
                    out_hbm.at[c, pl.ds(s * RPT, RPT)])


_sc_deg = pl.kernel(
    _deg_body,
    out_type=jax.ShapeDtypeStruct((2, N_PAD), jnp.float32),
    mesh=_MESH,
    compiler_params=pltpu.CompilerParams(use_tc_tiling_on_sc=False),
    scratch_types=[
        pltpu.VMEM((CPW + 1, 2, CH), jnp.int32),
        pltpu.VMEM((CH,), jnp.float32),
        pltpu.VMEM_SHARED((N_PAD,), jnp.float32),
        pltpu.SemaphoreType.DMA,
    ],
)


def _make_agg_body(d, mul, scc):
    nsc = CPW // scc

    def body(h_hbm, ei_hbm, z_hbm, out_hbm,
             idx_v, src_v, rows_v, acc, gsemA, gsemB, ssemA, ssemB):
        c = lax.axis_index("c")
        s = lax.axis_index("s")
        w = c * 16 + s
        pltpu.sync_copy(z_hbm.at[pl.ds(s * RPT, RPT)],
                        acc.at[pl.ds(s * RPT, RPT)])
        _stage_edges(ei_hbm, idx_v, w)

        def scale_idx(j, carry):
            for k in range(CH // 16):
                src_v[pl.ds(j * CH + 16 * k, 16)] = (
                    idx_v[j, 0, pl.ds(16 * k, 16)] * mul)
            return carry

        lax.fori_loop(0, CPW + 1, scale_idx, 0)
        plsc.subcore_barrier()

        def fire_gather(g, half, gsem):
            pltpu.async_copy(
                h_hbm.at[src_v.at[pl.ds(g * scc * CH, scc * CH)]],
                rows_v.at[half], gsem)

        def drain_gather(half, gsem):
            pltpu.make_async_copy(h_hbm.at[src_v.at[pl.ds(0, scc * CH)]],
                                  rows_v.at[half], gsem).wait()

        def fire_scatters(g, half, ssem):
            for b in range(scc):
                pltpu.async_copy(rows_v.at[half, pl.ds(b * CH, CH)],
                                 acc.at[idx_v.at[g * scc + b, 1]], ssem,
                                 add=True)

        def drain_scatters(half, ssem):
            for b in range(scc):
                pltpu.make_async_copy(rows_v.at[half, pl.ds(b * CH, CH)],
                                      acc.at[idx_v.at[0, 1]], ssem).wait()

        fire_gather(0, 0, gsemA)

        def step(i, carry):
            gA = 2 * i
            gB = 2 * i + 1
            drain_gather(0, gsemA)
            fire_gather(gB, 1, gsemB)
            fire_scatters(gA, 0, ssemA)
            drain_scatters(0, ssemA)

            @pl.when(gA + 2 < nsc)
            def _():
                fire_gather(gA + 2, 0, gsemA)

            drain_gather(1, gsemB)
            fire_scatters(gB, 1, ssemB)
            drain_scatters(1, ssemB)
            return carry

        lax.fori_loop(0, nsc // 2, step, 0)

        @pl.when(w < NXTRA)
        def _():
            pltpu.async_copy(
                h_hbm.at[src_v.at[pl.ds(CPW * CH, CH)]],
                rows_v.at[0, pl.ds(0, CH)], gsemA).wait()
            pltpu.async_copy(rows_v.at[0, pl.ds(0, CH)],
                             acc.at[idx_v.at[CPW, 1]], ssemA,
                             add=True).wait()

        plsc.subcore_barrier()
        pltpu.sync_copy(acc.at[pl.ds(s * RPT, RPT)],
                        out_hbm.at[c, pl.ds(s * RPT, RPT), pl.ds(0, d)])
    return body


def _make_agg(d, mul, scc):
    return pl.kernel(
        _make_agg_body(d, mul, scc),
        out_type=jax.ShapeDtypeStruct((2, N_PAD, F), jnp.float32),
        mesh=_MESH,
        compiler_params=pltpu.CompilerParams(use_tc_tiling_on_sc=False),
        scratch_types=[
            pltpu.VMEM((CPW + 1, 2, CH), jnp.int32),
            pltpu.VMEM(((CPW + 1) * CH,), jnp.int32),
            pltpu.VMEM((2, scc * CH, d), jnp.float32),
            pltpu.VMEM_SHARED((N_PAD, d), jnp.float32),
            pltpu.SemaphoreType.DMA,
            pltpu.SemaphoreType.DMA,
            pltpu.SemaphoreType.DMA,
            pltpu.SemaphoreType.DMA,
        ],
    )


_sc_agg64 = _make_agg(HID, F // HID, 3)
_sc_agg16 = _make_agg(16, F // 16, 13)


def _dinv_from(degp):
    deg = degp[0] + degp[1] + 1.0
    return lax.rsqrt(deg).reshape(N_PAD, 1)


def _prep_body(x_ref, w1_ref, degp_ref, h1s_ref):
    dinv = _dinv_from(degp_ref[...])
    m1 = jnp.dot(x_ref[...], w1_ref[...], preferred_element_type=jnp.float32)
    h1s_ref[pl.ds(0, N), pl.ds(0, HID)] = m1 * dinv[:N, :]


_tc_prep = pl.pallas_call(
    _prep_body,
    out_shape=jax.ShapeDtypeStruct((N_PAD, F), jnp.float32),
)


def _mid_body(u1p_ref, h1s_ref, degp_ref, b1_ref, w2_ref, g2s_ref):
    dinv = _dinv_from(degp_ref[...])
    u1 = u1p_ref[0, :, :HID] + u1p_ref[1, :, :HID] + h1s_ref[:, :HID]
    out1 = u1 * dinv + b1_ref[...].reshape(1, HID)
    h2 = jnp.maximum(out1, 0.0)
    g2 = jnp.dot(h2, w2_ref[...], preferred_element_type=jnp.float32)
    g2s_ref[:, pl.ds(0, 16)] = g2 * dinv


_tc_mid = pl.pallas_call(
    _mid_body,
    out_shape=jax.ShapeDtypeStruct((N_PAD, F), jnp.float32),
)


def _fin_body(u2p_ref, g2s_ref, degp_ref, b2_ref, out_ref):
    dinv = _dinv_from(degp_ref[...])
    u2 = u2p_ref[0, :, :16] + u2p_ref[1, :, :16] + g2s_ref[:, :16]
    res = u2 * dinv + b2_ref[...].reshape(1, 16)
    out_ref[...] = res[:N, :OUT]


_tc_fin = pl.pallas_call(
    _fin_body,
    out_shape=jax.ShapeDtypeStruct((N, OUT), jnp.float32),
)


def kernel(x, edge_index, W1, b1, W2, b2):
    ei3 = jnp.transpose(edge_index.reshape(2, NCHUNK, CH), (1, 0, 2))

    ones_ch = jnp.ones((CH,), jnp.float32)
    z1 = jnp.zeros((N_PAD,), jnp.float32)
    z64 = jnp.zeros((N_PAD, HID), jnp.float32)
    z16 = jnp.zeros((N_PAD, 16), jnp.float32)
    w2_p = jnp.pad(W2, ((0, 0), (0, 16 - OUT)))
    b2_p = jnp.pad(b2, ((0, 16 - OUT),))

    deg_p = _sc_deg(ei3, ones_ch, z1)
    h1s = _tc_prep(x, W1, deg_p)
    u1_p = _sc_agg64(h1s.reshape(N_PAD * 2, HID), ei3, z64)
    g2s = _tc_mid(u1_p, h1s, deg_p, b1, w2_p)
    u2_p = _sc_agg16(g2s.reshape(N_PAD * 8, 16), ei3, z16)
    return _tc_fin(u2_p, g2s, deg_p, b2_p)

# --- scband reference (transcript-rebuilt; emitter-appended) ---
"""Pipeline reference for scband-gcn-19645180412674 (READ-ONLY COPY).

The authoritative reference and input builder live on the scoring server;
editing this copy changes nothing except your own understanding.
"""

import jax, jax.numpy as jnp
import numpy as np

N_NODES = 10000
N_EDGES = 320000
IN_CH = 128
HID_CH = 64
OUT_CH = 2


def setup_inputs(seed: int = 0) -> dict:
    key = jax.random.key(seed)
    k1, k2, k3, k4, k5, k6 = jax.random.split(key, 6)
    x = jax.random.normal(k1, (N_NODES, IN_CH), dtype=jnp.float32)
    edge_index = jax.random.randint(k2, (2, N_EDGES), 0, N_NODES, dtype=jnp.int32)
    W1 = jax.random.normal(k3, (IN_CH, HID_CH), dtype=jnp.float32) * 0.05
    b1 = jnp.zeros((HID_CH,), dtype=jnp.float32)
    W2 = jax.random.normal(k4, (HID_CH, OUT_CH), dtype=jnp.float32) * 0.05
    b2 = jnp.zeros((OUT_CH,), dtype=jnp.float32)
    return {"x": x, "edge_index": edge_index, "W1": W1, "b1": b1, "W2": W2, "b2": b2}


def _gcn_conv(x, W, b, src, dst, n):
    # GCNConv (PyG semantics): linear transform, symmetric normalization with
    # self-loops, scatter-add aggregation from src -> dst, then bias.
    h = x @ W
    deg = jnp.zeros((n,), dtype=x.dtype).at[dst].add(jnp.ones_like(dst, dtype=x.dtype))
    dinv = jnp.where(deg > 0, jax.lax.rsqrt(jnp.maximum(deg, 1e-12)), 0.0)
    norm = dinv[src] * dinv[dst]
    msg = h[src] * norm[:, None]
    out = jnp.zeros((n, h.shape[1]), dtype=x.dtype).at[dst].add(msg)
    return out + b


def reference(x, edge_index, W1, b1, W2, b2):
    n = x.shape[0]
    loops = jnp.arange(n, dtype=edge_index.dtype)
    src = jnp.concatenate([edge_index[0], loops])
    dst = jnp.concatenate([edge_index[1], loops])
    h = jax.nn.relu(_gcn_conv(x, W1, b1, src, dst, n))
    # dropout is identity in eval mode
    out = _gcn_conv(h, W2, b2, src, dst, n)
    return out

if __name__ == "__main__":
    import jax
    _d = setup_inputs()
    print(jax.jit(kernel)(*tuple(_d.values())))

</pallas_src>

<mosaic_0001>
#map = affine_map<(d0, d1) -> (0, 0)>
#map1 = affine_map<(d0, d1) -> (0, 0, 0)>
module attributes {stable_mosaic.version = 14 : i64} {
  func.func @body(%arg0: i32, %arg1: i32, %arg2: memref<20480x64xf32, #tpu.memory_space<hbm>>, %arg3: memref<2500x2x128xi32, #tpu.memory_space<hbm>>, %arg4: memref<10240x64xf32, #tpu.memory_space<hbm>>, %arg5: memref<2x10240x128xf32, #tpu.memory_space<hbm>>, %arg6: memref<79x2x128xi32, #tpu.memory_space<vmem>>, %arg7: memref<10112xi32, #tpu.memory_space<vmem>>, %arg8: memref<2x384x64xf32, #tpu.memory_space<vmem>>, %arg9: memref<10240x64xf32, #tpu.memory_space<vmem_shared>>, %arg10: memref<!tpu.dma_semaphore, #tpu.memory_space<semaphore_mem>>, %arg11: memref<!tpu.dma_semaphore, #tpu.memory_space<semaphore_mem>>, %arg12: memref<!tpu.dma_semaphore, #tpu.memory_space<semaphore_mem>>, %arg13: memref<!tpu.dma_semaphore, #tpu.memory_space<semaphore_mem>>) attributes {dimension_semantics = [#tpu.dimension_semantics<core_parallel>, #tpu.dimension_semantics<subcore_parallel>], iteration_bounds = array<i64: 2, 16>, scalar_prefetch = 0 : i64, scratch_operands = 8 : i64, tpu.core_type = #tpu.core_type<sc_vector_subcore>, window_params = [{transform_indices = #map}, {transform_indices = #map1}, {transform_indices = #map}, {transform_indices = #map1}]} {
    %mul3A = arith.constant 16 : i32
    %mul3A_0 = arith.muli %arg0, %mul3A : i32
    %add3A = arith.addi %mul3A_0, %arg1 : i32
    %mul3A_1 = arith.constant 640 : i32
    %mul3A_2 = arith.muli %arg1, %mul3A_1 : i32
    %mul3A_3 = arith.constant 640 : i32
    %mul3A_4 = arith.muli %arg1, %mul3A_3 : i32
    "tpu.region"() ({
      %run_scoped3A = tpu.sem_alloc : memref<!tpu.dma_semaphore, #tpu.memory_space<semaphore_mem>>
      %dma_start3A_39 = arith.constant 0 : i32
      %dma_start3A_40 = tpu.memref_slice %arg9[%mul3A_4, %dma_start3A_39] : memref<10240x64xf32, #tpu.memory_space<vmem_shared>> -> memref<640x64xf32, #tpu.memory_space<vmem_shared>>
      %dma_start3A_41 = arith.constant 0 : i32
      %dma_start3A_42 = tpu.memref_slice %arg4[%mul3A_2, %dma_start3A_41] : memref<10240x64xf32, #tpu.memory_space<hbm>> -> memref<640x64xf32, #tpu.memory_space<hbm>>
      tpu.enqueue_dma source(%dma_start3A_42 : memref<640x64xf32, #tpu.memory_space<hbm>>) target(%dma_start3A_40 : memref<640x64xf32, #tpu.memory_space<vmem_shared>>) target_semaphore(%run_scoped3A : memref<!tpu.dma_semaphore, #tpu.memory_space<semaphore_mem>>)
      %dma_wait3A = arith.constant 0 : i32
      %dma_wait3A_43 = tpu.memref_slice %arg9[%mul3A_4, %dma_wait3A] : memref<10240x64xf32, #tpu.memory_space<vmem_shared>> -> memref<640x64xf32, #tpu.memory_space<vmem_shared>>
      %dma_wait3A_44 = arith.constant 0 : i32
      %dma_wait3A_45 = tpu.memref_slice %arg4[%mul3A_2, %dma_wait3A_44] : memref<10240x64xf32, #tpu.memory_space<hbm>> -> memref<640x64xf32, #tpu.memory_space<hbm>>
      tpu.wait_dma2 semaphore(%run_scoped3A : memref<!tpu.dma_semaphore, #tpu.memory_space<semaphore_mem>>) src(%dma_wait3A_45 : memref<640x64xf32, #tpu.memory_space<hbm>>) dst(%dma_wait3A_43 : memref<640x64xf32, #tpu.memory_space<vmem_shared>>)
      tpu.yield
    }) : () -> ()
    %mul3A_5 = arith.constant 78 : i32
    %mul3A_6 = arith.muli %add3A, %mul3A_5 : i32
    "tpu.region"() ({
      %run_scoped3A = tpu.sem_alloc : memref<!tpu.dma_semaphore, #tpu.memory_space<semaphore_mem>>
      %dma_start3A_39 = arith.constant 0 : i32
      %dma_start3A_40 = arith.constant 0 : i32
      %dma_start3A_41 = arith.constant 0 : i32
      %dma_start3A_42 = tpu.memref_slice %arg6[%dma_start3A_39, %dma_start3A_40, %dma_start3A_41] : memref<79x2x128xi32, #tpu.memory_space<vmem>> -> memref<78x2x128xi32, #tpu.memory_space<vmem>>
      %dma_start3A_43 = arith.constant 0 : i32
      %dma_start3A_44 = arith.constant 0 : i32
      %dma_start3A_45 = tpu.memref_slice %arg3[%mul3A_6, %dma_start3A_43, %dma_start3A_44] : memref<2500x2x128xi32, #tpu.memory_space<hbm>> -> memref<78x2x128xi32, #tpu.memory_space<hbm>>
      %dma_start3A_46 = arith.constant 0 : i32
      %dma_start3A_47 = arith.constant 0 : i32
      %dma_start3A_48 = arith.constant 0 : i32
      %dma_start3A_49 = tpu.memref_slice %arg6[%dma_start3A_46, %dma_start3A_47, %dma_start3A_48] : memref<79x2x128xi32, #tpu.memory_space<vmem>> -> memref<78x2x128xi32, #tpu.memory_space<vmem>>
      %dma_start3A_50 = arith.constant 0 : i32
      %dma_start3A_51 = arith.constant 0 : i32
      %dma_start3A_52 = tpu.memref_slice %arg3[%mul3A_6, %dma_start3A_50, %dma_start3A_51] : memref<2500x2x128xi32, #tpu.memory_space<hbm>> -> memref<78x2x128xi32, #tpu.memory_space<hbm>>
      tpu.enqueue_dma source(%dma_start3A_52 : memref<78x2x128xi32, #tpu.memory_space<hbm>>) target(%dma_start3A_49 : memref<78x2x128xi32, #tpu.memory_space<vmem>>) target_semaphore(%run_scoped3A : memref<!tpu.dma_semaphore, #tpu.memory_space<semaphore_mem>>)
      %dma_wait3A = arith.constant 0 : i32
      %dma_wait3A_53 = arith.constant 0 : i32
      %dma_wait3A_54 = arith.constant 0 : i32
      %dma_wait3A_55 = tpu.memref_slice %arg6[%dma_wait3A, %dma_wait3A_53, %dma_wait3A_54] : memref<79x2x128xi32, #tpu.memory_space<vmem>> -> memref<78x2x128xi32, #tpu.memory_space<vmem>>
      %dma_wait3A_56 = arith.constant 0 : i32
      %dma_wait3A_57 = arith.constant 0 : i32
      %dma_wait3A_58 = tpu.memref_slice %arg3[%mul3A_6, %dma_wait3A_56, %dma_wait3A_57] : memref<2500x2x128xi32, #tpu.memory_space<hbm>> -> memref<78x2x128xi32, #tpu.memory_space<hbm>>
      %dma_wait3A_59 = arith.constant 0 : i32
      %dma_wait3A_60 = arith.constant 0 : i32
      %dma_wait3A_61 = arith.constant 0 : i32
      %dma_wait3A_62 = tpu.memref_slice %arg6[%dma_wait3A_59, %dma_wait3A_60, %dma_wait3A_61] : memref<79x2x128xi32, #tpu.memory_space<vmem>> -> memref<78x2x128xi32, #tpu.memory_space<vmem>>
      %dma_wait3A_63 = arith.constant 0 : i32
      %dma_wait3A_64 = arith.constant 0 : i32
      %dma_wait3A_65 = tpu.memref_slice %arg3[%mul3A_6, %dma_wait3A_63, %dma_wait3A_64] : memref<2500x2x128xi32, #tpu.memory_space<hbm>> -> memref<78x2x128xi32, #tpu.memory_space<hbm>>
      tpu.wait_dma2 semaphore(%run_scoped3A : memref<!tpu.dma_semaphore, #tpu.memory_space<semaphore_mem>>) src(%dma_wait3A_65 : memref<78x2x128xi32, #tpu.memory_space<hbm>>) dst(%dma_wait3A_62 : memref<78x2x128xi32, #tpu.memory_space<vmem>>)
      tpu.yield
    }) : () -> ()
    %lt3A = arith.constant 4 : i32
    %lt3A_7 = arith.cmpi slt, %add3A, %lt3A : i32
    %convert_element_type3A = arith.extui %lt3A_7 : i1 to i32
    %cond3A = arith.constant 0 : i32
    %cond3A_8 = arith.cmpi ne, %convert_element_type3A, %cond3A : i32
    scf.if %cond3A_8 {
      %add3A_39 = arith.constant 2496 : i32
      %add3A_40 = arith.addi %add3A_39, %add3A : i32
      "tpu.region"() ({
        %run_scoped3A = tpu.sem_alloc : memref<!tpu.dma_semaphore, #tpu.memory_space<semaphore_mem>>
        %dma_start3A_41 = arith.constant 78 : i32
        %dma_start3A_42 = arith.constant 0 : i32
        %dma_start3A_43 = arith.constant 0 : i32
        %dma_start3A_44 = tpu.memref_slice %arg6[%dma_start3A_41, %dma_start3A_42, %dma_start3A_43] : memref<79x2x128xi32, #tpu.memory_space<vmem>> -> memref<1x2x128xi32, #tpu.memory_space<vmem>>
        %dma_start3A_45 = arith.constant 0 : i32
        %dma_start3A_46 = arith.constant 0 : i32
        %dma_start3A_47 = tpu.memref_slice %arg3[%add3A_40, %dma_start3A_45, %dma_start3A_46] : memref<2500x2x128xi32, #tpu.memory_space<hbm>> -> memref<1x2x128xi32, #tpu.memory_space<hbm>>
        %dma_start3A_48 = arith.constant 78 : i32
        %dma_start3A_49 = arith.constant 0 : i32
        %dma_start3A_50 = arith.constant 0 : i32
        %dma_start3A_51 = tpu.memref_slice %arg6[%dma_start3A_48, %dma_start3A_49, %dma_start3A_50] : memref<79x2x128xi32, #tpu.memory_space<vmem>> -> memref<1x2x128xi32, #tpu.memory_space<vmem>>
        %dma_start3A_52 = arith.constant 0 : i32
        %dma_start3A_53 = arith.constant 0 : i32
        %dma_start3A_54 = tpu.memref_slice %arg3[%add3A_40, %dma_start3A_52, %dma_start3A_53] : memref<2500x2x128xi32, #tpu.memory_space<hbm>> -> memref<1x2x128xi32, #tpu.memory_space<hbm>>
        tpu.enqueue_dma source(%dma_start3A_54 : memref<1x2x128xi32, #tpu.memory_space<hbm>>) target(%dma_start3A_51 : memref<1x2x128xi32, #tpu.memory_space<vmem>>) target_semaphore(%run_scoped3A : memref<!tpu.dma_semaphore, #tpu.memory_space<semaphore_mem>>)
        %dma_wait3A = arith.constant 78 : i32
        %dma_wait3A_55 = arith.constant 0 : i32
        %dma_wait3A_56 = arith.constant 0 : i32
        %dma_wait3A_57 = tpu.memref_slice %arg6[%dma_wait3A, %dma_wait3A_55, %dma_wait3A_56] : memref<79x2x128xi32, #tpu.memory_space<vmem>> -> memref<1x2x128xi32, #tpu.memory_space<vmem>>
        %dma_wait3A_58 = arith.constant 0 : i32
        %dma_wait3A_59 = arith.constant 0 : i32
        %dma_wait3A_60 = tpu.memref_slice %arg3[%add3A_40, %dma_wait3A_58, %dma_wait3A_59] : memref<2500x2x128xi32, #tpu.memory_space<hbm>> -> memref<1x2x128xi32, #tpu.memory_space<hbm>>
        %dma_wait3A_61 = arith.constant 78 : i32
        %dma_wait3A_62 = arith.constant 0 : i32
        %dma_wait3A_63 = arith.constant 0 : i32
        %dma_wait3A_64 = tpu.memref_slice %arg6[%dma_wait3A_61, %dma_wait3A_62, %dma_wait3A_63] : memref<79x2x128xi32, #tpu.memory_space<vmem>> -> memref<1x2x128xi32, #tpu.memory_space<vmem>>
        %dma_wait3A_65 = arith.constant 0 : i32
        %dma_wait3A_66 = arith.constant 0 : i32
        %dma_wait3A_67 = tpu.memref_slice %arg3[%add3A_40, %dma_wait3A_65, %dma_wait3A_66] : memref<2500x2x128xi32, #tpu.memory_space<hbm>> -> memref<1x2x128xi32, #tpu.memory_space<hbm>>
        tpu.wait_dma2 semaphore(%run_scoped3A : memref<!tpu.dma_semaphore, #tpu.memory_space<semaphore_mem>>) src(%dma_wait3A_67 : memref<1x2x128xi32, #tpu.memory_space<hbm>>) dst(%dma_wait3A_64 : memref<1x2x128xi32, #tpu.memory_space<vmem>>)
        tpu.yield
      }) : () -> ()
    } else {
    }
    %scan3A = arith.constant 0 : i32
    %scan3A_9 = arith.constant 0 : i32
    %scan3A_10 = arith.constant 79 : i32
    %scan3A_11 = arith.addi %scan3A_9, %scan3A_10 : i32
    %scan3A_12 = arith.constant 1 : i32
    scf.for %scan3A_39 = %scan3A_9 to %scan3A_11 step %scan3A_12  : i32 {
      %get3A = arith.constant 0 : i32
      %get3A_40 = arith.index_cast %scan3A_39 : i32 to index
      %get3A_41 = arith.index_cast %get3A : i32 to index
      %get3A_42 = arith.constant 0 : index
      %get3A_43 = tpu.vector_load %arg6[%get3A_40, %get3A_41, %get3A_42] {strides = array<i32>} : memref<79x2x128xi32, #tpu.memory_space<vmem>>, vector<1x1x16xi32>,
      %get3A_44 = vector.shape_cast %get3A_43 : vector<1x1x16xi32> to vector<16xi32>
      %mul3A_45 = arith.constant 2 : i32
      %mul3A_46 = vector.broadcast %mul3A_45 : i32 to vector<16xi32>
      %mul3A_47 = arith.muli %get3A_44, %mul3A_46 : vector<16xi32>
      %mul3A_48 = arith.constant 128 : i32
      %mul3A_49 = arith.muli %scan3A_39, %mul3A_48 : i32
      %add3A_50 = arith.constant 0 : i32
      %add3A_51 = arith.addi %mul3A_49, %add3A_50 : i32
      %swap3A = arith.index_cast %add3A_51 : i32 to index
      %swap3A_52 = tpu.vector_load %arg7[%swap3A] {strides = array<i32>} : memref<10112xi32, #tpu.memory_space<vmem>>, vector<16xi32>,
      %swap3A_53 = vector.shape_cast %swap3A_52 : vector<16xi32> to vector<16xi32>
      %swap3A_54 = vector.shape_cast %mul3A_47 : vector<16xi32> to vector<16xi32>
      tpu.vector_store %arg7[%swap3A], %swap3A_54 {strides = array<i32>} : memref<10112xi32, #tpu.memory_space<vmem>>, vector<16xi32>,
      %get3A_55 = arith.constant 0 : i32
      %get3A_56 = arith.index_cast %scan3A_39 : i32 to index
      %get3A_57 = arith.index_cast %get3A_55 : i32 to index
      %get3A_58 = arith.constant 16 : index
      %get3A_59 = tpu.vector_load %arg6[%get3A_56, %get3A_57, %get3A_58] {strides = array<i32>} : memref<79x2x128xi32, #tpu.memory_space<vmem>>, vector<1x1x16xi32>,
      %get3A_60 = vector.shape_cast %get3A_59 : vector<1x1x16xi32> to vector<16xi32>
      %mul3A_61 = arith.constant 2 : i32
      %mul3A_62 = vector.broadcast %mul3A_61 : i32 to vector<16xi32>
      %mul3A_63 = arith.muli %get3A_60, %mul3A_62 : vector<16xi32>
      %mul3A_64 = arith.constant 128 : i32
      %mul3A_65 = arith.muli %scan3A_39, %mul3A_64 : i32
      %add3A_66 = arith.constant 16 : i32
      %add3A_67 = arith.addi %mul3A_65, %add3A_66 : i32
      %swap3A_68 = arith.index_cast %add3A_67 : i32 to index
      %swap3A_69 = tpu.vector_load %arg7[%swap3A_68] {strides = array<i32>} : memref<10112xi32, #tpu.memory_space<vmem>>, vector<16xi32>,
      %swap3A_70 = vector.shape_cast %swap3A_69 : vector<16xi32> to vector<16xi32>
      %swap3A_71 = vector.shape_cast %mul3A_63 : vector<16xi32> to vector<16xi32>
      tpu.vector_store %arg7[%swap3A_68], %swap3A_71 {strides = array<i32>} : memref<10112xi32, #tpu.memory_space<vmem>>, vector<16xi32>,
      %get3A_72 = arith.constant 0 : i32
      %get3A_73 = arith.index_cast %scan3A_39 : i32 to index
      %get3A_74 = arith.index_cast %get3A_72 : i32 to index
      %get3A_75 = arith.constant 32 : index
      %get3A_76 = tpu.vector_load %arg6[%get3A_73, %get3A_74, %get3A_75] {strides = array<i32>} : memref<79x2x128xi32, #tpu.memory_space<vmem>>, vector<1x1x16xi32>,
      %get3A_77 = vector.shape_cast %get3A_76 : vector<1x1x16xi32> to vector<16xi32>
      %mul3A_78 = arith.constant 2 : i32
      %mul3A_79 = vector.broadcast %mul3A_78 : i32 to vector<16xi32>
      %mul3A_80 = arith.muli %get3A_77, %mul3A_79 : vector<16xi32>
      %mul3A_81 = arith.constant 128 : i32
      %mul3A_82 = arith.muli %scan3A_39, %mul3A_81 : i32
      %add3A_83 = arith.constant 32 : i32
      %add3A_84 = arith.addi %mul3A_82, %add3A_83 : i32
      %swap3A_85 = arith.index_cast %add3A_84 : i32 to index
      %swap3A_86 = tpu.vector_load %arg7[%swap3A_85] {strides = array<i32>} : memref<10112xi32, #tpu.memory_space<vmem>>, vector<16xi32>,
      %swap3A_87 = vector.shape_cast %swap3A_86 : vector<16xi32> to vector<16xi32>
      %swap3A_88 = vector.shape_cast %mul3A_80 : vector<16xi32> to vector<16xi32>
      tpu.vector_store %arg7[%swap3A_85], %swap3A_88 {strides = array<i32>} : memref<10112xi32, #tpu.memory_space<vmem>>, vector<16xi32>,
      %get3A_89 = arith.constant 0 : i32
      %get3A_90 = arith.index_cast %scan3A_39 : i32 to index
      %get3A_91 = arith.index_cast %get3A_89 : i32 to index
      %get3A_92 = arith.constant 48 : index
      %get3A_93 = tpu.vector_load %arg6[%get3A_90, %get3A_91, %get3A_92] {strides = array<i32>} : memref<79x2x128xi32, #tpu.memory_space<vmem>>, vector<1x1x16xi32>,
      %get3A_94 = vector.shape_cast %get3A_93 : vector<1x1x16xi32> to vector<16xi32>
      %mul3A_95 = arith.constant 2 : i32
      %mul3A_96 = vector.broadcast %mul3A_95 : i32 to vector<16xi32>
      %mul3A_97 = arith.muli %get3A_94, %mul3A_96 : vector<16xi32>
      %mul3A_98 = arith.constant 128 : i32
      %mul3A_99 = arith.muli %scan3A_39, %mul3A_98 : i32
      %add3A_100 = arith.constant 48 : i32
      %add3A_101 = arith.addi %mul3A_99, %add3A_100 : i32
      %swap3A_102 = arith.index_cast %add3A_101 : i32 to index
      %swap3A_103 = tpu.vector_load %arg7[%swap3A_102] {strides = array<i32>} : memref<10112xi32, #tpu.memory_space<vmem>>, vector<16xi32>,
      %swap3A_104 = vector.shape_cast %swap3A_103 : vector<16xi32> to vector<16xi32>
      %swap3A_105 = vector.shape_cast %mul3A_97 : vector<16xi32> to vector<16xi32>
      tpu.vector_store %arg7[%swap3A_102], %swap3A_105 {strides = array<i32>} : memref<10112xi32, #tpu.memory_space<vmem>>, vector<16xi32>,
      %get3A_106 = arith.constant 0 : i32
      %get3A_107 = arith.index_cast %scan3A_39 : i32 to index
      %get3A_108 = arith.index_cast %get3A_106 : i32 to index
      %get3A_109 = arith.constant 64 : index
      %get3A_110 = tpu.vector_load %arg6[%get3A_107, %get3A_108, %get3A_109] {strides = array<i32>} : memref<79x2x128xi32, #tpu.memory_space<vmem>>, vector<1x1x16xi32>,
      %get3A_111 = vector.shape_cast %get3A_110 : vector<1x1x16xi32> to vector<16xi32>
      %mul3A_112 = arith.constant 2 : i32
      %mul3A_113 = vector.broadcast %mul3A_112 : i32 to vector<16xi32>
      %mul3A_114 = arith.muli %get3A_111, %mul3A_113 : vector<16xi32>
      %mul3A_115 = arith.constant 128 : i32
      %mul3A_116 = arith.muli %scan3A_39, %mul3A_115 : i32
      %add3A_117 = arith.constant 64 : i32
      %add3A_118 = arith.addi %mul3A_116, %add3A_117 : i32
      %swap3A_119 = arith.index_cast %add3A_118 : i32 to index
      %swap3A_120 = tpu.vector_load %arg7[%swap3A_119] {strides = array<i32>} : memref<10112xi32, #tpu.memory_space<vmem>>, vector<16xi32>,
      %swap3A_121 = vector.shape_cast %swap3A_120 : vector<16xi32> to vector<16xi32>
      %swap3A_122 = vector.shape_cast %mul3A_114 : vector<16xi32> to vector<16xi32>
      tpu.vector_store %arg7[%swap3A_119], %swap3A_122 {strides = array<i32>} : memref<10112xi32, #tpu.memory_space<vmem>>, vector<16xi32>,
      %get3A_123 = arith.constant 0 : i32
      %get3A_124 = arith.index_cast %scan3A_39 : i32 to index
      %get3A_125 = arith.index_cast %get3A_123 : i32 to index
      %get3A_126 = arith.constant 80 : index
      %get3A_127 = tpu.vector_load %arg6[%get3A_124, %get3A_125, %get3A_126] {strides = array<i32>} : memref<79x2x128xi32, #tpu.memory_space<vmem>>, vector<1x1x16xi32>,
      %get3A_128 = vector.shape_cast %get3A_127 : vector<1x1x16xi32> to vector<16xi32>
      %mul3A_129 = arith.constant 2 : i32
      %mul3A_130 = vector.broadcast %mul3A_129 : i32 to vector<16xi32>
      %mul3A_131 = arith.muli %get3A_128, %mul3A_130 : vector<16xi32>
      %mul3A_132 = arith.constant 128 : i32
      %mul3A_133 = arith.muli %scan3A_39, %mul3A_132 : i32
      %add3A_134 = arith.constant 80 : i32
      %add3A_135 = arith.addi %mul3A_133, %add3A_134 : i32
      %swap3A_136 = arith.index_cast %add3A_135 : i32 to index
      %swap3A_137 = tpu.vector_load %arg7[%swap3A_136] {strides = array<i32>} : memref<10112xi32, #tpu.memory_space<vmem>>, vector<16xi32>,
      %swap3A_138 = vector.shape_cast %swap3A_137 : vector<16xi32> to vector<16xi32>
      %swap3A_139 = vector.shape_cast %mul3A_131 : vector<16xi32> to vector<16xi32>
      tpu.vector_store %arg7[%swap3A_136], %swap3A_139 {strides = array<i32>} : memref<10112xi32, #tpu.memory_space<vmem>>, vector<16xi32>,
      %get3A_140 = arith.constant 0 : i32
      %get3A_141 = arith.index_cast %scan3A_39 : i32 to index
      %get3A_142 = arith.index_cast %get3A_140 : i32 to index
      %get3A_143 = arith.constant 96 : index
      %get3A_144 = tpu.vector_load %arg6[%get3A_141, %get3A_142, %get3A_143] {strides = array<i32>} : memref<79x2x128xi32, #tpu.memory_space<vmem>>, vector<1x1x16xi32>,
      %get3A_145 = vector.shape_cast %get3A_144 : vector<1x1x16xi32> to vector<16xi32>
      %mul3A_146 = arith.constant 2 : i32
      %mul3A_147 = vector.broadcast %mul3A_146 : i32 to vector<16xi32>
      %mul3A_148 = arith.muli %get3A_145, %mul3A_147 : vector<16xi32>
      %mul3A_149 = arith.constant 128 : i32
      %mul3A_150 = arith.muli %scan3A_39, %mul3A_149 : i32
      %add3A_151 = arith.constant 96 : i32
      %add3A_152 = arith.addi %mul3A_150, %add3A_151 : i32
      %swap3A_153 = arith.index_cast %add3A_152 : i32 to index
      %swap3A_154 = tpu.vector_load %arg7[%swap3A_153] {strides = array<i32>} : memref<10112xi32, #tpu.memory_space<vmem>>, vector<16xi32>,
      %swap3A_155 = vector.shape_cast %swap3A_154 : vector<16xi32> to vector<16xi32>
      %swap3A_156 = vector.shape_cast %mul3A_148 : vector<16xi32> to vector<16xi32>
      tpu.vector_store %arg7[%swap3A_153], %swap3A_156 {strides = array<i32>} : memref<10112xi32, #tpu.memory_space<vmem>>, vector<16xi32>,
      %get3A_157 = arith.constant 0 : i32
      %get3A_158 = arith.index_cast %scan3A_39 : i32 to index
      %get3A_159 = arith.index_cast %get3A_157 : i32 to index
      %get3A_160 = arith.constant 112 : index
      %get3A_161 = tpu.vector_load %arg6[%get3A_158, %get3A_159, %get3A_160] {strides = array<i32>} : memref<79x2x128xi32, #tpu.memory_space<vmem>>, vector<1x1x16xi32>,
      %get3A_162 = vector.shape_cast %get3A_161 : vector<1x1x16xi32> to vector<16xi32>
      %mul3A_163 = arith.constant 2 : i32
      %mul3A_164 = vector.broadcast %mul3A_163 : i32 to vector<16xi32>
      %mul3A_165 = arith.muli %get3A_162, %mul3A_164 : vector<16xi32>
      %mul3A_166 = arith.constant 128 : i32
      %mul3A_167 = arith.muli %scan3A_39, %mul3A_166 : i32
      %add3A_168 = arith.constant 112 : i32
      %add3A_169 = arith.addi %mul3A_167, %add3A_168 : i32
      %swap3A_170 = arith.index_cast %add3A_169 : i32 to index
      %swap3A_171 = tpu.vector_load %arg7[%swap3A_170] {strides = array<i32>} : memref<10112xi32, #tpu.memory_space<vmem>>, vector<16xi32>,
      %swap3A_172 = vector.shape_cast %swap3A_171 : vector<16xi32> to vector<16xi32>
      %swap3A_173 = vector.shape_cast %mul3A_165 : vector<16xi32> to vector<16xi32>
      tpu.vector_store %arg7[%swap3A_170], %swap3A_173 {strides = array<i32>} : memref<10112xi32, #tpu.memory_space<vmem>>, vector<16xi32>,
    }
    %scan3A_13 = arith.constant 79 : i32
    %barrier3A = arith.constant 0 : index
    tpu.barrier barrier_id(%barrier3A)
    %dma_start3A = arith.constant 0 : i32
    %dma_start3A_14 = arith.constant 0 : i32
    %dma_start3A_15 = arith.constant 0 : i32
    %dma_start3A_16 = tpu.memref_slice %arg8[%dma_start3A, %dma_start3A_14, %dma_start3A_15] : memref<2x384x64xf32, #tpu.memory_space<vmem>> -> memref<1x384x64xf32, #tpu.memory_space<vmem>>
    %dma_start3A_17 = tpu.memref_squeeze %dma_start3A_16 : memref<1x384x64xf32, #tpu.memory_space<vmem>> -> memref<384x64xf32, #tpu.memory_space<vmem>>
    %dma_start3A_18 = arith.constant 0 : i32
    %dma_start3A_19 = tpu.memref_slice %arg7[%dma_start3A_18] : memref<10112xi32, #tpu.memory_space<vmem>> -> memref<384xi32, #tpu.memory_space<vmem>>
    %dma_start3A_20 = arith.constant 0 : i32
    %dma_start3A_21 = arith.constant 0 : i32
    %dma_start3A_22 = tpu.memref_slice %arg2[%dma_start3A_20, %dma_start3A_21] : memref<20480x64xf32, #tpu.memory_space<hbm>> -> memref<20480x64xf32, #tpu.memory_space<hbm>>
    tpu.enqueue_indirect_dma source(%dma_start3A_22 : memref<20480x64xf32, #tpu.memory_space<hbm>>) target(%dma_start3A_17 : memref<384x64xf32, #tpu.memory_space<vmem>>) offsets(%dma_start3A_19 : memref<384xi32, #tpu.memory_space<vmem>>) semaphore(%arg10 : memref<!tpu.dma_semaphore, #tpu.memory_space<semaphore_mem>>)
    %scan3A_23 = arith.constant 0 : i32
    %scan3A_24 = arith.constant 0 : i32
    %scan3A_25 = arith.constant 13 : i32
    %scan3A_26 = arith.addi %scan3A_24, %scan3A_25 : i32
    %scan3A_27 = arith.constant 1 : i32
    scf.for %scan3A_39 = %scan3A_24 to %scan3A_26 step %scan3A_27  : i32 {
      %mul3A_40 = arith.constant 2 : i32
      %mul3A_41 = arith.muli %mul3A_40, %scan3A_39 : i32
      %mul3A_42 = arith.constant 2 : i32
      %mul3A_43 = arith.muli %mul3A_42, %scan3A_39 : i32
      %add3A_44 = arith.constant 1 : i32
      %add3A_45 = arith.addi %mul3A_43, %add3A_44 : i32
      %dma_wait3A = arith.constant 0 : i32
      %dma_wait3A_46 = arith.constant 0 : i32
      %dma_wait3A_47 = arith.constant 0 : i32
      %dma_wait3A_48 = tpu.memref_slice %arg8[%dma_wait3A, %dma_wait3A_46, %dma_wait3A_47] : memref<2x384x64xf32, #tpu.memory_space<vmem>> -> memref<1x384x64xf32, #tpu.memory_space<vmem>>
      %dma_wait3A_49 = tpu.memref_squeeze %dma_wait3A_48 : memref<1x384x64xf32, #tpu.memory_space<vmem>> -> memref<384x64xf32, #tpu.memory_space<vmem>>
      %dma_wait3A_50 = arith.constant 0 : i32
      %dma_wait3A_51 = tpu.memref_slice %arg7[%dma_wait3A_50] : memref<10112xi32, #tpu.memory_space<vmem>> -> memref<384xi32, #tpu.memory_space<vmem>>
      %dma_wait3A_52 = arith.constant 0 : i32
      %dma_wait3A_53 = arith.constant 0 : i32
      %dma_wait3A_54 = tpu.memref_slice %arg2[%dma_wait3A_52, %dma_wait3A_53] : memref<20480x64xf32, #tpu.memory_space<hbm>> -> memref<20480x64xf32, #tpu.memory_space<hbm>>
      tpu.wait_indirect_dma semaphore(%arg10 : memref<!tpu.dma_semaphore, #tpu.memory_space<semaphore_mem>>) src(%dma_wait3A_54 : memref<20480x64xf32, #tpu.memory_space<hbm>>) dst(%dma_wait3A_49 : memref<384x64xf32, #tpu.memory_space<vmem>>)
      %mul3A_55 = arith.constant 3 : i32
      %mul3A_56 = arith.muli %add3A_45, %mul3A_55 : i32
      %mul3A_57 = arith.constant 128 : i32
      %mul3A_58 = arith.muli %mul3A_56, %mul3A_57 : i32
      %dma_start3A_59 = arith.constant 1 : i32
      %dma_start3A_60 = arith.constant 0 : i32
      %dma_start3A_61 = arith.constant 0 : i32
      %dma_start3A_62 = tpu.memref_slice %arg8[%dma_start3A_59, %dma_start3A_60, %dma_start3A_61] : memref<2x384x64xf32, #tpu.memory_space<vmem>> -> memref<1x384x64xf32, #tpu.memory_space<vmem>>
      %dma_start3A_63 = tpu.memref_squeeze %dma_start3A_62 : memref<1x384x64xf32, #tpu.memory_space<vmem>> -> memref<384x64xf32, #tpu.memory_space<vmem>>
      %dma_start3A_64 = tpu.memref_slice %arg7[%mul3A_58] : memref<10112xi32, #tpu.memory_space<vmem>> -> memref<384xi32, #tpu.memory_space<vmem>>
      %dma_start3A_65 = arith.constant 0 : i32
      %dma_start3A_66 = arith.constant 0 : i32
      %dma_start3A_67 = tpu.memref_slice %arg2[%dma_start3A_65, %dma_start3A_66] : memref<20480x64xf32, #tpu.memory_space<hbm>> -> memref<20480x64xf32, #tpu.memory_space<hbm>>
      tpu.enqueue_indirect_dma source(%dma_start3A_67 : memref<20480x64xf32, #tpu.memory_space<hbm>>) target(%dma_start3A_63 : memref<384x64xf32, #tpu.memory_space<vmem>>) offsets(%dma_start3A_64 : memref<384xi32, #tpu.memory_space<vmem>>) semaphore(%arg11 : memref<!tpu.dma_semaphore, #tpu.memory_space<semaphore_mem>>)
      %mul3A_68 = arith.constant 3 : i32
      %mul3A_69 = arith.muli %mul3A_41, %mul3A_68 : i32
      %add3A_70 = arith.constant 0 : i32
      %add3A_71 = arith.addi %mul3A_69, %add3A_70 : i32
      %dma_start3A_72 = arith.constant 0 : i32
      %dma_start3A_73 = arith.constant 1 : i32
      %dma_start3A_74 = arith.constant 0 : i32
      %dma_start3A_75 = arith.constant 0 : i32
      %dma_start3A_76 = tpu.memref_slice %arg8[%dma_start3A_72, %dma_start3A_74, %dma_start3A_75] : memref<2x384x64xf32, #tpu.memory_space<vmem>> -> memref<1x128x64xf32, #tpu.memory_space<vmem>>
      %dma_start3A_77 = tpu.memref_squeeze %dma_start3A_76 : memref<1x128x64xf32, #tpu.memory_space<vmem>> -> memref<128x64xf32, #tpu.memory_space<vmem>>
      %dma_start3A_78 = arith.constant 0 : i32
      %dma_start3A_79 = tpu.memref_slice %arg6[%add3A_71, %dma_start3A_73, %dma_start3A_78] : memref<79x2x128xi32, #tpu.memory_space<vmem>> -> memref<1x1x128xi32, #tpu.memory_space<vmem>>
      %dma_start3A_80 = tpu.memref_squeeze %dma_start3A_79 : memref<1x1x128xi32, #tpu.memory_space<vmem>> -> memref<128xi32, #tpu.memory_space<vmem>>
      %dma_start3A_81 = arith.constant 0 : i32
      %dma_start3A_82 = arith.constant 0 : i32
      %dma_start3A_83 = tpu.memref_slice %arg9[%dma_start3A_81, %dma_start3A_82] : memref<10240x64xf32, #tpu.memory_space<vmem_shared>> -> memref<10240x64xf32, #tpu.memory_space<vmem_shared>>
      tpu.enqueue_indirect_dma source(%dma_start3A_77 : memref<128x64xf32, #tpu.memory_space<vmem>>) target(%dma_start3A_83 : memref<10240x64xf32, #tpu.memory_space<vmem_shared>>) offsets(%dma_start3A_80 : memref<128xi32, #tpu.memory_space<vmem>>) semaphore(%arg12 : memref<!tpu.dma_semaphore, #tpu.memory_space<semaphore_mem>>) {add = true}
      %mul3A_84 = arith.constant 3 : i32
      %mul3A_85 = arith.muli %mul3A_41, %mul3A_84 : i32
      %add3A_86 = arith.constant 1 : i32
      %add3A_87 = arith.addi %mul3A_85, %add3A_86 : i32
      %dma_start3A_88 = arith.constant 0 : i32
      %dma_start3A_89 = arith.constant 1 : i32
      %dma_start3A_90 = arith.constant 128 : i32
      %dma_start3A_91 = arith.constant 0 : i32
      %dma_start3A_92 = tpu.memref_slice %arg8[%dma_start3A_88, %dma_start3A_90, %dma_start3A_91] : memref<2x384x64xf32, #tpu.memory_space<vmem>> -> memref<1x128x64xf32, #tpu.memory_space<vmem>>
      %dma_start3A_93 = tpu.memref_squeeze %dma_start3A_92 : memref<1x128x64xf32, #tpu.memory_space<vmem>> -> memref<128x64xf32, #tpu.memory_space<vmem>>
      %dma_start3A_94 = arith.constant 0 : i32
      %dma_start3A_95 = tpu.memref_slice %arg6[%add3A_87, %dma_start3A_89, %dma_start3A_94] : memref<79x2x128xi32, #tpu.memory_space<vmem>> -> memref<1x1x128xi32, #tpu.memory_space<vmem>>
      %dma_start3A_96 = tpu.memref_squeeze %dma_start3A_95 : memref<1x1x128xi32, #tpu.memory_space<vmem>> -> memref<128xi32, #tpu.memory_space<vmem>>
      %dma_start3A_97 = arith.constant 0 : i32
      %dma_start3A_98 = arith.constant 0 : i32
      %dma_start3A_99 = tpu.memref_slice %arg9[%dma_start3A_97, %dma_start3A_98] : memref<10240x64xf32, #tpu.memory_space<vmem_shared>> -> memref<10240x64xf32, #tpu.memory_space<vmem_shared>>
      tpu.enqueue_indirect_dma source(%dma_start3A_93 : memref<128x64xf32, #tpu.memory_space<vmem>>) target(%dma_start3A_99 : memref<10240x64xf32, #tpu.memory_space<vmem_shared>>) offsets(%dma_start3A_96 : memref<128xi32, #tpu.memory_space<vmem>>) semaphore(%arg12 : memref<!tpu.dma_semaphore, #tpu.memory_space<semaphore_mem>>) {add = true}
      %mul3A_100 = arith.constant 3 : i32
      %mul3A_101 = arith.muli %mul3A_41, %mul3A_100 : i32
      %add3A_102 = arith.constant 2 : i32
      %add3A_103 = arith.addi %mul3A_101, %add3A_102 : i32
      %dma_start3A_104 = arith.constant 0 : i32
      %dma_start3A_105 = arith.constant 1 : i32
      %dma_start3A_106 = arith.constant 256 : i32
      %dma_start3A_107 = arith.constant 0 : i32
      %dma_start3A_108 = tpu.memref_slice %arg8[%dma_start3A_104, %dma_start3A_106, %dma_start3A_107] : memref<2x384x64xf32, #tpu.memory_space<vmem>> -> memref<1x128x64xf32, #tpu.memory_space<vmem>>
      %dma_start3A_109 = tpu.memref_squeeze %dma_start3A_108 : memref<1x128x64xf32, #tpu.memory_space<vmem>> -> memref<128x64xf32, #tpu.memory_space<vmem>>
      %dma_start3A_110 = arith.constant 0 : i32
      %dma_start3A_111 = tpu.memref_slice %arg6[%add3A_103, %dma_start3A_105, %dma_start3A_110] : memref<79x2x128xi32, #tpu.memory_space<vmem>> -> memref<1x1x128xi32, #tpu.memory_space<vmem>>
      %dma_start3A_112 = tpu.memref_squeeze %dma_start3A_111 : memref<1x1x128xi32, #tpu.memory_space<vmem>> -> memref<128xi32, #tpu.memory_space<vmem>>
      %dma_start3A_113 = arith.constant 0 : i32
      %dma_start3A_114 = arith.constant 0 : i32
      %dma_start3A_115 = tpu.memref_slice %arg9[%dma_start3A_113, %dma_start3A_114] : memref<10240x64xf32, #tpu.memory_space<vmem_shared>> -> memref<10240x64xf32, #tpu.memory_space<vmem_shared>>
      tpu.enqueue_indirect_dma source(%dma_start3A_109 : memref<128x64xf32, #tpu.memory_space<vmem>>) target(%dma_start3A_115 : memref<10240x64xf32, #tpu.memory_space<vmem_shared>>) offsets(%dma_start3A_112 : memref<128xi32, #tpu.memory_space<vmem>>) semaphore(%arg12 : memref<!tpu.dma_semaphore, #tpu.memory_space<semaphore_mem>>) {add = true}
      %dma_wait3A_116 = arith.constant 0 : i32
      %dma_wait3A_117 = arith.constant 0 : i32
      %dma_wait3A_118 = arith.constant 1 : i32
      %dma_wait3A_119 = arith.constant 0 : i32
      %dma_wait3A_120 = arith.constant 0 : i32
      %dma_wait3A_121 = tpu.memref_slice %arg8[%dma_wait3A_116, %dma_wait3A_119, %dma_wait3A_120] : memref<2x384x64xf32, #tpu.memory_space<vmem>> -> memref<1x128x64xf32, #tpu.memory_space<vmem>>
      %dma_wait3A_122 = tpu.memref_squeeze %dma_wait3A_121 : memref<1x128x64xf32, #tpu.memory_space<vmem>> -> memref<128x64xf32, #tpu.memory_space<vmem>>
      %dma_wait3A_123 = arith.constant 0 : i32
      %dma_wait3A_124 = tpu.memref_slice %arg6[%dma_wait3A_117, %dma_wait3A_118, %dma_wait3A_123] : memref<79x2x128xi32, #tpu.memory_space<vmem>> -> memref<1x1x128xi32, #tpu.memory_space<vmem>>
      %dma_wait3A_125 = tpu.memref_squeeze %dma_wait3A_124 : memref<1x1x128xi32, #tpu.memory_space<vmem>> -> memref<128xi32, #tpu.memory_space<vmem>>
      %dma_wait3A_126 = arith.constant 0 : i32
      %dma_wait3A_127 = arith.constant 0 : i32
      %dma_wait3A_128 = tpu.memref_slice %arg9[%dma_wait3A_126, %dma_wait3A_127] : memref<10240x64xf32, #tpu.memory_space<vmem_shared>> -> memref<10240x64xf32, #tpu.memory_space<vmem_shared>>
      tpu.wait_indirect_dma semaphore(%arg12 : memref<!tpu.dma_semaphore, #tpu.memory_space<semaphore_mem>>) src(%dma_wait3A_122 : memref<128x64xf32, #tpu.memory_space<vmem>>) dst(%dma_wait3A_128 : memref<10240x64xf32, #tpu.memory_space<vmem_shared>>)
      %dma_wait3A_129 = arith.constant 0 : i32
      %dma_wait3A_130 = arith.constant 0 : i32
      %dma_wait3A_131 = arith.constant 1 : i32
      %dma_wait3A_132 = arith.constant 128 : i32
      %dma_wait3A_133 = arith.constant 0 : i32
      %dma_wait3A_134 = tpu.memref_slice %arg8[%dma_wait3A_129, %dma_wait3A_132, %dma_wait3A_133] : memref<2x384x64xf32, #tpu.memory_space<vmem>> -> memref<1x128x64xf32, #tpu.memory_space<vmem>>
      %dma_wait3A_135 = tpu.memref_squeeze %dma_wait3A_134 : memref<1x128x64xf32, #tpu.memory_space<vmem>> -> memref<128x64xf32, #tpu.memory_space<vmem>>
      %dma_wait3A_136 = arith.constant 0 : i32
      %dma_wait3A_137 = tpu.memref_slice %arg6[%dma_wait3A_130, %dma_wait3A_131, %dma_wait3A_136] : memref<79x2x128xi32, #tpu.memory_space<vmem>> -> memref<1x1x128xi32, #tpu.memory_space<vmem>>
      %dma_wait3A_138 = tpu.memref_squeeze %dma_wait3A_137 : memref<1x1x128xi32, #tpu.memory_space<vmem>> -> memref<128xi32, #tpu.memory_space<vmem>>
      %dma_wait3A_139 = arith.constant 0 : i32
      %dma_wait3A_140 = arith.constant 0 : i32
      %dma_wait3A_141 = tpu.memref_slice %arg9[%dma_wait3A_139, %dma_wait3A_140] : memref<10240x64xf32, #tpu.memory_space<vmem_shared>> -> memref<10240x64xf32, #tpu.memory_space<vmem_shared>>
      tpu.wait_indirect_dma semaphore(%arg12 : memref<!tpu.dma_semaphore, #tpu.memory_space<semaphore_mem>>) src(%dma_wait3A_135 : memref<128x64xf32, #tpu.memory_space<vmem>>) dst(%dma_wait3A_141 : memref<10240x64xf32, #tpu.memory_space<vmem_shared>>)
      %dma_wait3A_142 = arith.constant 0 : i32
      %dma_wait3A_143 = arith.constant 0 : i32
      %dma_wait3A_144 = arith.constant 1 : i32
      %dma_wait3A_145 = arith.constant 256 : i32
      %dma_wait3A_146 = arith.constant 0 : i32
      %dma_wait3A_147 = tpu.memref_slice %arg8[%dma_wait3A_142, %dma_wait3A_145, %dma_wait3A_146] : memref<2x384x64xf32, #tpu.memory_space<vmem>> -> memref<1x128x64xf32, #tpu.memory_space<vmem>>
      %dma_wait3A_148 = tpu.memref_squeeze %dma_wait3A_147 : memref<1x128x64xf32, #tpu.memory_space<vmem>> -> memref<128x64xf32, #tpu.memory_space<vmem>>
      %dma_wait3A_149 = arith.constant 0 : i32
      %dma_wait3A_150 = tpu.memref_slice %arg6[%dma_wait3A_143, %dma_wait3A_144, %dma_wait3A_149] : memref<79x2x128xi32, #tpu.memory_space<vmem>> -> memref<1x1x128xi32, #tpu.memory_space<vmem>>
      %dma_wait3A_151 = tpu.memref_squeeze %dma_wait3A_150 : memref<1x1x128xi32, #tpu.memory_space<vmem>> -> memref<128xi32, #tpu.memory_space<vmem>>
      %dma_wait3A_152 = arith.constant 0 : i32
      %dma_wait3A_153 = arith.constant 0 : i32
      %dma_wait3A_154 = tpu.memref_slice %arg9[%dma_wait3A_152, %dma_wait3A_153] : memref<10240x64xf32, #tpu.memory_space<vmem_shared>> -> memref<10240x64xf32, #tpu.memory_space<vmem_shared>>
      tpu.wait_indirect_dma semaphore(%arg12 : memref<!tpu.dma_semaphore, #tpu.memory_space<semaphore_mem>>) src(%dma_wait3A_148 : memref<128x64xf32, #tpu.memory_space<vmem>>) dst(%dma_wait3A_154 : memref<10240x64xf32, #tpu.memory_space<vmem_shared>>)
      %add3A_155 = arith.constant 2 : i32
      %add3A_156 = arith.addi %mul3A_41, %add3A_155 : i32
      %lt3A_157 = arith.constant 26 : i32
      %lt3A_158 = arith.cmpi slt, %add3A_156, %lt3A_157 : i32
      %convert_element_type3A_159 = arith.extui %lt3A_158 : i1 to i32
      %cond3A_160 = arith.constant 0 : i32
      %cond3A_161 = arith.cmpi ne, %convert_element_type3A_159, %cond3A_160 : i32
      scf.if %cond3A_161 {
        %add3A_259 = arith.constant 2 : i32
        %add3A_260 = arith.addi %mul3A_41, %add3A_259 : i32
        %mul3A_261 = arith.constant 3 : i32
        %mul3A_262 = arith.muli %add3A_260, %mul3A_261 : i32
        %mul3A_263 = arith.constant 128 : i32
        %mul3A_264 = arith.muli %mul3A_262, %mul3A_263 : i32
        %dma_start3A_265 = arith.constant 0 : i32
        %dma_start3A_266 = arith.constant 0 : i32
        %dma_start3A_267 = arith.constant 0 : i32
        %dma_start3A_268 = tpu.memref_slice %arg8[%dma_start3A_265, %dma_start3A_266, %dma_start3A_267] : memref<2x384x64xf32, #tpu.memory_space<vmem>> -> memref<1x384x64xf32, #tpu.memory_space<vmem>>
        %dma_start3A_269 = tpu.memref_squeeze %dma_start3A_268 : memref<1x384x64xf32, #tpu.memory_space<vmem>> -> memref<384x64xf32, #tpu.memory_space<vmem>>
        %dma_start3A_270 = tpu.memref_slice %arg7[%mul3A_264] : memref<10112xi32, #tpu.memory_space<vmem>> -> memref<384xi32, #tpu.memory_space<vmem>>
        %dma_start3A_271 = arith.constant 0 : i32
        %dma_start3A_272 = arith.constant 0 : i32
        %dma_start3A_273 = tpu.memref_slice %arg2[%dma_start3A_271, %dma_start3A_272] : memref<20480x64xf32, #tpu.memory_space<hbm>> -> memref<20480x64xf32, #tpu.memory_space<hbm>>
        tpu.enqueue_indirect_dma source(%dma_start3A_273 : memref<20480x64xf32, #tpu.memory_space<hbm>>) target(%dma_start3A_269 : memref<384x64xf32, #tpu.memory_space<vmem>>) offsets(%dma_start3A_270 : memref<384xi32, #tpu.memory_space<vmem>>) semaphore(%arg10 : memref<!tpu.dma_semaphore, #tpu.memory_space<semaphore_mem>>)
      } else {
      }
      %dma_wait3A_162 = arith.constant 1 : i32
      %dma_wait3A_163 = arith.constant 0 : i32
      %dma_wait3A_164 = arith.constant 0 : i32
      %dma_wait3A_165 = tpu.memref_slice %arg8[%dma_wait3A_162, %dma_wait3A_163, %dma_wait3A_164] : memref<2x384x64xf32, #tpu.memory_space<vmem>> -> memref<1x384x64xf32, #tpu.memory_space<vmem>>
      %dma_wait3A_166 = tpu.memref_squeeze %dma_wait3A_165 : memref<1x384x64xf32, #tpu.memory_space<vmem>> -> memref<384x64xf32, #tpu.memory_space<vmem>>
      %dma_wait3A_167 = arith.constant 0 : i32
      %dma_wait3A_168 = tpu.memref_slice %arg7[%dma_wait3A_167] : memref<10112xi32, #tpu.memory_space<vmem>> -> memref<384xi32, #tpu.memory_space<vmem>>
      %dma_wait3A_169 = arith.constant 0 : i32
      %dma_wait3A_170 = arith.constant 0 : i32
      %dma_wait3A_171 = tpu.memref_slice %arg2[%dma_wait3A_169, %dma_wait3A_170] : memref<20480x64xf32, #tpu.memory_space<hbm>> -> memref<20480x64xf32, #tpu.memory_space<hbm>>
      tpu.wait_indirect_dma semaphore(%arg11 : memref<!tpu.dma_semaphore, #tpu.memory_space<semaphore_mem>>) src(%dma_wait3A_171 : memref<20480x64xf32, #tpu.memory_space<hbm>>) dst(%dma_wait3A_166 : memref<384x64xf32, #tpu.memory_space<vmem>>)
      %mul3A_172 = arith.constant 3 : i32
      %mul3A_173 = arith.muli %add3A_45, %mul3A_172 : i32
      %add3A_174 = arith.constant 0 : i32
      %add3A_175 = arith.addi %mul3A_173, %add3A_174 : i32
      %dma_start3A_176 = arith.constant 1 : i32
      %dma_start3A_177 = arith.constant 1 : i32
      %dma_start3A_178 = arith.constant 0 : i32
      %dma_start3A_179 = arith.constant 0 : i32
      %dma_start3A_180 = tpu.memref_slice %arg8[%dma_start3A_176, %dma_start3A_178, %dma_start3A_179] : memref<2x384x64xf32, #tpu.memory_space<vmem>> -> memref<1x128x64xf32, #tpu.memory_space<vmem>>
      %dma_start3A_181 = tpu.memref_squeeze %dma_start3A_180 : memref<1x128x64xf32, #tpu.memory_space<vmem>> -> memref<128x64xf32, #tpu.memory_space<vmem>>
      %dma_start3A_182 = arith.constant 0 : i32
      %dma_start3A_183 = tpu.memref_slice %arg6[%add3A_175, %dma_start3A_177, %dma_start3A_182] : memref<79x2x128xi32, #tpu.memory_space<vmem>> -> memref<1x1x128xi32, #tpu.memory_space<vmem>>
      %dma_start3A_184 = tpu.memref_squeeze %dma_start3A_183 : memref<1x1x128xi32, #tpu.memory_space<vmem>> -> memref<128xi32, #tpu.memory_space<vmem>>
      %dma_start3A_185 = arith.constant 0 : i32
      %dma_start3A_186 = arith.constant 0 : i32
      %dma_start3A_187 = tpu.memref_slice %arg9[%dma_start3A_185, %dma_start3A_186] : memref<10240x64xf32, #tpu.memory_space<vmem_shared>> -> memref<10240x64xf32, #tpu.memory_space<vmem_shared>>
      tpu.enqueue_indirect_dma source(%dma_start3A_181 : memref<128x64xf32, #tpu.memory_space<vmem>>) target(%dma_start3A_187 : memref<10240x64xf32, #tpu.memory_space<vmem_shared>>) offsets(%dma_start3A_184 : memref<128xi32, #tpu.memory_space<vmem>>) semaphore(%arg13 : memref<!tpu.dma_semaphore, #tpu.memory_space<semaphore_mem>>) {add = true}
      %mul3A_188 = arith.constant 3 : i32
      %mul3A_189 = arith.muli %add3A_45, %mul3A_188 : i32
      %add3A_190 = arith.constant 1 : i32
      %add3A_191 = arith.addi %mul3A_189, %add3A_190 : i32
      %dma_start3A_192 = arith.constant 1 : i32
      %dma_start3A_193 = arith.constant 1 : i32
      %dma_start3A_194 = arith.constant 128 : i32
      %dma_start3A_195 = arith.constant 0 : i32
      %dma_start3A_196 = tpu.memref_slice %arg8[%dma_start3A_192, %dma_start3A_194, %dma_start3A_195] : memref<2x384x64xf32, #tpu.memory_space<vmem>> -> memref<1x128x64xf32, #tpu.memory_space<vmem>>
      %dma_start3A_197 = tpu.memref_squeeze %dma_start3A_196 : memref<1x128x64xf32, #tpu.memory_space<vmem>> -> memref<128x64xf32, #tpu.memory_space<vmem>>
      %dma_start3A_198 = arith.constant 0 : i32
      %dma_start3A_199 = tpu.memref_slice %arg6[%add3A_191, %dma_start3A_193, %dma_start3A_198] : memref<79x2x128xi32, #tpu.memory_space<vmem>> -> memref<1x1x128xi32, #tpu.memory_space<vmem>>
      %dma_start3A_200 = tpu.memref_squeeze %dma_start3A_199 : memref<1x1x128xi32, #tpu.memory_space<vmem>> -> memref<128xi32, #tpu.memory_space<vmem>>
      %dma_start3A_201 = arith.constant 0 : i32
      %dma_start3A_202 = arith.constant 0 : i32
      %dma_start3A_203 = tpu.memref_slice %arg9[%dma_start3A_201, %dma_start3A_202] : memref<10240x64xf32, #tpu.memory_space<vmem_shared>> -> memref<10240x64xf32, #tpu.memory_space<vmem_shared>>
      tpu.enqueue_indirect_dma source(%dma_start3A_197 : memref<128x64xf32, #tpu.memory_space<vmem>>) target(%dma_start3A_203 : memref<10240x64xf32, #tpu.memory_space<vmem_shared>>) offsets(%dma_start3A_200 : memref<128xi32, #tpu.memory_space<vmem>>) semaphore(%arg13 : memref<!tpu.dma_semaphore, #tpu.memory_space<semaphore_mem>>) {add = true}
      %mul3A_204 = arith.constant 3 : i32
      %mul3A_205 = arith.muli %add3A_45, %mul3A_204 : i32
      %add3A_206 = arith.constant 2 : i32
      %add3A_207 = arith.addi %mul3A_205, %add3A_206 : i32
      %dma_start3A_208 = arith.constant 1 : i32
      %dma_start3A_209 = arith.constant 1 : i32
      %dma_start3A_210 = arith.constant 256 : i32
      %dma_start3A_211 = arith.constant 0 : i32
      %dma_start3A_212 = tpu.memref_slice %arg8[%dma_start3A_208, %dma_start3A_210, %dma_start3A_211] : memref<2x384x64xf32, #tpu.memory_space<vmem>> -> memref<1x128x64xf32, #tpu.memory_space<vmem>>
      %dma_start3A_213 = tpu.memref_squeeze %dma_start3A_212 : memref<1x128x64xf32, #tpu.memory_space<vmem>> -> memref<128x64xf32, #tpu.memory_space<vmem>>
      %dma_start3A_214 = arith.constant 0 : i32
      %dma_start3A_215 = tpu.memref_slice %arg6[%add3A_207, %dma_start3A_209, %dma_start3A_214] : memref<79x2x128xi32, #tpu.memory_space<vmem>> -> memref<1x1x128xi32, #tpu.memory_space<vmem>>
      %dma_start3A_216 = tpu.memref_squeeze %dma_start3A_215 : memref<1x1x128xi32, #tpu.memory_space<vmem>> -> memref<128xi32, #tpu.memory_space<vmem>>
      %dma_start3A_217 = arith.constant 0 : i32
      %dma_start3A_218 = arith.constant 0 : i32
      %dma_start3A_219 = tpu.memref_slice %arg9[%dma_start3A_217, %dma_start3A_218] : memref<10240x64xf32, #tpu.memory_space<vmem_shared>> -> memref<10240x64xf32, #tpu.memory_space<vmem_shared>>
      tpu.enqueue_indirect_dma source(%dma_start3A_213 : memref<128x64xf32, #tpu.memory_space<vmem>>) target(%dma_start3A_219 : memref<10240x64xf32, #tpu.memory_space<vmem_shared>>) offsets(%dma_start3A_216 : memref<128xi32, #tpu.memory_space<vmem>>) semaphore(%arg13 : memref<!tpu.dma_semaphore, #tpu.memory_space<semaphore_mem>>) {add = true}
      %dma_wait3A_220 = arith.constant 1 : i32
      %dma_wait3A_221 = arith.constant 0 : i32
      %dma_wait3A_222 = arith.constant 1 : i32
      %dma_wait3A_223 = arith.constant 0 : i32
      %dma_wait3A_224 = arith.constant 0 : i32
      %dma_wait3A_225 = tpu.memref_slice %arg8[%dma_wait3A_220, %dma_wait3A_223, %dma_wait3A_224] : memref<2x384x64xf32, #tpu.memory_space<vmem>> -> memref<1x128x64xf32, #tpu.memory_space<vmem>>
      %dma_wait3A_226 = tpu.memref_squeeze %dma_wait3A_225 : memref<1x128x64xf32, #tpu.memory_space<vmem>> -> memref<128x64xf32, #tpu.memory_space<vmem>>
      %dma_wait3A_227 = arith.constant 0 : i32
      %dma_wait3A_228 = tpu.memref_slice %arg6[%dma_wait3A_221, %dma_wait3A_222, %dma_wait3A_227] : memref<79x2x128xi32, #tpu.memory_space<vmem>> -> memref<1x1x128xi32, #tpu.memory_space<vmem>>
      %dma_wait3A_229 = tpu.memref_squeeze %dma_wait3A_228 : memref<1x1x128xi32, #tpu.memory_space<vmem>> -> memref<128xi32, #tpu.memory_space<vmem>>
      %dma_wait3A_230 = arith.constant 0 : i32
      %dma_wait3A_231 = arith.constant 0 : i32
      %dma_wait3A_232 = tpu.memref_slice %arg9[%dma_wait3A_230, %dma_wait3A_231] : memref<10240x64xf32, #tpu.memory_space<vmem_shared>> -> memref<10240x64xf32, #tpu.memory_space<vmem_shared>>
      tpu.wait_indirect_dma semaphore(%arg13 : memref<!tpu.dma_semaphore, #tpu.memory_space<semaphore_mem>>) src(%dma_wait3A_226 : memref<128x64xf32, #tpu.memory_space<vmem>>) dst(%dma_wait3A_232 : memref<10240x64xf32, #tpu.memory_space<vmem_shared>>)
      %dma_wait3A_233 = arith.constant 1 : i32
      %dma_wait3A_234 = arith.constant 0 : i32
      %dma_wait3A_235 = arith.constant 1 : i32
      %dma_wait3A_236 = arith.constant 128 : i32
      %dma_wait3A_237 = arith.constant 0 : i32
      %dma_wait3A_238 = tpu.memref_slice %arg8[%dma_wait3A_233, %dma_wait3A_236, %dma_wait3A_237] : memref<2x384x64xf32, #tpu.memory_space<vmem>> -> memref<1x128x64xf32, #tpu.memory_space<vmem>>
      %dma_wait3A_239 = tpu.memref_squeeze %dma_wait3A_238 : memref<1x128x64xf32, #tpu.memory_space<vmem>> -> memref<128x64xf32, #tpu.memory_space<vmem>>
      %dma_wait3A_240 = arith.constant 0 : i32
      %dma_wait3A_241 = tpu.memref_slice %arg6[%dma_wait3A_234, %dma_wait3A_235, %dma_wait3A_240] : memref<79x2x128xi32, #tpu.memory_space<vmem>> -> memref<1x1x128xi32, #tpu.memory_space<vmem>>
      %dma_wait3A_242 = tpu.memref_squeeze %dma_wait3A_241 : memref<1x1x128xi32, #tpu.memory_space<vmem>> -> memref<128xi32, #tpu.memory_space<vmem>>
      %dma_wait3A_243 = arith.constant 0 : i32
      %dma_wait3A_244 = arith.constant 0 : i32
      %dma_wait3A_245 = tpu.memref_slice %arg9[%dma_wait3A_243, %dma_wait3A_244] : memref<10240x64xf32, #tpu.memory_space<vmem_shared>> -> memref<10240x64xf32, #tpu.memory_space<vmem_shared>>
      tpu.wait_indirect_dma semaphore(%arg13 : memref<!tpu.dma_semaphore, #tpu.memory_space<semaphore_mem>>) src(%dma_wait3A_239 : memref<128x64xf32, #tpu.memory_space<vmem>>) dst(%dma_wait3A_245 : memref<10240x64xf32, #tpu.memory_space<vmem_shared>>)
      %dma_wait3A_246 = arith.constant 1 : i32
      %dma_wait3A_247 = arith.constant 0 : i32
      %dma_wait3A_248 = arith.constant 1 : i32
      %dma_wait3A_249 = arith.constant 256 : i32
      %dma_wait3A_250 = arith.constant 0 : i32
      %dma_wait3A_251 = tpu.memref_slice %arg8[%dma_wait3A_246, %dma_wait3A_249, %dma_wait3A_250] : memref<2x384x64xf32, #tpu.memory_space<vmem>> -> memref<1x128x64xf32, #tpu.memory_space<vmem>>
      %dma_wait3A_252 = tpu.memref_squeeze %dma_wait3A_251 : memref<1x128x64xf32, #tpu.memory_space<vmem>> -> memref<128x64xf32, #tpu.memory_space<vmem>>
      %dma_wait3A_253 = arith.constant 0 : i32
      %dma_wait3A_254 = tpu.memref_slice %arg6[%dma_wait3A_247, %dma_wait3A_248, %dma_wait3A_253] : memref<79x2x128xi32, #tpu.memory_space<vmem>> -> memref<1x1x128xi32, #tpu.memory_space<vmem>>
      %dma_wait3A_255 = tpu.memref_squeeze %dma_wait3A_254 : memref<1x1x128xi32, #tpu.memory_space<vmem>> -> memref<128xi32, #tpu.memory_space<vmem>>
      %dma_wait3A_256 = arith.constant 0 : i32
      %dma_wait3A_257 = arith.constant 0 : i32
      %dma_wait3A_258 = tpu.memref_slice %arg9[%dma_wait3A_256, %dma_wait3A_257] : memref<10240x64xf32, #tpu.memory_space<vmem_shared>> -> memref<10240x64xf32, #tpu.memory_space<vmem_shared>>
      tpu.wait_indirect_dma semaphore(%arg13 : memref<!tpu.dma_semaphore, #tpu.memory_space<semaphore_mem>>) src(%dma_wait3A_252 : memref<128x64xf32, #tpu.memory_space<vmem>>) dst(%dma_wait3A_258 : memref<10240x64xf32, #tpu.memory_space<vmem_shared>>)
    }
    %scan3A_28 = arith.constant 13 : i32
    %lt3A_29 = arith.constant 4 : i32
    %lt3A_30 = arith.cmpi slt, %add3A, %lt3A_29 : i32
    %convert_element_type3A_31 = arith.extui %lt3A_30 : i1 to i32
    %cond3A_32 = arith.constant 0 : i32
    %cond3A_33 = arith.cmpi ne, %convert_element_type3A_31, %cond3A_32 : i32
    scf.if %cond3A_33 {
      %dma_start3A_39 = arith.constant 0 : i32
      %dma_start3A_40 = arith.constant 0 : i32
      %dma_start3A_41 = arith.constant 0 : i32
      %dma_start3A_42 = tpu.memref_slice %arg8[%dma_start3A_39, %dma_start3A_40, %dma_start3A_41] : memref<2x384x64xf32, #tpu.memory_space<vmem>> -> memref<1x128x64xf32, #tpu.memory_space<vmem>>
      %dma_start3A_43 = tpu.memref_squeeze %dma_start3A_42 : memref<1x128x64xf32, #tpu.memory_space<vmem>> -> memref<128x64xf32, #tpu.memory_space<vmem>>
      %dma_start3A_44 = arith.constant 9984 : i32
      %dma_start3A_45 = tpu.memref_slice %arg7[%dma_start3A_44] : memref<10112xi32, #tpu.memory_space<vmem>> -> memref<128xi32, #tpu.memory_space<vmem>>
      %dma_start3A_46 = arith.constant 0 : i32
      %dma_start3A_47 = arith.constant 0 : i32
      %dma_start3A_48 = tpu.memref_slice %arg2[%dma_start3A_46, %dma_start3A_47] : memref<20480x64xf32, #tpu.memory_space<hbm>> -> memref<20480x64xf32, #tpu.memory_space<hbm>>
      tpu.enqueue_indirect_dma source(%dma_start3A_48 : memref<20480x64xf32, #tpu.memory_space<hbm>>) target(%dma_start3A_43 : memref<128x64xf32, #tpu.memory_space<vmem>>) offsets(%dma_start3A_45 : memref<128xi32, #tpu.memory_space<vmem>>) semaphore(%arg10 : memref<!tpu.dma_semaphore, #tpu.memory_space<semaphore_mem>>)
      %dma_wait3A = arith.constant 0 : i32
      %dma_wait3A_49 = arith.constant 0 : i32
      %dma_wait3A_50 = arith.constant 0 : i32
      %dma_wait3A_51 = tpu.memref_slice %arg8[%dma_wait3A, %dma_wait3A_49, %dma_wait3A_50] : memref<2x384x64xf32, #tpu.memory_space<vmem>> -> memref<1x128x64xf32, #tpu.memory_space<vmem>>
      %dma_wait3A_52 = tpu.memref_squeeze %dma_wait3A_51 : memref<1x128x64xf32, #tpu.memory_space<vmem>> -> memref<128x64xf32, #tpu.memory_space<vmem>>
      %dma_wait3A_53 = arith.constant 9984 : i32
      %dma_wait3A_54 = tpu.memref_slice %arg7[%dma_wait3A_53] : memref<10112xi32, #tpu.memory_space<vmem>> -> memref<128xi32, #tpu.memory_space<vmem>>
      %dma_wait3A_55 = arith.constant 0 : i32
      %dma_wait3A_56 = arith.constant 0 : i32
      %dma_wait3A_57 = tpu.memref_slice %arg2[%dma_wait3A_55, %dma_wait3A_56] : memref<20480x64xf32, #tpu.memory_space<hbm>> -> memref<20480x64xf32, #tpu.memory_space<hbm>>
      tpu.wait_indirect_dma semaphore(%arg10 : memref<!tpu.dma_semaphore, #tpu.memory_space<semaphore_mem>>) src(%dma_wait3A_57 : memref<20480x64xf32, #tpu.memory_space<hbm>>) dst(%dma_wait3A_52 : memref<128x64xf32, #tpu.memory_space<vmem>>)
      %dma_start3A_58 = arith.constant 0 : i32
      %dma_start3A_59 = arith.constant 78 : i32
      %dma_start3A_60 = arith.constant 1 : i32
      %dma_start3A_61 = arith.constant 0 : i32
      %dma_start3A_62 = arith.constant 0 : i32
      %dma_start3A_63 = tpu.memref_slice %arg8[%dma_start3A_58, %dma_start3A_61, %dma_start3A_62] : memref<2x384x64xf32, #tpu.memory_space<vmem>> -> memref<1x128x64xf32, #tpu.memory_space<vmem>>
      %dma_start3A_64 = tpu.memref_squeeze %dma_start3A_63 : memref<1x128x64xf32, #tpu.memory_space<vmem>> -> memref<128x64xf32, #tpu.memory_space<vmem>>
      %dma_start3A_65 = arith.constant 0 : i32
      %dma_start3A_66 = tpu.memref_slice %arg6[%dma_start3A_59, %dma_start3A_60, %dma_start3A_65] : memref<79x2x128xi32, #tpu.memory_space<vmem>> -> memref<1x1x128xi32, #tpu.memory_space<vmem>>
      %dma_start3A_67 = tpu.memref_squeeze %dma_start3A_66 : memref<1x1x128xi32, #tpu.memory_space<vmem>> -> memref<128xi32, #tpu.memory_space<vmem>>
      %dma_start3A_68 = arith.constant 0 : i32
      %dma_start3A_69 = arith.constant 0 : i32
      %dma_start3A_70 = tpu.memref_slice %arg9[%dma_start3A_68, %dma_start3A_69] : memref<10240x64xf32, #tpu.memory_space<vmem_shared>> -> memref<10240x64xf32, #tpu.memory_space<vmem_shared>>
      tpu.enqueue_indirect_dma source(%dma_start3A_64 : memref<128x64xf32, #tpu.memory_space<vmem>>) target(%dma_start3A_70 : memref<10240x64xf32, #tpu.memory_space<vmem_shared>>) offsets(%dma_start3A_67 : memref<128xi32, #tpu.memory_space<vmem>>) semaphore(%arg12 : memref<!tpu.dma_semaphore, #tpu.memory_space<semaphore_mem>>) {add = true}
      %dma_wait3A_71 = arith.constant 0 : i32
      %dma_wait3A_72 = arith.constant 78 : i32
      %dma_wait3A_73 = arith.constant 1 : i32
      %dma_wait3A_74 = arith.constant 0 : i32
      %dma_wait3A_75 = arith.constant 0 : i32
      %dma_wait3A_76 = tpu.memref_slice %arg8[%dma_wait3A_71, %dma_wait3A_74, %dma_wait3A_75] : memref<2x384x64xf32, #tpu.memory_space<vmem>> -> memref<1x128x64xf32, #tpu.memory_space<vmem>>
      %dma_wait3A_77 = tpu.memref_squeeze %dma_wait3A_76 : memref<1x128x64xf32, #tpu.memory_space<vmem>> -> memref<128x64xf32, #tpu.memory_space<vmem>>
      %dma_wait3A_78 = arith.constant 0 : i32
      %dma_wait3A_79 = tpu.memref_slice %arg6[%dma_wait3A_72, %dma_wait3A_73, %dma_wait3A_78] : memref<79x2x128xi32, #tpu.memory_space<vmem>> -> memref<1x1x128xi32, #tpu.memory_space<vmem>>
      %dma_wait3A_80 = tpu.memref_squeeze %dma_wait3A_79 : memref<1x1x128xi32, #tpu.memory_space<vmem>> -> memref<128xi32, #tpu.memory_space<vmem>>
      %dma_wait3A_81 = arith.constant 0 : i32
      %dma_wait3A_82 = arith.constant 0 : i32
      %dma_wait3A_83 = tpu.memref_slice %arg9[%dma_wait3A_81, %dma_wait3A_82] : memref<10240x64xf32, #tpu.memory_space<vmem_shared>> -> memref<10240x64xf32, #tpu.memory_space<vmem_shared>>
      tpu.wait_indirect_dma semaphore(%arg12 : memref<!tpu.dma_semaphore, #tpu.memory_space<semaphore_mem>>) src(%dma_wait3A_77 : memref<128x64xf32, #tpu.memory_space<vmem>>) dst(%dma_wait3A_83 : memref<10240x64xf32, #tpu.memory_space<vmem_shared>>)
    } else {
    }
    %barrier3A_34 = arith.constant 0 : index
    tpu.barrier barrier_id(%barrier3A_34)
    %mul3A_35 = arith.constant 640 : i32
    %mul3A_36 = arith.muli %arg1, %mul3A_35 : i32
    %mul3A_37 = arith.constant 640 : i32
    %mul3A_38 = arith.muli %arg1, %mul3A_37 : i32
    "tpu.region"() ({
      %run_scoped3A = tpu.sem_alloc : memref<!tpu.dma_semaphore, #tpu.memory_space<semaphore_mem>>
      %dma_start3A_39 = arith.constant 0 : i32
      %dma_start3A_40 = tpu.memref_slice %arg5[%arg0, %mul3A_38, %dma_start3A_39] : memref<2x10240x128xf32, #tpu.memory_space<hbm>> -> memref<1x640x64xf32, #tpu.memory_space<hbm>>
      %dma_start3A_41 = tpu.memref_squeeze %dma_start3A_40 : memref<1x640x64xf32, #tpu.memory_space<hbm>> -> memref<640x64xf32, #tpu.memory_space<hbm>>
      %dma_start3A_42 = arith.constant 0 : i32
      %dma_start3A_43 = tpu.memref_slice %arg9[%mul3A_36, %dma_start3A_42] : memref<10240x64xf32, #tpu.memory_space<vmem_shared>> -> memref<640x64xf32, #tpu.memory_space<vmem_shared>>
      tpu.enqueue_dma source(%dma_start3A_43 : memref<640x64xf32, #tpu.memory_space<vmem_shared>>) target(%dma_start3A_41 : memref<640x64xf32, #tpu.memory_space<hbm>>) target_semaphore(%run_scoped3A : memref<!tpu.dma_semaphore, #tpu.memory_space<semaphore_mem>>)
      %dma_wait3A = arith.constant 0 : i32
      %dma_wait3A_44 = tpu.memref_slice %arg5[%arg0, %mul3A_38, %dma_wait3A] : memref<2x10240x128xf32, #tpu.memory_space<hbm>> -> memref<1x640x64xf32, #tpu.memory_space<hbm>>
      %dma_wait3A_45 = tpu.memref_squeeze %dma_wait3A_44 : memref<1x640x64xf32, #tpu.memory_space<hbm>> -> memref<640x64xf32, #tpu.memory_space<hbm>>
      %dma_wait3A_46 = arith.constant 0 : i32
      %dma_wait3A_47 = tpu.memref_slice %arg9[%mul3A_36, %dma_wait3A_46] : memref<10240x64xf32, #tpu.memory_space<vmem_shared>> -> memref<640x64xf32, #tpu.memory_space<vmem_shared>>
      tpu.wait_dma2 semaphore(%run_scoped3A : memref<!tpu.dma_semaphore, #tpu.memory_space<semaphore_mem>>) src(%dma_wait3A_47 : memref<640x64xf32, #tpu.memory_space<vmem_shared>>) dst(%dma_wait3A_45 : memref<640x64xf32, #tpu.memory_space<hbm>>)
      tpu.yield
    }) : () -> ()
    return
  }
}

#map = affine_map<(d0, d1) -> (0, 0)>
#map1 = affine_map<(d0, d1) -> (0, 0, 0)>
module attributes {stable_mosaic.version = 14 : i64} {
  func.func @body(%arg0: i32, %arg1: i32, %arg2: memref<81920x16xf32, #tpu.memory_space<hbm>>, %arg3: memref<2500x2x128xi32, #tpu.memory_space<hbm>>, %arg4: memref<10240x16xf32, #tpu.memory_space<hbm>>, %arg5: memref<2x10240x128xf32, #tpu.memory_space<hbm>>, %arg6: memref<79x2x128xi32, #tpu.memory_space<vmem>>, %arg7: memref<10112xi32, #tpu.memory_space<vmem>>, %arg8: memref<2x1664x16xf32, #tpu.memory_space<vmem>>, %arg9: memref<10240x16xf32, #tpu.memory_space<vmem_shared>>, %arg10: memref<!tpu.dma_semaphore, #tpu.memory_space<semaphore_mem>>, %arg11: memref<!tpu.dma_semaphore, #tpu.memory_space<semaphore_mem>>, %arg12: memref<!tpu.dma_semaphore, #tpu.memory_space<semaphore_mem>>, %arg13: memref<!tpu.dma_semaphore, #tpu.memory_space<semaphore_mem>>) attributes {dimension_semantics = [#tpu.dimension_semantics<core_parallel>, #tpu.dimension_semantics<subcore_parallel>], iteration_bounds = array<i64: 2, 16>, scalar_prefetch = 0 : i64, scratch_operands = 8 : i64, tpu.core_type = #tpu.core_type<sc_vector_subcore>, window_params = [{transform_indices = #map}, {transform_indices = #map1}, {transform_indices = #map}, {transform_indices = #map1}]} {
    %mul3A = arith.constant 16 : i32
    %mul3A_0 = arith.muli %arg0, %mul3A : i32
    %add3A = arith.addi %mul3A_0, %arg1 : i32
    %mul3A_1 = arith.constant 640 : i32
    %mul3A_2 = arith.muli %arg1, %mul3A_1 : i32
    %mul3A_3 = arith.constant 640 : i32
    %mul3A_4 = arith.muli %arg1, %mul3A_3 : i32
    "tpu.region"() ({
      %run_scoped3A = tpu.sem_alloc : memref<!tpu.dma_semaphore, #tpu.memory_space<semaphore_mem>>
      %dma_start3A_39 = arith.constant 0 : i32
      %dma_start3A_40 = tpu.memref_slice %arg9[%mul3A_4, %dma_start3A_39] : memref<10240x16xf32, #tpu.memory_space<vmem_shared>> -> memref<640x16xf32, #tpu.memory_space<vmem_shared>>
      %dma_start3A_41 = arith.constant 0 : i32
      %dma_start3A_42 = tpu.memref_slice %arg4[%mul3A_2, %dma_start3A_41] : memref<10240x16xf32, #tpu.memory_space<hbm>> -> memref<640x16xf32, #tpu.memory_space<hbm>>
      tpu.enqueue_dma source(%dma_start3A_42 : memref<640x16xf32, #tpu.memory_space<hbm>>) target(%dma_start3A_40 : memref<640x16xf32, #tpu.memory_space<vmem_shared>>) target_semaphore(%run_scoped3A : memref<!tpu.dma_semaphore, #tpu.memory_space<semaphore_mem>>)
      %dma_wait3A = arith.constant 0 : i32
      %dma_wait3A_43 = tpu.memref_slice %arg9[%mul3A_4, %dma_wait3A] : memref<10240x16xf32, #tpu.memory_space<vmem_shared>> -> memref<640x16xf32, #tpu.memory_space<vmem_shared>>
      %dma_wait3A_44 = arith.constant 0 : i32
      %dma_wait3A_45 = tpu.memref_slice %arg4[%mul3A_2, %dma_wait3A_44] : memref<10240x16xf32, #tpu.memory_space<hbm>> -> memref<640x16xf32, #tpu.memory_space<hbm>>
      tpu.wait_dma2 semaphore(%run_scoped3A : memref<!tpu.dma_semaphore, #tpu.memory_space<semaphore_mem>>) src(%dma_wait3A_45 : memref<640x16xf32, #tpu.memory_space<hbm>>) dst(%dma_wait3A_43 : memref<640x16xf32, #tpu.memory_space<vmem_shared>>)
      tpu.yield
    }) : () -> ()
    %mul3A_5 = arith.constant 78 : i32
    %mul3A_6 = arith.muli %add3A, %mul3A_5 : i32
    "tpu.region"() ({
      %run_scoped3A = tpu.sem_alloc : memref<!tpu.dma_semaphore, #tpu.memory_space<semaphore_mem>>
      %dma_start3A_39 = arith.constant 0 : i32
      %dma_start3A_40 = arith.constant 0 : i32
      %dma_start3A_41 = arith.constant 0 : i32
      %dma_start3A_42 = tpu.memref_slice %arg6[%dma_start3A_39, %dma_start3A_40, %dma_start3A_41] : memref<79x2x128xi32, #tpu.memory_space<vmem>> -> memref<78x2x128xi32, #tpu.memory_space<vmem>>
      %dma_start3A_43 = arith.constant 0 : i32
      %dma_start3A_44 = arith.constant 0 : i32
      %dma_start3A_45 = tpu.memref_slice %arg3[%mul3A_6, %dma_start3A_43, %dma_start3A_44] : memref<2500x2x128xi32, #tpu.memory_space<hbm>> -> memref<78x2x128xi32, #tpu.memory_space<hbm>>
      %dma_start3A_46 = arith.constant 0 : i32
      %dma_start3A_47 = arith.constant 0 : i32
      %dma_start3A_48 = arith.constant 0 : i32
      %dma_start3A_49 = tpu.memref_slice %arg6[%dma_start3A_46, %dma_start3A_47, %dma_start3A_48] : memref<79x2x128xi32, #tpu.memory_space<vmem>> -> memref<78x2x128xi32, #tpu.memory_space<vmem>>
      %dma_start3A_50 = arith.constant 0 : i32
      %dma_start3A_51 = arith.constant 0 : i32
      %dma_start3A_52 = tpu.memref_slice %arg3[%mul3A_6, %dma_start3A_50, %dma_start3A_51] : memref<2500x2x128xi32, #tpu.memory_space<hbm>> -> memref<78x2x128xi32, #tpu.memory_space<hbm>>
      tpu.enqueue_dma source(%dma_start3A_52 : memref<78x2x128xi32, #tpu.memory_space<hbm>>) target(%dma_start3A_49 : memref<78x2x128xi32, #tpu.memory_space<vmem>>) target_semaphore(%run_scoped3A : memref<!tpu.dma_semaphore, #tpu.memory_space<semaphore_mem>>)
      %dma_wait3A = arith.constant 0 : i32
      %dma_wait3A_53 = arith.constant 0 : i32
      %dma_wait3A_54 = arith.constant 0 : i32
      %dma_wait3A_55 = tpu.memref_slice %arg6[%dma_wait3A, %dma_wait3A_53, %dma_wait3A_54] : memref<79x2x128xi32, #tpu.memory_space<vmem>> -> memref<78x2x128xi32, #tpu.memory_space<vmem>>
      %dma_wait3A_56 = arith.constant 0 : i32
      %dma_wait3A_57 = arith.constant 0 : i32
      %dma_wait3A_58 = tpu.memref_slice %arg3[%mul3A_6, %dma_wait3A_56, %dma_wait3A_57] : memref<2500x2x128xi32, #tpu.memory_space<hbm>> -> memref<78x2x128xi32, #tpu.memory_space<hbm>>
      %dma_wait3A_59 = arith.constant 0 : i32
      %dma_wait3A_60 = arith.constant 0 : i32
      %dma_wait3A_61 = arith.constant 0 : i32
      %dma_wait3A_62 = tpu.memref_slice %arg6[%dma_wait3A_59, %dma_wait3A_60, %dma_wait3A_61] : memref<79x2x128xi32, #tpu.memory_space<vmem>> -> memref<78x2x128xi32, #tpu.memory_space<vmem>>
      %dma_wait3A_63 = arith.constant 0 : i32
      %dma_wait3A_64 = arith.constant 0 : i32
      %dma_wait3A_65 = tpu.memref_slice %arg3[%mul3A_6, %dma_wait3A_63, %dma_wait3A_64] : memref<2500x2x128xi32, #tpu.memory_space<hbm>> -> memref<78x2x128xi32, #tpu.memory_space<hbm>>
      tpu.wait_dma2 semaphore(%run_scoped3A : memref<!tpu.dma_semaphore, #tpu.memory_space<semaphore_mem>>) src(%dma_wait3A_65 : memref<78x2x128xi32, #tpu.memory_space<hbm>>) dst(%dma_wait3A_62 : memref<78x2x128xi32, #tpu.memory_space<vmem>>)
      tpu.yield
    }) : () -> ()
    %lt3A = arith.constant 4 : i32
    %lt3A_7 = arith.cmpi slt, %add3A, %lt3A : i32
    %convert_element_type3A = arith.extui %lt3A_7 : i1 to i32
    %cond3A = arith.constant 0 : i32
    %cond3A_8 = arith.cmpi ne, %convert_element_type3A, %cond3A : i32
    scf.if %cond3A_8 {
      %add3A_39 = arith.constant 2496 : i32
      %add3A_40 = arith.addi %add3A_39, %add3A : i32
      "tpu.region"() ({
        %run_scoped3A = tpu.sem_alloc : memref<!tpu.dma_semaphore, #tpu.memory_space<semaphore_mem>>
        %dma_start3A_41 = arith.constant 78 : i32
        %dma_start3A_42 = arith.constant 0 : i32
        %dma_start3A_43 = arith.constant 0 : i32
        %dma_start3A_44 = tpu.memref_slice %arg6[%dma_start3A_41, %dma_start3A_42, %dma_start3A_43] : memref<79x2x128xi32, #tpu.memory_space<vmem>> -> memref<1x2x128xi32, #tpu.memory_space<vmem>>
        %dma_start3A_45 = arith.constant 0 : i32
        %dma_start3A_46 = arith.constant 0 : i32
        %dma_start3A_47 = tpu.memref_slice %arg3[%add3A_40, %dma_start3A_45, %dma_start3A_46] : memref<2500x2x128xi32, #tpu.memory_space<hbm>> -> memref<1x2x128xi32, #tpu.memory_space<hbm>>
        %dma_start3A_48 = arith.constant 78 : i32
        %dma_start3A_49 = arith.constant 0 : i32
        %dma_start3A_50 = arith.constant 0 : i32
        %dma_start3A_51 = tpu.memref_slice %arg6[%dma_start3A_48, %dma_start3A_49, %dma_start3A_50] : memref<79x2x128xi32, #tpu.memory_space<vmem>> -> memref<1x2x128xi32, #tpu.memory_space<vmem>>
        %dma_start3A_52 = arith.constant 0 : i32
        %dma_start3A_53 = arith.constant 0 : i32
        %dma_start3A_54 = tpu.memref_slice %arg3[%add3A_40, %dma_start3A_52, %dma_start3A_53] : memref<2500x2x128xi32, #tpu.memory_space<hbm>> -> memref<1x2x128xi32, #tpu.memory_space<hbm>>
        tpu.enqueue_dma source(%dma_start3A_54 : memref<1x2x128xi32, #tpu.memory_space<hbm>>) target(%dma_start3A_51 : memref<1x2x128xi32, #tpu.memory_space<vmem>>) target_semaphore(%run_scoped3A : memref<!tpu.dma_semaphore, #tpu.memory_space<semaphore_mem>>)
        %dma_wait3A = arith.constant 78 : i32
        %dma_wait3A_55 = arith.constant 0 : i32
        %dma_wait3A_56 = arith.constant 0 : i32
        %dma_wait3A_57 = tpu.memref_slice %arg6[%dma_wait3A, %dma_wait3A_55, %dma_wait3A_56] : memref<79x2x128xi32, #tpu.memory_space<vmem>> -> memref<1x2x128xi32, #tpu.memory_space<vmem>>
        %dma_wait3A_58 = arith.constant 0 : i32
        %dma_wait3A_59 = arith.constant 0 : i32
        %dma_wait3A_60 = tpu.memref_slice %arg3[%add3A_40, %dma_wait3A_58, %dma_wait3A_59] : memref<2500x2x128xi32, #tpu.memory_space<hbm>> -> memref<1x2x128xi32, #tpu.memory_space<hbm>>
        %dma_wait3A_61 = arith.constant 78 : i32
        %dma_wait3A_62 = arith.constant 0 : i32
        %dma_wait3A_63 = arith.constant 0 : i32
        %dma_wait3A_64 = tpu.memref_slice %arg6[%dma_wait3A_61, %dma_wait3A_62, %dma_wait3A_63] : memref<79x2x128xi32, #tpu.memory_space<vmem>> -> memref<1x2x128xi32, #tpu.memory_space<vmem>>
        %dma_wait3A_65 = arith.constant 0 : i32
        %dma_wait3A_66 = arith.constant 0 : i32
        %dma_wait3A_67 = tpu.memref_slice %arg3[%add3A_40, %dma_wait3A_65, %dma_wait3A_66] : memref<2500x2x128xi32, #tpu.memory_space<hbm>> -> memref<1x2x128xi32, #tpu.memory_space<hbm>>
        tpu.wait_dma2 semaphore(%run_scoped3A : memref<!tpu.dma_semaphore, #tpu.memory_space<semaphore_mem>>) src(%dma_wait3A_67 : memref<1x2x128xi32, #tpu.memory_space<hbm>>) dst(%dma_wait3A_64 : memref<1x2x128xi32, #tpu.memory_space<vmem>>)
        tpu.yield
      }) : () -> ()
    } else {
    }
    %scan3A = arith.constant 0 : i32
    %scan3A_9 = arith.constant 0 : i32
    %scan3A_10 = arith.constant 79 : i32
    %scan3A_11 = arith.addi %scan3A_9, %scan3A_10 : i32
    %scan3A_12 = arith.constant 1 : i32
    scf.for %scan3A_39 = %scan3A_9 to %scan3A_11 step %scan3A_12  : i32 {
      %get3A = arith.constant 0 : i32
      %get3A_40 = arith.index_cast %scan3A_39 : i32 to index
      %get3A_41 = arith.index_cast %get3A : i32 to index
      %get3A_42 = arith.constant 0 : index
      %get3A_43 = tpu.vector_load %arg6[%get3A_40, %get3A_41, %get3A_42] {strides = array<i32>} : memref<79x2x128xi32, #tpu.memory_space<vmem>>, vector<1x1x16xi32>,
      %get3A_44 = vector.shape_cast %get3A_43 : vector<1x1x16xi32> to vector<16xi32>
      %mul3A_45 = arith.constant 8 : i32
      %mul3A_46 = vector.broadcast %mul3A_45 : i32 to vector<16xi32>
      %mul3A_47 = arith.muli %get3A_44, %mul3A_46 : vector<16xi32>
      %mul3A_48 = arith.constant 128 : i32
      %mul3A_49 = arith.muli %scan3A_39, %mul3A_48 : i32
      %add3A_50 = arith.constant 0 : i32
      %add3A_51 = arith.addi %mul3A_49, %add3A_50 : i32
      %swap3A = arith.index_cast %add3A_51 : i32 to index
      %swap3A_52 = tpu.vector_load %arg7[%swap3A] {strides = array<i32>} : memref<10112xi32, #tpu.memory_space<vmem>>, vector<16xi32>,
      %swap3A_53 = vector.shape_cast %swap3A_52 : vector<16xi32> to vector<16xi32>
      %swap3A_54 = vector.shape_cast %mul3A_47 : vector<16xi32> to vector<16xi32>
      tpu.vector_store %arg7[%swap3A], %swap3A_54 {strides = array<i32>} : memref<10112xi32, #tpu.memory_space<vmem>>, vector<16xi32>,
      %get3A_55 = arith.constant 0 : i32
      %get3A_56 = arith.index_cast %scan3A_39 : i32 to index
      %get3A_57 = arith.index_cast %get3A_55 : i32 to index
      %get3A_58 = arith.constant 16 : index
      %get3A_59 = tpu.vector_load %arg6[%get3A_56, %get3A_57, %get3A_58] {strides = array<i32>} : memref<79x2x128xi32, #tpu.memory_space<vmem>>, vector<1x1x16xi32>,
      %get3A_60 = vector.shape_cast %get3A_59 : vector<1x1x16xi32> to vector<16xi32>
      %mul3A_61 = arith.constant 8 : i32
      %mul3A_62 = vector.broadcast %mul3A_61 : i32 to vector<16xi32>
      %mul3A_63 = arith.muli %get3A_60, %mul3A_62 : vector<16xi32>
      %mul3A_64 = arith.constant 128 : i32
      %mul3A_65 = arith.muli %scan3A_39, %mul3A_64 : i32
      %add3A_66 = arith.constant 16 : i32
      %add3A_67 = arith.addi %mul3A_65, %add3A_66 : i32
      %swap3A_68 = arith.index_cast %add3A_67 : i32 to index
      %swap3A_69 = tpu.vector_load %arg7[%swap3A_68] {strides = array<i32>} : memref<10112xi32, #tpu.memory_space<vmem>>, vector<16xi32>,
      %swap3A_70 = vector.shape_cast %swap3A_69 : vector<16xi32> to vector<16xi32>
      %swap3A_71 = vector.shape_cast %mul3A_63 : vector<16xi32> to vector<16xi32>
      tpu.vector_store %arg7[%swap3A_68], %swap3A_71 {strides = array<i32>} : memref<10112xi32, #tpu.memory_space<vmem>>, vector<16xi32>,
      %get3A_72 = arith.constant 0 : i32
      %get3A_73 = arith.index_cast %scan3A_39 : i32 to index
      %get3A_74 = arith.index_cast %get3A_72 : i32 to index
      %get3A_75 = arith.constant 32 : index
      %get3A_76 = tpu.vector_load %arg6[%get3A_73, %get3A_74, %get3A_75] {strides = array<i32>} : memref<79x2x128xi32, #tpu.memory_space<vmem>>, vector<1x1x16xi32>,
      %get3A_77 = vector.shape_cast %get3A_76 : vector<1x1x16xi32> to vector<16xi32>
      %mul3A_78 = arith.constant 8 : i32
      %mul3A_79 = vector.broadcast %mul3A_78 : i32 to vector<16xi32>
      %mul3A_80 = arith.muli %get3A_77, %mul3A_79 : vector<16xi32>
      %mul3A_81 = arith.constant 128 : i32
      %mul3A_82 = arith.muli %scan3A_39, %mul3A_81 : i32
      %add3A_83 = arith.constant 32 : i32
      %add3A_84 = arith.addi %mul3A_82, %add3A_83 : i32
      %swap3A_85 = arith.index_cast %add3A_84 : i32 to index
      %swap3A_86 = tpu.vector_load %arg7[%swap3A_85] {strides = array<i32>} : memref<10112xi32, #tpu.memory_space<vmem>>, vector<16xi32>,
      %swap3A_87 = vector.shape_cast %swap3A_86 : vector<16xi32> to vector<16xi32>
      %swap3A_88 = vector.shape_cast %mul3A_80 : vector<16xi32> to vector<16xi32>
      tpu.vector_store %arg7[%swap3A_85], %swap3A_88 {strides = array<i32>} : memref<10112xi32, #tpu.memory_space<vmem>>, vector<16xi32>,
      %get3A_89 = arith.constant 0 : i32
      %get3A_90 = arith.index_cast %scan3A_39 : i32 to index
      %get3A_91 = arith.index_cast %get3A_89 : i32 to index
      %get3A_92 = arith.constant 48 : index
      %get3A_93 = tpu.vector_load %arg6[%get3A_90, %get3A_91, %get3A_92] {strides = array<i32>} : memref<79x2x128xi32, #tpu.memory_space<vmem>>, vector<1x1x16xi32>,
      %get3A_94 = vector.shape_cast %get3A_93 : vector<1x1x16xi32> to vector<16xi32>
      %mul3A_95 = arith.constant 8 : i32
      %mul3A_96 = vector.broadcast %mul3A_95 : i32 to vector<16xi32>
      %mul3A_97 = arith.muli %get3A_94, %mul3A_96 : vector<16xi32>
      %mul3A_98 = arith.constant 128 : i32
      %mul3A_99 = arith.muli %scan3A_39, %mul3A_98 : i32
      %add3A_100 = arith.constant 48 : i32
      %add3A_101 = arith.addi %mul3A_99, %add3A_100 : i32
      %swap3A_102 = arith.index_cast %add3A_101 : i32 to index
      %swap3A_103 = tpu.vector_load %arg7[%swap3A_102] {strides = array<i32>} : memref<10112xi32, #tpu.memory_space<vmem>>, vector<16xi32>,
      %swap3A_104 = vector.shape_cast %swap3A_103 : vector<16xi32> to vector<16xi32>
      %swap3A_105 = vector.shape_cast %mul3A_97 : vector<16xi32> to vector<16xi32>
      tpu.vector_store %arg7[%swap3A_102], %swap3A_105 {strides = array<i32>} : memref<10112xi32, #tpu.memory_space<vmem>>, vector<16xi32>,
      %get3A_106 = arith.constant 0 : i32
      %get3A_107 = arith.index_cast %scan3A_39 : i32 to index
      %get3A_108 = arith.index_cast %get3A_106 : i32 to index
      %get3A_109 = arith.constant 64 : index
      %get3A_110 = tpu.vector_load %arg6[%get3A_107, %get3A_108, %get3A_109] {strides = array<i32>} : memref<79x2x128xi32, #tpu.memory_space<vmem>>, vector<1x1x16xi32>,
      %get3A_111 = vector.shape_cast %get3A_110 : vector<1x1x16xi32> to vector<16xi32>
      %mul3A_112 = arith.constant 8 : i32
      %mul3A_113 = vector.broadcast %mul3A_112 : i32 to vector<16xi32>
      %mul3A_114 = arith.muli %get3A_111, %mul3A_113 : vector<16xi32>
      %mul3A_115 = arith.constant 128 : i32
      %mul3A_116 = arith.muli %scan3A_39, %mul3A_115 : i32
      %add3A_117 = arith.constant 64 : i32
      %add3A_118 = arith.addi %mul3A_116, %add3A_117 : i32
      %swap3A_119 = arith.index_cast %add3A_118 : i32 to index
      %swap3A_120 = tpu.vector_load %arg7[%swap3A_119] {strides = array<i32>} : memref<10112xi32, #tpu.memory_space<vmem>>, vector<16xi32>,
      %swap3A_121 = vector.shape_cast %swap3A_120 : vector<16xi32> to vector<16xi32>
      %swap3A_122 = vector.shape_cast %mul3A_114 : vector<16xi32> to vector<16xi32>
      tpu.vector_store %arg7[%swap3A_119], %swap3A_122 {strides = array<i32>} : memref<10112xi32, #tpu.memory_space<vmem>>, vector<16xi32>,
      %get3A_123 = arith.constant 0 : i32
      %get3A_124 = arith.index_cast %scan3A_39 : i32 to index
      %get3A_125 = arith.index_cast %get3A_123 : i32 to index
      %get3A_126 = arith.constant 80 : index
      %get3A_127 = tpu.vector_load %arg6[%get3A_124, %get3A_125, %get3A_126] {strides = array<i32>} : memref<79x2x128xi32, #tpu.memory_space<vmem>>, vector<1x1x16xi32>,
      %get3A_128 = vector.shape_cast %get3A_127 : vector<1x1x16xi32> to vector<16xi32>
      %mul3A_129 = arith.constant 8 : i32
      %mul3A_130 = vector.broadcast %mul3A_129 : i32 to vector<16xi32>
      %mul3A_131 = arith.muli %get3A_128, %mul3A_130 : vector<16xi32>
      %mul3A_132 = arith.constant 128 : i32
      %mul3A_133 = arith.muli %scan3A_39, %mul3A_132 : i32
      %add3A_134 = arith.constant 80 : i32
      %add3A_135 = arith.addi %mul3A_133, %add3A_134 : i32
      %swap3A_136 = arith.index_cast %add3A_135 : i32 to index
      %swap3A_137 = tpu.vector_load %arg7[%swap3A_136] {strides = array<i32>} : memref<10112xi32, #tpu.memory_space<vmem>>, vector<16xi32>,
      %swap3A_138 = vector.shape_cast %swap3A_137 : vector<16xi32> to vector<16xi32>
      %swap3A_139 = vector.shape_cast %mul3A_131 : vector<16xi32> to vector<16xi32>
      tpu.vector_store %arg7[%swap3A_136], %swap3A_139 {strides = array<i32>} : memref<10112xi32, #tpu.memory_space<vmem>>, vector<16xi32>,
      %get3A_140 = arith.constant 0 : i32
      %get3A_141 = arith.index_cast %scan3A_39 : i32 to index
      %get3A_142 = arith.index_cast %get3A_140 : i32 to index
      %get3A_143 = arith.constant 96 : index
      %get3A_144 = tpu.vector_load %arg6[%get3A_141, %get3A_142, %get3A_143] {strides = array<i32>} : memref<79x2x128xi32, #tpu.memory_space<vmem>>, vector<1x1x16xi32>,
      %get3A_145 = vector.shape_cast %get3A_144 : vector<1x1x16xi32> to vector<16xi32>
      %mul3A_146 = arith.constant 8 : i32
      %mul3A_147 = vector.broadcast %mul3A_146 : i32 to vector<16xi32>
      %mul3A_148 = arith.muli %get3A_145, %mul3A_147 : vector<16xi32>
      %mul3A_149 = arith.constant 128 : i32
      %mul3A_150 = arith.muli %scan3A_39, %mul3A_149 : i32
      %add3A_151 = arith.constant 96 : i32
      %add3A_152 = arith.addi %mul3A_150, %add3A_151 : i32
      %swap3A_153 = arith.index_cast %add3A_152 : i32 to index
      %swap3A_154 = tpu.vector_load %arg7[%swap3A_153] {strides = array<i32>} : memref<10112xi32, #tpu.memory_space<vmem>>, vector<16xi32>,
      %swap3A_155 = vector.shape_cast %swap3A_154 : vector<16xi32> to vector<16xi32>
      %swap3A_156 = vector.shape_cast %mul3A_148 : vector<16xi32> to vector<16xi32>
      tpu.vector_store %arg7[%swap3A_153], %swap3A_156 {strides = array<i32>} : memref<10112xi32, #tpu.memory_space<vmem>>, vector<16xi32>,
      %get3A_157 = arith.constant 0 : i32
      %get3A_158 = arith.index_cast %scan3A_39 : i32 to index
      %get3A_159 = arith.index_cast %get3A_157 : i32 to index
      %get3A_160 = arith.constant 112 : index
      %get3A_161 = tpu.vector_load %arg6[%get3A_158, %get3A_159, %get3A_160] {strides = array<i32>} : memref<79x2x128xi32, #tpu.memory_space<vmem>>, vector<1x1x16xi32>,
      %get3A_162 = vector.shape_cast %get3A_161 : vector<1x1x16xi32> to vector<16xi32>
      %mul3A_163 = arith.constant 8 : i32
      %mul3A_164 = vector.broadcast %mul3A_163 : i32 to vector<16xi32>
      %mul3A_165 = arith.muli %get3A_162, %mul3A_164 : vector<16xi32>
      %mul3A_166 = arith.constant 128 : i32
      %mul3A_167 = arith.muli %scan3A_39, %mul3A_166 : i32
      %add3A_168 = arith.constant 112 : i32
      %add3A_169 = arith.addi %mul3A_167, %add3A_168 : i32
      %swap3A_170 = arith.index_cast %add3A_169 : i32 to index
      %swap3A_171 = tpu.vector_load %arg7[%swap3A_170] {strides = array<i32>} : memref<10112xi32, #tpu.memory_space<vmem>>, vector<16xi32>,
      %swap3A_172 = vector.shape_cast %swap3A_171 : vector<16xi32> to vector<16xi32>
      %swap3A_173 = vector.shape_cast %mul3A_165 : vector<16xi32> to vector<16xi32>
      tpu.vector_store %arg7[%swap3A_170], %swap3A_173 {strides = array<i32>} : memref<10112xi32, #tpu.memory_space<vmem>>, vector<16xi32>,
    }
    %scan3A_13 = arith.constant 79 : i32
    %barrier3A = arith.constant 0 : index
    tpu.barrier barrier_id(%barrier3A)
    %dma_start3A = arith.constant 0 : i32
    %dma_start3A_14 = arith.constant 0 : i32
    %dma_start3A_15 = arith.constant 0 : i32
    %dma_start3A_16 = tpu.memref_slice %arg8[%dma_start3A, %dma_start3A_14, %dma_start3A_15] : memref<2x1664x16xf32, #tpu.memory_space<vmem>> -> memref<1x1664x16xf32, #tpu.memory_space<vmem>>
    %dma_start3A_17 = tpu.memref_squeeze %dma_start3A_16 : memref<1x1664x16xf32, #tpu.memory_space<vmem>> -> memref<1664x16xf32, #tpu.memory_space<vmem>>
    %dma_start3A_18 = arith.constant 0 : i32
    %dma_start3A_19 = tpu.memref_slice %arg7[%dma_start3A_18] : memref<10112xi32, #tpu.memory_space<vmem>> -> memref<1664xi32, #tpu.memory_space<vmem>>
    %dma_start3A_20 = arith.constant 0 : i32
    %dma_start3A_21 = arith.constant 0 : i32
    %dma_start3A_22 = tpu.memref_slice %arg2[%dma_start3A_20, %dma_start3A_21] : memref<81920x16xf32, #tpu.memory_space<hbm>> -> memref<81920x16xf32, #tpu.memory_space<hbm>>
    tpu.enqueue_indirect_dma source(%dma_start3A_22 : memref<81920x16xf32, #tpu.memory_space<hbm>>) target(%dma_start3A_17 : memref<1664x16xf32, #tpu.memory_space<vmem>>) offsets(%dma_start3A_19 : memref<1664xi32, #tpu.memory_space<vmem>>) semaphore(%arg10 : memref<!tpu.dma_semaphore, #tpu.memory_space<semaphore_mem>>)
    %scan3A_23 = arith.constant 0 : i32
    %scan3A_24 = arith.constant 0 : i32
    %scan3A_25 = arith.constant 3 : i32
    %scan3A_26 = arith.addi %scan3A_24, %scan3A_25 : i32
    %scan3A_27 = arith.constant 1 : i32
    scf.for %scan3A_39 = %scan3A_24 to %scan3A_26 step %scan3A_27  : i32 {
      %mul3A_40 = arith.constant 2 : i32
      %mul3A_41 = arith.muli %mul3A_40, %scan3A_39 : i32
      %mul3A_42 = arith.constant 2 : i32
      %mul3A_43 = arith.muli %mul3A_42, %scan3A_39 : i32
      %add3A_44 = arith.constant 1 : i32
      %add3A_45 = arith.addi %mul3A_43, %add3A_44 : i32
      %dma_wait3A = arith.constant 0 : i32
      %dma_wait3A_46 = arith.constant 0 : i32
      %dma_wait3A_47 = arith.constant 0 : i32
      %dma_wait3A_48 = tpu.memref_slice %arg8[%dma_wait3A, %dma_wait3A_46, %dma_wait3A_47] : memref<2x1664x16xf32, #tpu.memory_space<vmem>> -> memref<1x1664x16xf32, #tpu.memory_space<vmem>>
      %dma_wait3A_49 = tpu.memref_squeeze %dma_wait3A_48 : memref<1x1664x16xf32, #tpu.memory_space<vmem>> -> memref<1664x16xf32, #tpu.memory_space<vmem>>
      %dma_wait3A_50 = arith.constant 0 : i32
      %dma_wait3A_51 = tpu.memref_slice %arg7[%dma_wait3A_50] : memref<10112xi32, #tpu.memory_space<vmem>> -> memref<1664xi32, #tpu.memory_space<vmem>>
      %dma_wait3A_52 = arith.constant 0 : i32
      %dma_wait3A_53 = arith.constant 0 : i32
      %dma_wait3A_54 = tpu.memref_slice %arg2[%dma_wait3A_52, %dma_wait3A_53] : memref<81920x16xf32, #tpu.memory_space<hbm>> -> memref<81920x16xf32, #tpu.memory_space<hbm>>
      tpu.wait_indirect_dma semaphore(%arg10 : memref<!tpu.dma_semaphore, #tpu.memory_space<semaphore_mem>>) src(%dma_wait3A_54 : memref<81920x16xf32, #tpu.memory_space<hbm>>) dst(%dma_wait3A_49 : memref<1664x16xf32, #tpu.memory_space<vmem>>)
      %mul3A_55 = arith.constant 13 : i32
      %mul3A_56 = arith.muli %add3A_45, %mul3A_55 : i32
      %mul3A_57 = arith.constant 128 : i32
      %mul3A_58 = arith.muli %mul3A_56, %mul3A_57 : i32
      %dma_start3A_59 = arith.constant 1 : i32
      %dma_start3A_60 = arith.constant 0 : i32
      %dma_start3A_61 = arith.constant 0 : i32
      %dma_start3A_62 = tpu.memref_slice %arg8[%dma_start3A_59, %dma_start3A_60, %dma_start3A_61] : memref<2x1664x16xf32, #tpu.memory_space<vmem>> -> memref<1x1664x16xf32, #tpu.memory_space<vmem>>
      %dma_start3A_63 = tpu.memref_squeeze %dma_start3A_62 : memref<1x1664x16xf32, #tpu.memory_space<vmem>> -> memref<1664x16xf32, #tpu.memory_space<vmem>>
      %dma_start3A_64 = tpu.memref_slice %arg7[%mul3A_58] : memref<10112xi32, #tpu.memory_space<vmem>> -> memref<1664xi32, #tpu.memory_space<vmem>>
      %dma_start3A_65 = arith.constant 0 : i32
      %dma_start3A_66 = arith.constant 0 : i32
      %dma_start3A_67 = tpu.memref_slice %arg2[%dma_start3A_65, %dma_start3A_66] : memref<81920x16xf32, #tpu.memory_space<hbm>> -> memref<81920x16xf32, #tpu.memory_space<hbm>>
      tpu.enqueue_indirect_dma source(%dma_start3A_67 : memref<81920x16xf32, #tpu.memory_space<hbm>>) target(%dma_start3A_63 : memref<1664x16xf32, #tpu.memory_space<vmem>>) offsets(%dma_start3A_64 : memref<1664xi32, #tpu.memory_space<vmem>>) semaphore(%arg11 : memref<!tpu.dma_semaphore, #tpu.memory_space<semaphore_mem>>)
      %mul3A_68 = arith.constant 13 : i32
      %mul3A_69 = arith.muli %mul3A_41, %mul3A_68 : i32
      %add3A_70 = arith.constant 0 : i32
      %add3A_71 = arith.addi %mul3A_69, %add3A_70 : i32
      %dma_start3A_72 = arith.constant 0 : i32
      %dma_start3A_73 = arith.constant 1 : i32
      %dma_start3A_74 = arith.constant 0 : i32
      %dma_start3A_75 = arith.constant 0 : i32
      %dma_start3A_76 = tpu.memref_slice %arg8[%dma_start3A_72, %dma_start3A_74, %dma_start3A_75] : memref<2x1664x16xf32, #tpu.memory_space<vmem>> -> memref<1x128x16xf32, #tpu.memory_space<vmem>>
      %dma_start3A_77 = tpu.memref_squeeze %dma_start3A_76 : memref<1x128x16xf32, #tpu.memory_space<vmem>> -> memref<128x16xf32, #tpu.memory_space<vmem>>
      %dma_start3A_78 = arith.constant 0 : i32
      %dma_start3A_79 = tpu.memref_slice %arg6[%add3A_71, %dma_start3A_73, %dma_start3A_78] : memref<79x2x128xi32, #tpu.memory_space<vmem>> -> memref<1x1x128xi32, #tpu.memory_space<vmem>>
      %dma_start3A_80 = tpu.memref_squeeze %dma_start3A_79 : memref<1x1x128xi32, #tpu.memory_space<vmem>> -> memref<128xi32, #tpu.memory_space<vmem>>
      %dma_start3A_81 = arith.constant 0 : i32
      %dma_start3A_82 = arith.constant 0 : i32
      %dma_start3A_83 = tpu.memref_slice %arg9[%dma_start3A_81, %dma_start3A_82] : memref<10240x16xf32, #tpu.memory_space<vmem_shared>> -> memref<10240x16xf32, #tpu.memory_space<vmem_shared>>
      tpu.enqueue_indirect_dma source(%dma_start3A_77 : memref<128x16xf32, #tpu.memory_space<vmem>>) target(%dma_start3A_83 : memref<10240x16xf32, #tpu.memory_space<vmem_shared>>) offsets(%dma_start3A_80 : memref<128xi32, #tpu.memory_space<vmem>>) semaphore(%arg12 : memref<!tpu.dma_semaphore, #tpu.memory_space<semaphore_mem>>) {add = true}
      %mul3A_84 = arith.constant 13 : i32
      %mul3A_85 = arith.muli %mul3A_41, %mul3A_84 : i32
      %add3A_86 = arith.constant 1 : i32
      %add3A_87 = arith.addi %mul3A_85, %add3A_86 : i32
      %dma_start3A_88 = arith.constant 0 : i32
      %dma_start3A_89 = arith.constant 1 : i32
      %dma_start3A_90 = arith.constant 128 : i32
      %dma_start3A_91 = arith.constant 0 : i32
      %dma_start3A_92 = tpu.memref_slice %arg8[%dma_start3A_88, %dma_start3A_90, %dma_start3A_91] : memref<2x1664x16xf32, #tpu.memory_space<vmem>> -> memref<1x128x16xf32, #tpu.memory_space<vmem>>
      %dma_start3A_93 = tpu.memref_squeeze %dma_start3A_92 : memref<1x128x16xf32, #tpu.memory_space<vmem>> -> memref<128x16xf32, #tpu.memory_space<vmem>>
      %dma_start3A_94 = arith.constant 0 : i32
      %dma_start3A_95 = tpu.memref_slice %arg6[%add3A_87, %dma_start3A_89, %dma_start3A_94] : memref<79x2x128xi32, #tpu.memory_space<vmem>> -> memref<1x1x128xi32, #tpu.memory_space<vmem>>
      %dma_start3A_96 = tpu.memref_squeeze %dma_start3A_95 : memref<1x1x128xi32, #tpu.memory_space<vmem>> -> memref<128xi32, #tpu.memory_space<vmem>>
      %dma_start3A_97 = arith.constant 0 : i32
      %dma_start3A_98 = arith.constant 0 : i32
      %dma_start3A_99 = tpu.memref_slice %arg9[%dma_start3A_97, %dma_start3A_98] : memref<10240x16xf32, #tpu.memory_space<vmem_shared>> -> memref<10240x16xf32, #tpu.memory_space<vmem_shared>>
      tpu.enqueue_indirect_dma source(%dma_start3A_93 : memref<128x16xf32, #tpu.memory_space<vmem>>) target(%dma_start3A_99 : memref<10240x16xf32, #tpu.memory_space<vmem_shared>>) offsets(%dma_start3A_96 : memref<128xi32, #tpu.memory_space<vmem>>) semaphore(%arg12 : memref<!tpu.dma_semaphore, #tpu.memory_space<semaphore_mem>>) {add = true}
      %mul3A_100 = arith.constant 13 : i32
      %mul3A_101 = arith.muli %mul3A_41, %mul3A_100 : i32
      %add3A_102 = arith.constant 2 : i32
      %add3A_103 = arith.addi %mul3A_101, %add3A_102 : i32
      %dma_start3A_104 = arith.constant 0 : i32
      %dma_start3A_105 = arith.constant 1 : i32
      %dma_start3A_106 = arith.constant 256 : i32
      %dma_start3A_107 = arith.constant 0 : i32
      %dma_start3A_108 = tpu.memref_slice %arg8[%dma_start3A_104, %dma_start3A_106, %dma_start3A_107] : memref<2x1664x16xf32, #tpu.memory_space<vmem>> -> memref<1x128x16xf32, #tpu.memory_space<vmem>>
      %dma_start3A_109 = tpu.memref_squeeze %dma_start3A_108 : memref<1x128x16xf32, #tpu.memory_space<vmem>> -> memref<128x16xf32, #tpu.memory_space<vmem>>
      %dma_start3A_110 = arith.constant 0 : i32
      %dma_start3A_111 = tpu.memref_slice %arg6[%add3A_103, %dma_start3A_105, %dma_start3A_110] : memref<79x2x128xi32, #tpu.memory_space<vmem>> -> memref<1x1x128xi32, #tpu.memory_space<vmem>>
      %dma_start3A_112 = tpu.memref_squeeze %dma_start3A_111 : memref<1x1x128xi32, #tpu.memory_space<vmem>> -> memref<128xi32, #tpu.memory_space<vmem>>
      %dma_start3A_113 = arith.constant 0 : i32
      %dma_start3A_114 = arith.constant 0 : i32
      %dma_start3A_115 = tpu.memref_slice %arg9[%dma_start3A_113, %dma_start3A_114] : memref<10240x16xf32, #tpu.memory_space<vmem_shared>> -> memref<10240x16xf32, #tpu.memory_space<vmem_shared>>
      tpu.enqueue_indirect_dma source(%dma_start3A_109 : memref<128x16xf32, #tpu.memory_space<vmem>>) target(%dma_start3A_115 : memref<10240x16xf32, #tpu.memory_space<vmem_shared>>) offsets(%dma_start3A_112 : memref<128xi32, #tpu.memory_space<vmem>>) semaphore(%arg12 : memref<!tpu.dma_semaphore, #tpu.memory_space<semaphore_mem>>) {add = true}
      %mul3A_116 = arith.constant 13 : i32
      %mul3A_117 = arith.muli %mul3A_41, %mul3A_116 : i32
      %add3A_118 = arith.constant 3 : i32
      %add3A_119 = arith.addi %mul3A_117, %add3A_118 : i32
      %dma_start3A_120 = arith.constant 0 : i32
      %dma_start3A_121 = arith.constant 1 : i32
      %dma_start3A_122 = arith.constant 384 : i32
      %dma_start3A_123 = arith.constant 0 : i32
      %dma_start3A_124 = tpu.memref_slice %arg8[%dma_start3A_120, %dma_start3A_122, %dma_start3A_123] : memref<2x1664x16xf32, #tpu.memory_space<vmem>> -> memref<1x128x16xf32, #tpu.memory_space<vmem>>
      %dma_start3A_125 = tpu.memref_squeeze %dma_start3A_124 : memref<1x128x16xf32, #tpu.memory_space<vmem>> -> memref<128x16xf32, #tpu.memory_space<vmem>>
      %dma_start3A_126 = arith.constant 0 : i32
      %dma_start3A_127 = tpu.memref_slice %arg6[%add3A_119, %dma_start3A_121, %dma_start3A_126] : memref<79x2x128xi32, #tpu.memory_space<vmem>> -> memref<1x1x128xi32, #tpu.memory_space<vmem>>
      %dma_start3A_128 = tpu.memref_squeeze %dma_start3A_127 : memref<1x1x128xi32, #tpu.memory_space<vmem>> -> memref<128xi32, #tpu.memory_space<vmem>>
      %dma_start3A_129 = arith.constant 0 : i32
      %dma_start3A_130 = arith.constant 0 : i32
      %dma_start3A_131 = tpu.memref_slice %arg9[%dma_start3A_129, %dma_start3A_130] : memref<10240x16xf32, #tpu.memory_space<vmem_shared>> -> memref<10240x16xf32, #tpu.memory_space<vmem_shared>>
      tpu.enqueue_indirect_dma source(%dma_start3A_125 : memref<128x16xf32, #tpu.memory_space<vmem>>) target(%dma_start3A_131 : memref<10240x16xf32, #tpu.memory_space<vmem_shared>>) offsets(%dma_start3A_128 : memref<128xi32, #tpu.memory_space<vmem>>) semaphore(%arg12 : memref<!tpu.dma_semaphore, #tpu.memory_space<semaphore_mem>>) {add = true}
      %mul3A_132 = arith.constant 13 : i32
      %mul3A_133 = arith.muli %mul3A_41, %mul3A_132 : i32
      %add3A_134 = arith.constant 4 : i32
      %add3A_135 = arith.addi %mul3A_133, %add3A_134 : i32
      %dma_start3A_136 = arith.constant 0 : i32
      %dma_start3A_137 = arith.constant 1 : i32
      %dma_start3A_138 = arith.constant 512 : i32
      %dma_start3A_139 = arith.constant 0 : i32
      %dma_start3A_140 = tpu.memref_slice %arg8[%dma_start3A_136, %dma_start3A_138, %dma_start3A_139] : memref<2x1664x16xf32, #tpu.memory_space<vmem>> -> memref<1x128x16xf32, #tpu.memory_space<vmem>>
      %dma_start3A_141 = tpu.memref_squeeze %dma_start3A_140 : memref<1x128x16xf32, #tpu.memory_space<vmem>> -> memref<128x16xf32, #tpu.memory_space<vmem>>
      %dma_start3A_142 = arith.constant 0 : i32
      %dma_start3A_143 = tpu.memref_slice %arg6[%add3A_135, %dma_start3A_137, %dma_start3A_142] : memref<79x2x128xi32, #tpu.memory_space<vmem>> -> memref<1x1x128xi32, #tpu.memory_space<vmem>>
      %dma_start3A_144 = tpu.memref_squeeze %dma_start3A_143 : memref<1x1x128xi32, #tpu.memory_space<vmem>> -> memref<128xi32, #tpu.memory_space<vmem>>
      %dma_start3A_145 = arith.constant 0 : i32
      %dma_start3A_146 = arith.constant 0 : i32
      %dma_start3A_147 = tpu.memref_slice %arg9[%dma_start3A_145, %dma_start3A_146] : memref<10240x16xf32, #tpu.memory_space<vmem_shared>> -> memref<10240x16xf32, #tpu.memory_space<vmem_shared>>
      tpu.enqueue_indirect_dma source(%dma_start3A_141 : memref<128x16xf32, #tpu.memory_space<vmem>>) target(%dma_start3A_147 : memref<10240x16xf32, #tpu.memory_space<vmem_shared>>) offsets(%dma_start3A_144 : memref<128xi32, #tpu.memory_space<vmem>>) semaphore(%arg12 : memref<!tpu.dma_semaphore, #tpu.memory_space<semaphore_mem>>) {add = true}
      %mul3A_148 = arith.constant 13 : i32
      %mul3A_149 = arith.muli %mul3A_41, %mul3A_148 : i32
      %add3A_150 = arith.constant 5 : i32
      %add3A_151 = arith.addi %mul3A_149, %add3A_150 : i32
      %dma_start3A_152 = arith.constant 0 : i32
      %dma_start3A_153 = arith.constant 1 : i32
      %dma_start3A_154 = arith.constant 640 : i32
      %dma_start3A_155 = arith.constant 0 : i32
      %dma_start3A_156 = tpu.memref_slice %arg8[%dma_start3A_152, %dma_start3A_154, %dma_start3A_155] : memref<2x1664x16xf32, #tpu.memory_space<vmem>> -> memref<1x128x16xf32, #tpu.memory_space<vmem>>
      %dma_start3A_157 = tpu.memref_squeeze %dma_start3A_156 : memref<1x128x16xf32, #tpu.memory_space<vmem>> -> memref<128x16xf32, #tpu.memory_space<vmem>>
      %dma_start3A_158 = arith.constant 0 : i32
      %dma_start3A_159 = tpu.memref_slice %arg6[%add3A_151, %dma_start3A_153, %dma_start3A_158] : memref<79x2x128xi32, #tpu.memory_space<vmem>> -> memref<1x1x128xi32, #tpu.memory_space<vmem>>
      %dma_start3A_160 = tpu.memref_squeeze %dma_start3A_159 : memref<1x1x128xi32, #tpu.memory_space<vmem>> -> memref<128xi32, #tpu.memory_space<vmem>>
      %dma_start3A_161 = arith.constant 0 : i32
      %dma_start3A_162 = arith.constant 0 : i32
      %dma_start3A_163 = tpu.memref_slice %arg9[%dma_start3A_161, %dma_start3A_162] : memref<10240x16xf32, #tpu.memory_space<vmem_shared>> -> memref<10240x16xf32, #tpu.memory_space<vmem_shared>>
      tpu.enqueue_indirect_dma source(%dma_start3A_157 : memref<128x16xf32, #tpu.memory_space<vmem>>) target(%dma_start3A_163 : memref<10240x16xf32, #tpu.memory_space<vmem_shared>>) offsets(%dma_start3A_160 : memref<128xi32, #tpu.memory_space<vmem>>) semaphore(%arg12 : memref<!tpu.dma_semaphore, #tpu.memory_space<semaphore_mem>>) {add = true}
      %mul3A_164 = arith.constant 13 : i32
      %mul3A_165 = arith.muli %mul3A_41, %mul3A_164 : i32
      %add3A_166 = arith.constant 6 : i32
      %add3A_167 = arith.addi %mul3A_165, %add3A_166 : i32
      %dma_start3A_168 = arith.constant 0 : i32
      %dma_start3A_169 = arith.constant 1 : i32
      %dma_start3A_170 = arith.constant 768 : i32
      %dma_start3A_171 = arith.constant 0 : i32
      %dma_start3A_172 = tpu.memref_slice %arg8[%dma_start3A_168, %dma_start3A_170, %dma_start3A_171] : memref<2x1664x16xf32, #tpu.memory_space<vmem>> -> memref<1x128x16xf32, #tpu.memory_space<vmem>>
      %dma_start3A_173 = tpu.memref_squeeze %dma_start3A_172 : memref<1x128x16xf32, #tpu.memory_space<vmem>> -> memref<128x16xf32, #tpu.memory_space<vmem>>
      %dma_start3A_174 = arith.constant 0 : i32
      %dma_start3A_175 = tpu.memref_slice %arg6[%add3A_167, %dma_start3A_169, %dma_start3A_174] : memref<79x2x128xi32, #tpu.memory_space<vmem>> -> memref<1x1x128xi32, #tpu.memory_space<vmem>>
      %dma_start3A_176 = tpu.memref_squeeze %dma_start3A_175 : memref<1x1x128xi32, #tpu.memory_space<vmem>> -> memref<128xi32, #tpu.memory_space<vmem>>
      %dma_start3A_177 = arith.constant 0 : i32
      %dma_start3A_178 = arith.constant 0 : i32
      %dma_start3A_179 = tpu.memref_slice %arg9[%dma_start3A_177, %dma_start3A_178] : memref<10240x16xf32, #tpu.memory_space<vmem_shared>> -> memref<10240x16xf32, #tpu.memory_space<vmem_shared>>
      tpu.enqueue_indirect_dma source(%dma_start3A_173 : memref<128x16xf32, #tpu.memory_space<vmem>>) target(%dma_start3A_179 : memref<10240x16xf32, #tpu.memory_space<vmem_shared>>) offsets(%dma_start3A_176 : memref<128xi32, #tpu.memory_space<vmem>>) semaphore(%arg12 : memref<!tpu.dma_semaphore, #tpu.memory_space<semaphore_mem>>) {add = true}
      %mul3A_180 = arith.constant 13 : i32
      %mul3A_181 = arith.muli %mul3A_41, %mul3A_180 : i32
      %add3A_182 = arith.constant 7 : i32
      %add3A_183 = arith.addi %mul3A_181, %add3A_182 : i32
      %dma_start3A_184 = arith.constant 0 : i32
      %dma_start3A_185 = arith.constant 1 : i32
      %dma_start3A_186 = arith.constant 896 : i32
      %dma_start3A_187 = arith.constant 0 : i32
      %dma_start3A_188 = tpu.memref_slice %arg8[%dma_start3A_184, %dma_start3A_186, %dma_start3A_187] : memref<2x1664x16xf32, #tpu.memory_space<vmem>> -> memref<1x128x16xf32, #tpu.memory_space<vmem>>
      %dma_start3A_189 = tpu.memref_squeeze %dma_start3A_188 : memref<1x128x16xf32, #tpu.memory_space<vmem>> -> memref<128x16xf32, #tpu.memory_space<vmem>>
      %dma_start3A_190 = arith.constant 0 : i32
      %dma_start3A_191 = tpu.memref_slice %arg6[%add3A_183, %dma_start3A_185, %dma_start3A_190] : memref<79x2x128xi32, #tpu.memory_space<vmem>> -> memref<1x1x128xi32, #tpu.memory_space<vmem>>
      %dma_start3A_192 = tpu.memref_squeeze %dma_start3A_191 : memref<1x1x128xi32, #tpu.memory_space<vmem>> -> memref<128xi32, #tpu.memory_space<vmem>>
      %dma_start3A_193 = arith.constant 0 : i32
      %dma_start3A_194 = arith.constant 0 : i32
      %dma_start3A_195 = tpu.memref_slice %arg9[%dma_start3A_193, %dma_start3A_194] : memref<10240x16xf32, #tpu.memory_space<vmem_shared>> -> memref<10240x16xf32, #tpu.memory_space<vmem_shared>>
      tpu.enqueue_indirect_dma source(%dma_start3A_189 : memref<128x16xf32, #tpu.memory_space<vmem>>) target(%dma_start3A_195 : memref<10240x16xf32, #tpu.memory_space<vmem_shared>>) offsets(%dma_start3A_192 : memref<128xi32, #tpu.memory_space<vmem>>) semaphore(%arg12 : memref<!tpu.dma_semaphore, #tpu.memory_space<semaphore_mem>>) {add = true}
      %mul3A_196 = arith.constant 13 : i32
      %mul3A_197 = arith.muli %mul3A_41, %mul3A_196 : i32
      %add3A_198 = arith.constant 8 : i32
      %add3A_199 = arith.addi %mul3A_197, %add3A_198 : i32
      %dma_start3A_200 = arith.constant 0 : i32
      %dma_start3A_201 = arith.constant 1 : i32
      %dma_start3A_202 = arith.constant 1024 : i32
      %dma_start3A_203 = arith.constant 0 : i32
      %dma_start3A_204 = tpu.memref_slice %arg8[%dma_start3A_200, %dma_start3A_202, %dma_start3A_203] : memref<2x1664x16xf32, #tpu.memory_space<vmem>> -> memref<1x128x16xf32, #tpu.memory_space<vmem>>
      %dma_start3A_205 = tpu.memref_squeeze %dma_start3A_204 : memref<1x128x16xf32, #tpu.memory_space<vmem>> -> memref<128x16xf32, #tpu.memory_space<vmem>>
      %dma_start3A_206 = arith.constant 0 : i32
      %dma_start3A_207 = tpu.memref_slice %arg6[%add3A_199, %dma_start3A_201, %dma_start3A_206] : memref<79x2x128xi32, #tpu.memory_space<vmem>> -> memref<1x1x128xi32, #tpu.memory_space<vmem>>
      %dma_start3A_208 = tpu.memref_squeeze %dma_start3A_207 : memref<1x1x128xi32, #tpu.memory_space<vmem>> -> memref<128xi32, #tpu.memory_space<vmem>>
      %dma_start3A_209 = arith.constant 0 : i32
      %dma_start3A_210 = arith.constant 0 : i32
      %dma_start3A_211 = tpu.memref_slice %arg9[%dma_start3A_209, %dma_start3A_210] : memref<10240x16xf32, #tpu.memory_space<vmem_shared>> -> memref<10240x16xf32, #tpu.memory_space<vmem_shared>>
      tpu.enqueue_indirect_dma source(%dma_start3A_205 : memref<128x16xf32, #tpu.memory_space<vmem>>) target(%dma_start3A_211 : memref<10240x16xf32, #tpu.memory_space<vmem_shared>>) offsets(%dma_start3A_208 : memref<128xi32, #tpu.memory_space<vmem>>) semaphore(%arg12 : memref<!tpu.dma_semaphore, #tpu.memory_space<semaphore_mem>>) {add = true}
      %mul3A_212 = arith.constant 13 : i32
      %mul3A_213 = arith.muli %mul3A_41, %mul3A_212 : i32
      %add3A_214 = arith.constant 9 : i32
      %add3A_215 = arith.addi %mul3A_213, %add3A_214 : i32
      %dma_start3A_216 = arith.constant 0 : i32
      %dma_start3A_217 = arith.constant 1 : i32
      %dma_start3A_218 = arith.constant 1152 : i32
      %dma_start3A_219 = arith.constant 0 : i32
      %dma_start3A_220 = tpu.memref_slice %arg8[%dma_start3A_216, %dma_start3A_218, %dma_start3A_219] : memref<2x1664x16xf32, #tpu.memory_space<vmem>> -> memref<1x128x16xf32, #tpu.memory_space<vmem>>
      %dma_start3A_221 = tpu.memref_squeeze %dma_start3A_220 : memref<1x128x16xf32, #tpu.memory_space<vmem>> -> memref<128x16xf32, #tpu.memory_space<vmem>>
      %dma_start3A_222 = arith.constant 0 : i32
      %dma_start3A_223 = tpu.memref_slice %arg6[%add3A_215, %dma_start3A_217, %dma_start3A_222] : memref<79x2x128xi32, #tpu.memory_space<vmem>> -> memref<1x1x128xi32, #tpu.memory_space<vmem>>
      %dma_start3A_224 = tpu.memref_squeeze %dma_start3A_223 : memref<1x1x128xi32, #tpu.memory_space<vmem>> -> memref<128xi32, #tpu.memory_space<vmem>>
      %dma_start3A_225 = arith.constant 0 : i32
      %dma_start3A_226 = arith.constant 0 : i32
      %dma_start3A_227 = tpu.memref_slice %arg9[%dma_start3A_225, %dma_start3A_226] : memref<10240x16xf32, #tpu.memory_space<vmem_shared>> -> memref<10240x16xf32, #tpu.memory_space<vmem_shared>>
      tpu.enqueue_indirect_dma source(%dma_start3A_221 : memref<128x16xf32, #tpu.memory_space<vmem>>) target(%dma_start3A_227 : memref<10240x16xf32, #tpu.memory_space<vmem_shared>>) offsets(%dma_start3A_224 : memref<128xi32, #tpu.memory_space<vmem>>) semaphore(%arg12 : memref<!tpu.dma_semaphore, #tpu.memory_space<semaphore_mem>>) {add = true}
      %mul3A_228 = arith.constant 13 : i32
      %mul3A_229 = arith.muli %mul3A_41, %mul3A_228 : i32
      %add3A_230 = arith.constant 10 : i32
      %add3A_231 = arith.addi %mul3A_229, %add3A_230 : i32
      %dma_start3A_232 = arith.constant 0 : i32
      %dma_start3A_233 = arith.constant 1 : i32
      %dma_start3A_234 = arith.constant 1280 : i32
      %dma_start3A_235 = arith.constant 0 : i32
      %dma_start3A_236 = tpu.memref_slice %arg8[%dma_start3A_232, %dma_start3A_234, %dma_start3A_235] : memref<2x1664x16xf32, #tpu.memory_space<vmem>> -> memref<1x128x16xf32, #tpu.memory_space<vmem>>
      %dma_start3A_237 = tpu.memref_squeeze %dma_start3A_236 : memref<1x128x16xf32, #tpu.memory_space<vmem>> -> memref<128x16xf32, #tpu.memory_space<vmem>>
      %dma_start3A_238 = arith.constant 0 : i32
      %dma_start3A_239 = tpu.memref_slice %arg6[%add3A_231, %dma_start3A_233, %dma_start3A_238] : memref<79x2x128xi32, #tpu.memory_space<vmem>> -> memref<1x1x128xi32, #tpu.memory_space<vmem>>
      %dma_start3A_240 = tpu.memref_squeeze %dma_start3A_239 : memref<1x1x128xi32, #tpu.memory_space<vmem>> -> memref<128xi32, #tpu.memory_space<vmem>>
      %dma_start3A_241 = arith.constant 0 : i32
      %dma_start3A_242 = arith.constant 0 : i32
      %dma_start3A_243 = tpu.memref_slice %arg9[%dma_start3A_241, %dma_start3A_242] : memref<10240x16xf32, #tpu.memory_space<vmem_shared>> -> memref<10240x16xf32, #tpu.memory_space<vmem_shared>>
      tpu.enqueue_indirect_dma source(%dma_start3A_237 : memref<128x16xf32, #tpu.memory_space<vmem>>) target(%dma_start3A_243 : memref<10240x16xf32, #tpu.memory_space<vmem_shared>>) offsets(%dma_start3A_240 : memref<128xi32, #tpu.memory_space<vmem>>) semaphore(%arg12 : memref<!tpu.dma_semaphore, #tpu.memory_space<semaphore_mem>>) {add = true}
      %mul3A_244 = arith.constant 13 : i32
      %mul3A_245 = arith.muli %mul3A_41, %mul3A_244 : i32
      %add3A_246 = arith.constant 11 : i32
      %add3A_247 = arith.addi %mul3A_245, %add3A_246 : i32
      %dma_start3A_248 = arith.constant 0 : i32
      %dma_start3A_249 = arith.constant 1 : i32
      %dma_start3A_250 = arith.constant 1408 : i32
      %dma_start3A_251 = arith.constant 0 : i32
      %dma_start3A_252 = tpu.memref_slice %arg8[%dma_start3A_248, %dma_start3A_250, %dma_start3A_251] : memref<2x1664x16xf32, #tpu.memory_space<vmem>> -> memref<1x128x16xf32, #tpu.memory_space<vmem>>
      %dma_start3A_253 = tpu.memref_squeeze %dma_start3A_252 : memref<1x128x16xf32, #tpu.memory_space<vmem>> -> memref<128x16xf32, #tpu.memory_space<vmem>>
      %dma_start3A_254 = arith.constant 0 : i32
      %dma_start3A_255 = tpu.memref_slice %arg6[%add3A_247, %dma_start3A_249, %dma_start3A_254] : memref<79x2x128xi32, #tpu.memory_space<vmem>> -> memref<1x1x128xi32, #tpu.memory_space<vmem>>
      %dma_start3A_256 = tpu.memref_squeeze %dma_start3A_255 : memref<1x1x128xi32, #tpu.memory_space<vmem>> -> memref<128xi32, #tpu.memory_space<vmem>>
      %dma_start3A_257 = arith.constant 0 : i32
      %dma_start3A_258 = arith.constant 0 : i32
      %dma_start3A_259 = tpu.memref_slice %arg9[%dma_start3A_257, %dma_start3A_258] : memref<10240x16xf32, #tpu.memory_space<vmem_shared>> -> memref<10240x16xf32, #tpu.memory_space<vmem_shared>>
      tpu.enqueue_indirect_dma source(%dma_start3A_253 : memref<128x16xf32, #tpu.memory_space<vmem>>) target(%dma_start3A_259 : memref<10240x16xf32, #tpu.memory_space<vmem_shared>>) offsets(%dma_start3A_256 : memref<128xi32, #tpu.memory_space<vmem>>) semaphore(%arg12 : memref<!tpu.dma_semaphore, #tpu.memory_space<semaphore_mem>>) {add = true}
      %mul3A_260 = arith.constant 13 : i32
      %mul3A_261 = arith.muli %mul3A_41, %mul3A_260 : i32
      %add3A_262 = arith.constant 12 : i32
      %add3A_263 = arith.addi %mul3A_261, %add3A_262 : i32
      %dma_start3A_264 = arith.constant 0 : i32
      %dma_start3A_265 = arith.constant 1 : i32
      %dma_start3A_266 = arith.constant 1536 : i32
      %dma_start3A_267 = arith.constant 0 : i32
      %dma_start3A_268 = tpu.memref_slice %arg8[%dma_start3A_264, %dma_start3A_266, %dma_start3A_267] : memref<2x1664x16xf32, #tpu.memory_space<vmem>> -> memref<1x128x16xf32, #tpu.memory_space<vmem>>
      %dma_start3A_269 = tpu.memref_squeeze %dma_start3A_268 : memref<1x128x16xf32, #tpu.memory_space<vmem>> -> memref<128x16xf32, #tpu.memory_space<vmem>>
      %dma_start3A_270 = arith.constant 0 : i32
      %dma_start3A_271 = tpu.memref_slice %arg6[%add3A_263, %dma_start3A_265, %dma_start3A_270] : memref<79x2x128xi32, #tpu.memory_space<vmem>> -> memref<1x1x128xi32, #tpu.memory_space<vmem>>
      %dma_start3A_272 = tpu.memref_squeeze %dma_start3A_271 : memref<1x1x128xi32, #tpu.memory_space<vmem>> -> memref<128xi32, #tpu.memory_space<vmem>>
      %dma_start3A_273 = arith.constant 0 : i32
      %dma_start3A_274 = arith.constant 0 : i32
      %dma_start3A_275 = tpu.memref_slice %arg9[%dma_start3A_273, %dma_start3A_274] : memref<10240x16xf32, #tpu.memory_space<vmem_shared>> -> memref<10240x16xf32, #tpu.memory_space<vmem_shared>>
      tpu.enqueue_indirect_dma source(%dma_start3A_269 : memref<128x16xf32, #tpu.memory_space<vmem>>) target(%dma_start3A_275 : memref<10240x16xf32, #tpu.memory_space<vmem_shared>>) offsets(%dma_start3A_272 : memref<128xi32, #tpu.memory_space<vmem>>) semaphore(%arg12 : memref<!tpu.dma_semaphore, #tpu.memory_space<semaphore_mem>>) {add = true}
      %dma_wait3A_276 = arith.constant 0 : i32
      %dma_wait3A_277 = arith.constant 0 : i32
      %dma_wait3A_278 = arith.constant 1 : i32
      %dma_wait3A_279 = arith.constant 0 : i32
      %dma_wait3A_280 = arith.constant 0 : i32
      %dma_wait3A_281 = tpu.memref_slice %arg8[%dma_wait3A_276, %dma_wait3A_279, %dma_wait3A_280] : memref<2x1664x16xf32, #tpu.memory_space<vmem>> -> memref<1x128x16xf32, #tpu.memory_space<vmem>>
      %dma_wait3A_282 = tpu.memref_squeeze %dma_wait3A_281 : memref<1x128x16xf32, #tpu.memory_space<vmem>> -> memref<128x16xf32, #tpu.memory_space<vmem>>
      %dma_wait3A_283 = arith.constant 0 : i32
      %dma_wait3A_284 = tpu.memref_slice %arg6[%dma_wait3A_277, %dma_wait3A_278, %dma_wait3A_283] : memref<79x2x128xi32, #tpu.memory_space<vmem>> -> memref<1x1x128xi32, #tpu.memory_space<vmem>>
      %dma_wait3A_285 = tpu.memref_squeeze %dma_wait3A_284 : memref<1x1x128xi32, #tpu.memory_space<vmem>> -> memref<128xi32, #tpu.memory_space<vmem>>
      %dma_wait3A_286 = arith.constant 0 : i32
      %dma_wait3A_287 = arith.constant 0 : i32
      %dma_wait3A_288 = tpu.memref_slice %arg9[%dma_wait3A_286, %dma_wait3A_287] : memref<10240x16xf32, #tpu.memory_space<vmem_shared>> -> memref<10240x16xf32, #tpu.memory_space<vmem_shared>>
      tpu.wait_indirect_dma semaphore(%arg12 : memref<!tpu.dma_semaphore, #tpu.memory_space<semaphore_mem>>) src(%dma_wait3A_282 : memref<128x16xf32, #tpu.memory_space<vmem>>) dst(%dma_wait3A_288 : memref<10240x16xf32, #tpu.memory_space<vmem_shared>>)
      %dma_wait3A_289 = arith.constant 0 : i32
      %dma_wait3A_290 = arith.constant 0 : i32
      %dma_wait3A_291 = arith.constant 1 : i32
      %dma_wait3A_292 = arith.constant 128 : i32
      %dma_wait3A_293 = arith.constant 0 : i32
      %dma_wait3A_294 = tpu.memref_slice %arg8[%dma_wait3A_289, %dma_wait3A_292, %dma_wait3A_293] : memref<2x1664x16xf32, #tpu.memory_space<vmem>> -> memref<1x128x16xf32, #tpu.memory_space<vmem>>
      %dma_wait3A_295 = tpu.memref_squeeze %dma_wait3A_294 : memref<1x128x16xf32, #tpu.memory_space<vmem>> -> memref<128x16xf32, #tpu.memory_space<vmem>>
      %dma_wait3A_296 = arith.constant 0 : i32
      %dma_wait3A_297 = tpu.memref_slice %arg6[%dma_wait3A_290, %dma_wait3A_291, %dma_wait3A_296] : memref<79x2x128xi32, #tpu.memory_space<vmem>> -> memref<1x1x128xi32, #tpu.memory_space<vmem>>
      %dma_wait3A_298 = tpu.memref_squeeze %dma_wait3A_297 : memref<1x1x128xi32, #tpu.memory_space<vmem>> -> memref<128xi32, #tpu.memory_space<vmem>>
      %dma_wait3A_299 = arith.constant 0 : i32
      %dma_wait3A_300 = arith.constant 0 : i32
      %dma_wait3A_301 = tpu.memref_slice %arg9[%dma_wait3A_299, %dma_wait3A_300] : memref<10240x16xf32, #tpu.memory_space<vmem_shared>> -> memref<10240x16xf32, #tpu.memory_space<vmem_shared>>
      tpu.wait_indirect_dma semaphore(%arg12 : memref<!tpu.dma_semaphore, #tpu.memory_space<semaphore_mem>>) src(%dma_wait3A_295 : memref<128x16xf32, #tpu.memory_space<vmem>>) dst(%dma_wait3A_301 : memref<10240x16xf32, #tpu.memory_space<vmem_shared>>)
      %dma_wait3A_302 = arith.constant 0 : i32
      %dma_wait3A_303 = arith.constant 0 : i32
      %dma_wait3A_304 = arith.constant 1 : i32
      %dma_wait3A_305 = arith.constant 256 : i32
      %dma_wait3A_306 = arith.constant 0 : i32
      %dma_wait3A_307 = tpu.memref_slice %arg8[%dma_wait3A_302, %dma_wait3A_305, %dma_wait3A_306] : memref<2x1664x16xf32, #tpu.memory_space<vmem>> -> memref<1x128x16xf32, #tpu.memory_space<vmem>>
      %dma_wait3A_308 = tpu.memref_squeeze %dma_wait3A_307 : memref<1x128x16xf32, #tpu.memory_space<vmem>> -> memref<128x16xf32, #tpu.memory_space<vmem>>
      %dma_wait3A_309 = arith.constant 0 : i32
      %dma_wait3A_310 = tpu.memref_slice %arg6[%dma_wait3A_303, %dma_wait3A_304, %dma_wait3A_309] : memref<79x2x128xi32, #tpu.memory_space<vmem>> -> memref<1x1x128xi32, #tpu.memory_space<vmem>>
      %dma_wait3A_311 = tpu.memref_squeeze %dma_wait3A_310 : memref<1x1x128xi32, #tpu.memory_space<vmem>> -> memref<128xi32, #tpu.memory_space<vmem>>
      %dma_wait3A_312 = arith.constant 0 : i32
      %dma_wait3A_313 = arith.constant 0 : i32
      %dma_wait3A_314 = tpu.memref_slice %arg9[%dma_wait3A_312, %dma_wait3A_313] : memref<10240x16xf32, #tpu.memory_space<vmem_shared>> -> memref<10240x16xf32, #tpu.memory_space<vmem_shared>>
      tpu.wait_indirect_dma semaphore(%arg12 : memref<!tpu.dma_semaphore, #tpu.memory_space<semaphore_mem>>) src(%dma_wait3A_308 : memref<128x16xf32, #tpu.memory_space<vmem>>) dst(%dma_wait3A_314 : memref<10240x16xf32, #tpu.memory_space<vmem_shared>>)
      %dma_wait3A_315 = arith.constant 0 : i32
      %dma_wait3A_316 = arith.constant 0 : i32
      %dma_wait3A_317 = arith.constant 1 : i32
      %dma_wait3A_318 = arith.constant 384 : i32
      %dma_wait3A_319 = arith.constant 0 : i32
      %dma_wait3A_320 = tpu.memref_slice %arg8[%dma_wait3A_315, %dma_wait3A_318, %dma_wait3A_319] : memref<2x1664x16xf32, #tpu.memory_space<vmem>> -> memref<1x128x16xf32, #tpu.memory_space<vmem>>
      %dma_wait3A_321 = tpu.memref_squeeze %dma_wait3A_320 : memref<1x128x16xf32, #tpu.memory_space<vmem>> -> memref<128x16xf32, #tpu.memory_space<vmem>>
      %dma_wait3A_322 = arith.constant 0 : i32
      %dma_wait3A_323 = tpu.memref_slice %arg6[%dma_wait3A_316, %dma_wait3A_317, %dma_wait3A_322] : memref<79x2x128xi32, #tpu.memory_space<vmem>> -> memref<1x1x128xi32, #tpu.memory_space<vmem>>
      %dma_wait3A_324 = tpu.memref_squeeze %dma_wait3A_323 : memref<1x1x128xi32, #tpu.memory_space<vmem>> -> memref<128xi32, #tpu.memory_space<vmem>>
      %dma_wait3A_325 = arith.constant 0 : i32
      %dma_wait3A_326 = arith.constant 0 : i32
      %dma_wait3A_327 = tpu.memref_slice %arg9[%dma_wait3A_325, %dma_wait3A_326] : memref<10240x16xf32, #tpu.memory_space<vmem_shared>> -> memref<10240x16xf32, #tpu.memory_space<vmem_shared>>
      tpu.wait_indirect_dma semaphore(%arg12 : memref<!tpu.dma_semaphore, #tpu.memory_space<semaphore_mem>>) src(%dma_wait3A_321 : memref<128x16xf32, #tpu.memory_space<vmem>>) dst(%dma_wait3A_327 : memref<10240x16xf32, #tpu.memory_space<vmem_shared>>)
      %dma_wait3A_328 = arith.constant 0 : i32
      %dma_wait3A_329 = arith.constant 0 : i32
      %dma_wait3A_330 = arith.constant 1 : i32
      %dma_wait3A_331 = arith.constant 512 : i32
      %dma_wait3A_332 = arith.constant 0 : i32
      %dma_wait3A_333 = tpu.memref_slice %arg8[%dma_wait3A_328, %dma_wait3A_331, %dma_wait3A_332] : memref<2x1664x16xf32, #tpu.memory_space<vmem>> -> memref<1x128x16xf32, #tpu.memory_space<vmem>>
      %dma_wait3A_334 = tpu.memref_squeeze %dma_wait3A_333 : memref<1x128x16xf32, #tpu.memory_space<vmem>> -> memref<128x16xf32, #tpu.memory_space<vmem>>
      %dma_wait3A_335 = arith.constant 0 : i32
      %dma_wait3A_336 = tpu.memref_slice %arg6[%dma_wait3A_329, %dma_wait3A_330, %dma_wait3A_335] : memref<79x2x128xi32, #tpu.memory_space<vmem>> -> memref<1x1x128xi32, #tpu.memory_space<vmem>>
      %dma_wait3A_337 = tpu.memref_squeeze %dma_wait3A_336 : memref<1x1x128xi32, #tpu.memory_space<vmem>> -> memref<128xi32, #tpu.memory_space<vmem>>
      %dma_wait3A_338 = arith.constant 0 : i32
      %dma_wait3A_339 = arith.constant 0 : i32
      %dma_wait3A_340 = tpu.memref_slice %arg9[%dma_wait3A_338, %dma_wait3A_339] : memref<10240x16xf32, #tpu.memory_space<vmem_shared>> -> memref<10240x16xf32, #tpu.memory_space<vmem_shared>>
      tpu.wait_indirect_dma semaphore(%arg12 : memref<!tpu.dma_semaphore, #tpu.memory_space<semaphore_mem>>) src(%dma_wait3A_334 : memref<128x16xf32, #tpu.memory_space<vmem>>) dst(%dma_wait3A_340 : memref<10240x16xf32, #tpu.memory_space<vmem_shared>>)
      %dma_wait3A_341 = arith.constant 0 : i32
      %dma_wait3A_342 = arith.constant 0 : i32
      %dma_wait3A_343 = arith.constant 1 : i32
      %dma_wait3A_344 = arith.constant 640 : i32
      %dma_wait3A_345 = arith.constant 0 : i32
      %dma_wait3A_346 = tpu.memref_slice %arg8[%dma_wait3A_341, %dma_wait3A_344, %dma_wait3A_345] : memref<2x1664x16xf32, #tpu.memory_space<vmem>> -> memref<1x128x16xf32, #tpu.memory_space<vmem>>
      %dma_wait3A_347 = tpu.memref_squeeze %dma_wait3A_346 : memref<1x128x16xf32, #tpu.memory_space<vmem>> -> memref<128x16xf32, #tpu.memory_space<vmem>>
      %dma_wait3A_348 = arith.constant 0 : i32
      %dma_wait3A_349 = tpu.memref_slice %arg6[%dma_wait3A_342, %dma_wait3A_343, %dma_wait3A_348] : memref<79x2x128xi32, #tpu.memory_space<vmem>> -> memref<1x1x128xi32, #tpu.memory_space<vmem>>
      %dma_wait3A_350 = tpu.memref_squeeze %dma_wait3A_349 : memref<1x1x128xi32, #tpu.memory_space<vmem>> -> memref<128xi32, #tpu.memory_space<vmem>>
      %dma_wait3A_351 = arith.constant 0 : i32
      %dma_wait3A_352 = arith.constant 0 : i32
      %dma_wait3A_353 = tpu.memref_slice %arg9[%dma_wait3A_351, %dma_wait3A_352] : memref<10240x16xf32, #tpu.memory_space<vmem_shared>> -> memref<10240x16xf32, #tpu.memory_space<vmem_shared>>
      tpu.wait_indirect_dma semaphore(%arg12 : memref<!tpu.dma_semaphore, #tpu.memory_space<semaphore_mem>>) src(%dma_wait3A_347 : memref<128x16xf32, #tpu.memory_space<vmem>>) dst(%dma_wait3A_353 : memref<10240x16xf32, #tpu.memory_space<vmem_shared>>)
      %dma_wait3A_354 = arith.constant 0 : i32
      %dma_wait3A_355 = arith.constant 0 : i32
      %dma_wait3A_356 = arith.constant 1 : i32
      %dma_wait3A_357 = arith.constant 768 : i32
      %dma_wait3A_358 = arith.constant 0 : i32
      %dma_wait3A_359 = tpu.memref_slice %arg8[%dma_wait3A_354, %dma_wait3A_357, %dma_wait3A_358] : memref<2x1664x16xf32, #tpu.memory_space<vmem>> -> memref<1x128x16xf32, #tpu.memory_space<vmem>>
      %dma_wait3A_360 = tpu.memref_squeeze %dma_wait3A_359 : memref<1x128x16xf32, #tpu.memory_space<vmem>> -> memref<128x16xf32, #tpu.memory_space<vmem>>
      %dma_wait3A_361 = arith.constant 0 : i32
      %dma_wait3A_362 = tpu.memref_slice %arg6[%dma_wait3A_355, %dma_wait3A_356, %dma_wait3A_361] : memref<79x2x128xi32, #tpu.memory_space<vmem>> -> memref<1x1x128xi32, #tpu.memory_space<vmem>>
      %dma_wait3A_363 = tpu.memref_squeeze %dma_wait3A_362 : memref<1x1x128xi32, #tpu.memory_space<vmem>> -> memref<128xi32, #tpu.memory_space<vmem>>
      %dma_wait3A_364 = arith.constant 0 : i32
      %dma_wait3A_365 = arith.constant 0 : i32
      %dma_wait3A_366 = tpu.memref_slice %arg9[%dma_wait3A_364, %dma_wait3A_365] : memref<10240x16xf32, #tpu.memory_space<vmem_shared>> -> memref<10240x16xf32, #tpu.memory_space<vmem_shared>>
      tpu.wait_indirect_dma semaphore(%arg12 : memref<!tpu.dma_semaphore, #tpu.memory_space<semaphore_mem>>) src(%dma_wait3A_360 : memref<128x16xf32, #tpu.memory_space<vmem>>) dst(%dma_wait3A_366 : memref<10240x16xf32, #tpu.memory_space<vmem_shared>>)
      %dma_wait3A_367 = arith.constant 0 : i32
      %dma_wait3A_368 = arith.constant 0 : i32
      %dma_wait3A_369 = arith.constant 1 : i32
      %dma_wait3A_370 = arith.constant 896 : i32
      %dma_wait3A_371 = arith.constant 0 : i32
      %dma_wait3A_372 = tpu.memref_slice %arg8[%dma_wait3A_367, %dma_wait3A_370, %dma_wait3A_371] : memref<2x1664x16xf32, #tpu.memory_space<vmem>> -> memref<1x128x16xf32, #tpu.memory_space<vmem>>
      %dma_wait3A_373 = tpu.memref_squeeze %dma_wait3A_372 : memref<1x128x16xf32, #tpu.memory_space<vmem>> -> memref<128x16xf32, #tpu.memory_space<vmem>>
      %dma_wait3A_374 = arith.constant 0 : i32
      %dma_wait3A_375 = tpu.memref_slice %arg6[%dma_wait3A_368, %dma_wait3A_369, %dma_wait3A_374] : memref<79x2x128xi32, #tpu.memory_space<vmem>> -> memref<1x1x128xi32, #tpu.memory_space<vmem>>
      %dma_wait3A_376 = tpu.memref_squeeze %dma_wait3A_375 : memref<1x1x128xi32, #tpu.memory_space<vmem>> -> memref<128xi32, #tpu.memory_space<vmem>>
      %dma_wait3A_377 = arith.constant 0 : i32
      %dma_wait3A_378 = arith.constant 0 : i32
      %dma_wait3A_379 = tpu.memref_slice %arg9[%dma_wait3A_377, %dma_wait3A_378] : memref<10240x16xf32, #tpu.memory_space<vmem_shared>> -> memref<10240x16xf32, #tpu.memory_space<vmem_shared>>
      tpu.wait_indirect_dma semaphore(%arg12 : memref<!tpu.dma_semaphore, #tpu.memory_space<semaphore_mem>>) src(%dma_wait3A_373 : memref<128x16xf32, #tpu.memory_space<vmem>>) dst(%dma_wait3A_379 : memref<10240x16xf32, #tpu.memory_space<vmem_shared>>)
      %dma_wait3A_380 = arith.constant 0 : i32
      %dma_wait3A_381 = arith.constant 0 : i32
      %dma_wait3A_382 = arith.constant 1 : i32
      %dma_wait3A_383 = arith.constant 1024 : i32
      %dma_wait3A_384 = arith.constant 0 : i32
      %dma_wait3A_385 = tpu.memref_slice %arg8[%dma_wait3A_380, %dma_wait3A_383, %dma_wait3A_384] : memref<2x1664x16xf32, #tpu.memory_space<vmem>> -> memref<1x128x16xf32, #tpu.memory_space<vmem>>
      %dma_wait3A_386 = tpu.memref_squeeze %dma_wait3A_385 : memref<1x128x16xf32, #tpu.memory_space<vmem>> -> memref<128x16xf32, #tpu.memory_space<vmem>>
      %dma_wait3A_387 = arith.constant 0 : i32
      %dma_wait3A_388 = tpu.memref_slice %arg6[%dma_wait3A_381, %dma_wait3A_382, %dma_wait3A_387] : memref<79x2x128xi32, #tpu.memory_space<vmem>> -> memref<1x1x128xi32, #tpu.memory_space<vmem>>
      %dma_wait3A_389 = tpu.memref_squeeze %dma_wait3A_388 : memref<1x1x128xi32, #tpu.memory_space<vmem>> -> memref<128xi32, #tpu.memory_space<vmem>>
      %dma_wait3A_390 = arith.constant 0 : i32
      %dma_wait3A_391 = arith.constant 0 : i32
      %dma_wait3A_392 = tpu.memref_slice %arg9[%dma_wait3A_390, %dma_wait3A_391] : memref<10240x16xf32, #tpu.memory_space<vmem_shared>> -> memref<10240x16xf32, #tpu.memory_space<vmem_shared>>
      tpu.wait_indirect_dma semaphore(%arg12 : memref<!tpu.dma_semaphore, #tpu.memory_space<semaphore_mem>>) src(%dma_wait3A_386 : memref<128x16xf32, #tpu.memory_space<vmem>>) dst(%dma_wait3A_392 : memref<10240x16xf32, #tpu.memory_space<vmem_shared>>)
      %dma_wait3A_393 = arith.constant 0 : i32
      %dma_wait3A_394 = arith.constant 0 : i32
      %dma_wait3A_395 = arith.constant 1 : i32
      %dma_wait3A_396 = arith.constant 1152 : i32
      %dma_wait3A_397 = arith.constant 0 : i32
      %dma_wait3A_398 = tpu.memref_slice %arg8[%dma_wait3A_393, %dma_wait3A_396, %dma_wait3A_397] : memref<2x1664x16xf32, #tpu.memory_space<vmem>> -> memref<1x128x16xf32, #tpu.memory_space<vmem>>
      %dma_wait3A_399 = tpu.memref_squeeze %dma_wait3A_398 : memref<1x128x16xf32, #tpu.memory_space<vmem>> -> memref<128x16xf32, #tpu.memory_space<vmem>>
      %dma_wait3A_400 = arith.constant 0 : i32
      %dma_wait3A_401 = tpu.memref_slice %arg6[%dma_wait3A_394, %dma_wait3A_395, %dma_wait3A_400] : memref<79x2x128xi32, #tpu.memory_space<vmem>> -> memref<1x1x128xi32, #tpu.memory_space<vmem>>
      %dma_wait3A_402 = tpu.memref_squeeze %dma_wait3A_401 : memref<1x1x128xi32, #tpu.memory_space<vmem>> -> memref<128xi32, #tpu.memory_space<vmem>>
      %dma_wait3A_403 = arith.constant 0 : i32
      %dma_wait3A_404 = arith.constant 0 : i32
      %dma_wait3A_405 = tpu.memref_slice %arg9[%dma_wait3A_403, %dma_wait3A_404] : memref<10240x16xf32, #tpu.memory_space<vmem_shared>> -> memref<10240x16xf32, #tpu.memory_space<vmem_shared>>
      tpu.wait_indirect_dma semaphore(%arg12 : memref<!tpu.dma_semaphore, #tpu.memory_space<semaphore_mem>>) src(%dma_wait3A_399 : memref<128x16xf32, #tpu.memory_space<vmem>>) dst(%dma_wait3A_405 : memref<10240x16xf32, #tpu.memory_space<vmem_shared>>)
      %dma_wait3A_406 = arith.constant 0 : i32
      %dma_wait3A_407 = arith.constant 0 : i32
      %dma_wait3A_408 = arith.constant 1 : i32
      %dma_wait3A_409 = arith.constant 1280 : i32
      %dma_wait3A_410 = arith.constant 0 : i32
      %dma_wait3A_411 = tpu.memref_slice %arg8[%dma_wait3A_406, %dma_wait3A_409, %dma_wait3A_410] : memref<2x1664x16xf32, #tpu.memory_space<vmem>> -> memref<1x128x16xf32, #tpu.memory_space<vmem>>
      %dma_wait3A_412 = tpu.memref_squeeze %dma_wait3A_411 : memref<1x128x16xf32, #tpu.memory_space<vmem>> -> memref<128x16xf32, #tpu.memory_space<vmem>>
      %dma_wait3A_413 = arith.constant 0 : i32
      %dma_wait3A_414 = tpu.memref_slice %arg6[%dma_wait3A_407, %dma_wait3A_408, %dma_wait3A_413] : memref<79x2x128xi32, #tpu.memory_space<vmem>> -> memref<1x1x128xi32, #tpu.memory_space<vmem>>
      %dma_wait3A_415 = tpu.memref_squeeze %dma_wait3A_414 : memref<1x1x128xi32, #tpu.memory_space<vmem>> -> memref<128xi32, #tpu.memory_space<vmem>>
      %dma_wait3A_416 = arith.constant 0 : i32
      %dma_wait3A_417 = arith.constant 0 : i32
      %dma_wait3A_418 = tpu.memref_slice %arg9[%dma_wait3A_416, %dma_wait3A_417] : memref<10240x16xf32, #tpu.memory_space<vmem_shared>> -> memref<10240x16xf32, #tpu.memory_space<vmem_shared>>
      tpu.wait_indirect_dma semaphore(%arg12 : memref<!tpu.dma_semaphore, #tpu.memory_space<semaphore_mem>>) src(%dma_wait3A_412 : memref<128x16xf32, #tpu.memory_space<vmem>>) dst(%dma_wait3A_418 : memref<10240x16xf32, #tpu.memory_space<vmem_shared>>)
      %dma_wait3A_419 = arith.constant 0 : i32
      %dma_wait3A_420 = arith.constant 0 : i32
      %dma_wait3A_421 = arith.constant 1 : i32
      %dma_wait3A_422 = arith.constant 1408 : i32
      %dma_wait3A_423 = arith.constant 0 : i32
      %dma_wait3A_424 = tpu.memref_slice %arg8[%dma_wait3A_419, %dma_wait3A_422, %dma_wait3A_423] : memref<2x1664x16xf32, #tpu.memory_space<vmem>> -> memref<1x128x16xf32, #tpu.memory_space<vmem>>
      %dma_wait3A_425 = tpu.memref_squeeze %dma_wait3A_424 : memref<1x128x16xf32, #tpu.memory_space<vmem>> -> memref<128x16xf32, #tpu.memory_space<vmem>>
      %dma_wait3A_426 = arith.constant 0 : i32
      %dma_wait3A_427 = tpu.memref_slice %arg6[%dma_wait3A_420, %dma_wait3A_421, %dma_wait3A_426] : memref<79x2x128xi32, #tpu.memory_space<vmem>> -> memref<1x1x128xi32, #tpu.memory_space<vmem>>
      %dma_wait3A_428 = tpu.memref_squeeze %dma_wait3A_427 : memref<1x1x128xi32, #tpu.memory_space<vmem>> -> memref<128xi32, #tpu.memory_space<vmem>>
      %dma_wait3A_429 = arith.constant 0 : i32
      %dma_wait3A_430 = arith.constant 0 : i32
      %dma_wait3A_431 = tpu.memref_slice %arg9[%dma_wait3A_429, %dma_wait3A_430] : memref<10240x16xf32, #tpu.memory_space<vmem_shared>> -> memref<10240x16xf32, #tpu.memory_space<vmem_shared>>
      tpu.wait_indirect_dma semaphore(%arg12 : memref<!tpu.dma_semaphore, #tpu.memory_space<semaphore_mem>>) src(%dma_wait3A_425 : memref<128x16xf32, #tpu.memory_space<vmem>>) dst(%dma_wait3A_431 : memref<10240x16xf32, #tpu.memory_space<vmem_shared>>)
      %dma_wait3A_432 = arith.constant 0 : i32
      %dma_wait3A_433 = arith.constant 0 : i32
      %dma_wait3A_434 = arith.constant 1 : i32
      %dma_wait3A_435 = arith.constant 1536 : i32
      %dma_wait3A_436 = arith.constant 0 : i32
      %dma_wait3A_437 = tpu.memref_slice %arg8[%dma_wait3A_432, %dma_wait3A_435, %dma_wait3A_436] : memref<2x1664x16xf32, #tpu.memory_space<vmem>> -> memref<1x128x16xf32, #tpu.memory_space<vmem>>
      %dma_wait3A_438 = tpu.memref_squeeze %dma_wait3A_437 : memref<1x128x16xf32, #tpu.memory_space<vmem>> -> memref<128x16xf32, #tpu.memory_space<vmem>>
      %dma_wait3A_439 = arith.constant 0 : i32
      %dma_wait3A_440 = tpu.memref_slice %arg6[%dma_wait3A_433, %dma_wait3A_434, %dma_wait3A_439] : memref<79x2x128xi32, #tpu.memory_space<vmem>> -> memref<1x1x128xi32, #tpu.memory_space<vmem>>
      %dma_wait3A_441 = tpu.memref_squeeze %dma_wait3A_440 : memref<1x1x128xi32, #tpu.memory_space<vmem>> -> memref<128xi32, #tpu.memory_space<vmem>>
      %dma_wait3A_442 = arith.constant 0 : i32
      %dma_wait3A_443 = arith.constant 0 : i32
      %dma_wait3A_444 = tpu.memref_slice %arg9[%dma_wait3A_442, %dma_wait3A_443] : memref<10240x16xf32, #tpu.memory_space<vmem_shared>> -> memref<10240x16xf32, #tpu.memory_space<vmem_shared>>
      tpu.wait_indirect_dma semaphore(%arg12 : memref<!tpu.dma_semaphore, #tpu.memory_space<semaphore_mem>>) src(%dma_wait3A_438 : memref<128x16xf32, #tpu.memory_space<vmem>>) dst(%dma_wait3A_444 : memref<10240x16xf32, #tpu.memory_space<vmem_shared>>)
      %add3A_445 = arith.constant 2 : i32
      %add3A_446 = arith.addi %mul3A_41, %add3A_445 : i32
      %lt3A_447 = arith.constant 6 : i32
      %lt3A_448 = arith.cmpi slt, %add3A_446, %lt3A_447 : i32
      %convert_element_type3A_449 = arith.extui %lt3A_448 : i1 to i32
      %cond3A_450 = arith.constant 0 : i32
      %cond3A_451 = arith.cmpi ne, %convert_element_type3A_449, %cond3A_450 : i32
      scf.if %cond3A_451 {
        %add3A_839 = arith.constant 2 : i32
        %add3A_840 = arith.addi %mul3A_41, %add3A_839 : i32
        %mul3A_841 = arith.constant 13 : i32
        %mul3A_842 = arith.muli %add3A_840, %mul3A_841 : i32
        %mul3A_843 = arith.constant 128 : i32
        %mul3A_844 = arith.muli %mul3A_842, %mul3A_843 : i32
        %dma_start3A_845 = arith.constant 0 : i32
        %dma_start3A_846 = arith.constant 0 : i32
        %dma_start3A_847 = arith.constant 0 : i32
        %dma_start3A_848 = tpu.memref_slice %arg8[%dma_start3A_845, %dma_start3A_846, %dma_start3A_847] : memref<2x1664x16xf32, #tpu.memory_space<vmem>> -> memref<1x1664x16xf32, #tpu.memory_space<vmem>>
        %dma_start3A_849 = tpu.memref_squeeze %dma_start3A_848 : memref<1x1664x16xf32, #tpu.memory_space<vmem>> -> memref<1664x16xf32, #tpu.memory_space<vmem>>
        %dma_start3A_850 = tpu.memref_slice %arg7[%mul3A_844] : memref<10112xi32, #tpu.memory_space<vmem>> -> memref<1664xi32, #tpu.memory_space<vmem>>
        %dma_start3A_851 = arith.constant 0 : i32
        %dma_start3A_852 = arith.constant 0 : i32
        %dma_start3A_853 = tpu.memref_slice %arg2[%dma_start3A_851, %dma_start3A_852] : memref<81920x16xf32, #tpu.memory_space<hbm>> -> memref<81920x16xf32, #tpu.memory_space<hbm>>
        tpu.enqueue_indirect_dma source(%dma_start3A_853 : memref<81920x16xf32, #tpu.memory_space<hbm>>) target(%dma_start3A_849 : memref<1664x16xf32, #tpu.memory_space<vmem>>) offsets(%dma_start3A_850 : memref<1664xi32, #tpu.memory_space<vmem>>) semaphore(%arg10 : memref<!tpu.dma_semaphore, #tpu.memory_space<semaphore_mem>>)
      } else {
      }
      %dma_wait3A_452 = arith.constant 1 : i32
      %dma_wait3A_453 = arith.constant 0 : i32
      %dma_wait3A_454 = arith.constant 0 : i32
      %dma_wait3A_455 = tpu.memref_slice %arg8[%dma_wait3A_452, %dma_wait3A_453, %dma_wait3A_454] : memref<2x1664x16xf32, #tpu.memory_space<vmem>> -> memref<1x1664x16xf32, #tpu.memory_space<vmem>>
      %dma_wait3A_456 = tpu.memref_squeeze %dma_wait3A_455 : memref<1x1664x16xf32, #tpu.memory_space<vmem>> -> memref<1664x16xf32, #tpu.memory_space<vmem>>
      %dma_wait3A_457 = arith.constant 0 : i32
      %dma_wait3A_458 = tpu.memref_slice %arg7[%dma_wait3A_457] : memref<10112xi32, #tpu.memory_space<vmem>> -> memref<1664xi32, #tpu.memory_space<vmem>>
      %dma_wait3A_459 = arith.constant 0 : i32
      %dma_wait3A_460 = arith.constant 0 : i32
      %dma_wait3A_461 = tpu.memref_slice %arg2[%dma_wait3A_459, %dma_wait3A_460] : memref<81920x16xf32, #tpu.memory_space<hbm>> -> memref<81920x16xf32, #tpu.memory_space<hbm>>
      tpu.wait_indirect_dma semaphore(%arg11 : memref<!tpu.dma_semaphore, #tpu.memory_space<semaphore_mem>>) src(%dma_wait3A_461 : memref<81920x16xf32, #tpu.memory_space<hbm>>) dst(%dma_wait3A_456 : memref<1664x16xf32, #tpu.memory_space<vmem>>)
      %mul3A_462 = arith.constant 13 : i32
      %mul3A_463 = arith.muli %add3A_45, %mul3A_462 : i32
      %add3A_464 = arith.constant 0 : i32
      %add3A_465 = arith.addi %mul3A_463, %add3A_464 : i32
      %dma_start3A_466 = arith.constant 1 : i32
      %dma_start3A_467 = arith.constant 1 : i32
      %dma_start3A_468 = arith.constant 0 : i32
      %dma_start3A_469 = arith.constant 0 : i32
      %dma_start3A_470 = tpu.memref_slice %arg8[%dma_start3A_466, %dma_start3A_468, %dma_start3A_469] : memref<2x1664x16xf32, #tpu.memory_space<vmem>> -> memref<1x128x16xf32, #tpu.memory_space<vmem>>
      %dma_start3A_471 = tpu.memref_squeeze %dma_start3A_470 : memref<1x128x16xf32, #tpu.memory_space<vmem>> -> memref<128x16xf32, #tpu.memory_space<vmem>>
      %dma_start3A_472 = arith.constant 0 : i32
      %dma_start3A_473 = tpu.memref_slice %arg6[%add3A_465, %dma_start3A_467, %dma_start3A_472] : memref<79x2x128xi32, #tpu.memory_space<vmem>> -> memref<1x1x128xi32, #tpu.memory_space<vmem>>
      %dma_start3A_474 = tpu.memref_squeeze %dma_start3A_473 : memref<1x1x128xi32, #tpu.memory_space<vmem>> -> memref<128xi32, #tpu.memory_space<vmem>>
      %dma_start3A_475 = arith.constant 0 : i32
      %dma_start3A_476 = arith.constant 0 : i32
      %dma_start3A_477 = tpu.memref_slice %arg9[%dma_start3A_475, %dma_start3A_476] : memref<10240x16xf32, #tpu.memory_space<vmem_shared>> -> memref<10240x16xf32, #tpu.memory_space<vmem_shared>>
      tpu.enqueue_indirect_dma source(%dma_start3A_471 : memref<128x16xf32, #tpu.memory_space<vmem>>) target(%dma_start3A_477 : memref<10240x16xf32, #tpu.memory_space<vmem_shared>>) offsets(%dma_start3A_474 : memref<128xi32, #tpu.memory_space<vmem>>) semaphore(%arg13 : memref<!tpu.dma_semaphore, #tpu.memory_space<semaphore_mem>>) {add = true}
      %mul3A_478 = arith.constant 13 : i32
      %mul3A_479 = arith.muli %add3A_45, %mul3A_478 : i32
      %add3A_480 = arith.constant 1 : i32
      %add3A_481 = arith.addi %mul3A_479, %add3A_480 : i32
      %dma_start3A_482 = arith.constant 1 : i32
      %dma_start3A_483 = arith.constant 1 : i32
      %dma_start3A_484 = arith.constant 128 : i32
      %dma_start3A_485 = arith.constant 0 : i32
      %dma_start3A_486 = tpu.memref_slice %arg8[%dma_start3A_482, %dma_start3A_484, %dma_start3A_485] : memref<2x1664x16xf32, #tpu.memory_space<vmem>> -> memref<1x128x16xf32, #tpu.memory_space<vmem>>
      %dma_start3A_487 = tpu.memref_squeeze %dma_start3A_486 : memref<1x128x16xf32, #tpu.memory_space<vmem>> -> memref<128x16xf32, #tpu.memory_space<vmem>>
      %dma_start3A_488 = arith.constant 0 : i32
      %dma_start3A_489 = tpu.memref_slice %arg6[%add3A_481, %dma_start3A_483, %dma_start3A_488] : memref<79x2x128xi32, #tpu.memory_space<vmem>> -> memref<1x1x128xi32, #tpu.memory_space<vmem>>
      %dma_start3A_490 = tpu.memref_squeeze %dma_start3A_489 : memref<1x1x128xi32, #tpu.memory_space<vmem>> -> memref<128xi32, #tpu.memory_space<vmem>>
      %dma_start3A_491 = arith.constant 0 : i32
      %dma_start3A_492 = arith.constant 0 : i32
      %dma_start3A_493 = tpu.memref_slice %arg9[%dma_start3A_491, %dma_start3A_492] : memref<10240x16xf32, #tpu.memory_space<vmem_shared>> -> memref<10240x16xf32, #tpu.memory_space<vmem_shared>>
      tpu.enqueue_indirect_dma source(%dma_start3A_487 : memref<128x16xf32, #tpu.memory_space<vmem>>) target(%dma_start3A_493 : memref<10240x16xf32, #tpu.memory_space<vmem_shared>>) offsets(%dma_start3A_490 : memref<128xi32, #tpu.memory_space<vmem>>) semaphore(%arg13 : memref<!tpu.dma_semaphore, #tpu.memory_space<semaphore_mem>>) {add = true}
      %mul3A_494 = arith.constant 13 : i32
      %mul3A_495 = arith.muli %add3A_45, %mul3A_494 : i32
      %add3A_496 = arith.constant 2 : i32
      %add3A_497 = arith.addi %mul3A_495, %add3A_496 : i32
      %dma_start3A_498 = arith.constant 1 : i32
      %dma_start3A_499 = arith.constant 1 : i32
      %dma_start3A_500 = arith.constant 256 : i32
      %dma_start3A_501 = arith.constant 0 : i32
      %dma_start3A_502 = tpu.memref_slice %arg8[%dma_start3A_498, %dma_start3A_500, %dma_start3A_501] : memref<2x1664x16xf32, #tpu.memory_space<vmem>> -> memref<1x128x16xf32, #tpu.memory_space<vmem>>
      %dma_start3A_503 = tpu.memref_squeeze %dma_start3A_502 : memref<1x128x16xf32, #tpu.memory_space<vmem>> -> memref<128x16xf32, #tpu.memory_space<vmem>>
      %dma_start3A_504 = arith.constant 0 : i32
      %dma_start3A_505 = tpu.memref_slice %arg6[%add3A_497, %dma_start3A_499, %dma_start3A_504] : memref<79x2x128xi32, #tpu.memory_space<vmem>> -> memref<1x1x128xi32, #tpu.memory_space<vmem>>
      %dma_start3A_506 = tpu.memref_squeeze %dma_start3A_505 : memref<1x1x128xi32, #tpu.memory_space<vmem>> -> memref<128xi32, #tpu.memory_space<vmem>>
      %dma_start3A_507 = arith.constant 0 : i32
      %dma_start3A_508 = arith.constant 0 : i32
      %dma_start3A_509 = tpu.memref_slice %arg9[%dma_start3A_507, %dma_start3A_508] : memref<10240x16xf32, #tpu.memory_space<vmem_shared>> -> memref<10240x16xf32, #tpu.memory_space<vmem_shared>>
      tpu.enqueue_indirect_dma source(%dma_start3A_503 : memref<128x16xf32, #tpu.memory_space<vmem>>) target(%dma_start3A_509 : memref<10240x16xf32, #tpu.memory_space<vmem_shared>>) offsets(%dma_start3A_506 : memref<128xi32, #tpu.memory_space<vmem>>) semaphore(%arg13 : memref<!tpu.dma_semaphore, #tpu.memory_space<semaphore_mem>>) {add = true}
      %mul3A_510 = arith.constant 13 : i32
      %mul3A_511 = arith.muli %add3A_45, %mul3A_510 : i32
      %add3A_512 = arith.constant 3 : i32
      %add3A_513 = arith.addi %mul3A_511, %add3A_512 : i32
      %dma_start3A_514 = arith.constant 1 : i32
      %dma_start3A_515 = arith.constant 1 : i32
      %dma_start3A_516 = arith.constant 384 : i32
      %dma_start3A_517 = arith.constant 0 : i32
      %dma_start3A_518 = tpu.memref_slice %arg8[%dma_start3A_514, %dma_start3A_516, %dma_start3A_517] : memref<2x1664x16xf32, #tpu.memory_space<vmem>> -> memref<1x128x16xf32, #tpu.memory_space<vmem>>
      %dma_start3A_519 = tpu.memref_squeeze %dma_start3A_518 : memref<1x128x16xf32, #tpu.memory_space<vmem>> -> memref<128x16xf32, #tpu.memory_space<vmem>>
      %dma_start3A_520 = arith.constant 0 : i32
      %dma_start3A_521 = tpu.memref_slice %arg6[%add3A_513, %dma_start3A_515, %dma_start3A_520] : memref<79x2x128xi32, #tpu.memory_space<vmem>> -> memref<1x1x128xi32, #tpu.memory_space<vmem>>
      %dma_start3A_522 = tpu.memref_squeeze %dma_start3A_521 : memref<1x1x128xi32, #tpu.memory_space<vmem>> -> memref<128xi32, #tpu.memory_space<vmem>>
      %dma_start3A_523 = arith.constant 0 : i32
      %dma_start3A_524 = arith.constant 0 : i32
      %dma_start3A_525 = tpu.memref_slice %arg9[%dma_start3A_523, %dma_start3A_524] : memref<10240x16xf32, #tpu.memory_space<vmem_shared>> -> memref<10240x16xf32, #tpu.memory_space<vmem_shared>>
      tpu.enqueue_indirect_dma source(%dma_start3A_519 : memref<128x16xf32, #tpu.memory_space<vmem>>) target(%dma_start3A_525 : memref<10240x16xf32, #tpu.memory_space<vmem_shared>>) offsets(%dma_start3A_522 : memref<128xi32, #tpu.memory_space<vmem>>) semaphore(%arg13 : memref<!tpu.dma_semaphore, #tpu.memory_space<semaphore_mem>>) {add = true}
      %mul3A_526 = arith.constant 13 : i32
      %mul3A_527 = arith.muli %add3A_45, %mul3A_526 : i32
      %add3A_528 = arith.constant 4 : i32
      %add3A_529 = arith.addi %mul3A_527, %add3A_528 : i32
      %dma_start3A_530 = arith.constant 1 : i32
      %dma_start3A_531 = arith.constant 1 : i32
      %dma_start3A_532 = arith.constant 512 : i32
      %dma_start3A_533 = arith.constant 0 : i32
      %dma_start3A_534 = tpu.memref_slice %arg8[%dma_start3A_530, %dma_start3A_532, %dma_start3A_533] : memref<2x1664x16xf32, #tpu.memory_space<vmem>> -> memref<1x128x16xf32, #tpu.memory_space<vmem>>
      %dma_start3A_535 = tpu.memref_squeeze %dma_start3A_534 : memref<1x128x16xf32, #tpu.memory_space<vmem>> -> memref<128x16xf32, #tpu.memory_space<vmem>>
      %dma_start3A_536 = arith.constant 0 : i32
      %dma_start3A_537 = tpu.memref_slice %arg6[%add3A_529, %dma_start3A_531, %dma_start3A_536] : memref<79x2x128xi32, #tpu.memory_space<vmem>> -> memref<1x1x128xi32, #tpu.memory_space<vmem>>
      %dma_start3A_538 = tpu.memref_squeeze %dma_start3A_537 : memref<1x1x128xi32, #tpu.memory_space<vmem>> -> memref<128xi32, #tpu.memory_space<vmem>>
      %dma_start3A_539 = arith.constant 0 : i32
      %dma_start3A_540 = arith.constant 0 : i32
      %dma_start3A_541 = tpu.memref_slice %arg9[%dma_start3A_539, %dma_start3A_540] : memref<10240x16xf32, #tpu.memory_space<vmem_shared>> -> memref<10240x16xf32, #tpu.memory_space<vmem_shared>>
      tpu.enqueue_indirect_dma source(%dma_start3A_535 : memref<128x16xf32, #tpu.memory_space<vmem>>) target(%dma_start3A_541 : memref<10240x16xf32, #tpu.memory_space<vmem_shared>>) offsets(%dma_start3A_538 : memref<128xi32, #tpu.memory_space<vmem>>) semaphore(%arg13 : memref<!tpu.dma_semaphore, #tpu.memory_space<semaphore_mem>>) {add = true}
      %mul3A_542 = arith.constant 13 : i32
      %mul3A_543 = arith.muli %add3A_45, %mul3A_542 : i32
      %add3A_544 = arith.constant 5 : i32
      %add3A_545 = arith.addi %mul3A_543, %add3A_544 : i32
      %dma_start3A_546 = arith.constant 1 : i32
      %dma_start3A_547 = arith.constant 1 : i32
      %dma_start3A_548 = arith.constant 640 : i32
      %dma_start3A_549 = arith.constant 0 : i32
      %dma_start3A_550 = tpu.memref_slice %arg8[%dma_start3A_546, %dma_start3A_548, %dma_start3A_549] : memref<2x1664x16xf32, #tpu.memory_space<vmem>> -> memref<1x128x16xf32, #tpu.memory_space<vmem>>
      %dma_start3A_551 = tpu.memref_squeeze %dma_start3A_550 : memref<1x128x16xf32, #tpu.memory_space<vmem>> -> memref<128x16xf32, #tpu.memory_space<vmem>>
      %dma_start3A_552 = arith.constant 0 : i32
      %dma_start3A_553 = tpu.memref_slice %arg6[%add3A_545, %dma_start3A_547, %dma_start3A_552] : memref<79x2x128xi32, #tpu.memory_space<vmem>> -> memref<1x1x128xi32, #tpu.memory_space<vmem>>
      %dma_start3A_554 = tpu.memref_squeeze %dma_start3A_553 : memref<1x1x128xi32, #tpu.memory_space<vmem>> -> memref<128xi32, #tpu.memory_space<vmem>>
      %dma_start3A_555 = arith.constant 0 : i32
      %dma_start3A_556 = arith.constant 0 : i32
      %dma_start3A_557 = tpu.memref_slice %arg9[%dma_start3A_555, %dma_start3A_556] : memref<10240x16xf32, #tpu.memory_space<vmem_shared>> -> memref<10240x16xf32, #tpu.memory_space<vmem_shared>>
      tpu.enqueue_indirect_dma source(%dma_start3A_551 : memref<128x16xf32, #tpu.memory_space<vmem>>) target(%dma_start3A_557 : memref<10240x16xf32, #tpu.memory_space<vmem_shared>>) offsets(%dma_start3A_554 : memref<128xi32, #tpu.memory_space<vmem>>) semaphore(%arg13 : memref<!tpu.dma_semaphore, #tpu.memory_space<semaphore_mem>>) {add = true}
      %mul3A_558 = arith.constant 13 : i32
      %mul3A_559 = arith.muli %add3A_45, %mul3A_558 : i32
      %add3A_560 = arith.constant 6 : i32
      %add3A_561 = arith.addi %mul3A_559, %add3A_560 : i32
      %dma_start3A_562 = arith.constant 1 : i32
      %dma_start3A_563 = arith.constant 1 : i32
      %dma_start3A_564 = arith.constant 768 : i32
      %dma_start3A_565 = arith.constant 0 : i32
      %dma_start3A_566 = tpu.memref_slice %arg8[%dma_start3A_562, %dma_start3A_564, %dma_start3A_565] : memref<2x1664x16xf32, #tpu.memory_space<vmem>> -> memref<1x128x16xf32, #tpu.memory_space<vmem>>
      %dma_start3A_567 = tpu.memref_squeeze %dma_start3A_566 : memref<1x128x16xf32, #tpu.memory_space<vmem>> -> memref<128x16xf32, #tpu.memory_space<vmem>>
      %dma_start3A_568 = arith.constant 0 : i32
      %dma_start3A_569 = tpu.memref_slice %arg6[%add3A_561, %dma_start3A_563, %dma_start3A_568] : memref<79x2x128xi32, #tpu.memory_space<vmem>> -> memref<1x1x128xi32, #tpu.memory_space<vmem>>
      %dma_start3A_570 = tpu.memref_squeeze %dma_start3A_569 : memref<1x1x128xi32, #tpu.memory_space<vmem>> -> memref<128xi32, #tpu.memory_space<vmem>>
      %dma_start3A_571 = arith.constant 0 : i32
      %dma_start3A_572 = arith.constant 0 : i32
      %dma_start3A_573 = tpu.memref_slice %arg9[%dma_start3A_571, %dma_start3A_572] : memref<10240x16xf32, #tpu.memory_space<vmem_shared>> -> memref<10240x16xf32, #tpu.memory_space<vmem_shared>>
      tpu.enqueue_indirect_dma source(%dma_start3A_567 : memref<128x16xf32, #tpu.memory_space<vmem>>) target(%dma_start3A_573 : memref<10240x16xf32, #tpu.memory_space<vmem_shared>>) offsets(%dma_start3A_570 : memref<128xi32, #tpu.memory_space<vmem>>) semaphore(%arg13 : memref<!tpu.dma_semaphore, #tpu.memory_space<semaphore_mem>>) {add = true}
      %mul3A_574 = arith.constant 13 : i32
      %mul3A_575 = arith.muli %add3A_45, %mul3A_574 : i32
      %add3A_576 = arith.constant 7 : i32
      %add3A_577 = arith.addi %mul3A_575, %add3A_576 : i32
      %dma_start3A_578 = arith.constant 1 : i32
      %dma_start3A_579 = arith.constant 1 : i32
      %dma_start3A_580 = arith.constant 896 : i32
      %dma_start3A_581 = arith.constant 0 : i32
      %dma_start3A_582 = tpu.memref_slice %arg8[%dma_start3A_578, %dma_start3A_580, %dma_start3A_581] : memref<2x1664x16xf32, #tpu.memory_space<vmem>> -> memref<1x128x16xf32, #tpu.memory_space<vmem>>
      %dma_start3A_583 = tpu.memref_squeeze %dma_start3A_582 : memref<1x128x16xf32, #tpu.memory_space<vmem>> -> memref<128x16xf32, #tpu.memory_space<vmem>>
      %dma_start3A_584 = arith.constant 0 : i32
      %dma_start3A_585 = tpu.memref_slice %arg6[%add3A_577, %dma_start3A_579, %dma_start3A_584] : memref<79x2x128xi32, #tpu.memory_space<vmem>> -> memref<1x1x128xi32, #tpu.memory_space<vmem>>
      %dma_start3A_586 = tpu.memref_squeeze %dma_start3A_585 : memref<1x1x128xi32, #tpu.memory_space<vmem>> -> memref<128xi32, #tpu.memory_space<vmem>>
      %dma_start3A_587 = arith.constant 0 : i32
      %dma_start3A_588 = arith.constant 0 : i32
      %dma_start3A_589 = tpu.memref_slice %arg9[%dma_start3A_587, %dma_start3A_588] : memref<10240x16xf32, #tpu.memory_space<vmem_shared>> -> memref<10240x16xf32, #tpu.memory_space<vmem_shared>>
      tpu.enqueue_indirect_dma source(%dma_start3A_583 : memref<128x16xf32, #tpu.memory_space<vmem>>) target(%dma_start3A_589 : memref<10240x16xf32, #tpu.memory_space<vmem_shared>>) offsets(%dma_start3A_586 : memref<128xi32, #tpu.memory_space<vmem>>) semaphore(%arg13 : memref<!tpu.dma_semaphore, #tpu.memory_space<semaphore_mem>>) {add = true}
      %mul3A_590 = arith.constant 13 : i32
      %mul3A_591 = arith.muli %add3A_45, %mul3A_590 : i32
      %add3A_592 = arith.constant 8 : i32
      %add3A_593 = arith.addi %mul3A_591, %add3A_592 : i32
      %dma_start3A_594 = arith.constant 1 : i32
      %dma_start3A_595 = arith.constant 1 : i32
      %dma_start3A_596 = arith.constant 1024 : i32
      %dma_start3A_597 = arith.constant 0 : i32
      %dma_start3A_598 = tpu.memref_slice %arg8[%dma_start3A_594, %dma_start3A_596, %dma_start3A_597] : memref<2x1664x16xf32, #tpu.memory_space<vmem>> -> memref<1x128x16xf32, #tpu.memory_space<vmem>>
      %dma_start3A_599 = tpu.memref_squeeze %dma_start3A_598 : memref<1x128x16xf32, #tpu.memory_space<vmem>> -> memref<128x16xf32, #tpu.memory_space<vmem>>
      %dma_start3A_600 = arith.constant 0 : i32
      %dma_start3A_601 = tpu.memref_slice %arg6[%add3A_593, %dma_start3A_595, %dma_start3A_600] : memref<79x2x128xi32, #tpu.memory_space<vmem>> -> memref<1x1x128xi32, #tpu.memory_space<vmem>>
      %dma_start3A_602 = tpu.memref_squeeze %dma_start3A_601 : memref<1x1x128xi32, #tpu.memory_space<vmem>> -> memref<128xi32, #tpu.memory_space<vmem>>
      %dma_start3A_603 = arith.constant 0 : i32
      %dma_start3A_604 = arith.constant 0 : i32
      %dma_start3A_605 = tpu.memref_slice %arg9[%dma_start3A_603, %dma_start3A_604] : memref<10240x16xf32, #tpu.memory_space<vmem_shared>> -> memref<10240x16xf32, #tpu.memory_space<vmem_shared>>
      tpu.enqueue_indirect_dma source(%dma_start3A_599 : memref<128x16xf32, #tpu.memory_space<vmem>>) target(%dma_start3A_605 : memref<10240x16xf32, #tpu.memory_space<vmem_shared>>) offsets(%dma_start3A_602 : memref<128xi32, #tpu.memory_space<vmem>>) semaphore(%arg13 : memref<!tpu.dma_semaphore, #tpu.memory_space<semaphore_mem>>) {add = true}
      %mul3A_606 = arith.constant 13 : i32
      %mul3A_607 = arith.muli %add3A_45, %mul3A_606 : i32
      %add3A_608 = arith.constant 9 : i32
      %add3A_609 = arith.addi %mul3A_607, %add3A_608 : i32
      %dma_start3A_610 = arith.constant 1 : i32
      %dma_start3A_611 = arith.constant 1 : i32
      %dma_start3A_612 = arith.constant 1152 : i32
      %dma_start3A_613 = arith.constant 0 : i32
      %dma_start3A_614 = tpu.memref_slice %arg8[%dma_start3A_610, %dma_start3A_612, %dma_start3A_613] : memref<2x1664x16xf32, #tpu.memory_space<vmem>> -> memref<1x128x16xf32, #tpu.memory_space<vmem>>
      %dma_start3A_615 = tpu.memref_squeeze %dma_start3A_614 : memref<1x128x16xf32, #tpu.memory_space<vmem>> -> memref<128x16xf32, #tpu.memory_space<vmem>>
      %dma_start3A_616 = arith.constant 0 : i32
      %dma_start3A_617 = tpu.memref_slice %arg6[%add3A_609, %dma_start3A_611, %dma_start3A_616] : memref<79x2x128xi32, #tpu.memory_space<vmem>> -> memref<1x1x128xi32, #tpu.memory_space<vmem>>
      %dma_start3A_618 = tpu.memref_squeeze %dma_start3A_617 : memref<1x1x128xi32, #tpu.memory_space<vmem>> -> memref<128xi32, #tpu.memory_space<vmem>>
      %dma_start3A_619 = arith.constant 0 : i32
      %dma_start3A_620 = arith.constant 0 : i32
      %dma_start3A_621 = tpu.memref_slice %arg9[%dma_start3A_619, %dma_start3A_620] : memref<10240x16xf32, #tpu.memory_space<vmem_shared>> -> memref<10240x16xf32, #tpu.memory_space<vmem_shared>>
      tpu.enqueue_indirect_dma source(%dma_start3A_615 : memref<128x16xf32, #tpu.memory_space<vmem>>) target(%dma_start3A_621 : memref<10240x16xf32, #tpu.memory_space<vmem_shared>>) offsets(%dma_start3A_618 : memref<128xi32, #tpu.memory_space<vmem>>) semaphore(%arg13 : memref<!tpu.dma_semaphore, #tpu.memory_space<semaphore_mem>>) {add = true}
      %mul3A_622 = arith.constant 13 : i32
      %mul3A_623 = arith.muli %add3A_45, %mul3A_622 : i32
      %add3A_624 = arith.constant 10 : i32
      %add3A_625 = arith.addi %mul3A_623, %add3A_624 : i32
      %dma_start3A_626 = arith.constant 1 : i32
      %dma_start3A_627 = arith.constant 1 : i32
      %dma_start3A_628 = arith.constant 1280 : i32
      %dma_start3A_629 = arith.constant 0 : i32
      %dma_start3A_630 = tpu.memref_slice %arg8[%dma_start3A_626, %dma_start3A_628, %dma_start3A_629] : memref<2x1664x16xf32, #tpu.memory_space<vmem>> -> memref<1x128x16xf32, #tpu.memory_space<vmem>>
      %dma_start3A_631 = tpu.memref_squeeze %dma_start3A_630 : memref<1x128x16xf32, #tpu.memory_space<vmem>> -> memref<128x16xf32, #tpu.memory_space<vmem>>
      %dma_start3A_632 = arith.constant 0 : i32
      %dma_start3A_633 = tpu.memref_slice %arg6[%add3A_625, %dma_start3A_627, %dma_start3A_632] : memref<79x2x128xi32, #tpu.memory_space<vmem>> -> memref<1x1x128xi32, #tpu.memory_space<vmem>>
      %dma_start3A_634 = tpu.memref_squeeze %dma_start3A_633 : memref<1x1x128xi32, #tpu.memory_space<vmem>> -> memref<128xi32, #tpu.memory_space<vmem>>
      %dma_start3A_635 = arith.constant 0 : i32
      %dma_start3A_636 = arith.constant 0 : i32
      %dma_start3A_637 = tpu.memref_slice %arg9[%dma_start3A_635, %dma_start3A_636] : memref<10240x16xf32, #tpu.memory_space<vmem_shared>> -> memref<10240x16xf32, #tpu.memory_space<vmem_shared>>
      tpu.enqueue_indirect_dma source(%dma_start3A_631 : memref<128x16xf32, #tpu.memory_space<vmem>>) target(%dma_start3A_637 : memref<10240x16xf32, #tpu.memory_space<vmem_shared>>) offsets(%dma_start3A_634 : memref<128xi32, #tpu.memory_space<vmem>>) semaphore(%arg13 : memref<!tpu.dma_semaphore, #tpu.memory_space<semaphore_mem>>) {add = true}
      %mul3A_638 = arith.constant 13 : i32
      %mul3A_639 = arith.muli %add3A_45, %mul3A_638 : i32
      %add3A_640 = arith.constant 11 : i32
      %add3A_641 = arith.addi %mul3A_639, %add3A_640 : i32
      %dma_start3A_642 = arith.constant 1 : i32
      %dma_start3A_643 = arith.constant 1 : i32
      %dma_start3A_644 = arith.constant 1408 : i32
      %dma_start3A_645 = arith.constant 0 : i32
      %dma_start3A_646 = tpu.memref_slice %arg8[%dma_start3A_642, %dma_start3A_644, %dma_start3A_645] : memref<2x1664x16xf32, #tpu.memory_space<vmem>> -> memref<1x128x16xf32, #tpu.memory_space<vmem>>
      %dma_start3A_647 = tpu.memref_squeeze %dma_start3A_646 : memref<1x128x16xf32, #tpu.memory_space<vmem>> -> memref<128x16xf32, #tpu.memory_space<vmem>>
      %dma_start3A_648 = arith.constant 0 : i32
      %dma_start3A_649 = tpu.memref_slice %arg6[%add3A_641, %dma_start3A_643, %dma_start3A_648] : memref<79x2x128xi32, #tpu.memory_space<vmem>> -> memref<1x1x128xi32, #tpu.memory_space<vmem>>
      %dma_start3A_650 = tpu.memref_squeeze %dma_start3A_649 : memref<1x1x128xi32, #tpu.memory_space<vmem>> -> memref<128xi32, #tpu.memory_space<vmem>>
      %dma_start3A_651 = arith.constant 0 : i32
      %dma_start3A_652 = arith.constant 0 : i32
      %dma_start3A_653 = tpu.memref_slice %arg9[%dma_start3A_651, %dma_start3A_652] : memref<10240x16xf32, #tpu.memory_space<vmem_shared>> -> memref<10240x16xf32, #tpu.memory_space<vmem_shared>>
      tpu.enqueue_indirect_dma source(%dma_start3A_647 : memref<128x16xf32, #tpu.memory_space<vmem>>) target(%dma_start3A_653 : memref<10240x16xf32, #tpu.memory_space<vmem_shared>>) offsets(%dma_start3A_650 : memref<128xi32, #tpu.memory_space<vmem>>) semaphore(%arg13 : memref<!tpu.dma_semaphore, #tpu.memory_space<semaphore_mem>>) {add = true}
      %mul3A_654 = arith.constant 13 : i32
      %mul3A_655 = arith.muli %add3A_45, %mul3A_654 : i32
      %add3A_656 = arith.constant 12 : i32
      %add3A_657 = arith.addi %mul3A_655, %add3A_656 : i32
      %dma_start3A_658 = arith.constant 1 : i32
      %dma_start3A_659 = arith.constant 1 : i32
      %dma_start3A_660 = arith.constant 1536 : i32
      %dma_start3A_661 = arith.constant 0 : i32
      %dma_start3A_662 = tpu.memref_slice %arg8[%dma_start3A_658, %dma_start3A_660, %dma_start3A_661] : memref<2x1664x16xf32, #tpu.memory_space<vmem>> -> memref<1x128x16xf32, #tpu.memory_space<vmem>>
      %dma_start3A_663 = tpu.memref_squeeze %dma_start3A_662 : memref<1x128x16xf32, #tpu.memory_space<vmem>> -> memref<128x16xf32, #tpu.memory_space<vmem>>
      %dma_start3A_664 = arith.constant 0 : i32
      %dma_start3A_665 = tpu.memref_slice %arg6[%add3A_657, %dma_start3A_659, %dma_start3A_664] : memref<79x2x128xi32, #tpu.memory_space<vmem>> -> memref<1x1x128xi32, #tpu.memory_space<vmem>>
      %dma_start3A_666 = tpu.memref_squeeze %dma_start3A_665 : memref<1x1x128xi32, #tpu.memory_space<vmem>> -> memref<128xi32, #tpu.memory_space<vmem>>
      %dma_start3A_667 = arith.constant 0 : i32
      %dma_start3A_668 = arith.constant 0 : i32
      %dma_start3A_669 = tpu.memref_slice %arg9[%dma_start3A_667, %dma_start3A_668] : memref<10240x16xf32, #tpu.memory_space<vmem_shared>> -> memref<10240x16xf32, #tpu.memory_space<vmem_shared>>
      tpu.enqueue_indirect_dma source(%dma_start3A_663 : memref<128x16xf32, #tpu.memory_space<vmem>>) target(%dma_start3A_669 : memref<10240x16xf32, #tpu.memory_space<vmem_shared>>) offsets(%dma_start3A_666 : memref<128xi32, #tpu.memory_space<vmem>>) semaphore(%arg13 : memref<!tpu.dma_semaphore, #tpu.memory_space<semaphore_mem>>) {add = true}
      %dma_wait3A_670 = arith.constant 1 : i32
      %dma_wait3A_671 = arith.constant 0 : i32
      %dma_wait3A_672 = arith.constant 1 : i32
      %dma_wait3A_673 = arith.constant 0 : i32
      %dma_wait3A_674 = arith.constant 0 : i32
      %dma_wait3A_675 = tpu.memref_slice %arg8[%dma_wait3A_670, %dma_wait3A_673, %dma_wait3A_674] : memref<2x1664x16xf32, #tpu.memory_space<vmem>> -> memref<1x128x16xf32, #tpu.memory_space<vmem>>
      %dma_wait3A_676 = tpu.memref_squeeze %dma_wait3A_675 : memref<1x128x16xf32, #tpu.memory_space<vmem>> -> memref<128x16xf32, #tpu.memory_space<vmem>>
      %dma_wait3A_677 = arith.constant 0 : i32
      %dma_wait3A_678 = tpu.memref_slice %arg6[%dma_wait3A_671, %dma_wait3A_672, %dma_wait3A_677] : memref<79x2x128xi32, #tpu.memory_space<vmem>> -> memref<1x1x128xi32, #tpu.memory_space<vmem>>
      %dma_wait3A_679 = tpu.memref_squeeze %dma_wait3A_678 : memref<1x1x128xi32, #tpu.memory_space<vmem>> -> memref<128xi32, #tpu.memory_space<vmem>>
      %dma_wait3A_680 = arith.constant 0 : i32
      %dma_wait3A_681 = arith.constant 0 : i32
      %dma_wait3A_682 = tpu.memref_slice %arg9[%dma_wait3A_680, %dma_wait3A_681] : memref<10240x16xf32, #tpu.memory_space<vmem_shared>> -> memref<10240x16xf32, #tpu.memory_space<vmem_shared>>
      tpu.wait_indirect_dma semaphore(%arg13 : memref<!tpu.dma_semaphore, #tpu.memory_space<semaphore_mem>>) src(%dma_wait3A_676 : memref<128x16xf32, #tpu.memory_space<vmem>>) dst(%dma_wait3A_682 : memref<10240x16xf32, #tpu.memory_space<vmem_shared>>)
      %dma_wait3A_683 = arith.constant 1 : i32
      %dma_wait3A_684 = arith.constant 0 : i32
      %dma_wait3A_685 = arith.constant 1 : i32
      %dma_wait3A_686 = arith.constant 128 : i32
      %dma_wait3A_687 = arith.constant 0 : i32
      %dma_wait3A_688 = tpu.memref_slice %arg8[%dma_wait3A_683, %dma_wait3A_686, %dma_wait3A_687] : memref<2x1664x16xf32, #tpu.memory_space<vmem>> -> memref<1x128x16xf32, #tpu.memory_space<vmem>>
      %dma_wait3A_689 = tpu.memref_squeeze %dma_wait3A_688 : memref<1x128x16xf32, #tpu.memory_space<vmem>> -> memref<128x16xf32, #tpu.memory_space<vmem>>
      %dma_wait3A_690 = arith.constant 0 : i32
      %dma_wait3A_691 = tpu.memref_slice %arg6[%dma_wait3A_684, %dma_wait3A_685, %dma_wait3A_690] : memref<79x2x128xi32, #tpu.memory_space<vmem>> -> memref<1x1x128xi32, #tpu.memory_space<vmem>>
      %dma_wait3A_692 = tpu.memref_squeeze %dma_wait3A_691 : memref<1x1x128xi32, #tpu.memory_space<vmem>> -> memref<128xi32, #tpu.memory_space<vmem>>
      %dma_wait3A_693 = arith.constant 0 : i32
      %dma_wait3A_694 = arith.constant 0 : i32
      %dma_wait3A_695 = tpu.memref_slice %arg9[%dma_wait3A_693, %dma_wait3A_694] : memref<10240x16xf32, #tpu.memory_space<vmem_shared>> -> memref<10240x16xf32, #tpu.memory_space<vmem_shared>>
      tpu.wait_indirect_dma semaphore(%arg13 : memref<!tpu.dma_semaphore, #tpu.memory_space<semaphore_mem>>) src(%dma_wait3A_689 : memref<128x16xf32, #tpu.memory_space<vmem>>) dst(%dma_wait3A_695 : memref<10240x16xf32, #tpu.memory_space<vmem_shared>>)
      %dma_wait3A_696 = arith.constant 1 : i32
      %dma_wait3A_697 = arith.constant 0 : i32
      %dma_wait3A_698 = arith.constant 1 : i32
      %dma_wait3A_699 = arith.constant 256 : i32
      %dma_wait3A_700 = arith.constant 0 : i32
      %dma_wait3A_701 = tpu.memref_slice %arg8[%dma_wait3A_696, %dma_wait3A_699, %dma_wait3A_700] : memref<2x1664x16xf32, #tpu.memory_space<vmem>> -> memref<1x128x16xf32, #tpu.memory_space<vmem>>
      %dma_wait3A_702 = tpu.memref_squeeze %dma_wait3A_701 : memref<1x128x16xf32, #tpu.memory_space<vmem>> -> memref<128x16xf32, #tpu.memory_space<vmem>>
      %dma_wait3A_703 = arith.constant 0 : i32
      %dma_wait3A_704 = tpu.memref_slice %arg6[%dma_wait3A_697, %dma_wait3A_698, %dma_wait3A_703] : memref<79x2x128xi32, #tpu.memory_space<vmem>> -> memref<1x1x128xi32, #tpu.memory_space<vmem>>
      %dma_wait3A_705 = tpu.memref_squeeze %dma_wait3A_704 : memref<1x1x128xi32, #tpu.memory_space<vmem>> -> memref<128xi32, #tpu.memory_space<vmem>>
      %dma_wait3A_706 = arith.constant 0 : i32
      %dma_wait3A_707 = arith.constant 0 : i32
      %dma_wait3A_708 = tpu.memref_slice %arg9[%dma_wait3A_706, %dma_wait3A_707] : memref<10240x16xf32, #tpu.memory_space<vmem_shared>> -> memref<10240x16xf32, #tpu.memory_space<vmem_shared>>
      tpu.wait_indirect_dma semaphore(%arg13 : memref<!tpu.dma_semaphore, #tpu.memory_space<semaphore_mem>>) src(%dma_wait3A_702 : memref<128x16xf32, #tpu.memory_space<vmem>>) dst(%dma_wait3A_708 : memref<10240x16xf32, #tpu.memory_space<vmem_shared>>)
      %dma_wait3A_709 = arith.constant 1 : i32
      %dma_wait3A_710 = arith.constant 0 : i32
      %dma_wait3A_711 = arith.constant 1 : i32
      %dma_wait3A_712 = arith.constant 384 : i32
      %dma_wait3A_713 = arith.constant 0 : i32
      %dma_wait3A_714 = tpu.memref_slice %arg8[%dma_wait3A_709, %dma_wait3A_712, %dma_wait3A_713] : memref<2x1664x16xf32, #tpu.memory_space<vmem>> -> memref<1x128x16xf32, #tpu.memory_space<vmem>>
      %dma_wait3A_715 = tpu.memref_squeeze %dma_wait3A_714 : memref<1x128x16xf32, #tpu.memory_space<vmem>> -> memref<128x16xf32, #tpu.memory_space<vmem>>
      %dma_wait3A_716 = arith.constant 0 : i32
      %dma_wait3A_717 = tpu.memref_slice %arg6[%dma_wait3A_710, %dma_wait3A_711, %dma_wait3A_716] : memref<79x2x128xi32, #tpu.memory_space<vmem>> -> memref<1x1x128xi32, #tpu.memory_space<vmem>>
      %dma_wait3A_718 = tpu.memref_squeeze %dma_wait3A_717 : memref<1x1x128xi32, #tpu.memory_space<vmem>> -> memref<128xi32, #tpu.memory_space<vmem>>
      %dma_wait3A_719 = arith.constant 0 : i32
      %dma_wait3A_720 = arith.constant 0 : i32
      %dma_wait3A_721 = tpu.memref_slice %arg9[%dma_wait3A_719, %dma_wait3A_720] : memref<10240x16xf32, #tpu.memory_space<vmem_shared>> -> memref<10240x16xf32, #tpu.memory_space<vmem_shared>>
      tpu.wait_indirect_dma semaphore(%arg13 : memref<!tpu.dma_semaphore, #tpu.memory_space<semaphore_mem>>) src(%dma_wait3A_715 : memref<128x16xf32, #tpu.memory_space<vmem>>) dst(%dma_wait3A_721 : memref<10240x16xf32, #tpu.memory_space<vmem_shared>>)
      %dma_wait3A_722 = arith.constant 1 : i32
      %dma_wait3A_723 = arith.constant 0 : i32
      %dma_wait3A_724 = arith.constant 1 : i32
      %dma_wait3A_725 = arith.constant 512 : i32
      %dma_wait3A_726 = arith.constant 0 : i32
      %dma_wait3A_727 = tpu.memref_slice %arg8[%dma_wait3A_722, %dma_wait3A_725, %dma_wait3A_726] : memref<2x1664x16xf32, #tpu.memory_space<vmem>> -> memref<1x128x16xf32, #tpu.memory_space<vmem>>
      %dma_wait3A_728 = tpu.memref_squeeze %dma_wait3A_727 : memref<1x128x16xf32, #tpu.memory_space<vmem>> -> memref<128x16xf32, #tpu.memory_space<vmem>>
      %dma_wait3A_729 = arith.constant 0 : i32
      %dma_wait3A_730 = tpu.memref_slice %arg6[%dma_wait3A_723, %dma_wait3A_724, %dma_wait3A_729] : memref<79x2x128xi32, #tpu.memory_space<vmem>> -> memref<1x1x128xi32, #tpu.memory_space<vmem>>
      %dma_wait3A_731 = tpu.memref_squeeze %dma_wait3A_730 : memref<1x1x128xi32, #tpu.memory_space<vmem>> -> memref<128xi32, #tpu.memory_space<vmem>>
      %dma_wait3A_732 = arith.constant 0 : i32
      %dma_wait3A_733 = arith.constant 0 : i32
      %dma_wait3A_734 = tpu.memref_slice %arg9[%dma_wait3A_732, %dma_wait3A_733] : memref<10240x16xf32, #tpu.memory_space<vmem_shared>> -> memref<10240x16xf32, #tpu.memory_space<vmem_shared>>
      tpu.wait_indirect_dma semaphore(%arg13 : memref<!tpu.dma_semaphore, #tpu.memory_space<semaphore_mem>>) src(%dma_wait3A_728 : memref<128x16xf32, #tpu.memory_space<vmem>>) dst(%dma_wait3A_734 : memref<10240x16xf32, #tpu.memory_space<vmem_shared>>)
      %dma_wait3A_735 = arith.constant 1 : i32
      %dma_wait3A_736 = arith.constant 0 : i32
      %dma_wait3A_737 = arith.constant 1 : i32
      %dma_wait3A_738 = arith.constant 640 : i32
      %dma_wait3A_739 = arith.constant 0 : i32
      %dma_wait3A_740 = tpu.memref_slice %arg8[%dma_wait3A_735, %dma_wait3A_738, %dma_wait3A_739] : memref<2x1664x16xf32, #tpu.memory_space<vmem>> -> memref<1x128x16xf32, #tpu.memory_space<vmem>>
      %dma_wait3A_741 = tpu.memref_squeeze %dma_wait3A_740 : memref<1x128x16xf32, #tpu.memory_space<vmem>> -> memref<128x16xf32, #tpu.memory_space<vmem>>
      %dma_wait3A_742 = arith.constant 0 : i32
      %dma_wait3A_743 = tpu.memref_slice %arg6[%dma_wait3A_736, %dma_wait3A_737, %dma_wait3A_742] : memref<79x2x128xi32, #tpu.memory_space<vmem>> -> memref<1x1x128xi32, #tpu.memory_space<vmem>>
      %dma_wait3A_744 = tpu.memref_squeeze %dma_wait3A_743 : memref<1x1x128xi32, #tpu.memory_space<vmem>> -> memref<128xi32, #tpu.memory_space<vmem>>
      %dma_wait3A_745 = arith.constant 0 : i32
      %dma_wait3A_746 = arith.constant 0 : i32
      %dma_wait3A_747 = tpu.memref_slice %arg9[%dma_wait3A_745, %dma_wait3A_746] : memref<10240x16xf32, #tpu.memory_space<vmem_shared>> -> memref<10240x16xf32, #tpu.memory_space<vmem_shared>>
      tpu.wait_indirect_dma semaphore(%arg13 : memref<!tpu.dma_semaphore, #tpu.memory_space<semaphore_mem>>) src(%dma_wait3A_741 : memref<128x16xf32, #tpu.memory_space<vmem>>) dst(%dma_wait3A_747 : memref<10240x16xf32, #tpu.memory_space<vmem_shared>>)
      %dma_wait3A_748 = arith.constant 1 : i32
      %dma_wait3A_749 = arith.constant 0 : i32
      %dma_wait3A_750 = arith.constant 1 : i32
      %dma_wait3A_751 = arith.constant 768 : i32
      %dma_wait3A_752 = arith.constant 0 : i32
      %dma_wait3A_753 = tpu.memref_slice %arg8[%dma_wait3A_748, %dma_wait3A_751, %dma_wait3A_752] : memref<2x1664x16xf32, #tpu.memory_space<vmem>> -> memref<1x128x16xf32, #tpu.memory_space<vmem>>
      %dma_wait3A_754 = tpu.memref_squeeze %dma_wait3A_753 : memref<1x128x16xf32, #tpu.memory_space<vmem>> -> memref<128x16xf32, #tpu.memory_space<vmem>>
      %dma_wait3A_755 = arith.constant 0 : i32
      %dma_wait3A_756 = tpu.memref_slice %arg6[%dma_wait3A_749, %dma_wait3A_750, %dma_wait3A_755] : memref<79x2x128xi32, #tpu.memory_space<vmem>> -> memref<1x1x128xi32, #tpu.memory_space<vmem>>
      %dma_wait3A_757 = tpu.memref_squeeze %dma_wait3A_756 : memref<1x1x128xi32, #tpu.memory_space<vmem>> -> memref<128xi32, #tpu.memory_space<vmem>>
      %dma_wait3A_758 = arith.constant 0 : i32
      %dma_wait3A_759 = arith.constant 0 : i32
      %dma_wait3A_760 = tpu.memref_slice %arg9[%dma_wait3A_758, %dma_wait3A_759] : memref<10240x16xf32, #tpu.memory_space<vmem_shared>> -> memref<10240x16xf32, #tpu.memory_space<vmem_shared>>
      tpu.wait_indirect_dma semaphore(%arg13 : memref<!tpu.dma_semaphore, #tpu.memory_space<semaphore_mem>>) src(%dma_wait3A_754 : memref<128x16xf32, #tpu.memory_space<vmem>>) dst(%dma_wait3A_760 : memref<10240x16xf32, #tpu.memory_space<vmem_shared>>)
      %dma_wait3A_761 = arith.constant 1 : i32
      %dma_wait3A_762 = arith.constant 0 : i32
      %dma_wait3A_763 = arith.constant 1 : i32
      %dma_wait3A_764 = arith.constant 896 : i32
      %dma_wait3A_765 = arith.constant 0 : i32
      %dma_wait3A_766 = tpu.memref_slice %arg8[%dma_wait3A_761, %dma_wait3A_764, %dma_wait3A_765] : memref<2x1664x16xf32, #tpu.memory_space<vmem>> -> memref<1x128x16xf32, #tpu.memory_space<vmem>>
      %dma_wait3A_767 = tpu.memref_squeeze %dma_wait3A_766 : memref<1x128x16xf32, #tpu.memory_space<vmem>> -> memref<128x16xf32, #tpu.memory_space<vmem>>
      %dma_wait3A_768 = arith.constant 0 : i32
      %dma_wait3A_769 = tpu.memref_slice %arg6[%dma_wait3A_762, %dma_wait3A_763, %dma_wait3A_768] : memref<79x2x128xi32, #tpu.memory_space<vmem>> -> memref<1x1x128xi32, #tpu.memory_space<vmem>>
      %dma_wait3A_770 = tpu.memref_squeeze %dma_wait3A_769 : memref<1x1x128xi32, #tpu.memory_space<vmem>> -> memref<128xi32, #tpu.memory_space<vmem>>
      %dma_wait3A_771 = arith.constant 0 : i32
      %dma_wait3A_772 = arith.constant 0 : i32
      %dma_wait3A_773 = tpu.memref_slice %arg9[%dma_wait3A_771, %dma_wait3A_772] : memref<10240x16xf32, #tpu.memory_space<vmem_shared>> -> memref<10240x16xf32, #tpu.memory_space<vmem_shared>>
      tpu.wait_indirect_dma semaphore(%arg13 : memref<!tpu.dma_semaphore, #tpu.memory_space<semaphore_mem>>) src(%dma_wait3A_767 : memref<128x16xf32, #tpu.memory_space<vmem>>) dst(%dma_wait3A_773 : memref<10240x16xf32, #tpu.memory_space<vmem_shared>>)
      %dma_wait3A_774 = arith.constant 1 : i32
      %dma_wait3A_775 = arith.constant 0 : i32
      %dma_wait3A_776 = arith.constant 1 : i32
      %dma_wait3A_777 = arith.constant 1024 : i32
      %dma_wait3A_778 = arith.constant 0 : i32
      %dma_wait3A_779 = tpu.memref_slice %arg8[%dma_wait3A_774, %dma_wait3A_777, %dma_wait3A_778] : memref<2x1664x16xf32, #tpu.memory_space<vmem>> -> memref<1x128x16xf32, #tpu.memory_space<vmem>>
      %dma_wait3A_780 = tpu.memref_squeeze %dma_wait3A_779 : memref<1x128x16xf32, #tpu.memory_space<vmem>> -> memref<128x16xf32, #tpu.memory_space<vmem>>
      %dma_wait3A_781 = arith.constant 0 : i32
      %dma_wait3A_782 = tpu.memref_slice %arg6[%dma_wait3A_775, %dma_wait3A_776, %dma_wait3A_781] : memref<79x2x128xi32, #tpu.memory_space<vmem>> -> memref<1x1x128xi32, #tpu.memory_space<vmem>>
      %dma_wait3A_783 = tpu.memref_squeeze %dma_wait3A_782 : memref<1x1x128xi32, #tpu.memory_space<vmem>> -> memref<128xi32, #tpu.memory_space<vmem>>
      %dma_wait3A_784 = arith.constant 0 : i32
      %dma_wait3A_785 = arith.constant 0 : i32
      %dma_wait3A_786 = tpu.memref_slice %arg9[%dma_wait3A_784, %dma_wait3A_785] : memref<10240x16xf32, #tpu.memory_space<vmem_shared>> -> memref<10240x16xf32, #tpu.memory_space<vmem_shared>>
      tpu.wait_indirect_dma semaphore(%arg13 : memref<!tpu.dma_semaphore, #tpu.memory_space<semaphore_mem>>) src(%dma_wait3A_780 : memref<128x16xf32, #tpu.memory_space<vmem>>) dst(%dma_wait3A_786 : memref<10240x16xf32, #tpu.memory_space<vmem_shared>>)
      %dma_wait3A_787 = arith.constant 1 : i32
      %dma_wait3A_788 = arith.constant 0 : i32
      %dma_wait3A_789 = arith.constant 1 : i32
      %dma_wait3A_790 = arith.constant 1152 : i32
      %dma_wait3A_791 = arith.constant 0 : i32
      %dma_wait3A_792 = tpu.memref_slice %arg8[%dma_wait3A_787, %dma_wait3A_790, %dma_wait3A_791] : memref<2x1664x16xf32, #tpu.memory_space<vmem>> -> memref<1x128x16xf32, #tpu.memory_space<vmem>>
      %dma_wait3A_793 = tpu.memref_squeeze %dma_wait3A_792 : memref<1x128x16xf32, #tpu.memory_space<vmem>> -> memref<128x16xf32, #tpu.memory_space<vmem>>
      %dma_wait3A_794 = arith.constant 0 : i32
      %dma_wait3A_795 = tpu.memref_slice %arg6[%dma_wait3A_788, %dma_wait3A_789, %dma_wait3A_794] : memref<79x2x128xi32, #tpu.memory_space<vmem>> -> memref<1x1x128xi32, #tpu.memory_space<vmem>>
      %dma_wait3A_796 = tpu.memref_squeeze %dma_wait3A_795 : memref<1x1x128xi32, #tpu.memory_space<vmem>> -> memref<128xi32, #tpu.memory_space<vmem>>
      %dma_wait3A_797 = arith.constant 0 : i32
      %dma_wait3A_798 = arith.constant 0 : i32
      %dma_wait3A_799 = tpu.memref_slice %arg9[%dma_wait3A_797, %dma_wait3A_798] : memref<10240x16xf32, #tpu.memory_space<vmem_shared>> -> memref<10240x16xf32, #tpu.memory_space<vmem_shared>>
      tpu.wait_indirect_dma semaphore(%arg13 : memref<!tpu.dma_semaphore, #tpu.memory_space<semaphore_mem>>) src(%dma_wait3A_793 : memref<128x16xf32, #tpu.memory_space<vmem>>) dst(%dma_wait3A_799 : memref<10240x16xf32, #tpu.memory_space<vmem_shared>>)
      %dma_wait3A_800 = arith.constant 1 : i32
      %dma_wait3A_801 = arith.constant 0 : i32
      %dma_wait3A_802 = arith.constant 1 : i32
      %dma_wait3A_803 = arith.constant 1280 : i32
      %dma_wait3A_804 = arith.constant 0 : i32
      %dma_wait3A_805 = tpu.memref_slice %arg8[%dma_wait3A_800, %dma_wait3A_803, %dma_wait3A_804] : memref<2x1664x16xf32, #tpu.memory_space<vmem>> -> memref<1x128x16xf32, #tpu.memory_space<vmem>>
      %dma_wait3A_806 = tpu.memref_squeeze %dma_wait3A_805 : memref<1x128x16xf32, #tpu.memory_space<vmem>> -> memref<128x16xf32, #tpu.memory_space<vmem>>
      %dma_wait3A_807 = arith.constant 0 : i32
      %dma_wait3A_808 = tpu.memref_slice %arg6[%dma_wait3A_801, %dma_wait3A_802, %dma_wait3A_807] : memref<79x2x128xi32, #tpu.memory_space<vmem>> -> memref<1x1x128xi32, #tpu.memory_space<vmem>>
      %dma_wait3A_809 = tpu.memref_squeeze %dma_wait3A_808 : memref<1x1x128xi32, #tpu.memory_space<vmem>> -> memref<128xi32, #tpu.memory_space<vmem>>
      %dma_wait3A_810 = arith.constant 0 : i32
      %dma_wait3A_811 = arith.constant 0 : i32
      %dma_wait3A_812 = tpu.memref_slice %arg9[%dma_wait3A_810, %dma_wait3A_811] : memref<10240x16xf32, #tpu.memory_space<vmem_shared>> -> memref<10240x16xf32, #tpu.memory_space<vmem_shared>>
      tpu.wait_indirect_dma semaphore(%arg13 : memref<!tpu.dma_semaphore, #tpu.memory_space<semaphore_mem>>) src(%dma_wait3A_806 : memref<128x16xf32, #tpu.memory_space<vmem>>) dst(%dma_wait3A_812 : memref<10240x16xf32, #tpu.memory_space<vmem_shared>>)
      %dma_wait3A_813 = arith.constant 1 : i32
      %dma_wait3A_814 = arith.constant 0 : i32
      %dma_wait3A_815 = arith.constant 1 : i32
      %dma_wait3A_816 = arith.constant 1408 : i32
      %dma_wait3A_817 = arith.constant 0 : i32
      %dma_wait3A_818 = tpu.memref_slice %arg8[%dma_wait3A_813, %dma_wait3A_816, %dma_wait3A_817] : memref<2x1664x16xf32, #tpu.memory_space<vmem>> -> memref<1x128x16xf32, #tpu.memory_space<vmem>>
      %dma_wait3A_819 = tpu.memref_squeeze %dma_wait3A_818 : memref<1x128x16xf32, #tpu.memory_space<vmem>> -> memref<128x16xf32, #tpu.memory_space<vmem>>
      %dma_wait3A_820 = arith.constant 0 : i32
      %dma_wait3A_821 = tpu.memref_slice %arg6[%dma_wait3A_814, %dma_wait3A_815, %dma_wait3A_820] : memref<79x2x128xi32, #tpu.memory_space<vmem>> -> memref<1x1x128xi32, #tpu.memory_space<vmem>>
      %dma_wait3A_822 = tpu.memref_squeeze %dma_wait3A_821 : memref<1x1x128xi32, #tpu.memory_space<vmem>> -> memref<128xi32, #tpu.memory_space<vmem>>
      %dma_wait3A_823 = arith.constant 0 : i32
      %dma_wait3A_824 = arith.constant 0 : i32
      %dma_wait3A_825 = tpu.memref_slice %arg9[%dma_wait3A_823, %dma_wait3A_824] : memref<10240x16xf32, #tpu.memory_space<vmem_shared>> -> memref<10240x16xf32, #tpu.memory_space<vmem_shared>>
      tpu.wait_indirect_dma semaphore(%arg13 : memref<!tpu.dma_semaphore, #tpu.memory_space<semaphore_mem>>) src(%dma_wait3A_819 : memref<128x16xf32, #tpu.memory_space<vmem>>) dst(%dma_wait3A_825 : memref<10240x16xf32, #tpu.memory_space<vmem_shared>>)
      %dma_wait3A_826 = arith.constant 1 : i32
      %dma_wait3A_827 = arith.constant 0 : i32
      %dma_wait3A_828 = arith.constant 1 : i32
      %dma_wait3A_829 = arith.constant 1536 : i32
      %dma_wait3A_830 = arith.constant 0 : i32
      %dma_wait3A_831 = tpu.memref_slice %arg8[%dma_wait3A_826, %dma_wait3A_829, %dma_wait3A_830] : memref<2x1664x16xf32, #tpu.memory_space<vmem>> -> memref<1x128x16xf32, #tpu.memory_space<vmem>>
      %dma_wait3A_832 = tpu.memref_squeeze %dma_wait3A_831 : memref<1x128x16xf32, #tpu.memory_space<vmem>> -> memref<128x16xf32, #tpu.memory_space<vmem>>
      %dma_wait3A_833 = arith.constant 0 : i32
      %dma_wait3A_834 = tpu.memref_slice %arg6[%dma_wait3A_827, %dma_wait3A_828, %dma_wait3A_833] : memref<79x2x128xi32, #tpu.memory_space<vmem>> -> memref<1x1x128xi32, #tpu.memory_space<vmem>>
      %dma_wait3A_835 = tpu.memref_squeeze %dma_wait3A_834 : memref<1x1x128xi32, #tpu.memory_space<vmem>> -> memref<128xi32, #tpu.memory_space<vmem>>
      %dma_wait3A_836 = arith.constant 0 : i32
      %dma_wait3A_837 = arith.constant 0 : i32
      %dma_wait3A_838 = tpu.memref_slice %arg9[%dma_wait3A_836, %dma_wait3A_837] : memref<10240x16xf32, #tpu.memory_space<vmem_shared>> -> memref<10240x16xf32, #tpu.memory_space<vmem_shared>>
      tpu.wait_indirect_dma semaphore(%arg13 : memref<!tpu.dma_semaphore, #tpu.memory_space<semaphore_mem>>) src(%dma_wait3A_832 : memref<128x16xf32, #tpu.memory_space<vmem>>) dst(%dma_wait3A_838 : memref<10240x16xf32, #tpu.memory_space<vmem_shared>>)
    }
    %scan3A_28 = arith.constant 3 : i32
    %lt3A_29 = arith.constant 4 : i32
    %lt3A_30 = arith.cmpi slt, %add3A, %lt3A_29 : i32
    %convert_element_type3A_31 = arith.extui %lt3A_30 : i1 to i32
    %cond3A_32 = arith.constant 0 : i32
    %cond3A_33 = arith.cmpi ne, %convert_element_type3A_31, %cond3A_32 : i32
    scf.if %cond3A_33 {
      %dma_start3A_39 = arith.constant 0 : i32
      %dma_start3A_40 = arith.constant 0 : i32
      %dma_start3A_41 = arith.constant 0 : i32
      %dma_start3A_42 = tpu.memref_slice %arg8[%dma_start3A_39, %dma_start3A_40, %dma_start3A_41] : memref<2x1664x16xf32, #tpu.memory_space<vmem>> -> memref<1x128x16xf32, #tpu.memory_space<vmem>>
      %dma_start3A_43 = tpu.memref_squeeze %dma_start3A_42 : memref<1x128x16xf32, #tpu.memory_space<vmem>> -> memref<128x16xf32, #tpu.memory_space<vmem>>
      %dma_start3A_44 = arith.constant 9984 : i32
      %dma_start3A_45 = tpu.memref_slice %arg7[%dma_start3A_44] : memref<10112xi32, #tpu.memory_space<vmem>> -> memref<128xi32, #tpu.memory_space<vmem>>
      %dma_start3A_46 = arith.constant 0 : i32
      %dma_start3A_47 = arith.constant 0 : i32
      %dma_start3A_48 = tpu.memref_slice %arg2[%dma_start3A_46, %dma_start3A_47] : memref<81920x16xf32, #tpu.memory_space<hbm>> -> memref<81920x16xf32, #tpu.memory_space<hbm>>
      tpu.enqueue_indirect_dma source(%dma_start3A_48 : memref<81920x16xf32, #tpu.memory_space<hbm>>) target(%dma_start3A_43 : memref<128x16xf32, #tpu.memory_space<vmem>>) offsets(%dma_start3A_45 : memref<128xi32, #tpu.memory_space<vmem>>) semaphore(%arg10 : memref<!tpu.dma_semaphore, #tpu.memory_space<semaphore_mem>>)
      %dma_wait3A = arith.constant 0 : i32
      %dma_wait3A_49 = arith.constant 0 : i32
      %dma_wait3A_50 = arith.constant 0 : i32
      %dma_wait3A_51 = tpu.memref_slice %arg8[%dma_wait3A, %dma_wait3A_49, %dma_wait3A_50] : memref<2x1664x16xf32, #tpu.memory_space<vmem>> -> memref<1x128x16xf32, #tpu.memory_space<vmem>>
      %dma_wait3A_52 = tpu.memref_squeeze %dma_wait3A_51 : memref<1x128x16xf32, #tpu.memory_space<vmem>> -> memref<128x16xf32, #tpu.memory_space<vmem>>
      %dma_wait3A_53 = arith.constant 9984 : i32
      %dma_wait3A_54 = tpu.memref_slice %arg7[%dma_wait3A_53] : memref<10112xi32, #tpu.memory_space<vmem>> -> memref<128xi32, #tpu.memory_space<vmem>>
      %dma_wait3A_55 = arith.constant 0 : i32
      %dma_wait3A_56 = arith.constant 0 : i32
      %dma_wait3A_57 = tpu.memref_slice %arg2[%dma_wait3A_55, %dma_wait3A_56] : memref<81920x16xf32, #tpu.memory_space<hbm>> -> memref<81920x16xf32, #tpu.memory_space<hbm>>
      tpu.wait_indirect_dma semaphore(%arg10 : memref<!tpu.dma_semaphore, #tpu.memory_space<semaphore_mem>>) src(%dma_wait3A_57 : memref<81920x16xf32, #tpu.memory_space<hbm>>) dst(%dma_wait3A_52 : memref<128x16xf32, #tpu.memory_space<vmem>>)
      %dma_start3A_58 = arith.constant 0 : i32
      %dma_start3A_59 = arith.constant 78 : i32
      %dma_start3A_60 = arith.constant 1 : i32
      %dma_start3A_61 = arith.constant 0 : i32
      %dma_start3A_62 = arith.constant 0 : i32
      %dma_start3A_63 = tpu.memref_slice %arg8[%dma_start3A_58, %dma_start3A_61, %dma_start3A_62] : memref<2x1664x16xf32, #tpu.memory_space<vmem>> -> memref<1x128x16xf32, #tpu.memory_space<vmem>>
      %dma_start3A_64 = tpu.memref_squeeze %dma_start3A_63 : memref<1x128x16xf32, #tpu.memory_space<vmem>> -> memref<128x16xf32, #tpu.memory_space<vmem>>
      %dma_start3A_65 = arith.constant 0 : i32
      %dma_start3A_66 = tpu.memref_slice %arg6[%dma_start3A_59, %dma_start3A_60, %dma_start3A_65] : memref<79x2x128xi32, #tpu.memory_space<vmem>> -> memref<1x1x128xi32, #tpu.memory_space<vmem>>
      %dma_start3A_67 = tpu.memref_squeeze %dma_start3A_66 : memref<1x1x128xi32, #tpu.memory_space<vmem>> -> memref<128xi32, #tpu.memory_space<vmem>>
      %dma_start3A_68 = arith.constant 0 : i32
      %dma_start3A_69 = arith.constant 0 : i32
      %dma_start3A_70 = tpu.memref_slice %arg9[%dma_start3A_68, %dma_start3A_69] : memref<10240x16xf32, #tpu.memory_space<vmem_shared>> -> memref<10240x16xf32, #tpu.memory_space<vmem_shared>>
      tpu.enqueue_indirect_dma source(%dma_start3A_64 : memref<128x16xf32, #tpu.memory_space<vmem>>) target(%dma_start3A_70 : memref<10240x16xf32, #tpu.memory_space<vmem_shared>>) offsets(%dma_start3A_67 : memref<128xi32, #tpu.memory_space<vmem>>) semaphore(%arg12 : memref<!tpu.dma_semaphore, #tpu.memory_space<semaphore_mem>>) {add = true}
      %dma_wait3A_71 = arith.constant 0 : i32
      %dma_wait3A_72 = arith.constant 78 : i32
      %dma_wait3A_73 = arith.constant 1 : i32
      %dma_wait3A_74 = arith.constant 0 : i32
      %dma_wait3A_75 = arith.constant 0 : i32
      %dma_wait3A_76 = tpu.memref_slice %arg8[%dma_wait3A_71, %dma_wait3A_74, %dma_wait3A_75] : memref<2x1664x16xf32, #tpu.memory_space<vmem>> -> memref<1x128x16xf32, #tpu.memory_space<vmem>>
      %dma_wait3A_77 = tpu.memref_squeeze %dma_wait3A_76 : memref<1x128x16xf32, #tpu.memory_space<vmem>> -> memref<128x16xf32, #tpu.memory_space<vmem>>
      %dma_wait3A_78 = arith.constant 0 : i32
      %dma_wait3A_79 = tpu.memref_slice %arg6[%dma_wait3A_72, %dma_wait3A_73, %dma_wait3A_78] : memref<79x2x128xi32, #tpu.memory_space<vmem>> -> memref<1x1x128xi32, #tpu.memory_space<vmem>>
      %dma_wait3A_80 = tpu.memref_squeeze %dma_wait3A_79 : memref<1x1x128xi32, #tpu.memory_space<vmem>> -> memref<128xi32, #tpu.memory_space<vmem>>
      %dma_wait3A_81 = arith.constant 0 : i32
      %dma_wait3A_82 = arith.constant 0 : i32
      %dma_wait3A_83 = tpu.memref_slice %arg9[%dma_wait3A_81, %dma_wait3A_82] : memref<10240x16xf32, #tpu.memory_space<vmem_shared>> -> memref<10240x16xf32, #tpu.memory_space<vmem_shared>>
      tpu.wait_indirect_dma semaphore(%arg12 : memref<!tpu.dma_semaphore, #tpu.memory_space<semaphore_mem>>) src(%dma_wait3A_77 : memref<128x16xf32, #tpu.memory_space<vmem>>) dst(%dma_wait3A_83 : memref<10240x16xf32, #tpu.memory_space<vmem_shared>>)
    } else {
    }
    %barrier3A_34 = arith.constant 0 : index
    tpu.barrier barrier_id(%barrier3A_34)
    %mul3A_35 = arith.constant 640 : i32
    %mul3A_36 = arith.muli %arg1, %mul3A_35 : i32
    %mul3A_37 = arith.constant 640 : i32
    %mul3A_38 = arith.muli %arg1, %mul3A_37 : i32
    "tpu.region"() ({
      %run_scoped3A = tpu.sem_alloc : memref<!tpu.dma_semaphore, #tpu.memory_space<semaphore_mem>>
      %dma_start3A_39 = arith.constant 0 : i32
      %dma_start3A_40 = tpu.memref_slice %arg5[%arg0, %mul3A_38, %dma_start3A_39] : memref<2x10240x128xf32, #tpu.memory_space<hbm>> -> memref<1x640x16xf32, #tpu.memory_space<hbm>>
      %dma_start3A_41 = tpu.memref_squeeze %dma_start3A_40 : memref<1x640x16xf32, #tpu.memory_space<hbm>> -> memref<640x16xf32, #tpu.memory_space<hbm>>
      %dma_start3A_42 = arith.constant 0 : i32
      %dma_start3A_43 = tpu.memref_slice %arg9[%mul3A_36, %dma_start3A_42] : memref<10240x16xf32, #tpu.memory_space<vmem_shared>> -> memref<640x16xf32, #tpu.memory_space<vmem_shared>>
      tpu.enqueue_dma source(%dma_start3A_43 : memref<640x16xf32, #tpu.memory_space<vmem_shared>>) target(%dma_start3A_41 : memref<640x16xf32, #tpu.memory_space<hbm>>) target_semaphore(%run_scoped3A : memref<!tpu.dma_semaphore, #tpu.memory_space<semaphore_mem>>)
      %dma_wait3A = arith.constant 0 : i32
      %dma_wait3A_44 = tpu.memref_slice %arg5[%arg0, %mul3A_38, %dma_wait3A] : memref<2x10240x128xf32, #tpu.memory_space<hbm>> -> memref<1x640x16xf32, #tpu.memory_space<hbm>>
      %dma_wait3A_45 = tpu.memref_squeeze %dma_wait3A_44 : memref<1x640x16xf32, #tpu.memory_space<hbm>> -> memref<640x16xf32, #tpu.memory_space<hbm>>
      %dma_wait3A_46 = arith.constant 0 : i32
      %dma_wait3A_47 = tpu.memref_slice %arg9[%mul3A_36, %dma_wait3A_46] : memref<10240x16xf32, #tpu.memory_space<vmem_shared>> -> memref<640x16xf32, #tpu.memory_space<vmem_shared>>
      tpu.wait_dma2 semaphore(%run_scoped3A : memref<!tpu.dma_semaphore, #tpu.memory_space<semaphore_mem>>) src(%dma_wait3A_47 : memref<640x16xf32, #tpu.memory_space<vmem_shared>>) dst(%dma_wait3A_45 : memref<640x16xf32, #tpu.memory_space<hbm>>)
      tpu.yield
    }) : () -> ()
    return
  }
}

#map = affine_map<(d0, d1) -> (0, 0, 0)>
#map1 = affine_map<(d0, d1) -> (0)>
#map2 = affine_map<(d0, d1) -> (0, 0)>
module attributes {stable_mosaic.version = 14 : i64} {
  func.func @_deg_body(%arg0: i32, %arg1: i32, %arg2: memref<2500x2x128xi32, #tpu.memory_space<hbm>>, %arg3: memref<128xf32, #tpu.memory_space<hbm>>, %arg4: memref<10240xf32, #tpu.memory_space<hbm>>, %arg5: memref<2x10240xf32, #tpu.memory_space<hbm>>, %arg6: memref<79x2x128xi32, #tpu.memory_space<vmem>>, %arg7: memref<128xf32, #tpu.memory_space<vmem>>, %arg8: memref<10240xf32, #tpu.memory_space<vmem_shared>>, %arg9: memref<!tpu.dma_semaphore, #tpu.memory_space<semaphore_mem>>) attributes {dimension_semantics = [#tpu.dimension_semantics<core_parallel>, #tpu.dimension_semantics<subcore_parallel>], iteration_bounds = array<i64: 2, 16>, scalar_prefetch = 0 : i64, scratch_operands = 4 : i64, tpu.core_type = #tpu.core_type<sc_vector_subcore>, window_params = [{transform_indices = #map}, {transform_indices = #map1}, {transform_indices = #map1}, {transform_indices = #map2}]} {
    %mul3A = arith.constant 16 : i32
    %mul3A_0 = arith.muli %arg0, %mul3A : i32
    %add3A = arith.addi %mul3A_0, %arg1 : i32
    %mul3A_1 = arith.constant 640 : i32
    %mul3A_2 = arith.muli %arg1, %mul3A_1 : i32
    %mul3A_3 = arith.constant 640 : i32
    %mul3A_4 = arith.muli %arg1, %mul3A_3 : i32
    "tpu.region"() ({
      %run_scoped3A = tpu.sem_alloc : memref<!tpu.dma_semaphore, #tpu.memory_space<semaphore_mem>>
      %dma_start3A = tpu.memref_slice %arg8[%mul3A_4] : memref<10240xf32, #tpu.memory_space<vmem_shared>> -> memref<640xf32, #tpu.memory_space<vmem_shared>>
      %dma_start3A_24 = tpu.memref_slice %arg4[%mul3A_2] : memref<10240xf32, #tpu.memory_space<hbm>> -> memref<640xf32, #tpu.memory_space<hbm>>
      tpu.enqueue_dma source(%dma_start3A_24 : memref<640xf32, #tpu.memory_space<hbm>>) target(%dma_start3A : memref<640xf32, #tpu.memory_space<vmem_shared>>) target_semaphore(%run_scoped3A : memref<!tpu.dma_semaphore, #tpu.memory_space<semaphore_mem>>)
      %dma_wait3A = tpu.memref_slice %arg8[%mul3A_4] : memref<10240xf32, #tpu.memory_space<vmem_shared>> -> memref<640xf32, #tpu.memory_space<vmem_shared>>
      %dma_wait3A_25 = tpu.memref_slice %arg4[%mul3A_2] : memref<10240xf32, #tpu.memory_space<hbm>> -> memref<640xf32, #tpu.memory_space<hbm>>
      tpu.wait_dma2 semaphore(%run_scoped3A : memref<!tpu.dma_semaphore, #tpu.memory_space<semaphore_mem>>) src(%dma_wait3A_25 : memref<640xf32, #tpu.memory_space<hbm>>) dst(%dma_wait3A : memref<640xf32, #tpu.memory_space<vmem_shared>>)
      tpu.yield
    }) : () -> ()
    "tpu.region"() ({
      %run_scoped3A = tpu.sem_alloc : memref<!tpu.dma_semaphore, #tpu.memory_space<semaphore_mem>>
      tpu.enqueue_dma source(%arg3 : memref<128xf32, #tpu.memory_space<hbm>>) target(%arg7 : memref<128xf32, #tpu.memory_space<vmem>>) target_semaphore(%run_scoped3A : memref<!tpu.dma_semaphore, #tpu.memory_space<semaphore_mem>>)
      tpu.wait_dma2 semaphore(%run_scoped3A : memref<!tpu.dma_semaphore, #tpu.memory_space<semaphore_mem>>) src(%arg3 : memref<128xf32, #tpu.memory_space<hbm>>) dst(%arg7 : memref<128xf32, #tpu.memory_space<vmem>>)
      tpu.yield
    }) : () -> ()
    %mul3A_5 = arith.constant 78 : i32
    %mul3A_6 = arith.muli %add3A, %mul3A_5 : i32
    "tpu.region"() ({
      %run_scoped3A = tpu.sem_alloc : memref<!tpu.dma_semaphore, #tpu.memory_space<semaphore_mem>>
      %dma_start3A = arith.constant 0 : i32
      %dma_start3A_24 = arith.constant 0 : i32
      %dma_start3A_25 = arith.constant 0 : i32
      %dma_start3A_26 = tpu.memref_slice %arg6[%dma_start3A, %dma_start3A_24, %dma_start3A_25] : memref<79x2x128xi32, #tpu.memory_space<vmem>> -> memref<78x2x128xi32, #tpu.memory_space<vmem>>
      %dma_start3A_27 = arith.constant 0 : i32
      %dma_start3A_28 = arith.constant 0 : i32
      %dma_start3A_29 = tpu.memref_slice %arg2[%mul3A_6, %dma_start3A_27, %dma_start3A_28] : memref<2500x2x128xi32, #tpu.memory_space<hbm>> -> memref<78x2x128xi32, #tpu.memory_space<hbm>>
      %dma_start3A_30 = arith.constant 0 : i32
      %dma_start3A_31 = arith.constant 0 : i32
      %dma_start3A_32 = arith.constant 0 : i32
      %dma_start3A_33 = tpu.memref_slice %arg6[%dma_start3A_30, %dma_start3A_31, %dma_start3A_32] : memref<79x2x128xi32, #tpu.memory_space<vmem>> -> memref<78x2x128xi32, #tpu.memory_space<vmem>>
      %dma_start3A_34 = arith.constant 0 : i32
      %dma_start3A_35 = arith.constant 0 : i32
      %dma_start3A_36 = tpu.memref_slice %arg2[%mul3A_6, %dma_start3A_34, %dma_start3A_35] : memref<2500x2x128xi32, #tpu.memory_space<hbm>> -> memref<78x2x128xi32, #tpu.memory_space<hbm>>
      tpu.enqueue_dma source(%dma_start3A_36 : memref<78x2x128xi32, #tpu.memory_space<hbm>>) target(%dma_start3A_33 : memref<78x2x128xi32, #tpu.memory_space<vmem>>) target_semaphore(%run_scoped3A : memref<!tpu.dma_semaphore, #tpu.memory_space<semaphore_mem>>)
      %dma_wait3A = arith.constant 0 : i32
      %dma_wait3A_37 = arith.constant 0 : i32
      %dma_wait3A_38 = arith.constant 0 : i32
      %dma_wait3A_39 = tpu.memref_slice %arg6[%dma_wait3A, %dma_wait3A_37, %dma_wait3A_38] : memref<79x2x128xi32, #tpu.memory_space<vmem>> -> memref<78x2x128xi32, #tpu.memory_space<vmem>>
      %dma_wait3A_40 = arith.constant 0 : i32
      %dma_wait3A_41 = arith.constant 0 : i32
      %dma_wait3A_42 = tpu.memref_slice %arg2[%mul3A_6, %dma_wait3A_40, %dma_wait3A_41] : memref<2500x2x128xi32, #tpu.memory_space<hbm>> -> memref<78x2x128xi32, #tpu.memory_space<hbm>>
      %dma_wait3A_43 = arith.constant 0 : i32
      %dma_wait3A_44 = arith.constant 0 : i32
      %dma_wait3A_45 = arith.constant 0 : i32
      %dma_wait3A_46 = tpu.memref_slice %arg6[%dma_wait3A_43, %dma_wait3A_44, %dma_wait3A_45] : memref<79x2x128xi32, #tpu.memory_space<vmem>> -> memref<78x2x128xi32, #tpu.memory_space<vmem>>
      %dma_wait3A_47 = arith.constant 0 : i32
      %dma_wait3A_48 = arith.constant 0 : i32
      %dma_wait3A_49 = tpu.memref_slice %arg2[%mul3A_6, %dma_wait3A_47, %dma_wait3A_48] : memref<2500x2x128xi32, #tpu.memory_space<hbm>> -> memref<78x2x128xi32, #tpu.memory_space<hbm>>
      tpu.wait_dma2 semaphore(%run_scoped3A : memref<!tpu.dma_semaphore, #tpu.memory_space<semaphore_mem>>) src(%dma_wait3A_49 : memref<78x2x128xi32, #tpu.memory_space<hbm>>) dst(%dma_wait3A_46 : memref<78x2x128xi32, #tpu.memory_space<vmem>>)
      tpu.yield
    }) : () -> ()
    %lt3A = arith.constant 4 : i32
    %lt3A_7 = arith.cmpi slt, %add3A, %lt3A : i32
    %convert_element_type3A = arith.extui %lt3A_7 : i1 to i32
    %cond3A = arith.constant 0 : i32
    %cond3A_8 = arith.cmpi ne, %convert_element_type3A, %cond3A : i32
    scf.if %cond3A_8 {
      %add3A_24 = arith.constant 2496 : i32
      %add3A_25 = arith.addi %add3A_24, %add3A : i32
      "tpu.region"() ({
        %run_scoped3A = tpu.sem_alloc : memref<!tpu.dma_semaphore, #tpu.memory_space<semaphore_mem>>
        %dma_start3A = arith.constant 78 : i32
        %dma_start3A_26 = arith.constant 0 : i32
        %dma_start3A_27 = arith.constant 0 : i32
        %dma_start3A_28 = tpu.memref_slice %arg6[%dma_start3A, %dma_start3A_26, %dma_start3A_27] : memref<79x2x128xi32, #tpu.memory_space<vmem>> -> memref<1x2x128xi32, #tpu.memory_space<vmem>>
        %dma_start3A_29 = arith.constant 0 : i32
        %dma_start3A_30 = arith.constant 0 : i32
        %dma_start3A_31 = tpu.memref_slice %arg2[%add3A_25, %dma_start3A_29, %dma_start3A_30] : memref<2500x2x128xi32, #tpu.memory_space<hbm>> -> memref<1x2x128xi32, #tpu.memory_space<hbm>>
        %dma_start3A_32 = arith.constant 78 : i32
        %dma_start3A_33 = arith.constant 0 : i32
        %dma_start3A_34 = arith.constant 0 : i32
        %dma_start3A_35 = tpu.memref_slice %arg6[%dma_start3A_32, %dma_start3A_33, %dma_start3A_34] : memref<79x2x128xi32, #tpu.memory_space<vmem>> -> memref<1x2x128xi32, #tpu.memory_space<vmem>>
        %dma_start3A_36 = arith.constant 0 : i32
        %dma_start3A_37 = arith.constant 0 : i32
        %dma_start3A_38 = tpu.memref_slice %arg2[%add3A_25, %dma_start3A_36, %dma_start3A_37] : memref<2500x2x128xi32, #tpu.memory_space<hbm>> -> memref<1x2x128xi32, #tpu.memory_space<hbm>>
        tpu.enqueue_dma source(%dma_start3A_38 : memref<1x2x128xi32, #tpu.memory_space<hbm>>) target(%dma_start3A_35 : memref<1x2x128xi32, #tpu.memory_space<vmem>>) target_semaphore(%run_scoped3A : memref<!tpu.dma_semaphore, #tpu.memory_space<semaphore_mem>>)
        %dma_wait3A = arith.constant 78 : i32
        %dma_wait3A_39 = arith.constant 0 : i32
        %dma_wait3A_40 = arith.constant 0 : i32
        %dma_wait3A_41 = tpu.memref_slice %arg6[%dma_wait3A, %dma_wait3A_39, %dma_wait3A_40] : memref<79x2x128xi32, #tpu.memory_space<vmem>> -> memref<1x2x128xi32, #tpu.memory_space<vmem>>
        %dma_wait3A_42 = arith.constant 0 : i32
        %dma_wait3A_43 = arith.constant 0 : i32
        %dma_wait3A_44 = tpu.memref_slice %arg2[%add3A_25, %dma_wait3A_42, %dma_wait3A_43] : memref<2500x2x128xi32, #tpu.memory_space<hbm>> -> memref<1x2x128xi32, #tpu.memory_space<hbm>>
        %dma_wait3A_45 = arith.constant 78 : i32
        %dma_wait3A_46 = arith.constant 0 : i32
        %dma_wait3A_47 = arith.constant 0 : i32
        %dma_wait3A_48 = tpu.memref_slice %arg6[%dma_wait3A_45, %dma_wait3A_46, %dma_wait3A_47] : memref<79x2x128xi32, #tpu.memory_space<vmem>> -> memref<1x2x128xi32, #tpu.memory_space<vmem>>
        %dma_wait3A_49 = arith.constant 0 : i32
        %dma_wait3A_50 = arith.constant 0 : i32
        %dma_wait3A_51 = tpu.memref_slice %arg2[%add3A_25, %dma_wait3A_49, %dma_wait3A_50] : memref<2500x2x128xi32, #tpu.memory_space<hbm>> -> memref<1x2x128xi32, #tpu.memory_space<hbm>>
        tpu.wait_dma2 semaphore(%run_scoped3A : memref<!tpu.dma_semaphore, #tpu.memory_space<semaphore_mem>>) src(%dma_wait3A_51 : memref<1x2x128xi32, #tpu.memory_space<hbm>>) dst(%dma_wait3A_48 : memref<1x2x128xi32, #tpu.memory_space<vmem>>)
        tpu.yield
      }) : () -> ()
    } else {
    }
    %barrier3A = arith.constant 0 : index
    tpu.barrier barrier_id(%barrier3A)
    %scan3A = arith.constant 0 : i32
    %scan3A_9 = arith.constant 0 : i32
    %scan3A_10 = arith.constant 6 : i32
    %scan3A_11 = arith.addi %scan3A_9, %scan3A_10 : i32
    %scan3A_12 = arith.constant 1 : i32
    scf.for %scan3A_24 = %scan3A_9 to %scan3A_11 step %scan3A_12  : i32 {
      %mul3A_25 = arith.constant 13 : i32
      %mul3A_26 = arith.muli %scan3A_24, %mul3A_25 : i32
      %add3A_27 = arith.constant 0 : i32
      %add3A_28 = arith.addi %mul3A_26, %add3A_27 : i32
      %dma_start3A = arith.constant 1 : i32
      %dma_start3A_29 = arith.constant 0 : i32
      %dma_start3A_30 = tpu.memref_slice %arg6[%add3A_28, %dma_start3A, %dma_start3A_29] : memref<79x2x128xi32, #tpu.memory_space<vmem>> -> memref<1x1x128xi32, #tpu.memory_space<vmem>>
      %dma_start3A_31 = tpu.memref_squeeze %dma_start3A_30 : memref<1x1x128xi32, #tpu.memory_space<vmem>> -> memref<128xi32, #tpu.memory_space<vmem>>
      %dma_start3A_32 = arith.constant 0 : i32
      %dma_start3A_33 = tpu.memref_slice %arg8[%dma_start3A_32] : memref<10240xf32, #tpu.memory_space<vmem_shared>> -> memref<10240xf32, #tpu.memory_space<vmem_shared>>
      tpu.enqueue_indirect_dma source(%arg7 : memref<128xf32, #tpu.memory_space<vmem>>) target(%dma_start3A_33 : memref<10240xf32, #tpu.memory_space<vmem_shared>>) offsets(%dma_start3A_31 : memref<128xi32, #tpu.memory_space<vmem>>) semaphore(%arg9 : memref<!tpu.dma_semaphore, #tpu.memory_space<semaphore_mem>>) {add = true}
      %mul3A_34 = arith.constant 13 : i32
      %mul3A_35 = arith.muli %scan3A_24, %mul3A_34 : i32
      %add3A_36 = arith.constant 1 : i32
      %add3A_37 = arith.addi %mul3A_35, %add3A_36 : i32
      %dma_start3A_38 = arith.constant 1 : i32
      %dma_start3A_39 = arith.constant 0 : i32
      %dma_start3A_40 = tpu.memref_slice %arg6[%add3A_37, %dma_start3A_38, %dma_start3A_39] : memref<79x2x128xi32, #tpu.memory_space<vmem>> -> memref<1x1x128xi32, #tpu.memory_space<vmem>>
      %dma_start3A_41 = tpu.memref_squeeze %dma_start3A_40 : memref<1x1x128xi32, #tpu.memory_space<vmem>> -> memref<128xi32, #tpu.memory_space<vmem>>
      %dma_start3A_42 = arith.constant 0 : i32
      %dma_start3A_43 = tpu.memref_slice %arg8[%dma_start3A_42] : memref<10240xf32, #tpu.memory_space<vmem_shared>> -> memref<10240xf32, #tpu.memory_space<vmem_shared>>
      tpu.enqueue_indirect_dma source(%arg7 : memref<128xf32, #tpu.memory_space<vmem>>) target(%dma_start3A_43 : memref<10240xf32, #tpu.memory_space<vmem_shared>>) offsets(%dma_start3A_41 : memref<128xi32, #tpu.memory_space<vmem>>) semaphore(%arg9 : memref<!tpu.dma_semaphore, #tpu.memory_space<semaphore_mem>>) {add = true}
      %mul3A_44 = arith.constant 13 : i32
      %mul3A_45 = arith.muli %scan3A_24, %mul3A_44 : i32
      %add3A_46 = arith.constant 2 : i32
      %add3A_47 = arith.addi %mul3A_45, %add3A_46 : i32
      %dma_start3A_48 = arith.constant 1 : i32
      %dma_start3A_49 = arith.constant 0 : i32
      %dma_start3A_50 = tpu.memref_slice %arg6[%add3A_47, %dma_start3A_48, %dma_start3A_49] : memref<79x2x128xi32, #tpu.memory_space<vmem>> -> memref<1x1x128xi32, #tpu.memory_space<vmem>>
      %dma_start3A_51 = tpu.memref_squeeze %dma_start3A_50 : memref<1x1x128xi32, #tpu.memory_space<vmem>> -> memref<128xi32, #tpu.memory_space<vmem>>
      %dma_start3A_52 = arith.constant 0 : i32
      %dma_start3A_53 = tpu.memref_slice %arg8[%dma_start3A_52] : memref<10240xf32, #tpu.memory_space<vmem_shared>> -> memref<10240xf32, #tpu.memory_space<vmem_shared>>
      tpu.enqueue_indirect_dma source(%arg7 : memref<128xf32, #tpu.memory_space<vmem>>) target(%dma_start3A_53 : memref<10240xf32, #tpu.memory_space<vmem_shared>>) offsets(%dma_start3A_51 : memref<128xi32, #tpu.memory_space<vmem>>) semaphore(%arg9 : memref<!tpu.dma_semaphore, #tpu.memory_space<semaphore_mem>>) {add = true}
      %mul3A_54 = arith.constant 13 : i32
      %mul3A_55 = arith.muli %scan3A_24, %mul3A_54 : i32
      %add3A_56 = arith.constant 3 : i32
      %add3A_57 = arith.addi %mul3A_55, %add3A_56 : i32
      %dma_start3A_58 = arith.constant 1 : i32
      %dma_start3A_59 = arith.constant 0 : i32
      %dma_start3A_60 = tpu.memref_slice %arg6[%add3A_57, %dma_start3A_58, %dma_start3A_59] : memref<79x2x128xi32, #tpu.memory_space<vmem>> -> memref<1x1x128xi32, #tpu.memory_space<vmem>>
      %dma_start3A_61 = tpu.memref_squeeze %dma_start3A_60 : memref<1x1x128xi32, #tpu.memory_space<vmem>> -> memref<128xi32, #tpu.memory_space<vmem>>
      %dma_start3A_62 = arith.constant 0 : i32
      %dma_start3A_63 = tpu.memref_slice %arg8[%dma_start3A_62] : memref<10240xf32, #tpu.memory_space<vmem_shared>> -> memref<10240xf32, #tpu.memory_space<vmem_shared>>
      tpu.enqueue_indirect_dma source(%arg7 : memref<128xf32, #tpu.memory_space<vmem>>) target(%dma_start3A_63 : memref<10240xf32, #tpu.memory_space<vmem_shared>>) offsets(%dma_start3A_61 : memref<128xi32, #tpu.memory_space<vmem>>) semaphore(%arg9 : memref<!tpu.dma_semaphore, #tpu.memory_space<semaphore_mem>>) {add = true}
      %mul3A_64 = arith.constant 13 : i32
      %mul3A_65 = arith.muli %scan3A_24, %mul3A_64 : i32
      %add3A_66 = arith.constant 4 : i32
      %add3A_67 = arith.addi %mul3A_65, %add3A_66 : i32
      %dma_start3A_68 = arith.constant 1 : i32
      %dma_start3A_69 = arith.constant 0 : i32
      %dma_start3A_70 = tpu.memref_slice %arg6[%add3A_67, %dma_start3A_68, %dma_start3A_69] : memref<79x2x128xi32, #tpu.memory_space<vmem>> -> memref<1x1x128xi32, #tpu.memory_space<vmem>>
      %dma_start3A_71 = tpu.memref_squeeze %dma_start3A_70 : memref<1x1x128xi32, #tpu.memory_space<vmem>> -> memref<128xi32, #tpu.memory_space<vmem>>
      %dma_start3A_72 = arith.constant 0 : i32
      %dma_start3A_73 = tpu.memref_slice %arg8[%dma_start3A_72] : memref<10240xf32, #tpu.memory_space<vmem_shared>> -> memref<10240xf32, #tpu.memory_space<vmem_shared>>
      tpu.enqueue_indirect_dma source(%arg7 : memref<128xf32, #tpu.memory_space<vmem>>) target(%dma_start3A_73 : memref<10240xf32, #tpu.memory_space<vmem_shared>>) offsets(%dma_start3A_71 : memref<128xi32, #tpu.memory_space<vmem>>) semaphore(%arg9 : memref<!tpu.dma_semaphore, #tpu.memory_space<semaphore_mem>>) {add = true}
      %mul3A_74 = arith.constant 13 : i32
      %mul3A_75 = arith.muli %scan3A_24, %mul3A_74 : i32
      %add3A_76 = arith.constant 5 : i32
      %add3A_77 = arith.addi %mul3A_75, %add3A_76 : i32
      %dma_start3A_78 = arith.constant 1 : i32
      %dma_start3A_79 = arith.constant 0 : i32
      %dma_start3A_80 = tpu.memref_slice %arg6[%add3A_77, %dma_start3A_78, %dma_start3A_79] : memref<79x2x128xi32, #tpu.memory_space<vmem>> -> memref<1x1x128xi32, #tpu.memory_space<vmem>>
      %dma_start3A_81 = tpu.memref_squeeze %dma_start3A_80 : memref<1x1x128xi32, #tpu.memory_space<vmem>> -> memref<128xi32, #tpu.memory_space<vmem>>
      %dma_start3A_82 = arith.constant 0 : i32
      %dma_start3A_83 = tpu.memref_slice %arg8[%dma_start3A_82] : memref<10240xf32, #tpu.memory_space<vmem_shared>> -> memref<10240xf32, #tpu.memory_space<vmem_shared>>
      tpu.enqueue_indirect_dma source(%arg7 : memref<128xf32, #tpu.memory_space<vmem>>) target(%dma_start3A_83 : memref<10240xf32, #tpu.memory_space<vmem_shared>>) offsets(%dma_start3A_81 : memref<128xi32, #tpu.memory_space<vmem>>) semaphore(%arg9 : memref<!tpu.dma_semaphore, #tpu.memory_space<semaphore_mem>>) {add = true}
      %mul3A_84 = arith.constant 13 : i32
      %mul3A_85 = arith.muli %scan3A_24, %mul3A_84 : i32
      %add3A_86 = arith.constant 6 : i32
      %add3A_87 = arith.addi %mul3A_85, %add3A_86 : i32
      %dma_start3A_88 = arith.constant 1 : i32
      %dma_start3A_89 = arith.constant 0 : i32
      %dma_start3A_90 = tpu.memref_slice %arg6[%add3A_87, %dma_start3A_88, %dma_start3A_89] : memref<79x2x128xi32, #tpu.memory_space<vmem>> -> memref<1x1x128xi32, #tpu.memory_space<vmem>>
      %dma_start3A_91 = tpu.memref_squeeze %dma_start3A_90 : memref<1x1x128xi32, #tpu.memory_space<vmem>> -> memref<128xi32, #tpu.memory_space<vmem>>
      %dma_start3A_92 = arith.constant 0 : i32
      %dma_start3A_93 = tpu.memref_slice %arg8[%dma_start3A_92] : memref<10240xf32, #tpu.memory_space<vmem_shared>> -> memref<10240xf32, #tpu.memory_space<vmem_shared>>
      tpu.enqueue_indirect_dma source(%arg7 : memref<128xf32, #tpu.memory_space<vmem>>) target(%dma_start3A_93 : memref<10240xf32, #tpu.memory_space<vmem_shared>>) offsets(%dma_start3A_91 : memref<128xi32, #tpu.memory_space<vmem>>) semaphore(%arg9 : memref<!tpu.dma_semaphore, #tpu.memory_space<semaphore_mem>>) {add = true}
      %mul3A_94 = arith.constant 13 : i32
      %mul3A_95 = arith.muli %scan3A_24, %mul3A_94 : i32
      %add3A_96 = arith.constant 7 : i32
      %add3A_97 = arith.addi %mul3A_95, %add3A_96 : i32
      %dma_start3A_98 = arith.constant 1 : i32
      %dma_start3A_99 = arith.constant 0 : i32
      %dma_start3A_100 = tpu.memref_slice %arg6[%add3A_97, %dma_start3A_98, %dma_start3A_99] : memref<79x2x128xi32, #tpu.memory_space<vmem>> -> memref<1x1x128xi32, #tpu.memory_space<vmem>>
      %dma_start3A_101 = tpu.memref_squeeze %dma_start3A_100 : memref<1x1x128xi32, #tpu.memory_space<vmem>> -> memref<128xi32, #tpu.memory_space<vmem>>
      %dma_start3A_102 = arith.constant 0 : i32
      %dma_start3A_103 = tpu.memref_slice %arg8[%dma_start3A_102] : memref<10240xf32, #tpu.memory_space<vmem_shared>> -> memref<10240xf32, #tpu.memory_space<vmem_shared>>
      tpu.enqueue_indirect_dma source(%arg7 : memref<128xf32, #tpu.memory_space<vmem>>) target(%dma_start3A_103 : memref<10240xf32, #tpu.memory_space<vmem_shared>>) offsets(%dma_start3A_101 : memref<128xi32, #tpu.memory_space<vmem>>) semaphore(%arg9 : memref<!tpu.dma_semaphore, #tpu.memory_space<semaphore_mem>>) {add = true}
      %mul3A_104 = arith.constant 13 : i32
      %mul3A_105 = arith.muli %scan3A_24, %mul3A_104 : i32
      %add3A_106 = arith.constant 8 : i32
      %add3A_107 = arith.addi %mul3A_105, %add3A_106 : i32
      %dma_start3A_108 = arith.constant 1 : i32
      %dma_start3A_109 = arith.constant 0 : i32
      %dma_start3A_110 = tpu.memref_slice %arg6[%add3A_107, %dma_start3A_108, %dma_start3A_109] : memref<79x2x128xi32, #tpu.memory_space<vmem>> -> memref<1x1x128xi32, #tpu.memory_space<vmem>>
      %dma_start3A_111 = tpu.memref_squeeze %dma_start3A_110 : memref<1x1x128xi32, #tpu.memory_space<vmem>> -> memref<128xi32, #tpu.memory_space<vmem>>
      %dma_start3A_112 = arith.constant 0 : i32
      %dma_start3A_113 = tpu.memref_slice %arg8[%dma_start3A_112] : memref<10240xf32, #tpu.memory_space<vmem_shared>> -> memref<10240xf32, #tpu.memory_space<vmem_shared>>
      tpu.enqueue_indirect_dma source(%arg7 : memref<128xf32, #tpu.memory_space<vmem>>) target(%dma_start3A_113 : memref<10240xf32, #tpu.memory_space<vmem_shared>>) offsets(%dma_start3A_111 : memref<128xi32, #tpu.memory_space<vmem>>) semaphore(%arg9 : memref<!tpu.dma_semaphore, #tpu.memory_space<semaphore_mem>>) {add = true}
      %mul3A_114 = arith.constant 13 : i32
      %mul3A_115 = arith.muli %scan3A_24, %mul3A_114 : i32
      %add3A_116 = arith.constant 9 : i32
      %add3A_117 = arith.addi %mul3A_115, %add3A_116 : i32
      %dma_start3A_118 = arith.constant 1 : i32
      %dma_start3A_119 = arith.constant 0 : i32
      %dma_start3A_120 = tpu.memref_slice %arg6[%add3A_117, %dma_start3A_118, %dma_start3A_119] : memref<79x2x128xi32, #tpu.memory_space<vmem>> -> memref<1x1x128xi32, #tpu.memory_space<vmem>>
      %dma_start3A_121 = tpu.memref_squeeze %dma_start3A_120 : memref<1x1x128xi32, #tpu.memory_space<vmem>> -> memref<128xi32, #tpu.memory_space<vmem>>
      %dma_start3A_122 = arith.constant 0 : i32
      %dma_start3A_123 = tpu.memref_slice %arg8[%dma_start3A_122] : memref<10240xf32, #tpu.memory_space<vmem_shared>> -> memref<10240xf32, #tpu.memory_space<vmem_shared>>
      tpu.enqueue_indirect_dma source(%arg7 : memref<128xf32, #tpu.memory_space<vmem>>) target(%dma_start3A_123 : memref<10240xf32, #tpu.memory_space<vmem_shared>>) offsets(%dma_start3A_121 : memref<128xi32, #tpu.memory_space<vmem>>) semaphore(%arg9 : memref<!tpu.dma_semaphore, #tpu.memory_space<semaphore_mem>>) {add = true}
      %mul3A_124 = arith.constant 13 : i32
      %mul3A_125 = arith.muli %scan3A_24, %mul3A_124 : i32
      %add3A_126 = arith.constant 10 : i32
      %add3A_127 = arith.addi %mul3A_125, %add3A_126 : i32
      %dma_start3A_128 = arith.constant 1 : i32
      %dma_start3A_129 = arith.constant 0 : i32
      %dma_start3A_130 = tpu.memref_slice %arg6[%add3A_127, %dma_start3A_128, %dma_start3A_129] : memref<79x2x128xi32, #tpu.memory_space<vmem>> -> memref<1x1x128xi32, #tpu.memory_space<vmem>>
      %dma_start3A_131 = tpu.memref_squeeze %dma_start3A_130 : memref<1x1x128xi32, #tpu.memory_space<vmem>> -> memref<128xi32, #tpu.memory_space<vmem>>
      %dma_start3A_132 = arith.constant 0 : i32
      %dma_start3A_133 = tpu.memref_slice %arg8[%dma_start3A_132] : memref<10240xf32, #tpu.memory_space<vmem_shared>> -> memref<10240xf32, #tpu.memory_space<vmem_shared>>
      tpu.enqueue_indirect_dma source(%arg7 : memref<128xf32, #tpu.memory_space<vmem>>) target(%dma_start3A_133 : memref<10240xf32, #tpu.memory_space<vmem_shared>>) offsets(%dma_start3A_131 : memref<128xi32, #tpu.memory_space<vmem>>) semaphore(%arg9 : memref<!tpu.dma_semaphore, #tpu.memory_space<semaphore_mem>>) {add = true}
      %mul3A_134 = arith.constant 13 : i32
      %mul3A_135 = arith.muli %scan3A_24, %mul3A_134 : i32
      %add3A_136 = arith.constant 11 : i32
      %add3A_137 = arith.addi %mul3A_135, %add3A_136 : i32
      %dma_start3A_138 = arith.constant 1 : i32
      %dma_start3A_139 = arith.constant 0 : i32
      %dma_start3A_140 = tpu.memref_slice %arg6[%add3A_137, %dma_start3A_138, %dma_start3A_139] : memref<79x2x128xi32, #tpu.memory_space<vmem>> -> memref<1x1x128xi32, #tpu.memory_space<vmem>>
      %dma_start3A_141 = tpu.memref_squeeze %dma_start3A_140 : memref<1x1x128xi32, #tpu.memory_space<vmem>> -> memref<128xi32, #tpu.memory_space<vmem>>
      %dma_start3A_142 = arith.constant 0 : i32
      %dma_start3A_143 = tpu.memref_slice %arg8[%dma_start3A_142] : memref<10240xf32, #tpu.memory_space<vmem_shared>> -> memref<10240xf32, #tpu.memory_space<vmem_shared>>
      tpu.enqueue_indirect_dma source(%arg7 : memref<128xf32, #tpu.memory_space<vmem>>) target(%dma_start3A_143 : memref<10240xf32, #tpu.memory_space<vmem_shared>>) offsets(%dma_start3A_141 : memref<128xi32, #tpu.memory_space<vmem>>) semaphore(%arg9 : memref<!tpu.dma_semaphore, #tpu.memory_space<semaphore_mem>>) {add = true}
      %mul3A_144 = arith.constant 13 : i32
      %mul3A_145 = arith.muli %scan3A_24, %mul3A_144 : i32
      %add3A_146 = arith.constant 12 : i32
      %add3A_147 = arith.addi %mul3A_145, %add3A_146 : i32
      %dma_start3A_148 = arith.constant 1 : i32
      %dma_start3A_149 = arith.constant 0 : i32
      %dma_start3A_150 = tpu.memref_slice %arg6[%add3A_147, %dma_start3A_148, %dma_start3A_149] : memref<79x2x128xi32, #tpu.memory_space<vmem>> -> memref<1x1x128xi32, #tpu.memory_space<vmem>>
      %dma_start3A_151 = tpu.memref_squeeze %dma_start3A_150 : memref<1x1x128xi32, #tpu.memory_space<vmem>> -> memref<128xi32, #tpu.memory_space<vmem>>
      %dma_start3A_152 = arith.constant 0 : i32
      %dma_start3A_153 = tpu.memref_slice %arg8[%dma_start3A_152] : memref<10240xf32, #tpu.memory_space<vmem_shared>> -> memref<10240xf32, #tpu.memory_space<vmem_shared>>
      tpu.enqueue_indirect_dma source(%arg7 : memref<128xf32, #tpu.memory_space<vmem>>) target(%dma_start3A_153 : memref<10240xf32, #tpu.memory_space<vmem_shared>>) offsets(%dma_start3A_151 : memref<128xi32, #tpu.memory_space<vmem>>) semaphore(%arg9 : memref<!tpu.dma_semaphore, #tpu.memory_space<semaphore_mem>>) {add = true}
      %dma_wait3A = arith.constant 0 : i32
      %dma_wait3A_154 = arith.constant 1 : i32
      %dma_wait3A_155 = arith.constant 0 : i32
      %dma_wait3A_156 = tpu.memref_slice %arg6[%dma_wait3A, %dma_wait3A_154, %dma_wait3A_155] : memref<79x2x128xi32, #tpu.memory_space<vmem>> -> memref<1x1x128xi32, #tpu.memory_space<vmem>>
      %dma_wait3A_157 = tpu.memref_squeeze %dma_wait3A_156 : memref<1x1x128xi32, #tpu.memory_space<vmem>> -> memref<128xi32, #tpu.memory_space<vmem>>
      %dma_wait3A_158 = arith.constant 0 : i32
      %dma_wait3A_159 = tpu.memref_slice %arg8[%dma_wait3A_158] : memref<10240xf32, #tpu.memory_space<vmem_shared>> -> memref<10240xf32, #tpu.memory_space<vmem_shared>>
      tpu.wait_indirect_dma semaphore(%arg9 : memref<!tpu.dma_semaphore, #tpu.memory_space<semaphore_mem>>) src(%arg7 : memref<128xf32, #tpu.memory_space<vmem>>) dst(%dma_wait3A_159 : memref<10240xf32, #tpu.memory_space<vmem_shared>>)
      %dma_wait3A_160 = arith.constant 0 : i32
      %dma_wait3A_161 = arith.constant 1 : i32
      %dma_wait3A_162 = arith.constant 0 : i32
      %dma_wait3A_163 = tpu.memref_slice %arg6[%dma_wait3A_160, %dma_wait3A_161, %dma_wait3A_162] : memref<79x2x128xi32, #tpu.memory_space<vmem>> -> memref<1x1x128xi32, #tpu.memory_space<vmem>>
      %dma_wait3A_164 = tpu.memref_squeeze %dma_wait3A_163 : memref<1x1x128xi32, #tpu.memory_space<vmem>> -> memref<128xi32, #tpu.memory_space<vmem>>
      %dma_wait3A_165 = arith.constant 0 : i32
      %dma_wait3A_166 = tpu.memref_slice %arg8[%dma_wait3A_165] : memref<10240xf32, #tpu.memory_space<vmem_shared>> -> memref<10240xf32, #tpu.memory_space<vmem_shared>>
      tpu.wait_indirect_dma semaphore(%arg9 : memref<!tpu.dma_semaphore, #tpu.memory_space<semaphore_mem>>) src(%arg7 : memref<128xf32, #tpu.memory_space<vmem>>) dst(%dma_wait3A_166 : memref<10240xf32, #tpu.memory_space<vmem_shared>>)
      %dma_wait3A_167 = arith.constant 0 : i32
      %dma_wait3A_168 = arith.constant 1 : i32
      %dma_wait3A_169 = arith.constant 0 : i32
      %dma_wait3A_170 = tpu.memref_slice %arg6[%dma_wait3A_167, %dma_wait3A_168, %dma_wait3A_169] : memref<79x2x128xi32, #tpu.memory_space<vmem>> -> memref<1x1x128xi32, #tpu.memory_space<vmem>>
      %dma_wait3A_171 = tpu.memref_squeeze %dma_wait3A_170 : memref<1x1x128xi32, #tpu.memory_space<vmem>> -> memref<128xi32, #tpu.memory_space<vmem>>
      %dma_wait3A_172 = arith.constant 0 : i32
      %dma_wait3A_173 = tpu.memref_slice %arg8[%dma_wait3A_172] : memref<10240xf32, #tpu.memory_space<vmem_shared>> -> memref<10240xf32, #tpu.memory_space<vmem_shared>>
      tpu.wait_indirect_dma semaphore(%arg9 : memref<!tpu.dma_semaphore, #tpu.memory_space<semaphore_mem>>) src(%arg7 : memref<128xf32, #tpu.memory_space<vmem>>) dst(%dma_wait3A_173 : memref<10240xf32, #tpu.memory_space<vmem_shared>>)
      %dma_wait3A_174 = arith.constant 0 : i32
      %dma_wait3A_175 = arith.constant 1 : i32
      %dma_wait3A_176 = arith.constant 0 : i32
      %dma_wait3A_177 = tpu.memref_slice %arg6[%dma_wait3A_174, %dma_wait3A_175, %dma_wait3A_176] : memref<79x2x128xi32, #tpu.memory_space<vmem>> -> memref<1x1x128xi32, #tpu.memory_space<vmem>>
      %dma_wait3A_178 = tpu.memref_squeeze %dma_wait3A_177 : memref<1x1x128xi32, #tpu.memory_space<vmem>> -> memref<128xi32, #tpu.memory_space<vmem>>
      %dma_wait3A_179 = arith.constant 0 : i32
      %dma_wait3A_180 = tpu.memref_slice %arg8[%dma_wait3A_179] : memref<10240xf32, #tpu.memory_space<vmem_shared>> -> memref<10240xf32, #tpu.memory_space<vmem_shared>>
      tpu.wait_indirect_dma semaphore(%arg9 : memref<!tpu.dma_semaphore, #tpu.memory_space<semaphore_mem>>) src(%arg7 : memref<128xf32, #tpu.memory_space<vmem>>) dst(%dma_wait3A_180 : memref<10240xf32, #tpu.memory_space<vmem_shared>>)
      %dma_wait3A_181 = arith.constant 0 : i32
      %dma_wait3A_182 = arith.constant 1 : i32
      %dma_wait3A_183 = arith.constant 0 : i32
      %dma_wait3A_184 = tpu.memref_slice %arg6[%dma_wait3A_181, %dma_wait3A_182, %dma_wait3A_183] : memref<79x2x128xi32, #tpu.memory_space<vmem>> -> memref<1x1x128xi32, #tpu.memory_space<vmem>>
      %dma_wait3A_185 = tpu.memref_squeeze %dma_wait3A_184 : memref<1x1x128xi32, #tpu.memory_space<vmem>> -> memref<128xi32, #tpu.memory_space<vmem>>
      %dma_wait3A_186 = arith.constant 0 : i32
      %dma_wait3A_187 = tpu.memref_slice %arg8[%dma_wait3A_186] : memref<10240xf32, #tpu.memory_space<vmem_shared>> -> memref<10240xf32, #tpu.memory_space<vmem_shared>>
      tpu.wait_indirect_dma semaphore(%arg9 : memref<!tpu.dma_semaphore, #tpu.memory_space<semaphore_mem>>) src(%arg7 : memref<128xf32, #tpu.memory_space<vmem>>) dst(%dma_wait3A_187 : memref<10240xf32, #tpu.memory_space<vmem_shared>>)
      %dma_wait3A_188 = arith.constant 0 : i32
      %dma_wait3A_189 = arith.constant 1 : i32
      %dma_wait3A_190 = arith.constant 0 : i32
      %dma_wait3A_191 = tpu.memref_slice %arg6[%dma_wait3A_188, %dma_wait3A_189, %dma_wait3A_190] : memref<79x2x128xi32, #tpu.memory_space<vmem>> -> memref<1x1x128xi32, #tpu.memory_space<vmem>>
      %dma_wait3A_192 = tpu.memref_squeeze %dma_wait3A_191 : memref<1x1x128xi32, #tpu.memory_space<vmem>> -> memref<128xi32, #tpu.memory_space<vmem>>
      %dma_wait3A_193 = arith.constant 0 : i32
      %dma_wait3A_194 = tpu.memref_slice %arg8[%dma_wait3A_193] : memref<10240xf32, #tpu.memory_space<vmem_shared>> -> memref<10240xf32, #tpu.memory_space<vmem_shared>>
      tpu.wait_indirect_dma semaphore(%arg9 : memref<!tpu.dma_semaphore, #tpu.memory_space<semaphore_mem>>) src(%arg7 : memref<128xf32, #tpu.memory_space<vmem>>) dst(%dma_wait3A_194 : memref<10240xf32, #tpu.memory_space<vmem_shared>>)
      %dma_wait3A_195 = arith.constant 0 : i32
      %dma_wait3A_196 = arith.constant 1 : i32
      %dma_wait3A_197 = arith.constant 0 : i32
      %dma_wait3A_198 = tpu.memref_slice %arg6[%dma_wait3A_195, %dma_wait3A_196, %dma_wait3A_197] : memref<79x2x128xi32, #tpu.memory_space<vmem>> -> memref<1x1x128xi32, #tpu.memory_space<vmem>>
      %dma_wait3A_199 = tpu.memref_squeeze %dma_wait3A_198 : memref<1x1x128xi32, #tpu.memory_space<vmem>> -> memref<128xi32, #tpu.memory_space<vmem>>
      %dma_wait3A_200 = arith.constant 0 : i32
      %dma_wait3A_201 = tpu.memref_slice %arg8[%dma_wait3A_200] : memref<10240xf32, #tpu.memory_space<vmem_shared>> -> memref<10240xf32, #tpu.memory_space<vmem_shared>>
      tpu.wait_indirect_dma semaphore(%arg9 : memref<!tpu.dma_semaphore, #tpu.memory_space<semaphore_mem>>) src(%arg7 : memref<128xf32, #tpu.memory_space<vmem>>) dst(%dma_wait3A_201 : memref<10240xf32, #tpu.memory_space<vmem_shared>>)
      %dma_wait3A_202 = arith.constant 0 : i32
      %dma_wait3A_203 = arith.constant 1 : i32
      %dma_wait3A_204 = arith.constant 0 : i32
      %dma_wait3A_205 = tpu.memref_slice %arg6[%dma_wait3A_202, %dma_wait3A_203, %dma_wait3A_204] : memref<79x2x128xi32, #tpu.memory_space<vmem>> -> memref<1x1x128xi32, #tpu.memory_space<vmem>>
      %dma_wait3A_206 = tpu.memref_squeeze %dma_wait3A_205 : memref<1x1x128xi32, #tpu.memory_space<vmem>> -> memref<128xi32, #tpu.memory_space<vmem>>
      %dma_wait3A_207 = arith.constant 0 : i32
      %dma_wait3A_208 = tpu.memref_slice %arg8[%dma_wait3A_207] : memref<10240xf32, #tpu.memory_space<vmem_shared>> -> memref<10240xf32, #tpu.memory_space<vmem_shared>>
      tpu.wait_indirect_dma semaphore(%arg9 : memref<!tpu.dma_semaphore, #tpu.memory_space<semaphore_mem>>) src(%arg7 : memref<128xf32, #tpu.memory_space<vmem>>) dst(%dma_wait3A_208 : memref<10240xf32, #tpu.memory_space<vmem_shared>>)
      %dma_wait3A_209 = arith.constant 0 : i32
      %dma_wait3A_210 = arith.constant 1 : i32
      %dma_wait3A_211 = arith.constant 0 : i32
      %dma_wait3A_212 = tpu.memref_slice %arg6[%dma_wait3A_209, %dma_wait3A_210, %dma_wait3A_211] : memref<79x2x128xi32, #tpu.memory_space<vmem>> -> memref<1x1x128xi32, #tpu.memory_space<vmem>>
      %dma_wait3A_213 = tpu.memref_squeeze %dma_wait3A_212 : memref<1x1x128xi32, #tpu.memory_space<vmem>> -> memref<128xi32, #tpu.memory_space<vmem>>
      %dma_wait3A_214 = arith.constant 0 : i32
      %dma_wait3A_215 = tpu.memref_slice %arg8[%dma_wait3A_214] : memref<10240xf32, #tpu.memory_space<vmem_shared>> -> memref<10240xf32, #tpu.memory_space<vmem_shared>>
      tpu.wait_indirect_dma semaphore(%arg9 : memref<!tpu.dma_semaphore, #tpu.memory_space<semaphore_mem>>) src(%arg7 : memref<128xf32, #tpu.memory_space<vmem>>) dst(%dma_wait3A_215 : memref<10240xf32, #tpu.memory_space<vmem_shared>>)
      %dma_wait3A_216 = arith.constant 0 : i32
      %dma_wait3A_217 = arith.constant 1 : i32
      %dma_wait3A_218 = arith.constant 0 : i32
      %dma_wait3A_219 = tpu.memref_slice %arg6[%dma_wait3A_216, %dma_wait3A_217, %dma_wait3A_218] : memref<79x2x128xi32, #tpu.memory_space<vmem>> -> memref<1x1x128xi32, #tpu.memory_space<vmem>>
      %dma_wait3A_220 = tpu.memref_squeeze %dma_wait3A_219 : memref<1x1x128xi32, #tpu.memory_space<vmem>> -> memref<128xi32, #tpu.memory_space<vmem>>
      %dma_wait3A_221 = arith.constant 0 : i32
      %dma_wait3A_222 = tpu.memref_slice %arg8[%dma_wait3A_221] : memref<10240xf32, #tpu.memory_space<vmem_shared>> -> memref<10240xf32, #tpu.memory_space<vmem_shared>>
      tpu.wait_indirect_dma semaphore(%arg9 : memref<!tpu.dma_semaphore, #tpu.memory_space<semaphore_mem>>) src(%arg7 : memref<128xf32, #tpu.memory_space<vmem>>) dst(%dma_wait3A_222 : memref<10240xf32, #tpu.memory_space<vmem_shared>>)
      %dma_wait3A_223 = arith.constant 0 : i32
      %dma_wait3A_224 = arith.constant 1 : i32
      %dma_wait3A_225 = arith.constant 0 : i32
      %dma_wait3A_226 = tpu.memref_slice %arg6[%dma_wait3A_223, %dma_wait3A_224, %dma_wait3A_225] : memref<79x2x128xi32, #tpu.memory_space<vmem>> -> memref<1x1x128xi32, #tpu.memory_space<vmem>>
      %dma_wait3A_227 = tpu.memref_squeeze %dma_wait3A_226 : memref<1x1x128xi32, #tpu.memory_space<vmem>> -> memref<128xi32, #tpu.memory_space<vmem>>
      %dma_wait3A_228 = arith.constant 0 : i32
      %dma_wait3A_229 = tpu.memref_slice %arg8[%dma_wait3A_228] : memref<10240xf32, #tpu.memory_space<vmem_shared>> -> memref<10240xf32, #tpu.memory_space<vmem_shared>>
      tpu.wait_indirect_dma semaphore(%arg9 : memref<!tpu.dma_semaphore, #tpu.memory_space<semaphore_mem>>) src(%arg7 : memref<128xf32, #tpu.memory_space<vmem>>) dst(%dma_wait3A_229 : memref<10240xf32, #tpu.memory_space<vmem_shared>>)
      %dma_wait3A_230 = arith.constant 0 : i32
      %dma_wait3A_231 = arith.constant 1 : i32
      %dma_wait3A_232 = arith.constant 0 : i32
      %dma_wait3A_233 = tpu.memref_slice %arg6[%dma_wait3A_230, %dma_wait3A_231, %dma_wait3A_232] : memref<79x2x128xi32, #tpu.memory_space<vmem>> -> memref<1x1x128xi32, #tpu.memory_space<vmem>>
      %dma_wait3A_234 = tpu.memref_squeeze %dma_wait3A_233 : memref<1x1x128xi32, #tpu.memory_space<vmem>> -> memref<128xi32, #tpu.memory_space<vmem>>
      %dma_wait3A_235 = arith.constant 0 : i32
      %dma_wait3A_236 = tpu.memref_slice %arg8[%dma_wait3A_235] : memref<10240xf32, #tpu.memory_space<vmem_shared>> -> memref<10240xf32, #tpu.memory_space<vmem_shared>>
      tpu.wait_indirect_dma semaphore(%arg9 : memref<!tpu.dma_semaphore, #tpu.memory_space<semaphore_mem>>) src(%arg7 : memref<128xf32, #tpu.memory_space<vmem>>) dst(%dma_wait3A_236 : memref<10240xf32, #tpu.memory_space<vmem_shared>>)
      %dma_wait3A_237 = arith.constant 0 : i32
      %dma_wait3A_238 = arith.constant 1 : i32
      %dma_wait3A_239 = arith.constant 0 : i32
      %dma_wait3A_240 = tpu.memref_slice %arg6[%dma_wait3A_237, %dma_wait3A_238, %dma_wait3A_239] : memref<79x2x128xi32, #tpu.memory_space<vmem>> -> memref<1x1x128xi32, #tpu.memory_space<vmem>>
      %dma_wait3A_241 = tpu.memref_squeeze %dma_wait3A_240 : memref<1x1x128xi32, #tpu.memory_space<vmem>> -> memref<128xi32, #tpu.memory_space<vmem>>
      %dma_wait3A_242 = arith.constant 0 : i32
      %dma_wait3A_243 = tpu.memref_slice %arg8[%dma_wait3A_242] : memref<10240xf32, #tpu.memory_space<vmem_shared>> -> memref<10240xf32, #tpu.memory_space<vmem_shared>>
      tpu.wait_indirect_dma semaphore(%arg9 : memref<!tpu.dma_semaphore, #tpu.memory_space<semaphore_mem>>) src(%arg7 : memref<128xf32, #tpu.memory_space<vmem>>) dst(%dma_wait3A_243 : memref<10240xf32, #tpu.memory_space<vmem_shared>>)
    }
    %scan3A_13 = arith.constant 6 : i32
    %lt3A_14 = arith.constant 4 : i32
    %lt3A_15 = arith.cmpi slt, %add3A, %lt3A_14 : i32
    %convert_element_type3A_16 = arith.extui %lt3A_15 : i1 to i32
    %cond3A_17 = arith.constant 0 : i32
    %cond3A_18 = arith.cmpi ne, %convert_element_type3A_16, %cond3A_17 : i32
    scf.if %cond3A_18 {
      %run_scoped3A = arith.constant 78 : i32
      %run_scoped3A_24 = arith.constant 1 : i32
      "tpu.region"() ({
        %run_scoped3A_25 = tpu.sem_alloc : memref<!tpu.dma_semaphore, #tpu.memory_space<semaphore_mem>>
        %dma_start3A = arith.constant 0 : i32
        %dma_start3A_26 = tpu.memref_slice %arg6[%run_scoped3A, %run_scoped3A_24, %dma_start3A] : memref<79x2x128xi32, #tpu.memory_space<vmem>> -> memref<1x1x128xi32, #tpu.memory_space<vmem>>
        %dma_start3A_27 = tpu.memref_squeeze %dma_start3A_26 : memref<1x1x128xi32, #tpu.memory_space<vmem>> -> memref<128xi32, #tpu.memory_space<vmem>>
        %dma_start3A_28 = arith.constant 0 : i32
        %dma_start3A_29 = tpu.memref_slice %arg8[%dma_start3A_28] : memref<10240xf32, #tpu.memory_space<vmem_shared>> -> memref<10240xf32, #tpu.memory_space<vmem_shared>>
        tpu.enqueue_indirect_dma source(%arg7 : memref<128xf32, #tpu.memory_space<vmem>>) target(%dma_start3A_29 : memref<10240xf32, #tpu.memory_space<vmem_shared>>) offsets(%dma_start3A_27 : memref<128xi32, #tpu.memory_space<vmem>>) semaphore(%run_scoped3A_25 : memref<!tpu.dma_semaphore, #tpu.memory_space<semaphore_mem>>) {add = true}
        %dma_wait3A = arith.constant 0 : i32
        %dma_wait3A_30 = tpu.memref_slice %arg6[%run_scoped3A, %run_scoped3A_24, %dma_wait3A] : memref<79x2x128xi32, #tpu.memory_space<vmem>> -> memref<1x1x128xi32, #tpu.memory_space<vmem>>
        %dma_wait3A_31 = tpu.memref_squeeze %dma_wait3A_30 : memref<1x1x128xi32, #tpu.memory_space<vmem>> -> memref<128xi32, #tpu.memory_space<vmem>>
        %dma_wait3A_32 = arith.constant 0 : i32
        %dma_wait3A_33 = tpu.memref_slice %arg8[%dma_wait3A_32] : memref<10240xf32, #tpu.memory_space<vmem_shared>> -> memref<10240xf32, #tpu.memory_space<vmem_shared>>
        tpu.wait_indirect_dma semaphore(%run_scoped3A_25 : memref<!tpu.dma_semaphore, #tpu.memory_space<semaphore_mem>>) src(%arg7 : memref<128xf32, #tpu.memory_space<vmem>>) dst(%dma_wait3A_33 : memref<10240xf32, #tpu.memory_space<vmem_shared>>)
        tpu.yield
      }) : () -> ()
    } else {
    }
    %barrier3A_19 = arith.constant 0 : index
    tpu.barrier barrier_id(%barrier3A_19)
    %mul3A_20 = arith.constant 640 : i32
    %mul3A_21 = arith.muli %arg1, %mul3A_20 : i32
    %mul3A_22 = arith.constant 640 : i32
    %mul3A_23 = arith.muli %arg1, %mul3A_22 : i32
    "tpu.region"() ({
      %run_scoped3A = tpu.sem_alloc : memref<!tpu.dma_semaphore, #tpu.memory_space<semaphore_mem>>
      %dma_start3A = tpu.memref_slice %arg5[%arg0, %mul3A_23] : memref<2x10240xf32, #tpu.memory_space<hbm>> -> memref<1x640xf32, #tpu.memory_space<hbm>>
      %dma_start3A_24 = tpu.memref_squeeze %dma_start3A : memref<1x640xf32, #tpu.memory_space<hbm>> -> memref<640xf32, #tpu.memory_space<hbm>>
      %dma_start3A_25 = tpu.memref_slice %arg8[%mul3A_21] : memref<10240xf32, #tpu.memory_space<vmem_shared>> -> memref<640xf32, #tpu.memory_space<vmem_shared>>
      tpu.enqueue_dma source(%dma_start3A_25 : memref<640xf32, #tpu.memory_space<vmem_shared>>) target(%dma_start3A_24 : memref<640xf32, #tpu.memory_space<hbm>>) target_semaphore(%run_scoped3A : memref<!tpu.dma_semaphore, #tpu.memory_space<semaphore_mem>>)
      %dma_wait3A = tpu.memref_slice %arg5[%arg0, %mul3A_23] : memref<2x10240xf32, #tpu.memory_space<hbm>> -> memref<1x640xf32, #tpu.memory_space<hbm>>
      %dma_wait3A_26 = tpu.memref_squeeze %dma_wait3A : memref<1x640xf32, #tpu.memory_space<hbm>> -> memref<640xf32, #tpu.memory_space<hbm>>
      %dma_wait3A_27 = tpu.memref_slice %arg8[%mul3A_21] : memref<10240xf32, #tpu.memory_space<vmem_shared>> -> memref<640xf32, #tpu.memory_space<vmem_shared>>
      tpu.wait_dma2 semaphore(%run_scoped3A : memref<!tpu.dma_semaphore, #tpu.memory_space<semaphore_mem>>) src(%dma_wait3A_27 : memref<640xf32, #tpu.memory_space<vmem_shared>>) dst(%dma_wait3A_26 : memref<640xf32, #tpu.memory_space<hbm>>)
      tpu.yield
    }) : () -> ()
    return
  }
}

module attributes {stable_mosaic.version = 14 : i64} {
  func.func @_prep_body(%arg0: memref<10000x128xf32, #tpu.memory_space<vmem>>, %arg1: memref<128x64xf32, #tpu.memory_space<vmem>>, %arg2: memref<2x10240xf32, #tpu.memory_space<vmem>>, %arg3: memref<10240x128xf32, #tpu.memory_space<vmem>>) attributes {dimension_semantics = [], scalar_prefetch = 0 : i64, scratch_operands = 0 : i64, tpu.core_type = #tpu.core_type<tc>} {
    %get3A = arith.constant 0 : index
    %get3A_0 = arith.constant 0 : index
    %get3A_1 = vector.load %arg2[%get3A, %get3A_0] : memref<2x10240xf32, #tpu.memory_space<vmem>>, vector<2x10240xf32>
    %slice3A = vector.extract_strided_slice %get3A_1 {offsets = [0, 0], sizes = [1, 10240], strides = [1, 1]} : vector<2x10240xf32> to vector<1x10240xf32>
    %squeeze3A = vector.shape_cast %slice3A : vector<1x10240xf32> to vector<10240xf32>
    %slice3A_2 = vector.extract_strided_slice %get3A_1 {offsets = [1, 0], sizes = [1, 10240], strides = [1, 1]} : vector<2x10240xf32> to vector<1x10240xf32>
    %squeeze3A_3 = vector.shape_cast %slice3A_2 : vector<1x10240xf32> to vector<10240xf32>
    %add3A = arith.addf %squeeze3A, %squeeze3A_3 : vector<10240xf32>
    %add3A_4 = arith.constant 1.000000e+00 : f32
    %add3A_5 = vector.broadcast %add3A_4 : f32 to vector<10240xf32>
    %add3A_6 = arith.addf %add3A, %add3A_5 : vector<10240xf32>
    %rsqrt3A = math.rsqrt %add3A_6 : vector<10240xf32>
    %reshape3A = vector.shape_cast %rsqrt3A : vector<10240xf32> to vector<10240x1xf32>
    %get3A_7 = arith.constant 0 : index
    %get3A_8 = arith.constant 0 : index
    %get3A_9 = vector.load %arg0[%get3A_7, %get3A_8] : memref<10000x128xf32, #tpu.memory_space<vmem>>, vector<10000x128xf32>
    %get3A_10 = arith.constant 0 : index
    %get3A_11 = arith.constant 0 : index
    %get3A_12 = vector.load %arg1[%get3A_10, %get3A_11] : memref<128x64xf32, #tpu.memory_space<vmem>>, vector<128x64xf32>
    %dot_general3A = arith.constant dense<0.000000e+00> : vector<10000x64xf32>
    %dot_general3A_13 = tpu.matmul %get3A_9, %get3A_12, %dot_general3A {dimension_numbers = #tpu.dot_dimension_numbers<[1], [0], [0], [1], [0, 0, 1, 1], [], []>, transpose_lhs_hint = false} : vector<10000x128xf32>, vector<128x64xf32>, vector<10000x64xf32> -> vector<10000x64xf32>
    %slice3A_14 = vector.extract_strided_slice %reshape3A {offsets = [0, 0], sizes = [10000, 1], strides = [1, 1]} : vector<10240x1xf32> to vector<10000x1xf32>
    %mul3A = vector.broadcast %slice3A_14 : vector<10000x1xf32> to vector<10000x64xf32>
    %mul3A_15 = arith.mulf %dot_general3A_13, %mul3A : vector<10000x64xf32>
    %swap3A = arith.constant 0 : index
    %swap3A_16 = arith.constant 0 : index
    %swap3A_17 = vector.load %arg3[%swap3A, %swap3A_16] : memref<10240x128xf32, #tpu.memory_space<vmem>>, vector<10000x64xf32>
    tpu.vector_store %arg3[%swap3A, %swap3A_16], %mul3A_15 {strides = array<i32>} : memref<10240x128xf32, #tpu.memory_space<vmem>>, vector<10000x64xf32>,
    return
  }
}

module attributes {stable_mosaic.version = 14 : i64} {
  func.func @_mid_body(%arg0: memref<2x10240x128xf32, #tpu.memory_space<vmem>>, %arg1: memref<10240x128xf32, #tpu.memory_space<vmem>>, %arg2: memref<2x10240xf32, #tpu.memory_space<vmem>>, %arg3: memref<64xf32, #tpu.memory_space<vmem>>, %arg4: memref<64x16xf32, #tpu.memory_space<vmem>>, %arg5: memref<10240x128xf32, #tpu.memory_space<vmem>>) attributes {dimension_semantics = [], scalar_prefetch = 0 : i64, scratch_operands = 0 : i64, tpu.core_type = #tpu.core_type<tc>} {
    %get3A = arith.constant 0 : index
    %get3A_0 = arith.constant 0 : index
    %get3A_1 = vector.load %arg2[%get3A, %get3A_0] : memref<2x10240xf32, #tpu.memory_space<vmem>>, vector<2x10240xf32>
    %slice3A = vector.extract_strided_slice %get3A_1 {offsets = [0, 0], sizes = [1, 10240], strides = [1, 1]} : vector<2x10240xf32> to vector<1x10240xf32>
    %squeeze3A = vector.shape_cast %slice3A : vector<1x10240xf32> to vector<10240xf32>
    %slice3A_2 = vector.extract_strided_slice %get3A_1 {offsets = [1, 0], sizes = [1, 10240], strides = [1, 1]} : vector<2x10240xf32> to vector<1x10240xf32>
    %squeeze3A_3 = vector.shape_cast %slice3A_2 : vector<1x10240xf32> to vector<10240xf32>
    %add3A = arith.addf %squeeze3A, %squeeze3A_3 : vector<10240xf32>
    %add3A_4 = arith.constant 1.000000e+00 : f32
    %add3A_5 = vector.broadcast %add3A_4 : f32 to vector<10240xf32>
    %add3A_6 = arith.addf %add3A, %add3A_5 : vector<10240xf32>
    %rsqrt3A = math.rsqrt %add3A_6 : vector<10240xf32>
    %reshape3A = vector.shape_cast %rsqrt3A : vector<10240xf32> to vector<10240x1xf32>
    %get3A_7 = arith.constant 0 : index
    %get3A_8 = arith.constant 0 : index
    %get3A_9 = arith.constant 0 : index
    %get3A_10 = vector.load %arg0[%get3A_7, %get3A_8, %get3A_9] : memref<2x10240x128xf32, #tpu.memory_space<vmem>>, vector<1x10240x64xf32>
    %get3A_11 = vector.shape_cast %get3A_10 : vector<1x10240x64xf32> to vector<10240x64xf32>
    %get3A_12 = arith.constant 1 : index
    %get3A_13 = arith.constant 0 : index
    %get3A_14 = arith.constant 0 : index
    %get3A_15 = vector.load %arg0[%get3A_12, %get3A_13, %get3A_14] : memref<2x10240x128xf32, #tpu.memory_space<vmem>>, vector<1x10240x64xf32>
    %get3A_16 = vector.shape_cast %get3A_15 : vector<1x10240x64xf32> to vector<10240x64xf32>
    %add3A_17 = arith.addf %get3A_11, %get3A_16 : vector<10240x64xf32>
    %get3A_18 = arith.constant 0 : index
    %get3A_19 = arith.constant 0 : index
    %get3A_20 = vector.load %arg1[%get3A_18, %get3A_19] : memref<10240x128xf32, #tpu.memory_space<vmem>>, vector<10240x64xf32>
    %add3A_21 = arith.addf %add3A_17, %get3A_20 : vector<10240x64xf32>
    %mul3A = vector.broadcast %reshape3A : vector<10240x1xf32> to vector<10240x64xf32>
    %mul3A_22 = arith.mulf %add3A_21, %mul3A : vector<10240x64xf32>
    %get3A_23 = arith.constant 0 : index
    %get3A_24 = vector.load %arg3[%get3A_23] : memref<64xf32, #tpu.memory_space<vmem>>, vector<64xf32>
    %reshape3A_25 = vector.shape_cast %get3A_24 : vector<64xf32> to vector<1x64xf32>
    %add3A_26 = vector.broadcast %reshape3A_25 : vector<1x64xf32> to vector<10240x64xf32>
    %add3A_27 = arith.addf %mul3A_22, %add3A_26 : vector<10240x64xf32>
    %max3A = arith.constant 0.000000e+00 : f32
    %max3A_28 = vector.broadcast %max3A : f32 to vector<10240x64xf32>
    %max3A_29 = arith.maximumf %add3A_27, %max3A_28 : vector<10240x64xf32>
    %get3A_30 = arith.constant 0 : index
    %get3A_31 = arith.constant 0 : index
    %get3A_32 = vector.load %arg4[%get3A_30, %get3A_31] : memref<64x16xf32, #tpu.memory_space<vmem>>, vector<64x16xf32>
    %dot_general3A = arith.constant dense<0.000000e+00> : vector<10240x16xf32>
    %dot_general3A_33 = tpu.matmul %max3A_29, %get3A_32, %dot_general3A {dimension_numbers = #tpu.dot_dimension_numbers<[1], [0], [0], [1], [0, 0, 1, 1], [], []>, transpose_lhs_hint = false} : vector<10240x64xf32>, vector<64x16xf32>, vector<10240x16xf32> -> vector<10240x16xf32>
    %mul3A_34 = vector.broadcast %reshape3A : vector<10240x1xf32> to vector<10240x16xf32>
    %mul3A_35 = arith.mulf %dot_general3A_33, %mul3A_34 : vector<10240x16xf32>
    %swap3A = arith.constant 0 : index
    %swap3A_36 = arith.constant 0 : index
    %swap3A_37 = vector.load %arg5[%swap3A, %swap3A_36] : memref<10240x128xf32, #tpu.memory_space<vmem>>, vector<10240x16xf32>
    tpu.vector_store %arg5[%swap3A, %swap3A_36], %mul3A_35 {strides = array<i32>} : memref<10240x128xf32, #tpu.memory_space<vmem>>, vector<10240x16xf32>,
    return
  }
}

module attributes {stable_mosaic.version = 14 : i64} {
  func.func @_fin_body(%arg0: memref<2x10240x128xf32, #tpu.memory_space<vmem>>, %arg1: memref<10240x128xf32, #tpu.memory_space<vmem>>, %arg2: memref<2x10240xf32, #tpu.memory_space<vmem>>, %arg3: memref<16xf32, #tpu.memory_space<vmem>>, %arg4: memref<10000x2xf32, #tpu.memory_space<vmem>>) attributes {dimension_semantics = [], scalar_prefetch = 0 : i64, scratch_operands = 0 : i64, tpu.core_type = #tpu.core_type<tc>} {
    %get3A = arith.constant 0 : index
    %get3A_0 = arith.constant 0 : index
    %get3A_1 = vector.load %arg2[%get3A, %get3A_0] : memref<2x10240xf32, #tpu.memory_space<vmem>>, vector<2x10240xf32>
    %slice3A = vector.extract_strided_slice %get3A_1 {offsets = [0, 0], sizes = [1, 10240], strides = [1, 1]} : vector<2x10240xf32> to vector<1x10240xf32>
    %squeeze3A = vector.shape_cast %slice3A : vector<1x10240xf32> to vector<10240xf32>
    %slice3A_2 = vector.extract_strided_slice %get3A_1 {offsets = [1, 0], sizes = [1, 10240], strides = [1, 1]} : vector<2x10240xf32> to vector<1x10240xf32>
    %squeeze3A_3 = vector.shape_cast %slice3A_2 : vector<1x10240xf32> to vector<10240xf32>
    %add3A = arith.addf %squeeze3A, %squeeze3A_3 : vector<10240xf32>
    %add3A_4 = arith.constant 1.000000e+00 : f32
    %add3A_5 = vector.broadcast %add3A_4 : f32 to vector<10240xf32>
    %add3A_6 = arith.addf %add3A, %add3A_5 : vector<10240xf32>
    %rsqrt3A = math.rsqrt %add3A_6 : vector<10240xf32>
    %reshape3A = vector.shape_cast %rsqrt3A : vector<10240xf32> to vector<10240x1xf32>
    %get3A_7 = arith.constant 0 : index
    %get3A_8 = arith.constant 0 : index
    %get3A_9 = arith.constant 0 : index
    %get3A_10 = vector.load %arg0[%get3A_7, %get3A_8, %get3A_9] : memref<2x10240x128xf32, #tpu.memory_space<vmem>>, vector<1x10240x16xf32>
    %get3A_11 = vector.shape_cast %get3A_10 : vector<1x10240x16xf32> to vector<10240x16xf32>
    %get3A_12 = arith.constant 1 : index
    %get3A_13 = arith.constant 0 : index
    %get3A_14 = arith.constant 0 : index
    %get3A_15 = vector.load %arg0[%get3A_12, %get3A_13, %get3A_14] : memref<2x10240x128xf32, #tpu.memory_space<vmem>>, vector<1x10240x16xf32>
    %get3A_16 = vector.shape_cast %get3A_15 : vector<1x10240x16xf32> to vector<10240x16xf32>
    %add3A_17 = arith.addf %get3A_11, %get3A_16 : vector<10240x16xf32>
    %get3A_18 = arith.constant 0 : index
    %get3A_19 = arith.constant 0 : index
    %get3A_20 = vector.load %arg1[%get3A_18, %get3A_19] : memref<10240x128xf32, #tpu.memory_space<vmem>>, vector<10240x16xf32>
    %add3A_21 = arith.addf %add3A_17, %get3A_20 : vector<10240x16xf32>
    %mul3A = vector.broadcast %reshape3A : vector<10240x1xf32> to vector<10240x16xf32>
    %mul3A_22 = arith.mulf %add3A_21, %mul3A : vector<10240x16xf32>
    %get3A_23 = arith.constant 0 : index
    %get3A_24 = vector.load %arg3[%get3A_23] : memref<16xf32, #tpu.memory_space<vmem>>, vector<16xf32>
    %reshape3A_25 = vector.shape_cast %get3A_24 : vector<16xf32> to vector<1x16xf32>
    %add3A_26 = vector.broadcast %reshape3A_25 : vector<1x16xf32> to vector<10240x16xf32>
    %add3A_27 = arith.addf %mul3A_22, %add3A_26 : vector<10240x16xf32>
    %slice3A_28 = vector.extract_strided_slice %add3A_27 {offsets = [0, 0], sizes = [10000, 2], strides = [1, 1]} : vector<10240x16xf32> to vector<10000x2xf32>
    %swap3A = arith.constant 0 : index
    %swap3A_29 = arith.constant 0 : index
    %swap3A_30 = vector.load %arg4[%swap3A, %swap3A_29] : memref<10000x2xf32, #tpu.memory_space<vmem>>, vector<10000x2xf32>
    tpu.vector_store %arg4[%swap3A, %swap3A_29], %slice3A_28 {strides = array<i32>} : memref<10000x2xf32, #tpu.memory_space<vmem>>, vector<10000x2xf32>,
    return
  }
}

</mosaic_0001>

<sc_bundles>
// kernel: kernel.11.cloned.1.call-start
scs
__scs_entry_jumppad:
0x0: {  	(pc) =	sbr.rel $0x88, $3  }
0x1: {  	(tag) =	ssettag $0x0;
	lr =	simm.s32 $0x1  }
0x2: {  	[smem:$0x3F9B] =	sst lr;
	_ =	strace $0xD0000000  }
0x3: {  	_ = 	snop  }
0x4: {  	_ = 	snop  }
0x5: {  	_ = 	snop  }
0x6: {  	_ = 	snop  }
0x7: {  	_ = 	snop  }
__scs_overlays_trampoline_lowered:
0x8: {  	[smem:$0x3FAA] =	sst s0  }
0x9: {  	[smem:$0x3FAB] =	sst s1  }
0xa: {  	[smem:$0x3FAC] =	sst s2  }
0xb: {  	[smem:$0x3FAD] =	sst s3  }
0xc: {  	[smem:$0x3FAE] =	sst s4  }
0xd: {  	[smem:$0x3FAF] =	sst s5  }
0xe: {  	[smem:$0x3FB0] =	sst s6  }
0xf: {  	[smem:$0x3FB1] =	sst s7  }
0x10: {  	[smem:$0x3FB2] =	sst s8  }
0x11: {  	[smem:$0x3FB3] =	sst s9;
	s0 =	simm.s32 @!p0 $0x0  }
0x12: {  	s1 =	sld [smem:$0x3F99];
	s0 =	simm.s32 @p0 $0x1  }
0x13: {  	[smem:$0x3FB4] =	sst s0;
	s0 =	simm.s32 @!p1 $0x0  }
0x14: {  	s2 =	sld [smem:$0x3F98];
	s0 =	simm.s32 @p1 $0x1  }
0x15: {  	[smem:$0x3FB5] =	sst s0;
	s0 =	simm.s32 @!p2 $0x0  }
0x16: {  	s3 =	sld [smem:$0x3FDB];
	s0 =	simm.s32 @p2 $0x1  }
0x17: {  	s4 =	simm.s32 $0x1BF5;
	[smem:$0x3FB7] =	sst s0  }
0x18: {  	s0 =	sld [smem:$0x3F9A];
	_ =	swait.ge [sflag:s4], $0x0  }
0x19: {  	s7 =	sld [smem:$0x3F9B]  }
0x1a: {  	s8 =	sadd.s32 $0xFFFFE003, lr  }
0x1b: {  	s9 =	sadd.s32 $0xFFFFFEF7, lr;
	s5 =	simm.s32 $0xFFFFFFFF;
	p2 =	slt.u32 s8, $0xFFFFF086  }
0x1c: {  	p1 =	slt.u32 s9, $0xF7A;
	s5 =	simm.s32 @!p2 $0x0  }
0x1d: {  	s5 =	simm.s32 @p1 $0x1;
	p0 =	seq.s32 s7, s2  }
0x1e: {  	s7 =	smul.u32 @!p0 $0xF7A, s2;
	p2 =	seq.s32 @!p0 s5, $0x0  }
0x1f: {  	s9 =	smul.u32 $0xF7A, s1;
	s8 =	simm.s32 @!p0 $0x1BF5;
	p2 =	por !p2, p0  }
0x20: {  	[sflag:s8] =	ssyncset.s32 @!p0 $0xFFFFF086;
	s6 =	sadd.s32 @!p0 s3, s7;
	s7 =	simm.s32 @!p0 $0x108  }
0x21: {  	s3 =	sadd.s32 s3, s9;
	s6 =	sadd.s32 @!p0 $0x88, s6;
	s7 =	simm.s32 @p2 $0x1082  }
0x22: {  	[simem:s7], [sflag:s8] =	dma.local @!p0 [hbm:s6], $0xF7A  }
0x23: {  	s9 =	sor.u32 $0xD0000000, s2;
	s6 =	simm.s32 $0x108;
	_ =	swait.ge @!p0 [sflag:s8], $0x0  }
0x24: {  	s3 =	sadd.s32 $0x88, s3;
	s6 =	simm.s32 @!p1 $0x1082;
	[sflag:s4] =	ssyncset.s32 $0xFFFFF086  }
0x25: {  	[simem:s6], [sflag:s4] =	dma.local [hbm:s3], $0xF7A  }
0x26: {  	[smem:$0x3F9B] =	sst s1;
	(tag) =	ssettag s2;
	_ =	strace s9  }
0x27: {  	s1 =	sld [smem:$0x3FAB]  }
0x28: {  	s2 =	sld [smem:$0x3FAC]  }
0x29: {  	s4 =	sld [smem:$0x3FAE]  }
0x2a: {  	p0 =	seq.s32 s5, $0x0;
	s5 =	sld [smem:$0x3FAF]  }
0x2b: {  	s6 =	sld [smem:$0x3FB0]  }
0x2c: {  	s7 =	sld [smem:$0x3FB1]  }
0x2d: {  	s3 =	simm.s32 $0x108;
	s8 =	sld [smem:$0x3FB2]  }
0x2e: {  	s3 =	simm.s32 @!p0 $0x1082;
	s9 =	sld [smem:$0x3FB3]  }
0x2f: {  	lr =	sadd.s32 s0, s3;
	s0 =	sld [smem:$0x3FAA]  }
0x30: {  	s3 =	sld [smem:$0x3FAD]  }
0x31: {  	[smem:$0x3FB6] =	sst s10  }
0x32: {  	s10 =	sld [smem:$0x3FB4];
	_ =	sdelay $0x3  }
0x33: {  	p0 =	seq.s32 s10, $0x1;
	s10 =	sld [smem:$0x3FB6];
	_ =	sdelay $0x3  }
0x34: {  	[smem:$0x3FB6] =	sst s10  }
0x35: {  	s10 =	sld [smem:$0x3FB5];
	_ =	sdelay $0x3  }
0x36: {  	p1 =	seq.s32 s10, $0x1;
	s10 =	sld [smem:$0x3FB6];
	_ =	sdelay $0x3  }
0x37: {  	[smem:$0x3FB6] =	sst s10  }
0x38: {  	s10 =	sld [smem:$0x3FB7]  }
0x39: {  	_ = 	snop;
	(pc) =	sbr.ind lr, $3  }
0x3a: {  	_ = 	snop  }
0x3b: {  	_ = 	snop  }
0x3c: {  	p2 =	seq.s32 s10, $0x1;
	s10 =	sld [smem:$0x3FB6]  }
0x3d: {  	_ =	shalt  }
0x3e: {  	_ =	shalt  }
0x3f: {  	_ =	shalt  }
0x40: {  	_ =	shalt  }
0x41: {  	_ =	shalt  }
0x42: {  	_ =	shalt  }
0x43: {  	_ =	shalt  }
0x44: {  	_ =	shalt  }
0x45: {  	_ =	shalt  }
0x46: {  	_ =	shalt  }
0x47: {  	_ =	shalt  }
0x48: {  	_ =	shalt  }
0x49: {  	_ =	shalt  }
0x4a: {  	_ =	shalt  }
0x4b: {  	_ =	shalt  }
0x4c: {  	_ =	shalt  }
0x4d: {  	_ =	shalt  }
0x4e: {  	_ =	shalt  }
0x4f: {  	_ =	shalt  }
0x50: {  	_ =	shalt  }
0x51: {  	_ =	shalt  }
0x52: {  	_ =	shalt  }
0x53: {  	_ =	shalt  }
0x54: {  	_ =	shalt  }
0x55: {  	_ =	shalt  }
0x56: {  	_ =	shalt  }
0x57: {  	_ =	shalt  }
0x58: {  	_ =	shalt  }
0x59: {  	_ =	shalt  }
0x5a: {  	_ =	shalt  }
0x5b: {  	_ =	shalt  }
0x5c: {  	_ =	shalt  }
0x5d: {  	_ =	shalt  }
0x5e: {  	_ =	shalt  }
0x5f: {  	_ =	shalt  }
0x60: {  	_ =	shalt  }
0x61: {  	_ =	shalt  }
0x62: {  	_ =	shalt  }
0x63: {  	_ =	shalt  }
0x64: {  	_ =	shalt  }
0x65: {  	_ =	shalt  }
0x66: {  	_ =	shalt  }
0x67: {  	_ =	shalt  }
0x68: {  	_ =	shalt  }
0x69: {  	_ =	shalt  }
0x6a: {  	_ =	shalt  }
0x6b: {  	_ =	shalt  }
0x6c: {  	_ =	shalt  }
0x6d: {  	_ =	shalt  }
0x6e: {  	_ =	shalt  }
0x6f: {  	_ =	shalt  }
0x70: {  	_ =	shalt  }
0x71: {  	_ =	shalt  }
0x72: {  	_ =	shalt  }
0x73: {  	_ =	shalt  }
0x74: {  	_ =	shalt  }
0x75: {  	_ =	shalt  }
0x76: {  	_ =	shalt  }
0x77: {  	_ =	shalt  }
0x78: {  	_ =	shalt  }
0x79: {  	_ =	shalt  }
0x7a: {  	_ =	shalt  }
0x7b: {  	_ =	shalt  }
0x7c: {  	_ =	shalt  }
0x7d: {  	_ =	shalt  }
0x7e: {  	_ =	shalt  }
0x7f: {  	_ =	shalt  }
0x80: {  	_ =	shalt  }
0x81: {  	_ =	shalt  }
0x82: {  	_ =	shalt  }
0x83: {  	_ =	shalt  }
0x84: {  	_ =	shalt  }
0x85: {  	_ =	shalt  }
0x86: {  	_ =	shalt  }
0x87: {  	_ =	shalt  }
.Lfunc_end0:
.L_simem_size_0:
called_computation.1_lowered:
.L_overlay_start_0:
0x88: {  	s2 =	sld [smem:$0x3FD9]  }
0x89: {  	s3 =	sld [smem:$0x3FFE];
	_ =	sdelay $0x1  }
0x8a: {  	s1 =	srdreg.scid  }
0x8b: {  	s0 =	sand.u32 $0x1, s1  }
0x8c: {  	s17 =	sshll.u32 s0, $0xA;
	s2 =	sadd.s32 s3, s2  }
0x8d: {  	s2 =	sadd.s32 s2, s17  }
0x8e: {  	[smem:$0x3FC2] =	sst s2  }
0x8f: {  	_ = 	snop  }
0x90: {  	s2 =	sld [smem:$0x3FC8];
	(tm) =	ssettm $0x1  }
0x91: {  	s18 =	sld [smem:$0x3FFB];
	_ =	sdelay $0x3  }
0x92: {  	_ =	strace s18  }
0x93: {  	s3 =	sld [smem:$0x3FFC];
	_ =	sdelay $0x3  }
0x94: {  	_ =	strace s3  }
0x95: {  	s3 =	sld [smem:$0x3FFD];
	_ =	sdelay $0x3  }
0x96: {  	_ =	strace s3  }
0x97: {  	_ =	strace $0x8FFFFFFF  }
0x98: {  	s19 =	sld [smem:$0x3FDB];
	_ =	sdelay $0x1  }
0x99: {  	s4 =	simm.s32 $_scs_section_size  }
0x9a: {  	s5 =	simm.s32 $_size__tile_overlayer_lowered;
	s6 =	simm.s32 $_tile_overlayer_lowered  }
0x9b: {  	s22 =	simm.s32 $0x1BFF;
	s21 =	sshll.u32 s6, $0x1;
	s3 =	sadd.s32 s4, s19  }
0x9c: {  	s7 =	simm.s32 $0x0;
	s20 =	sshll.u32 s5, $0x1;
	s5 =	sadd.s32 s21, s3  }
0x9d: {  	[timem:s7], [sflag:s22] =	dma.local [hbm:s5], s20  }
0x9e: {  	_ =	swait.ge [sflag:s22], s20  }
0x9f: {  	s4 =	ssub.s32 $0x0, s20;
	[sflag:s22] =	ssyncset.done $0x0  }
0xa0: {  	[sflag:s22] =	ssyncadd.s32 s4;
	_ =	sdelay $0x1  }
0xa1: {  	s23 =	simm.s32 $0x1B8B  }
0xa2: {  	_ =	swait.ge [sflag:s23], $0x1  }
0xa3: {  	[sflag:s23] =	ssyncset.done $0x0  }
0xa4: {  	s25 =	simm.s32 $0x1B8E;
	s24 =	sld [smem:$0x3FFE];
	[sflag:s23] =	ssyncadd.s32 $0xFFFFFFFF  }
0xa5: {  	s26 =	simm.s32 $execute0_lowered;
	[smem:$0x3FD2] =	sst s25  }
0xa6: {  	s5 =	sshll.u32 s26, $0x1;
	_ =	strace $0x80000049;
	[dreg:$0x1] =	wrdreg $0xFFFFFFFF  }
0xa7: {  	s28 =	simm.s32 $_size_execute0_lowered;
	s3 =	sadd.s32 s3, s5;
	[dreg:$0x0] =	wrdreg $0x0  }
0xa8: {  	s5 =	sshll.u32 s28, $0x1;
	[dreg:$0x2] =	wrdreg s3  }
0xa9: {  	[dreg:$0x3] =	wrdreg s5  }
0xaa: {  	[dreg:$0x4] =	wrdreg $0xC0  }
0xab: {  	_ =	task [dreg:s7], $0x5FFFF  }
0xac: {  	[dreg:$0x1] =	wrdreg $0xFFFFFFFF  }
0xad: {  	[dreg:$0x0] =	wrdreg $0x60  }
0xae: {  	[dreg:$0x2] =	wrdreg s24  }
0xaf: {  	[dreg:$0x3] =	wrdreg s2  }
0xb0: {  	[dreg:$0x4] =	wrdreg $0x136800  }
0xb1: {  	[dreg:$0x5] =	wrdreg $0x9  }
0xb2: {  	_ =	task.clear_ibuf [dreg:s7], $0x6FFFF;
	_ =	strace $0x90000049  }
0xb3: {  	s29 =	simm.s32 $0x9;
	_ =	strace $0x8000004B  }
0xb4: {  	_ =	swait.ge [sflag:s29], $0x1  }
0xb5: {  	[sflag:s29] =	ssyncadd.s32 $0xFFFFFFFF  }
0xb6: {  	_ =	strace $0x9000004B  }
0xb7: {  	_ =	sfence  }
0xb8: {  	s30 =	sld [smem:$0x0];
	_ =	sdelay $0x2  }
0xb9: {  	s31 =	sshll.u32 s1, $0xD;
	s1 =	sshrl.u32 s1, $0x2  }
0xba: {  	s3 =	sand.u32 $0x4000, s31;
	s1 =	sadd.s32 s1, s30  }
0xbb: {  	s0 =	sor.u32 s3, s0;
	s1 =	sshll.u32 s1, $0x11  }
0xbc: {  	s0 =	sor.u32 s1, s0  }
0xbd: {  	s0 =	sadd.s32 $0x8F2B, s0  }
0xbe: {  	[sflag:s0] =	ssyncadd.remote.s32 $0x1  }
0xbf: {  	_ =	sfence.sel $0xFFFF  }
0xc0: {  	[dreg:$0x0] =	wrdreg $0xFFFFFFFF;
	(pc) =	sbr.abs _section_cstart, $3  }
0xc1: {  	[dreg:$0x1] =	wrdreg $0xFFFFFFFF  }
0xc2: {  	_ =	task.clear_ibuf [dreg:s7], $0x2FFFF;
	_ =	strace $0x9FFFFFFF  }
0xc3: {  	(tm) =	ssettm $0x7FFFFFFF  }
tec
execute0_lowered:
.L_overlay_start_1:
0x0: {  	(tag) =	ssettag $0x1  }
0x1: {  	s0 =	rddreg [dreg:$0x0]  }
0x2: {  	s1 =	rddreg [dreg:$0x1];
	s9 =	stileid.u32  }
0x3: {  	s3 =	srdreg.scid;
	s2 =	rddreg [dreg:$0x2];
	s4 =	simm.s32 $0x0  }
0x4: {  	s12 =	simm.s32 $0x5;
	s13 =	simm.s32 $0x180;
	s15 =	simm.s32 $0x7680  }
0x5: {  	s16 =	simm.s32 $0x1;
	s17 =	simm.s32 $0xD680;
	s18 =	simm.s32 $0x80  }
0x6: {  	s19 =	simm.s32 $0x9680;
	s20 =	simm.s32 $0xB680;
	s21 =	simm.s32 $0x3  }
0x7: {  	s22 =	simm.s32 $0x2;
	s23 =	simm.s32 $0xF680;
	s24 =	simm.s32 $0x11680  }
0x8: {  	s25 =	simm.s32 $0x4;
	s14 =	simm.s32 $0x8;
	s5 =	smul.u32 $0xA000, s9  }
0x9: {  	s3 =	sand.u32 $0x1, s3;
	[smem:$0x7FF] =	sst s4;
	s7 =	smul.u32 $0x14000, s9  }
0xa: {  	s4 =	sadd.s32 $0x2800, s0;
	s30 =	sshll.u32 s9, $0x6;
	s6 =	smul.u32 $0x140000, s3  }
0xb: {  	_ =	strace $0x8000004A;
	s28 =	ssub.s32 $0x2, s3;
	s3 =	sshll.u32 s3, $0x4  }
0xc: {  	s8 =	sshrl.u32 s5, $0x3;
	s29 =	sshrl.u32 s28, $0x1;
	s3 =	sor.u32 s9, s3  }
0xd: {  	s11 =	sadd.s32 s5, s2;
	s9 =	sshll.u32 s9, $0x5;
	s6 =	sadd.s32 s7, s6  }
0xe: {  	s26 =	sadd.s32 s8, s0;
	s10 =	ssub.s32 s28, s29;
	s31 =	smul.u32 $0x9C0, s3  }
0xf: {  	s9 =	sadd.s32 s9, s1;
	p0 =	sgt.u32 s3, $0x3;
	s11 =	sshrl.u32 s11, $0x3  }
0x10: {  	s3 =	simm.s32 $0x10;
	s6 =	sshrl.u32 s6, $0x3;
	s5 =	sadd.s32 $0x2A800, s26  }
0x11: {  	s8 =	sadd.s32 $0x13800, s9;
	s10 =	smax.u32 s10, $0x1;
	s26 =	simm.s32 $0x0  }
0x12: {  	s0 =	sadd.s32 s6, s0;
	s6 =	sor.u32 $0x1C05, s30;
	s7 =	sadd.s32 s1, s31  }
0x13: {  	s1 =	simm.s32 $0x4C80;
	s9 =	sadd.s32 $0x3E800, s0;
	s0 =	simm.s32 $0x4D80  }
.LBB2_1:
0x14: {  	[spmem:s11], [sflag:s6] =	dma.local [hbm:s5], $0x1400  }
0x15: {  	_ =	swait.ge [sflag:s12], $0x1400  }
0x16: {  	[sflag:s12] =	ssyncset.done $0x0  }
0x17: {  	s28 =	simm.s32 $0x0;
	[sflag:s12] =	ssyncadd.s32 $0xFFFFEC00  }
0x18: {  	[tilespmem:s28], [sflag:$0x5] =	stream.linear.gather [hbm4b:s7+s28], $0x4E00, $0x38;
	[tilespmem:$0x1D680] =	vst v63  }
0x19: {  	_ =	swait.ge [sflag:s12], $0x4E00  }
0x1a: {  	[sflag:s12] =	ssyncset.done $0x0  }
0x1b: {  	s29 =	simm.s32 @!p0 $0x4E00;
	s28 =	simm.s32 @!p0 $0x0;
	[sflag:s12] =	ssyncadd.s32 $0xFFFFB200  }
0x1c: {  	[tilespmem:s29], [sflag:$0x5] =	stream.linear.gather @!p0 [hbm4b:s8+s28], $0x100, $0x38;
	[tilespmem:$0x1D680] =	vst v63  }
0x1d: {  	s28 =	simm.s32 @!p0 $0x5  }
0x1e: {  	_ =	swait.ge @!p0 [sflag:s28], $0x100  }
0x1f: {  	[sflag:s28] =	ssyncset.done @!p0 $0x0  }
0x20: {  	s29 =	simm.s32 $0x0;
	[sflag:s28] =	ssyncadd.s32 @!p0 $0xFFFFFF00  }
0x21: {  	v0 =	vld [tilespmem:s29+$0x0];
	_ =	sdelay $0x4  }
0x22: {  	s28 =	simm.s32 $0x4F40;
	v0 =	vshll.u32 v0, $0x1  }
0x23: {  	[tilespmem:s28+$0xFFFFFFC0] =	vst v0  }
0x24: {  	v0 =	vld [tilespmem:s29+$0x10];
	_ =	sdelay $0x4  }
0x25: {  	v0 =	vshll.u32 v0, $0x1  }
0x26: {  	[tilespmem:s28+$0xFFFFFFD0] =	vst v0  }
0x27: {  	v0 =	vld [tilespmem:s29+$0x20];
	_ =	sdelay $0x4  }
0x28: {  	v0 =	vshll.u32 v0, $0x1  }
0x29: {  	[tilespmem:s28+$0xFFFFFFE0] =	vst v0  }
0x2a: {  	v0 =	vld [tilespmem:s29+$0x30];
	_ =	sdelay $0x4  }
0x2b: {  	v0 =	vshll.u32 v0, $0x1  }
0x2c: {  	[tilespmem:s28+$0xFFFFFFF0] =	vst v0  }
0x2d: {  	v0 =	vld [tilespmem:s29+$0x40];
	_ =	sdelay $0x4  }
0x2e: {  	v0 =	vshll.u32 v0, $0x1  }
0x2f: {  	[tilespmem:s28+$0x0] =	vst v0  }
0x30: {  	v0 =	vld [tilespmem:s29+$0x50];
	_ =	sdelay $0x4  }
0x31: {  	v0 =	vshll.u32 v0, $0x1  }
0x32: {  	[tilespmem:s28+$0x10] =	vst v0  }
0x33: {  	v0 =	vld [tilespmem:s29+$0x60];
	_ =	sdelay $0x4  }
0x34: {  	v0 =	vshll.u32 v0, $0x1  }
0x35: {  	[tilespmem:s28+$0x20] =	vst v0  }
0x36: {  	v0 =	vld [tilespmem:s29+$0x70];
	_ =	sdelay $0x4  }
0x37: {  	v0 =	vshll.u32 v0, $0x1  }
0x38: {  	s30 =	simm.s32 $0x800;
	s29 =	simm.s32 $0x100;
	[tilespmem:s28+$0x30] =	vst v0  }
.LBB2_2:
0x39: {  	p1 =	sne.s32 s30, $0x13800;
	v0 =	vld [tilespmem:s29+$0x0];
	_ =	sdelay $0x4  }
0x3a: {  	s28 =	sadd.s32 $0x80, s28;
	v0 =	vshll.u32 v0, $0x1  }
0x3b: {  	[tilespmem:s28+$0xFFFFFFC0] =	vst v0  }
0x3c: {  	v0 =	vld [tilespmem:s29+$0x10];
	_ =	sdelay $0x4  }
0x3d: {  	v0 =	vshll.u32 v0, $0x1  }
0x3e: {  	[tilespmem:s28+$0xFFFFFFD0] =	vst v0  }
0x3f: {  	v0 =	vld [tilespmem:s29+$0x20];
	_ =	sdelay $0x4  }
0x40: {  	v0 =	vshll.u32 v0, $0x1  }
0x41: {  	[tilespmem:s28+$0xFFFFFFE0] =	vst v0  }
0x42: {  	v0 =	vld [tilespmem:s29+$0x30];
	_ =	sdelay $0x4  }
0x43: {  	v0 =	vshll.u32 v0, $0x1  }
0x44: {  	[tilespmem:s28+$0xFFFFFFF0] =	vst v0  }
0x45: {  	v0 =	vld [tilespmem:s29+$0x40];
	_ =	sdelay $0x4  }
0x46: {  	v0 =	vshll.u32 v0, $0x1  }
0x47: {  	[tilespmem:s28+$0x0] =	vst v0  }
0x48: {  	v0 =	vld [tilespmem:s29+$0x50];
	_ =	sdelay $0x4  }
0x49: {  	v0 =	vshll.u32 v0, $0x1  }
0x4a: {  	[tilespmem:s28+$0x10] =	vst v0  }
0x4b: {  	v0 =	vld [tilespmem:s29+$0x60];
	_ =	sdelay $0x4  }
0x4c: {  	v0 =	vshll.u32 v0, $0x1  }
0x4d: {  	[tilespmem:s28+$0x20] =	vst v0  }
0x4e: {  	v0 =	vld [tilespmem:s29+$0x70];
	_ =	sdelay $0x1  }
.Ltmp0:
0x4f: {  	(pc) =	sbr.rel @p1 .LBB2_2-.Ltmp0, $3  }
0x50: {  	_ =	sdelay $0x1  }
0x51: {  	v0 =	vshll.u32 v0, $0x1  }
0x52: {  	s29 =	sshra.s32 s30, $0x2;
	s30 =	sadd.s32 $0x400, s30;
	[tilespmem:s28+$0x30] =	vst v0  }
0x53: {  	v0 =	vld [tilespmem:s29+$0x0];
	_ =	sdelay $0x4  }
0x54: {  	s28 =	sadd.s32 $0x80, s28;
	v0 =	vshll.u32 v0, $0x1  }
0x55: {  	[tilespmem:s28+$0xFFFFFFC0] =	vst v0  }
0x56: {  	v0 =	vld [tilespmem:s29+$0x10];
	_ =	sdelay $0x4  }
0x57: {  	v0 =	vshll.u32 v0, $0x1  }
0x58: {  	[tilespmem:s28+$0xFFFFFFD0] =	vst v0  }
0x59: {  	v0 =	vld [tilespmem:s29+$0x20];
	_ =	sdelay $0x4  }
0x5a: {  	v0 =	vshll.u32 v0, $0x1  }
0x5b: {  	[tilespmem:s28+$0xFFFFFFE0] =	vst v0  }
0x5c: {  	v0 =	vld [tilespmem:s29+$0x30];
	_ =	sdelay $0x4  }
0x5d: {  	v0 =	vshll.u32 v0, $0x1  }
0x5e: {  	[tilespmem:s28+$0xFFFFFFF0] =	vst v0  }
0x5f: {  	v0 =	vld [tilespmem:s29+$0x40];
	_ =	sdelay $0x4  }
0x60: {  	v0 =	vshll.u32 v0, $0x1  }
0x61: {  	[tilespmem:s28+$0x0] =	vst v0  }
0x62: {  	v0 =	vld [tilespmem:s29+$0x50];
	_ =	sdelay $0x4  }
0x63: {  	v0 =	vshll.u32 v0, $0x1  }
0x64: {  	[tilespmem:s28+$0x10] =	vst v0  }
0x65: {  	v0 =	vld [tilespmem:s29+$0x60];
	_ =	sdelay $0x4  }
0x66: {  	v0 =	vshll.u32 v0, $0x1  }
0x67: {  	[tilespmem:s28+$0x20] =	vst v0  }
0x68: {  	v0 =	vld [tilespmem:s29+$0x70];
	_ =	sdelay $0x4  }
0x69: {  	v0 =	vshll.u32 v0, $0x1  }
0x6a: {  	[tilespmem:s28+$0x30] =	vst v0  }
0x6b: {  	s28 =	simm.s32 $0x4F00;
	[bflag:$0x0] =	sbarrier.arrive $0xFFFF  }
0x6c: {  	[tilespmem:s15], [sflag:$0x1] =	stream.indirect.gather [hbm4b:s4+s13], $0x40, s28, s13, $0xb8;
	[tilespmem:$0x1D680] =	vst v63  }
0x6d: {  	_ =	swait.ge [sflag:s16], $0x6000  }
0x6e: {  	[sflag:s16] =	ssyncset.done $0x0  }
0x6f: {  	s28 =	simm.s32 $0x5080;
	[sflag:s16] =	ssyncadd.s32 $0xFFFFA000  }
0x70: {  	[tilespmem:s17], [sflag:$0x2] =	stream.indirect.gather [hbm4b:s4+s13], $0x40, s28, s13, $0xb8;
	[tilespmem:$0x1D680] =	vst v63  }
0x71: {  	s29 =	simm.s32 $0x80  }
0x72: {  	[spmem:s2] =	stream.indirect.scatter.add.f32 [tilespmem:s15], [sflag:$0x3], $0x40, s29, s18, $0xb8;
	[tilespmem:$0x1D680] =	vst v63  }
0x73: {  	s29 =	simm.s32 $0x180  }
0x74: {  	[spmem:s2] =	stream.indirect.scatter.add.f32 [tilespmem:s19], [sflag:$0x3], $0x40, s29, s18, $0xb8;
	[tilespmem:$0x1D680] =	vst v63  }
0x75: {  	s29 =	simm.s32 $0x280  }
0x76: {  	[spmem:s2] =	stream.indirect.scatter.add.f32 [tilespmem:s20], [sflag:$0x3], $0x40, s29, s18, $0xb8;
	[tilespmem:$0x1D680] =	vst v63  }
0x77: {  	_ =	swait.ge [sflag:s21], $0x2000  }
0x78: {  	[sflag:s21] =	ssyncset.done $0x0  }
0x79: {  	[sflag:s21] =	ssyncadd.s32 $0xFFFFE000  }
0x7a: {  	_ =	swait.ge [sflag:s21], $0x2000  }
0x7b: {  	[sflag:s21] =	ssyncset.done $0x0  }
0x7c: {  	[sflag:s21] =	ssyncadd.s32 $0xFFFFE000  }
0x7d: {  	_ =	swait.ge [sflag:s21], $0x2000  }
0x7e: {  	[sflag:s21] =	ssyncset.done $0x0  }
0x7f: {  	s29 =	simm.s32 $0x5200;
	[sflag:s21] =	ssyncadd.s32 $0xFFFFE000  }
0x80: {  	[tilespmem:s15], [sflag:$0x1] =	stream.indirect.gather [hbm4b:s4+s13], $0x40, s29, s13, $0xb8;
	[tilespmem:$0x1D680] =	vst v63  }
0x81: {  	_ =	swait.ge [sflag:s22], $0x6000  }
0x82: {  	[sflag:s22] =	ssyncset.done $0x0  }
0x83: {  	s29 =	simm.s32 $0x380;
	[sflag:s22] =	ssyncadd.s32 $0xFFFFA000  }
0x84: {  	[spmem:s2] =	stream.indirect.scatter.add.f32 [tilespmem:s17], [sflag:$0x4], $0x40, s29, s18, $0xb8;
	[tilespmem:$0x1D680] =	vst v63  }
0x85: {  	s29 =	simm.s32 $0x480  }
0x86: {  	[spmem:s2] =	stream.indirect.scatter.add.f32 [tilespmem:s23], [sflag:$0x4], $0x40, s29, s18, $0xb8;
	[tilespmem:$0x1D680] =	vst v63  }
0x87: {  	s29 =	simm.s32 $0x580  }
0x88: {  	[spmem:s2] =	stream.indirect.scatter.add.f32 [tilespmem:s24], [sflag:$0x4], $0x40, s29, s18, $0xb8;
	[tilespmem:$0x1D680] =	vst v63  }
0x89: {  	_ =	swait.ge [sflag:s25], $0x2000  }
0x8a: {  	[sflag:s25] =	ssyncset.done $0x0  }
0x8b: {  	[sflag:s25] =	ssyncadd.s32 $0xFFFFE000  }
0x8c: {  	_ =	swait.ge [sflag:s25], $0x2000  }
0x8d: {  	[sflag:s25] =	ssyncset.done $0x0  }
0x8e: {  	[sflag:s25] =	ssyncadd.s32 $0xFFFFE000  }
0x8f: {  	_ =	swait.ge [sflag:s25], $0x2000  }
0x90: {  	s29 =	simm.s32 $0x1800;
	[sflag:s25] =	ssyncset.done $0x0  }
.LBB2_4:
0x91: {  	p1 =	sne.s32 s29, $0x10800;
	[sflag:s25] =	ssyncadd.s32 $0xFFFFE000;
	s28 =	sadd.s32 $0x300, s28  }
0x92: {  	s30 =	smov.u32 s29;
	s29 =	sadd.s32 $0x1800, s29;
	_ =	swait.ge [sflag:s16], $0x6000  }
0x93: {  	[sflag:s16] =	ssyncset.done $0x0  }
0x94: {  	s30 =	sshra.s32 s30, $0x2;
	[sflag:s16] =	ssyncadd.s32 $0xFFFFA000  }
0x95: {  	[tilespmem:s17], [sflag:$0x2] =	stream.indirect.gather [hbm4b:s4+s13], $0x40, s28, s13, $0xb8;
	[tilespmem:$0x1D680] =	vst v63  }
0x96: {  	s31 =	sadd.s32 $0x80, s30  }
0x97: {  	[spmem:s2] =	stream.indirect.scatter.add.f32 [tilespmem:s15], [sflag:$0x3], $0x40, s31, s18, $0xb8;
	[tilespmem:$0x1D680] =	vst v63  }
0x98: {  	s31 =	sadd.s32 $0x180, s30  }
0x99: {  	[spmem:s2] =	stream.indirect.scatter.add.f32 [tilespmem:s19], [sflag:$0x3], $0x40, s31, s18, $0xb8;
	[tilespmem:$0x1D680] =	vst v63  }
0x9a: {  	s31 =	sadd.s32 $0x280, s30  }
0x9b: {  	[spmem:s2] =	stream.indirect.scatter.add.f32 [tilespmem:s20], [sflag:$0x3], $0x40, s31, s18, $0xb8;
	[tilespmem:$0x1D680] =	vst v63  }
0x9c: {  	_ =	swait.ge [sflag:s21], $0x2000  }
0x9d: {  	[sflag:s21] =	ssyncset.done $0x0  }
0x9e: {  	[sflag:s21] =	ssyncadd.s32 $0xFFFFE000  }
0x9f: {  	_ =	swait.ge [sflag:s21], $0x2000  }
0xa0: {  	[sflag:s21] =	ssyncset.done $0x0  }
0xa1: {  	[sflag:s21] =	ssyncadd.s32 $0xFFFFE000  }
0xa2: {  	_ =	swait.ge [sflag:s21], $0x2000  }
0xa3: {  	[sflag:s21] =	ssyncset.done $0x0  }
0xa4: {  	s31 =	sadd.s32 $0x180, s28;
	[sflag:s21] =	ssyncadd.s32 $0xFFFFE000  }
0xa5: {  	[tilespmem:s15], [sflag:$0x1] =	stream.indirect.gather [hbm4b:s4+s13], $0x40, s31, s13, $0xb8;
	[tilespmem:$0x1D680] =	vst v63  }
0xa6: {  	_ =	swait.ge [sflag:s22], $0x6000  }
0xa7: {  	[sflag:s22] =	ssyncset.done $0x0  }
0xa8: {  	s31 =	sadd.s32 $0x380, s30;
	[sflag:s22] =	ssyncadd.s32 $0xFFFFA000  }
0xa9: {  	[spmem:s2] =	stream.indirect.scatter.add.f32 [tilespmem:s17], [sflag:$0x4], $0x40, s31, s18, $0xb8;
	[tilespmem:$0x1D680] =	vst v63  }
0xaa: {  	s31 =	sadd.s32 $0x480, s30  }
0xab: {  	[spmem:s2] =	stream.indirect.scatter.add.f32 [tilespmem:s23], [sflag:$0x4], $0x40, s31, s18, $0xb8;
	[tilespmem:$0x1D680] =	vst v63  }
0xac: {  	s30 =	sadd.s32 $0x580, s30  }
0xad: {  	[spmem:s2] =	stream.indirect.scatter.add.f32 [tilespmem:s24], [sflag:$0x4], $0x40, s30, s18, $0xb8;
	[tilespmem:$0x1D680] =	vst v63  }
0xae: {  	_ =	swait.ge [sflag:s25], $0x2000  }
0xaf: {  	[sflag:s25] =	ssyncset.done $0x0  }
0xb0: {  	[sflag:s25] =	ssyncadd.s32 $0xFFFFE000  }
.Ltmp1:
0xb1: {  	_ =	swait.ge [sflag:s25], $0x2000;
	(pc) =	sbr.rel @p1 .LBB2_4-.Ltmp1, $4  }
0xb2: {  	[sflag:s25] =	ssyncset.done $0x0  }
0xb3: {  	[sflag:s25] =	ssyncadd.s32 $0xFFFFE000  }
0xb4: {  	_ =	swait.ge [sflag:s25], $0x2000  }
0xb5: {  	[sflag:s25] =	ssyncset.done $0x0  }
0xb6: {  	[sflag:s25] =	ssyncadd.s32 $0xFFFFE000  }
0xb7: {  	_ =	swait.ge [sflag:s16], $0x6000  }
0xb8: {  	[sflag:s16] =	ssyncset.done $0x0  }
0xb9: {  	s28 =	simm.s32 $0x7480;
	[sflag:s16] =	ssyncadd.s32 $0xFFFFA000  }
0xba: {  	[tilespmem:s17], [sflag:$0x2] =	stream.indirect.gather [hbm4b:s4+s13], $0x40, s28, s13, $0xb8;
	[tilespmem:$0x1D680] =	vst v63  }
0xbb: {  	s31 =	simm.s32 $0x4880  }
0xbc: {  	[spmem:s2] =	stream.indirect.scatter.add.f32 [tilespmem:s15], [sflag:$0x3], $0x40, s31, s18, $0xb8;
	[tilespmem:$0x1D680] =	vst v63  }
0xbd: {  	s29 =	simm.s32 $0x4980  }
0xbe: {  	[spmem:s2] =	stream.indirect.scatter.add.f32 [tilespmem:s19], [sflag:$0x3], $0x40, s29, s18, $0xb8;
	[tilespmem:$0x1D680] =	vst v63  }
0xbf: {  	s30 =	simm.s32 $0x4A80  }
0xc0: {  	[spmem:s2] =	stream.indirect.scatter.add.f32 [tilespmem:s20], [sflag:$0x3], $0x40, s30, s18, $0xb8;
	[tilespmem:$0x1D680] =	vst v63  }
0xc1: {  	_ =	swait.ge [sflag:s21], $0x2000  }
0xc2: {  	[sflag:s21] =	ssyncset.done $0x0  }
0xc3: {  	[sflag:s21] =	ssyncadd.s32 $0xFFFFE000  }
0xc4: {  	_ =	swait.ge [sflag:s21], $0x2000  }
0xc5: {  	[sflag:s21] =	ssyncset.done $0x0  }
0xc6: {  	[sflag:s21] =	ssyncadd.s32 $0xFFFFE000  }
0xc7: {  	_ =	swait.ge [sflag:s21], $0x2000  }
0xc8: {  	[sflag:s21] =	ssyncset.done $0x0  }
0xc9: {  	[sflag:s21] =	ssyncadd.s32 $0xFFFFE000  }
0xca: {  	_ =	swait.ge [sflag:s22], $0x6000  }
0xcb: {  	[sflag:s22] =	ssyncset.done $0x0  }
0xcc: {  	s31 =	simm.s32 $0x4B80;
	[sflag:s22] =	ssyncadd.s32 $0xFFFFA000  }
0xcd: {  	[spmem:s2] =	stream.indirect.scatter.add.f32 [tilespmem:s17], [sflag:$0x4], $0x40, s31, s18, $0xb8;
	[tilespmem:$0x1D680] =	vst v63  }
0xce: {  	_ = 	snop  }
0xcf: {  	[spmem:s2] =	stream.indirect.scatter.add.f32 [tilespmem:s23], [sflag:$0x4], $0x40, s1, s18, $0xb8;
	[tilespmem:$0x1D680] =	vst v63  }
0xd0: {  	_ = 	snop  }
0xd1: {  	[spmem:s2] =	stream.indirect.scatter.add.f32 [tilespmem:s24], [sflag:$0x4], $0x40, s0, s18, $0xb8;
	[tilespmem:$0x1D680] =	vst v63  }
0xd2: {  	_ =	swait.ge [sflag:s25], $0x2000  }
0xd3: {  	[sflag:s25] =	ssyncset.done $0x0  }
0xd4: {  	[sflag:s25] =	ssyncadd.s32 $0xFFFFE000  }
0xd5: {  	_ =	swait.ge [sflag:s25], $0x2000  }
0xd6: {  	[sflag:s25] =	ssyncset.done $0x0  }
0xd7: {  	[sflag:s25] =	ssyncadd.s32 $0xFFFFE000  }
0xd8: {  	_ =	swait.ge [sflag:s25], $0x2000  }
0xd9: {  	s28 =	simm.s32 @!p0 $0x80;
	[sflag:s25] =	ssyncset.done $0x0  }
0xda: {  	s29 =	simm.s32 @!p0 $0x7600;
	s30 =	simm.s32 @!p0 $0x7680;
	[sflag:s25] =	ssyncadd.s32 $0xFFFFE000  }
0xdb: {  	[tilespmem:s30], [sflag:$0x1] =	stream.indirect.gather @!p0 [hbm4b:s4+s28], $0x40, s29, s28, $0xb8;
	[tilespmem:$0x1D680] =	vst v63  }
0xdc: {  	s29 =	simm.s32 @!p0 $0x1  }
0xdd: {  	_ =	swait.ge @!p0 [sflag:s29], $0x2000  }
0xde: {  	[sflag:s29] =	ssyncset.done @!p0 $0x0  }
0xdf: {  	[sflag:s29] =	ssyncadd.s32 @!p0 $0xFFFFE000;
	s29 =	simm.s32 @!p0 $0x4E80  }
0xe0: {  	[spmem:s2] =	stream.indirect.scatter.add.f32 @!p0 [tilespmem:s30], [sflag:$0x3], $0x40, s29, s28, $0xb8;
	[tilespmem:$0x1D680] =	vst v63  }
0xe1: {  	s28 =	simm.s32 @!p0 $0x3  }
0xe2: {  	_ =	swait.ge @!p0 [sflag:s28], $0x2000  }
0xe3: {  	s26 =	sadd.s32 $0x1, s26;
	[sflag:s28] =	ssyncset.done @!p0 $0x0  }
0xe4: {  	p1 =	sne.s32 s26, s10;
	[sflag:s28] =	ssyncadd.s32 @!p0 $0xFFFFE000  }
.Ltmp2:
0xe5: {  	[bflag:$0x0] =	sbarrier.arrive $0xFFFF;
	(pc) =	sbr.rel @p1 .LBB2_1-.Ltmp2, $4  }
0xe6: {  	[hbm:s9@s3], [sflag:s6] =	dma.strided [spmem:s11@s14], $0x1400, s16, $0x8   }
0xe7: {  	_ =	swait.ge [sflag:s12], $0x1400  }
0xe8: {  	[sflag:s12] =	ssyncset.done $0x0  }
0xe9: {  	[sflag:s12] =	ssyncadd.s32 $0xFFFFEC00  }
0xea: {  	_ =	sfence.sel $0x180000  }
0xeb: {  	[bflag:$0x0] =	sbarrier.arrive $0xFFFF  }
0xec: {  	_ =	strace $0x9000004A  }
0xed: {  	s0 =	stileid.u32;
	[bflag:$0x2] =	sbarrier.arrive $0xFFFF  }
0xee: {  	p0 =	sne.s32 s0, $0x0;
	s0 =	rddreg [dreg:$0x3]  }
0xef: {  	s0 =	sadd.s32 @!p0 $0x100000, s0  }
0xf0: {  	[sflag:s0] =	ssyncadd.tile.s32 @!p0 $0x1;
	_ =	shalt  }
.Lfunc_end2:
_tile_overlayer_lowered:
.L_overlay_start_2:
0xf1: {  	(tag) =	ssettag $0x2  }
0xf2: {  	s0 =	rddreg [dreg:$0x0];
	s2 =	stileid.u32  }
0xf3: {  	s1 =	rddreg [dreg:$0x1];
	p0 =	sne.s32 s2, $0x0  }
0xf4: {  	s3 =	rddreg [dreg:$0x2];
	[bflag:$0x3] =	sbarrier.arrive $0xFFFF;
	s2 =	simm.s32 @!p0 $0x1C05  }
0xf5: {  	[timem:s3], [sflag:s2] =	dma.local @!p0 [hbm:s0], s1  }
0xf6: {  	s0 =	simm.s32 @!p0 $0x5  }
0xf7: {  	_ =	swait.ge @!p0 [sflag:s0], s1  }
0xf8: {  	s1 =	ssub.s32 @!p0 $0x0, s1;
	[sflag:s0] =	ssyncset.done @!p0 $0x0  }
0xf9: {  	[sflag:s0] =	ssyncadd.s32 @!p0 s1  }
0xfa: {  	[bflag:$0x3] =	sbarrier.arrive $0xFFFF  }
0xfb: {  	_ =	shalt  }

// kernel: kernel.14.cloned.1.call-start
scs
__scs_entry_jumppad:
0x0: {  	(pc) =	sbr.rel $0x88, $3  }
0x1: {  	(tag) =	ssettag $0x0;
	lr =	simm.s32 $0x1  }
0x2: {  	[smem:$0x3F9B] =	sst lr;
	_ =	strace $0xD0000000  }
0x3: {  	_ = 	snop  }
0x4: {  	_ = 	snop  }
0x5: {  	_ = 	snop  }
0x6: {  	_ = 	snop  }
0x7: {  	_ = 	snop  }
__scs_overlays_trampoline_lowered:
0x8: {  	[smem:$0x3FAA] =	sst s0  }
0x9: {  	[smem:$0x3FAB] =	sst s1  }
0xa: {  	[smem:$0x3FAC] =	sst s2  }
0xb: {  	[smem:$0x3FAD] =	sst s3  }
0xc: {  	[smem:$0x3FAE] =	sst s4  }
0xd: {  	[smem:$0x3FAF] =	sst s5  }
0xe: {  	[smem:$0x3FB0] =	sst s6  }
0xf: {  	[smem:$0x3FB1] =	sst s7  }
0x10: {  	[smem:$0x3FB2] =	sst s8  }
0x11: {  	[smem:$0x3FB3] =	sst s9;
	s0 =	simm.s32 @!p0 $0x0  }
0x12: {  	s1 =	sld [smem:$0x3F99];
	s0 =	simm.s32 @p0 $0x1  }
0x13: {  	[smem:$0x3FB4] =	sst s0;
	s0 =	simm.s32 @!p1 $0x0  }
0x14: {  	s2 =	sld [smem:$0x3F98];
	s0 =	simm.s32 @p1 $0x1  }
0x15: {  	[smem:$0x3FB5] =	sst s0;
	s0 =	simm.s32 @!p2 $0x0  }
0x16: {  	s3 =	sld [smem:$0x3FDB];
	s0 =	simm.s32 @p2 $0x1  }
0x17: {  	s4 =	simm.s32 $0x1BF5;
	[smem:$0x3FB7] =	sst s0  }
0x18: {  	s0 =	sld [smem:$0x3F9A];
	_ =	swait.ge [sflag:s4], $0x0  }
0x19: {  	s7 =	sld [smem:$0x3F9B]  }
0x1a: {  	s8 =	sadd.s32 $0xFFFFE003, lr  }
0x1b: {  	s9 =	sadd.s32 $0xFFFFFEF7, lr;
	s5 =	simm.s32 $0xFFFFFFFF;
	p2 =	slt.u32 s8, $0xFFFFF086  }
0x1c: {  	p1 =	slt.u32 s9, $0xF7A;
	s5 =	simm.s32 @!p2 $0x0  }
0x1d: {  	s5 =	simm.s32 @p1 $0x1;
	p0 =	seq.s32 s7, s2  }
0x1e: {  	s7 =	smul.u32 @!p0 $0xF7A, s2;
	p2 =	seq.s32 @!p0 s5, $0x0  }
0x1f: {  	s9 =	smul.u32 $0xF7A, s1;
	s8 =	simm.s32 @!p0 $0x1BF5;
	p2 =	por !p2, p0  }
0x20: {  	[sflag:s8] =	ssyncset.s32 @!p0 $0xFFFFF086;
	s6 =	sadd.s32 @!p0 s3, s7;
	s7 =	simm.s32 @!p0 $0x108  }
0x21: {  	s3 =	sadd.s32 s3, s9;
	s6 =	sadd.s32 @!p0 $0x88, s6;
	s7 =	simm.s32 @p2 $0x1082  }
0x22: {  	[simem:s7], [sflag:s8] =	dma.local @!p0 [hbm:s6], $0xF7A  }
0x23: {  	s9 =	sor.u32 $0xD0000000, s2;
	s6 =	simm.s32 $0x108;
	_ =	swait.ge @!p0 [sflag:s8], $0x0  }
0x24: {  	s3 =	sadd.s32 $0x88, s3;
	s6 =	simm.s32 @!p1 $0x1082;
	[sflag:s4] =	ssyncset.s32 $0xFFFFF086  }
0x25: {  	[simem:s6], [sflag:s4] =	dma.local [hbm:s3], $0xF7A  }
0x26: {  	[smem:$0x3F9B] =	sst s1;
	(tag) =	ssettag s2;
	_ =	strace s9  }
0x27: {  	s1 =	sld [smem:$0x3FAB]  }
0x28: {  	s2 =	sld [smem:$0x3FAC]  }
0x29: {  	s4 =	sld [smem:$0x3FAE]  }
0x2a: {  	p0 =	seq.s32 s5, $0x0;
	s5 =	sld [smem:$0x3FAF]  }
0x2b: {  	s6 =	sld [smem:$0x3FB0]  }
0x2c: {  	s7 =	sld [smem:$0x3FB1]  }
0x2d: {  	s3 =	simm.s32 $0x108;
	s8 =	sld [smem:$0x3FB2]  }
0x2e: {  	s3 =	simm.s32 @!p0 $0x1082;
	s9 =	sld [smem:$0x3FB3]  }
0x2f: {  	lr =	sadd.s32 s0, s3;
	s0 =	sld [smem:$0x3FAA]  }
0x30: {  	s3 =	sld [smem:$0x3FAD]  }
0x31: {  	[smem:$0x3FB6] =	sst s10  }
0x32: {  	s10 =	sld [smem:$0x3FB4];
	_ =	sdelay $0x3  }
0x33: {  	p0 =	seq.s32 s10, $0x1;
	s10 =	sld [smem:$0x3FB6];
	_ =	sdelay $0x3  }
0x34: {  	[smem:$0x3FB6] =	sst s10  }
0x35: {  	s10 =	sld [smem:$0x3FB5];
	_ =	sdelay $0x3  }
0x36: {  	p1 =	seq.s32 s10, $0x1;
	s10 =	sld [smem:$0x3FB6];
	_ =	sdelay $0x3  }
0x37: {  	[smem:$0x3FB6] =	sst s10  }
0x38: {  	s10 =	sld [smem:$0x3FB7]  }
0x39: {  	_ = 	snop;
	(pc) =	sbr.ind lr, $3  }
0x3a: {  	_ = 	snop  }
0x3b: {  	_ = 	snop  }
0x3c: {  	p2 =	seq.s32 s10, $0x1;
	s10 =	sld [smem:$0x3FB6]  }
0x3d: {  	_ =	shalt  }
0x3e: {  	_ =	shalt  }
0x3f: {  	_ =	shalt  }
0x40: {  	_ =	shalt  }
0x41: {  	_ =	shalt  }
0x42: {  	_ =	shalt  }
0x43: {  	_ =	shalt  }
0x44: {  	_ =	shalt  }
0x45: {  	_ =	shalt  }
0x46: {  	_ =	shalt  }
0x47: {  	_ =	shalt  }
0x48: {  	_ =	shalt  }
0x49: {  	_ =	shalt  }
0x4a: {  	_ =	shalt  }
0x4b: {  	_ =	shalt  }
0x4c: {  	_ =	shalt  }
0x4d: {  	_ =	shalt  }
0x4e: {  	_ =	shalt  }
0x4f: {  	_ =	shalt  }
0x50: {  	_ =	shalt  }
0x51: {  	_ =	shalt  }
0x52: {  	_ =	shalt  }
0x53: {  	_ =	shalt  }
0x54: {  	_ =	shalt  }
0x55: {  	_ =	shalt  }
0x56: {  	_ =	shalt  }
0x57: {  	_ =	shalt  }
0x58: {  	_ =	shalt  }
0x59: {  	_ =	shalt  }
0x5a: {  	_ =	shalt  }
0x5b: {  	_ =	shalt  }
0x5c: {  	_ =	shalt  }
0x5d: {  	_ =	shalt  }
0x5e: {  	_ =	shalt  }
0x5f: {  	_ =	shalt  }
0x60: {  	_ =	shalt  }
0x61: {  	_ =	shalt  }
0x62: {  	_ =	shalt  }
0x63: {  	_ =	shalt  }
0x64: {  	_ =	shalt  }
0x65: {  	_ =	shalt  }
0x66: {  	_ =	shalt  }
0x67: {  	_ =	shalt  }
0x68: {  	_ =	shalt  }
0x69: {  	_ =	shalt  }
0x6a: {  	_ =	shalt  }
0x6b: {  	_ =	shalt  }
0x6c: {  	_ =	shalt  }
0x6d: {  	_ =	shalt  }
0x6e: {  	_ =	shalt  }
0x6f: {  	_ =	shalt  }
0x70: {  	_ =	shalt  }
0x71: {  	_ =	shalt  }
0x72: {  	_ =	shalt  }
0x73: {  	_ =	shalt  }
0x74: {  	_ =	shalt  }
0x75: {  	_ =	shalt  }
0x76: {  	_ =	shalt  }
0x77: {  	_ =	shalt  }
0x78: {  	_ =	shalt  }
0x79: {  	_ =	shalt  }
0x7a: {  	_ =	shalt  }
0x7b: {  	_ =	shalt  }
0x7c: {  	_ =	shalt  }
0x7d: {  	_ =	shalt  }
0x7e: {  	_ =	shalt  }
0x7f: {  	_ =	shalt  }
0x80: {  	_ =	shalt  }
0x81: {  	_ =	shalt  }
0x82: {  	_ =	shalt  }
0x83: {  	_ =	shalt  }
0x84: {  	_ =	shalt  }
0x85: {  	_ =	shalt  }
0x86: {  	_ =	shalt  }
0x87: {  	_ =	shalt  }
.Lfunc_end0:
.L_simem_size_0:
called_computation.2_lowered:
.L_overlay_start_0:
0x88: {  	s2 =	sld [smem:$0x3FD9]  }
0x89: {  	s3 =	sld [smem:$0x3FFE];
	_ =	sdelay $0x1  }
0x8a: {  	s1 =	srdreg.scid  }
0x8b: {  	s0 =	sand.u32 $0x1, s1  }
0x8c: {  	s17 =	sshll.u32 s0, $0xA;
	s2 =	sadd.s32 s3, s2  }
0x8d: {  	s2 =	sadd.s32 s2, s17  }
0x8e: {  	[smem:$0x3FC2] =	sst s2  }
0x8f: {  	_ = 	snop  }
0x90: {  	s2 =	sld [smem:$0x3FC8];
	(tm) =	ssettm $0x1  }
0x91: {  	s18 =	sld [smem:$0x3FFB];
	_ =	sdelay $0x3  }
0x92: {  	_ =	strace s18  }
0x93: {  	s3 =	sld [smem:$0x3FFC];
	_ =	sdelay $0x3  }
0x94: {  	_ =	strace s3  }
0x95: {  	s3 =	sld [smem:$0x3FFD];
	_ =	sdelay $0x3  }
0x96: {  	_ =	strace s3  }
0x97: {  	_ =	strace $0x8FFFFFFF  }
0x98: {  	s19 =	sld [smem:$0x3FDB];
	_ =	sdelay $0x1  }
0x99: {  	s4 =	simm.s32 $_scs_section_size  }
0x9a: {  	s5 =	simm.s32 $_size__tile_overlayer_lowered;
	s6 =	simm.s32 $_tile_overlayer_lowered  }
0x9b: {  	s22 =	simm.s32 $0x1BFF;
	s21 =	sshll.u32 s6, $0x1;
	s3 =	sadd.s32 s4, s19  }
0x9c: {  	s7 =	simm.s32 $0x0;
	s20 =	sshll.u32 s5, $0x1;
	s5 =	sadd.s32 s21, s3  }
0x9d: {  	[timem:s7], [sflag:s22] =	dma.local [hbm:s5], s20  }
0x9e: {  	_ =	swait.ge [sflag:s22], s20  }
0x9f: {  	s4 =	ssub.s32 $0x0, s20;
	[sflag:s22] =	ssyncset.done $0x0  }
0xa0: {  	[sflag:s22] =	ssyncadd.s32 s4;
	_ =	sdelay $0x1  }
0xa1: {  	s23 =	simm.s32 $0x1B8B  }
0xa2: {  	_ =	swait.ge [sflag:s23], $0x1  }
0xa3: {  	[sflag:s23] =	ssyncset.done $0x0  }
0xa4: {  	s25 =	simm.s32 $0x1B8E;
	s24 =	sld [smem:$0x3FFE];
	[sflag:s23] =	ssyncadd.s32 $0xFFFFFFFF  }
0xa5: {  	s26 =	simm.s32 $execute0_lowered;
	[smem:$0x3FD2] =	sst s25  }
0xa6: {  	s5 =	sshll.u32 s26, $0x1;
	_ =	strace $0x8000004C;
	[dreg:$0x1] =	wrdreg $0xFFFFFFFF  }
0xa7: {  	s28 =	simm.s32 $_size_execute0_lowered;
	s3 =	sadd.s32 s3, s5;
	[dreg:$0x0] =	wrdreg $0x0  }
0xa8: {  	s5 =	sshll.u32 s28, $0x1;
	[dreg:$0x2] =	wrdreg s3  }
0xa9: {  	[dreg:$0x3] =	wrdreg s5  }
0xaa: {  	[dreg:$0x4] =	wrdreg $0xC0  }
0xab: {  	_ =	task [dreg:s7], $0x5FFFF  }
0xac: {  	[dreg:$0x1] =	wrdreg $0xFFFFFFFF  }
0xad: {  	[dreg:$0x0] =	wrdreg $0x60  }
0xae: {  	[dreg:$0x2] =	wrdreg s24  }
0xaf: {  	[dreg:$0x3] =	wrdreg s2  }
0xb0: {  	[dreg:$0x4] =	wrdreg $0x146800  }
0xb1: {  	[dreg:$0x5] =	wrdreg $0x9  }
0xb2: {  	_ =	task.clear_ibuf [dreg:s7], $0x6FFFF;
	_ =	strace $0x9000004C  }
0xb3: {  	s29 =	simm.s32 $0x9;
	_ =	strace $0x8000004E  }
0xb4: {  	_ =	swait.ge [sflag:s29], $0x1  }
0xb5: {  	[sflag:s29] =	ssyncadd.s32 $0xFFFFFFFF  }
0xb6: {  	_ =	strace $0x9000004E  }
0xb7: {  	_ =	sfence  }
0xb8: {  	s30 =	sld [smem:$0x0];
	_ =	sdelay $0x2  }
0xb9: {  	s31 =	sshll.u32 s1, $0xD;
	s1 =	sshrl.u32 s1, $0x2  }
0xba: {  	s3 =	sand.u32 $0x4000, s31;
	s1 =	sadd.s32 s1, s30  }
0xbb: {  	s0 =	sor.u32 s3, s0;
	s1 =	sshll.u32 s1, $0x11  }
0xbc: {  	s0 =	sor.u32 s1, s0  }
0xbd: {  	s0 =	sadd.s32 $0x8F2B, s0  }
0xbe: {  	[sflag:s0] =	ssyncadd.remote.s32 $0x1  }
0xbf: {  	_ =	sfence.sel $0xFFFF  }
0xc0: {  	[dreg:$0x0] =	wrdreg $0xFFFFFFFF;
	(pc) =	sbr.abs _section_cstart, $3  }
0xc1: {  	[dreg:$0x1] =	wrdreg $0xFFFFFFFF  }
0xc2: {  	_ =	task.clear_ibuf [dreg:s7], $0x2FFFF;
	_ =	strace $0x9FFFFFFF  }
0xc3: {  	(tm) =	ssettm $0x7FFFFFFF  }
tec
execute0_lowered:
.L_overlay_start_1:
0x0: {  	(tag) =	ssettag $0x1  }
0x1: {  	s5 =	rddreg [dreg:$0x0]  }
0x2: {  	s8 =	rddreg [dreg:$0x1]  }
0x3: {  	s1 =	srdreg.scid;
	s2 =	rddreg [dreg:$0x2]  }
0x4: {  	s3 =	simm.s32 $0x0;
	s7 =	sand.u32 $0x1, s1;
	s1 =	rddreg [dreg:$0x3]  }
0x5: {  	s0 =	stileid.u32;
	s12 =	simm.s32 $0x7E80;
	[smem:$0x7FF] =	sst s3  }
0x6: {  	s29 =	simm.s32 $0x8680;
	_ =	strace $0x8000004D;
	[dreg:$0x4] =	wrdreg s12  }
0x7: {  	s30 =	simm.s32 $0x8E80;
	s14 =	simm.s32 $0x9680;
	[dreg:$0x5] =	wrdreg s29  }
0x8: {  	s15 =	simm.s32 $0x9E80;
	s16 =	simm.s32 $0xA680;
	[dreg:$0x6] =	wrdreg s30  }
0x9: {  	s18 =	simm.s32 $0xAE80;
	s20 =	simm.s32 $0xBE80;
	[dreg:$0x7] =	wrdreg s14  }
0xa: {  	s21 =	simm.s32 $0xC680;
	s23 =	simm.s32 $0xCE80;
	[dreg:$0x8] =	wrdreg s15  }
0xb: {  	s24 =	simm.s32 $0xD680;
	s6 =	smul.u32 $0x2800, s0;
	[dreg:$0x9] =	wrdreg s16  }
0xc: {  	s10 =	smul.u32 $0x14000, s0;
	s4 =	sadd.s32 $0x2800, s5;
	[dreg:$0xa] =	wrdreg s18  }
0xd: {  	s17 =	sshll.u32 s0, $0x6;
	s22 =	sshll.u32 s0, $0x5;
	[dreg:$0xc] =	wrdreg s20  }
0xe: {  	s9 =	smul.u32 $0x140000, s7;
	s26 =	ssub.s32 $0x2, s7;
	[dreg:$0xd] =	wrdreg s21  }
0xf: {  	s7 =	sshll.u32 s7, $0x4;
	s14 =	simm.s32 $0xB680;
	[dreg:$0xe] =	wrdreg s23  }
0x10: {  	[dreg:$0xf] =	wrdreg s24;
	s29 =	simm.s32 $0xFE80;
	s30 =	simm.s32 $0x10680  }
0x11: {  	s12 =	simm.s32 $0x5;
	s15 =	simm.s32 $0x11680;
	s16 =	simm.s32 $0x11E80  }
0x12: {  	s18 =	simm.s32 $0x12E80;
	s21 =	simm.s32 $0x13E80;
	[dreg:$0xb] =	wrdreg s14  }
0x13: {  	s20 =	simm.s32 $0x2;
	s23 =	simm.s32 $0x0;
	[dreg:$0x13] =	wrdreg s29  }
0x14: {  	s11 =	sshrl.u32 s6, $0x3;
	s28 =	sshrl.u32 s26, $0x1;
	[dreg:$0x14] =	wrdreg s30  }
0x15: {  	s31 =	sor.u32 s0, s7;
	s13 =	sadd.s32 s6, s2;
	[dreg:$0x16] =	wrdreg s15  }
0x16: {  	s6 =	sor.u32 $0x1C05, s17;
	s14 =	simm.s32 $0x4F00;
	[dreg:$0x17] =	wrdreg s16  }
0x17: {  	s15 =	simm.s32 $0x7680;
	s17 =	simm.s32 $0x12680;
	[dreg:$0x19] =	wrdreg s18  }
0x18: {  	s16 =	simm.s32 $0x1;
	s18 =	simm.s32 $0x80;
	[dreg:$0x1b] =	wrdreg s21  }
0x19: {  	s21 =	simm.s32 $0x4;
	s9 =	sadd.s32 s10, s9;
	s25 =	sadd.s32 s11, s5  }
0x1a: {  	s11 =	ssub.s32 s26, s28;
	s19 =	smul.u32 $0x9C0, s31;
	s26 =	simm.s32 $0xEE80  }
0x1b: {  	s28 =	simm.s32 $0xF680;
	p0 =	sgt.u32 s31, $0x3;
	[dreg:$0x18] =	wrdreg s17  }
0x1c: {  	s31 =	simm.s32 $0x10E80;
	s17 =	simm.s32 $0xDE80;
	[dreg:$0x11] =	wrdreg s26  }
0x1d: {  	s9 =	sshrl.u32 s9, $0x3;
	s10 =	smax.u32 s11, $0x1;
	[dreg:$0x12] =	wrdreg s28  }
0x1e: {  	s11 =	sshrl.u32 s13, $0x3;
	s13 =	simm.s32 $0x680;
	[dreg:$0x15] =	wrdreg s31  }
0x1f: {  	s9 =	sadd.s32 s9, s5;
	s5 =	sadd.s32 $0x2A800, s25;
	s7 =	sadd.s32 s8, s19  }
0x20: {  	s8 =	sadd.s32 s22, s8;
	s25 =	simm.s32 $0xE680;
	s19 =	simm.s32 $0x13680  }
0x21: {  	s22 =	simm.s32 $0x10;
	s8 =	sadd.s32 $0x13800, s8;
	[dreg:$0x10] =	wrdreg s25  }
0x22: {  	s9 =	sadd.s32 $0x2F800, s9;
	[dreg:$0x1a] =	wrdreg s19;
	s19 =	simm.s32 $0x3  }
.LBB2_1:
0x23: {  	[spmem:s11], [sflag:s6] =	dma.local [hbm:s5], $0x500  }
0x24: {  	_ =	swait.ge [sflag:s12], $0x500  }
0x25: {  	[sflag:s12] =	ssyncset.done $0x0  }
0x26: {  	[sflag:s12] =	ssyncadd.s32 $0xFFFFFB00  }
0x27: {  	[tilespmem:s3], [sflag:$0x5] =	stream.linear.gather [hbm4b:s7+s3], $0x4E00, $0x38;
	[tilespmem:$0x16E80] =	vst v63  }
0x28: {  	_ =	swait.ge [sflag:s12], $0x4E00  }
0x29: {  	[sflag:s12] =	ssyncset.done $0x0  }
0x2a: {  	s24 =	simm.s32 @!p0 $0x0;
	s25 =	simm.s32 @!p0 $0x4E00;
	[sflag:s12] =	ssyncadd.s32 $0xFFFFB200  }
0x2b: {  	[tilespmem:s25], [sflag:$0x5] =	stream.linear.gather @!p0 [hbm4b:s8+s24], $0x100, $0x38;
	[tilespmem:$0x16E80] =	vst v63  }
0x2c: {  	s24 =	simm.s32 @!p0 $0x5  }
0x2d: {  	_ =	swait.ge @!p0 [sflag:s24], $0x100  }
0x2e: {  	[sflag:s24] =	ssyncset.done @!p0 $0x0  }
0x2f: {  	s31 =	simm.s32 $0x0;
	[sflag:s24] =	ssyncadd.s32 @!p0 $0xFFFFFF00  }
0x30: {  	v0 =	vld [tilespmem:s31+$0x0];
	_ =	sdelay $0x4  }
0x31: {  	s24 =	simm.s32 $0x4F40;
	v0 =	vshll.u32 v0, $0x3  }
0x32: {  	[tilespmem:s24+$0xFFFFFFC0] =	vst v0  }
0x33: {  	v0 =	vld [tilespmem:s31+$0x10];
	_ =	sdelay $0x4  }
0x34: {  	v0 =	vshll.u32 v0, $0x3  }
0x35: {  	[tilespmem:s24+$0xFFFFFFD0] =	vst v0  }
0x36: {  	v0 =	vld [tilespmem:s31+$0x20];
	_ =	sdelay $0x4  }
0x37: {  	v0 =	vshll.u32 v0, $0x3  }
0x38: {  	[tilespmem:s24+$0xFFFFFFE0] =	vst v0  }
0x39: {  	v0 =	vld [tilespmem:s31+$0x30];
	_ =	sdelay $0x4  }
0x3a: {  	v0 =	vshll.u32 v0, $0x3  }
0x3b: {  	[tilespmem:s24+$0xFFFFFFF0] =	vst v0  }
0x3c: {  	v0 =	vld [tilespmem:s31+$0x40];
	_ =	sdelay $0x4  }
0x3d: {  	v0 =	vshll.u32 v0, $0x3  }
0x3e: {  	[tilespmem:s24+$0x0] =	vst v0  }
0x3f: {  	v0 =	vld [tilespmem:s31+$0x50];
	_ =	sdelay $0x4  }
0x40: {  	v0 =	vshll.u32 v0, $0x3  }
0x41: {  	[tilespmem:s24+$0x10] =	vst v0  }
0x42: {  	v0 =	vld [tilespmem:s31+$0x60];
	_ =	sdelay $0x4  }
0x43: {  	v0 =	vshll.u32 v0, $0x3  }
0x44: {  	[tilespmem:s24+$0x20] =	vst v0  }
0x45: {  	v0 =	vld [tilespmem:s31+$0x70];
	_ =	sdelay $0x4  }
0x46: {  	v0 =	vshll.u32 v0, $0x3  }
0x47: {  	s26 =	simm.s32 $0x800;
	s25 =	simm.s32 $0x100;
	[tilespmem:s24+$0x30] =	vst v0  }
.LBB2_2:
0x48: {  	p1 =	sne.s32 s26, $0x13800;
	v0 =	vld [tilespmem:s25+$0x0];
	_ =	sdelay $0x4  }
0x49: {  	s24 =	sadd.s32 $0x80, s24;
	v0 =	vshll.u32 v0, $0x3  }
0x4a: {  	[tilespmem:s24+$0xFFFFFFC0] =	vst v0  }
0x4b: {  	v0 =	vld [tilespmem:s25+$0x10];
	_ =	sdelay $0x4  }
0x4c: {  	v0 =	vshll.u32 v0, $0x3  }
0x4d: {  	[tilespmem:s24+$0xFFFFFFD0] =	vst v0  }
0x4e: {  	v0 =	vld [tilespmem:s25+$0x20];
	_ =	sdelay $0x4  }
0x4f: {  	v0 =	vshll.u32 v0, $0x3  }
0x50: {  	[tilespmem:s24+$0xFFFFFFE0] =	vst v0  }
0x51: {  	v0 =	vld [tilespmem:s25+$0x30];
	_ =	sdelay $0x4  }
0x52: {  	v0 =	vshll.u32 v0, $0x3  }
0x53: {  	[tilespmem:s24+$0xFFFFFFF0] =	vst v0  }
0x54: {  	v0 =	vld [tilespmem:s25+$0x40];
	_ =	sdelay $0x4  }
0x55: {  	v0 =	vshll.u32 v0, $0x3  }
0x56: {  	[tilespmem:s24+$0x0] =	vst v0  }
0x57: {  	v0 =	vld [tilespmem:s25+$0x50];
	_ =	sdelay $0x4  }
0x58: {  	v0 =	vshll.u32 v0, $0x3  }
0x59: {  	[tilespmem:s24+$0x10] =	vst v0  }
0x5a: {  	v0 =	vld [tilespmem:s25+$0x60];
	_ =	sdelay $0x4  }
0x5b: {  	v0 =	vshll.u32 v0, $0x3  }
0x5c: {  	[tilespmem:s24+$0x20] =	vst v0  }
0x5d: {  	v0 =	vld [tilespmem:s25+$0x70];
	_ =	sdelay $0x1  }
.Ltmp0:
0x5e: {  	(pc) =	sbr.rel @p1 .LBB2_2-.Ltmp0, $3  }
0x5f: {  	_ =	sdelay $0x1  }
0x60: {  	v0 =	vshll.u32 v0, $0x3  }
0x61: {  	s25 =	sshra.s32 s26, $0x2;
	s26 =	sadd.s32 $0x400, s26;
	[tilespmem:s24+$0x30] =	vst v0  }
0x62: {  	v0 =	vld [tilespmem:s25+$0x0];
	_ =	sdelay $0x4  }
0x63: {  	s24 =	sadd.s32 $0x80, s24;
	v0 =	vshll.u32 v0, $0x3  }
0x64: {  	[tilespmem:s24+$0xFFFFFFC0] =	vst v0  }
0x65: {  	v0 =	vld [tilespmem:s25+$0x10];
	_ =	sdelay $0x4  }
0x66: {  	v0 =	vshll.u32 v0, $0x3  }
0x67: {  	[tilespmem:s24+$0xFFFFFFD0] =	vst v0  }
0x68: {  	v0 =	vld [tilespmem:s25+$0x20];
	_ =	sdelay $0x4  }
0x69: {  	v0 =	vshll.u32 v0, $0x3  }
0x6a: {  	[tilespmem:s24+$0xFFFFFFE0] =	vst v0  }
0x6b: {  	v0 =	vld [tilespmem:s25+$0x30];
	_ =	sdelay $0x4  }
0x6c: {  	v0 =	vshll.u32 v0, $0x3  }
0x6d: {  	[tilespmem:s24+$0xFFFFFFF0] =	vst v0  }
0x6e: {  	v0 =	vld [tilespmem:s25+$0x40];
	_ =	sdelay $0x4  }
0x6f: {  	v0 =	vshll.u32 v0, $0x3  }
0x70: {  	[tilespmem:s24+$0x0] =	vst v0  }
0x71: {  	v0 =	vld [tilespmem:s25+$0x50];
	_ =	sdelay $0x4  }
0x72: {  	v0 =	vshll.u32 v0, $0x3  }
0x73: {  	[tilespmem:s24+$0x10] =	vst v0  }
0x74: {  	v0 =	vld [tilespmem:s25+$0x60];
	_ =	sdelay $0x4  }
0x75: {  	v0 =	vshll.u32 v0, $0x3  }
0x76: {  	[tilespmem:s24+$0x20] =	vst v0  }
0x77: {  	v0 =	vld [tilespmem:s25+$0x70];
	_ =	sdelay $0x4  }
0x78: {  	v0 =	vshll.u32 v0, $0x3  }
0x79: {  	[tilespmem:s24+$0x30] =	vst v0  }
0x7a: {  	[bflag:$0x0] =	sbarrier.arrive $0xFFFF  }
0x7b: {  	[tilespmem:s15], [sflag:$0x1] =	stream.indirect.gather [hbm4b:s4+s13], $0x10, s14, s13, $0xb8;
	[tilespmem:$0x16E80] =	vst v63  }
0x7c: {  	_ =	swait.ge [sflag:s16], $0x6800  }
0x7d: {  	[sflag:s16] =	ssyncset.done $0x0  }
0x7e: {  	s28 =	simm.s32 $0x5580;
	[sflag:s16] =	ssyncadd.s32 $0xFFFF9800  }
0x7f: {  	[tilespmem:s17], [sflag:$0x2] =	stream.indirect.gather [hbm4b:s4+s13], $0x10, s28, s13, $0xb8;
	[tilespmem:$0x16E80] =	vst v63  }
0x80: {  	s29 =	simm.s32 $0x80  }
0x81: {  	[spmem:s2] =	stream.indirect.scatter.add.f32 [tilespmem:s15], [sflag:$0x3], $0x10, s29, s18, $0xb8;
	[tilespmem:$0x16E80] =	vst v63  }
0x82: {  	s31 =	simm.s32 $0x180;
	s30 =	rddreg [dreg:$0x4]  }
0x83: {  	[spmem:s2] =	stream.indirect.scatter.add.f32 [tilespmem:s30], [sflag:$0x3], $0x10, s31, s18, $0xb8;
	[tilespmem:$0x16E80] =	vst v63  }
0x84: {  	s26 =	rddreg [dreg:$0x5];
	s28 =	simm.s32 $0x280  }
0x85: {  	[spmem:s2] =	stream.indirect.scatter.add.f32 [tilespmem:s26], [sflag:$0x3], $0x10, s28, s18, $0xb8;
	[tilespmem:$0x16E80] =	vst v63  }
0x86: {  	s29 =	rddreg [dreg:$0x6];
	s30 =	simm.s32 $0x380  }
0x87: {  	[spmem:s2] =	stream.indirect.scatter.add.f32 [tilespmem:s29], [sflag:$0x3], $0x10, s30, s18, $0xb8;
	[tilespmem:$0x16E80] =	vst v63  }
0x88: {  	s31 =	rddreg [dreg:$0x7];
	s28 =	simm.s32 $0x480  }
0x89: {  	[spmem:s2] =	stream.indirect.scatter.add.f32 [tilespmem:s31], [sflag:$0x3], $0x10, s28, s18, $0xb8;
	[tilespmem:$0x16E80] =	vst v63  }
0x8a: {  	s29 =	rddreg [dreg:$0x8];
	s30 =	simm.s32 $0x580  }
0x8b: {  	[spmem:s2] =	stream.indirect.scatter.add.f32 [tilespmem:s29], [sflag:$0x3], $0x10, s30, s18, $0xb8;
	[tilespmem:$0x16E80] =	vst v63  }
0x8c: {  	s31 =	rddreg [dreg:$0x9];
	s28 =	simm.s32 $0x680  }
0x8d: {  	[spmem:s2] =	stream.indirect.scatter.add.f32 [tilespmem:s31], [sflag:$0x3], $0x10, s28, s18, $0xb8;
	[tilespmem:$0x16E80] =	vst v63  }
0x8e: {  	s29 =	rddreg [dreg:$0xa];
	s30 =	simm.s32 $0x780  }
0x8f: {  	[spmem:s2] =	stream.indirect.scatter.add.f32 [tilespmem:s29], [sflag:$0x3], $0x10, s30, s18, $0xb8;
	[tilespmem:$0x16E80] =	vst v63  }
0x90: {  	s31 =	rddreg [dreg:$0xb];
	s28 =	simm.s32 $0x880  }
0x91: {  	[spmem:s2] =	stream.indirect.scatter.add.f32 [tilespmem:s31], [sflag:$0x3], $0x10, s28, s18, $0xb8;
	[tilespmem:$0x16E80] =	vst v63  }
0x92: {  	s29 =	rddreg [dreg:$0xc];
	s30 =	simm.s32 $0x980  }
0x93: {  	[spmem:s2] =	stream.indirect.scatter.add.f32 [tilespmem:s29], [sflag:$0x3], $0x10, s30, s18, $0xb8;
	[tilespmem:$0x16E80] =	vst v63  }
0x94: {  	s31 =	rddreg [dreg:$0xd];
	s28 =	simm.s32 $0xA80  }
0x95: {  	[spmem:s2] =	stream.indirect.scatter.add.f32 [tilespmem:s31], [sflag:$0x3], $0x10, s28, s18, $0xb8;
	[tilespmem:$0x16E80] =	vst v63  }
0x96: {  	s29 =	rddreg [dreg:$0xe];
	s30 =	simm.s32 $0xB80  }
0x97: {  	[spmem:s2] =	stream.indirect.scatter.add.f32 [tilespmem:s29], [sflag:$0x3], $0x10, s30, s18, $0xb8;
	[tilespmem:$0x16E80] =	vst v63  }
0x98: {  	s31 =	rddreg [dreg:$0xf];
	s28 =	simm.s32 $0xC80  }
0x99: {  	[spmem:s2] =	stream.indirect.scatter.add.f32 [tilespmem:s31], [sflag:$0x3], $0x10, s28, s18, $0xb8;
	[tilespmem:$0x16E80] =	vst v63  }
0x9a: {  	_ =	swait.ge [sflag:s19], $0x800  }
0x9b: {  	[sflag:s19] =	ssyncset.done $0x0  }
0x9c: {  	[sflag:s19] =	ssyncadd.s32 $0xFFFFF800  }
0x9d: {  	_ =	swait.ge [sflag:s19], $0x800  }
0x9e: {  	[sflag:s19] =	ssyncset.done $0x0  }
0x9f: {  	[sflag:s19] =	ssyncadd.s32 $0xFFFFF800  }
0xa0: {  	_ =	swait.ge [sflag:s19], $0x800  }
0xa1: {  	[sflag:s19] =	ssyncset.done $0x0  }
0xa2: {  	[sflag:s19] =	ssyncadd.s32 $0xFFFFF800  }
0xa3: {  	_ =	swait.ge [sflag:s19], $0x800  }
0xa4: {  	[sflag:s19] =	ssyncset.done $0x0  }
0xa5: {  	[sflag:s19] =	ssyncadd.s32 $0xFFFFF800  }
0xa6: {  	_ =	swait.ge [sflag:s19], $0x800  }
0xa7: {  	[sflag:s19] =	ssyncset.done $0x0  }
0xa8: {  	[sflag:s19] =	ssyncadd.s32 $0xFFFFF800  }
0xa9: {  	_ =	swait.ge [sflag:s19], $0x800  }
0xaa: {  	[sflag:s19] =	ssyncset.done $0x0  }
0xab: {  	[sflag:s19] =	ssyncadd.s32 $0xFFFFF800  }
0xac: {  	_ =	swait.ge [sflag:s19], $0x800  }
0xad: {  	[sflag:s19] =	ssyncset.done $0x0  }
0xae: {  	[sflag:s19] =	ssyncadd.s32 $0xFFFFF800  }
0xaf: {  	_ =	swait.ge [sflag:s19], $0x800  }
0xb0: {  	[sflag:s19] =	ssyncset.done $0x0  }
0xb1: {  	[sflag:s19] =	ssyncadd.s32 $0xFFFFF800  }
0xb2: {  	_ =	swait.ge [sflag:s19], $0x800  }
0xb3: {  	[sflag:s19] =	ssyncset.done $0x0  }
0xb4: {  	[sflag:s19] =	ssyncadd.s32 $0xFFFFF800  }
0xb5: {  	_ =	swait.ge [sflag:s19], $0x800  }
0xb6: {  	[sflag:s19] =	ssyncset.done $0x0  }
0xb7: {  	[sflag:s19] =	ssyncadd.s32 $0xFFFFF800  }
0xb8: {  	_ =	swait.ge [sflag:s19], $0x800  }
0xb9: {  	[sflag:s19] =	ssyncset.done $0x0  }
0xba: {  	[sflag:s19] =	ssyncadd.s32 $0xFFFFF800  }
0xbb: {  	_ =	swait.ge [sflag:s19], $0x800  }
0xbc: {  	[sflag:s19] =	ssyncset.done $0x0  }
0xbd: {  	[sflag:s19] =	ssyncadd.s32 $0xFFFFF800  }
0xbe: {  	p1 =	por $0x0, $0x0;
	_ =	swait.ge [sflag:s19], $0x800  }
0xbf: {  	s25 =	simm.s32 @!p1 $0x680;
	[sflag:s19] =	ssyncset.done $0x0  }
0xc0: {  	s24 =	simm.s32 $0x5C00;
	s26 =	simm.s32 @!p1 $0x7680;
	[sflag:s19] =	ssyncadd.s32 $0xFFFFF800  }
0xc1: {  	[tilespmem:s26], [sflag:$0x1] =	stream.indirect.gather @!p1 [hbm4b:s4+s25], $0x10, s24, s25, $0xb8;
	[tilespmem:$0x16E80] =	vst v63  }
0xc2: {  	_ =	swait.ge [sflag:s20], $0x6800  }
0xc3: {  	[sflag:s20] =	ssyncset.done $0x0  }
0xc4: {  	s29 =	simm.s32 $0xD80;
	[sflag:s20] =	ssyncadd.s32 $0xFFFF9800  }
0xc5: {  	[spmem:s2] =	stream.indirect.scatter.add.f32 [tilespmem:s17], [sflag:$0x4], $0x10, s29, s18, $0xb8;
	[tilespmem:$0x16E80] =	vst v63  }
0xc6: {  	s31 =	simm.s32 $0xE80;
	s30 =	rddreg [dreg:$0x10]  }
0xc7: {  	[spmem:s2] =	stream.indirect.scatter.add.f32 [tilespmem:s30], [sflag:$0x4], $0x10, s31, s18, $0xb8;
	[tilespmem:$0x16E80] =	vst v63  }
0xc8: {  	s26 =	simm.s32 $0xF80;
	s28 =	rddreg [dreg:$0x11]  }
0xc9: {  	[spmem:s2] =	stream.indirect.scatter.add.f32 [tilespmem:s28], [sflag:$0x4], $0x10, s26, s18, $0xb8;
	[tilespmem:$0x16E80] =	vst v63  }
0xca: {  	s29 =	rddreg [dreg:$0x12];
	s30 =	simm.s32 $0x1080  }
0xcb: {  	[spmem:s2] =	stream.indirect.scatter.add.f32 [tilespmem:s29], [sflag:$0x4], $0x10, s30, s18, $0xb8;
	[tilespmem:$0x16E80] =	vst v63  }
0xcc: {  	s31 =	rddreg [dreg:$0x13];
	s26 =	simm.s32 $0x1180  }
0xcd: {  	[spmem:s2] =	stream.indirect.scatter.add.f32 [tilespmem:s31], [sflag:$0x4], $0x10, s26, s18, $0xb8;
	[tilespmem:$0x16E80] =	vst v63  }
0xce: {  	s29 =	rddreg [dreg:$0x14];
	s30 =	simm.s32 $0x1280  }
0xcf: {  	[spmem:s2] =	stream.indirect.scatter.add.f32 [tilespmem:s29], [sflag:$0x4], $0x10, s30, s18, $0xb8;
	[tilespmem:$0x16E80] =	vst v63  }
0xd0: {  	s31 =	rddreg [dreg:$0x15];
	s26 =	simm.s32 $0x1380  }
0xd1: {  	[spmem:s2] =	stream.indirect.scatter.add.f32 [tilespmem:s31], [sflag:$0x4], $0x10, s26, s18, $0xb8;
	[tilespmem:$0x16E80] =	vst v63  }
0xd2: {  	s29 =	rddreg [dreg:$0x16];
	s30 =	simm.s32 $0x1480  }
0xd3: {  	[spmem:s2] =	stream.indirect.scatter.add.f32 [tilespmem:s29], [sflag:$0x4], $0x10, s30, s18, $0xb8;
	[tilespmem:$0x16E80] =	vst v63  }
0xd4: {  	s31 =	rddreg [dreg:$0x17];
	s29 =	simm.s32 $0x1580  }
0xd5: {  	[spmem:s2] =	stream.indirect.scatter.add.f32 [tilespmem:s31], [sflag:$0x4], $0x10, s29, s18, $0xb8;
	[tilespmem:$0x16E80] =	vst v63  }
0xd6: {  	s30 =	rddreg [dreg:$0x18];
	s31 =	simm.s32 $0x1680  }
0xd7: {  	[spmem:s2] =	stream.indirect.scatter.add.f32 [tilespmem:s30], [sflag:$0x4], $0x10, s31, s18, $0xb8;
	[tilespmem:$0x16E80] =	vst v63  }
0xd8: {  	s29 =	rddreg [dreg:$0x19];
	s30 =	simm.s32 $0x1780  }
0xd9: {  	[spmem:s2] =	stream.indirect.scatter.add.f32 [tilespmem:s29], [sflag:$0x4], $0x10, s30, s18, $0xb8;
	[tilespmem:$0x16E80] =	vst v63  }
0xda: {  	s31 =	rddreg [dreg:$0x1a];
	s29 =	simm.s32 $0x1880  }
0xdb: {  	[spmem:s2] =	stream.indirect.scatter.add.f32 [tilespmem:s31], [sflag:$0x4], $0x10, s29, s18, $0xb8;
	[tilespmem:$0x16E80] =	vst v63  }
0xdc: {  	s30 =	rddreg [dreg:$0x1b];
	s31 =	simm.s32 $0x1980  }
0xdd: {  	[spmem:s2] =	stream.indirect.scatter.add.f32 [tilespmem:s30], [sflag:$0x4], $0x10, s31, s18, $0xb8;
	[tilespmem:$0x16E80] =	vst v63  }
0xde: {  	_ =	swait.ge [sflag:s21], $0x800  }
0xdf: {  	[sflag:s21] =	ssyncset.done $0x0  }
0xe0: {  	[sflag:s21] =	ssyncadd.s32 $0xFFFFF800  }
0xe1: {  	_ =	swait.ge [sflag:s21], $0x800  }
0xe2: {  	[sflag:s21] =	ssyncset.done $0x0  }
0xe3: {  	[sflag:s21] =	ssyncadd.s32 $0xFFFFF800  }
0xe4: {  	_ =	swait.ge [sflag:s21], $0x800  }
0xe5: {  	[sflag:s21] =	ssyncset.done $0x0  }
0xe6: {  	[sflag:s21] =	ssyncadd.s32 $0xFFFFF800  }
0xe7: {  	_ =	swait.ge [sflag:s21], $0x800  }
0xe8: {  	[sflag:s21] =	ssyncset.done $0x0  }
0xe9: {  	[sflag:s21] =	ssyncadd.s32 $0xFFFFF800  }
0xea: {  	_ =	swait.ge [sflag:s21], $0x800  }
0xeb: {  	[sflag:s21] =	ssyncset.done $0x0  }
0xec: {  	[sflag:s21] =	ssyncadd.s32 $0xFFFFF800  }
0xed: {  	_ =	swait.ge [sflag:s21], $0x800  }
0xee: {  	[sflag:s21] =	ssyncset.done $0x0  }
0xef: {  	[sflag:s21] =	ssyncadd.s32 $0xFFFFF800  }
0xf0: {  	_ =	swait.ge [sflag:s21], $0x800  }
0xf1: {  	[sflag:s21] =	ssyncset.done $0x0  }
0xf2: {  	[sflag:s21] =	ssyncadd.s32 $0xFFFFF800  }
0xf3: {  	_ =	swait.ge [sflag:s21], $0x800  }
0xf4: {  	[sflag:s21] =	ssyncset.done $0x0  }
0xf5: {  	[sflag:s21] =	ssyncadd.s32 $0xFFFFF800  }
0xf6: {  	_ =	swait.ge [sflag:s21], $0x800  }
0xf7: {  	[sflag:s21] =	ssyncset.done $0x0  }
0xf8: {  	[sflag:s21] =	ssyncadd.s32 $0xFFFFF800  }
0xf9: {  	_ =	swait.ge [sflag:s21], $0x800  }
0xfa: {  	[sflag:s21] =	ssyncset.done $0x0  }
0xfb: {  	[sflag:s21] =	ssyncadd.s32 $0xFFFFF800  }
0xfc: {  	_ =	swait.ge [sflag:s21], $0x800  }
0xfd: {  	[sflag:s21] =	ssyncset.done $0x0  }
0xfe: {  	[sflag:s21] =	ssyncadd.s32 $0xFFFFF800  }
0xff: {  	_ =	swait.ge [sflag:s21], $0x800  }
0x100: {  	[sflag:s21] =	ssyncset.done $0x0  }
0x101: {  	[sflag:s21] =	ssyncadd.s32 $0xFFFFF800  }
0x102: {  	_ =	swait.ge [sflag:s21], $0x800  }
0x103: {  	s25 =	simm.s32 $0x6800;
	[sflag:s21] =	ssyncset.done $0x0  }
.LBB2_4:
0x104: {  	[sflag:s21] =	ssyncadd.s32 $0xFFFFF800  }
0x105: {  	_ =	swait.ge [sflag:s16], $0x6800  }
0x106: {  	s24 =	sadd.s32 $0xD00, s24;
	s28 =	smov.u32 s25;
	[sflag:s16] =	ssyncset.done $0x0  }
0x107: {  	s29 =	sadd.s32 $0xFFFFF980, s24;
	s26 =	sshra.s32 s28, $0x2;
	[sflag:s16] =	ssyncadd.s32 $0xFFFF9800  }
0x108: {  	[tilespmem:s17], [sflag:$0x2] =	stream.indirect.gather [hbm4b:s4+s13], $0x10, s29, s13, $0xb8;
	[tilespmem:$0x16E80] =	vst v63  }
0x109: {  	s31 =	sadd.s32 $0x80, s26  }
0x10a: {  	[spmem:s2] =	stream.indirect.scatter.add.f32 [tilespmem:s15], [sflag:$0x3], $0x10, s31, s18, $0xb8;
	[tilespmem:$0x16E80] =	vst v63  }
0x10b: {  	s30 =	rddreg [dreg:$0x4];
	s29 =	sadd.s32 $0x180, s26  }
0x10c: {  	[spmem:s2] =	stream.indirect.scatter.add.f32 [tilespmem:s30], [sflag:$0x3], $0x10, s29, s18, $0xb8;
	[tilespmem:$0x16E80] =	vst v63  }
0x10d: {  	s31 =	rddreg [dreg:$0x5];
	s29 =	sadd.s32 $0x280, s26  }
0x10e: {  	[spmem:s2] =	stream.indirect.scatter.add.f32 [tilespmem:s31], [sflag:$0x3], $0x10, s29, s18, $0xb8;
	[tilespmem:$0x16E80] =	vst v63  }
0x10f: {  	s30 =	rddreg [dreg:$0x6];
	s29 =	sadd.s32 $0x380, s26  }
0x110: {  	[spmem:s2] =	stream.indirect.scatter.add.f32 [tilespmem:s30], [sflag:$0x3], $0x10, s29, s18, $0xb8;
	[tilespmem:$0x16E80] =	vst v63  }
0x111: {  	s31 =	rddreg [dreg:$0x7];
	s29 =	sadd.s32 $0x480, s26  }
0x112: {  	[spmem:s2] =	stream.indirect.scatter.add.f32 [tilespmem:s31], [sflag:$0x3], $0x10, s29, s18, $0xb8;
	[tilespmem:$0x16E80] =	vst v63  }
0x113: {  	s30 =	rddreg [dreg:$0x8];
	s29 =	sadd.s32 $0x580, s26  }
0x114: {  	[spmem:s2] =	stream.indirect.scatter.add.f32 [tilespmem:s30], [sflag:$0x3], $0x10, s29, s18, $0xb8;
	[tilespmem:$0x16E80] =	vst v63  }
0x115: {  	s31 =	rddreg [dreg:$0x9];
	s29 =	sadd.s32 $0x680, s26  }
0x116: {  	[spmem:s2] =	stream.indirect.scatter.add.f32 [tilespmem:s31], [sflag:$0x3], $0x10, s29, s18, $0xb8;
	[tilespmem:$0x16E80] =	vst v63  }
0x117: {  	s30 =	rddreg [dreg:$0xa];
	s29 =	sadd.s32 $0x780, s26  }
0x118: {  	[spmem:s2] =	stream.indirect.scatter.add.f32 [tilespmem:s30], [sflag:$0x3], $0x10, s29, s18, $0xb8;
	[tilespmem:$0x16E80] =	vst v63  }
0x119: {  	s31 =	rddreg [dreg:$0xb];
	s29 =	sadd.s32 $0x880, s26  }
0x11a: {  	[spmem:s2] =	stream.indirect.scatter.add.f32 [tilespmem:s31], [sflag:$0x3], $0x10, s29, s18, $0xb8;
	[tilespmem:$0x16E80] =	vst v63  }
0x11b: {  	s30 =	rddreg [dreg:$0xc];
	s29 =	sadd.s32 $0x980, s26  }
0x11c: {  	[spmem:s2] =	stream.indirect.scatter.add.f32 [tilespmem:s30], [sflag:$0x3], $0x10, s29, s18, $0xb8;
	[tilespmem:$0x16E80] =	vst v63  }
0x11d: {  	s31 =	rddreg [dreg:$0xd];
	s29 =	sadd.s32 $0xA80, s26  }
0x11e: {  	[spmem:s2] =	stream.indirect.scatter.add.f32 [tilespmem:s31], [sflag:$0x3], $0x10, s29, s18, $0xb8;
	[tilespmem:$0x16E80] =	vst v63  }
0x11f: {  	s30 =	rddreg [dreg:$0xe];
	s29 =	sadd.s32 $0xB80, s26  }
0x120: {  	[spmem:s2] =	stream.indirect.scatter.add.f32 [tilespmem:s30], [sflag:$0x3], $0x10, s29, s18, $0xb8;
	[tilespmem:$0x16E80] =	vst v63  }
0x121: {  	s31 =	rddreg [dreg:$0xf];
	s30 =	sadd.s32 $0xC80, s26  }
0x122: {  	[spmem:s2] =	stream.indirect.scatter.add.f32 [tilespmem:s31], [sflag:$0x3], $0x10, s30, s18, $0xb8;
	[tilespmem:$0x16E80] =	vst v63  }
0x123: {  	_ =	swait.ge [sflag:s19], $0x800  }
0x124: {  	[sflag:s19] =	ssyncset.done $0x0  }
0x125: {  	[sflag:s19] =	ssyncadd.s32 $0xFFFFF800  }
0x126: {  	_ =	swait.ge [sflag:s19], $0x800  }
0x127: {  	[sflag:s19] =	ssyncset.done $0x0  }
0x128: {  	[sflag:s19] =	ssyncadd.s32 $0xFFFFF800  }
0x129: {  	_ =	swait.ge [sflag:s19], $0x800  }
0x12a: {  	[sflag:s19] =	ssyncset.done $0x0  }
0x12b: {  	[sflag:s19] =	ssyncadd.s32 $0xFFFFF800  }
0x12c: {  	_ =	swait.ge [sflag:s19], $0x800  }
0x12d: {  	[sflag:s19] =	ssyncset.done $0x0  }
0x12e: {  	[sflag:s19] =	ssyncadd.s32 $0xFFFFF800  }
0x12f: {  	_ =	swait.ge [sflag:s19], $0x800  }
0x130: {  	[sflag:s19] =	ssyncset.done $0x0  }
0x131: {  	[sflag:s19] =	ssyncadd.s32 $0xFFFFF800  }
0x132: {  	_ =	swait.ge [sflag:s19], $0x800  }
0x133: {  	[sflag:s19] =	ssyncset.done $0x0  }
0x134: {  	[sflag:s19] =	ssyncadd.s32 $0xFFFFF800  }
0x135: {  	_ =	swait.ge [sflag:s19], $0x800  }
0x136: {  	[sflag:s19] =	ssyncset.done $0x0  }
0x137: {  	[sflag:s19] =	ssyncadd.s32 $0xFFFFF800  }
0x138: {  	_ =	swait.ge [sflag:s19], $0x800  }
0x139: {  	[sflag:s19] =	ssyncset.done $0x0  }
0x13a: {  	[sflag:s19] =	ssyncadd.s32 $0xFFFFF800  }
0x13b: {  	_ =	swait.ge [sflag:s19], $0x800  }
0x13c: {  	[sflag:s19] =	ssyncset.done $0x0  }
0x13d: {  	[sflag:s19] =	ssyncadd.s32 $0xFFFFF800  }
0x13e: {  	_ =	swait.ge [sflag:s19], $0x800  }
0x13f: {  	[sflag:s19] =	ssyncset.done $0x0  }
0x140: {  	[sflag:s19] =	ssyncadd.s32 $0xFFFFF800  }
0x141: {  	_ =	swait.ge [sflag:s19], $0x800  }
0x142: {  	[sflag:s19] =	ssyncset.done $0x0  }
0x143: {  	[sflag:s19] =	ssyncadd.s32 $0xFFFFF800  }
0x144: {  	_ =	swait.ge [sflag:s19], $0x800  }
0x145: {  	[sflag:s19] =	ssyncset.done $0x0  }
0x146: {  	[sflag:s19] =	ssyncadd.s32 $0xFFFFF800  }
0x147: {  	_ =	swait.ge [sflag:s19], $0x800  }
0x148: {  	p2 =	seq.s32 s28, $0xD000;
	[sflag:s19] =	ssyncset.done $0x0  }
0x149: {  	s28 =	simm.s32 @!p2 $0x680;
	s29 =	simm.s32 @!p2 $0x7680;
	[sflag:s19] =	ssyncadd.s32 $0xFFFFF800  }
0x14a: {  	[tilespmem:s29], [sflag:$0x1] =	stream.indirect.gather @!p2 [hbm4b:s4+s28], $0x10, s24, s28, $0xb8;
	[tilespmem:$0x16E80] =	vst v63  }
0x14b: {  	_ =	swait.ge [sflag:s20], $0x6800  }
0x14c: {  	[sflag:s20] =	ssyncset.done $0x0  }
0x14d: {  	s30 =	sadd.s32 $0xD80, s26;
	[sflag:s20] =	ssyncadd.s32 $0xFFFF9800  }
0x14e: {  	[spmem:s2] =	stream.indirect.scatter.add.f32 [tilespmem:s17], [sflag:$0x4], $0x10, s30, s18, $0xb8;
	[tilespmem:$0x16E80] =	vst v63  }
0x14f: {  	s31 =	sadd.s32 $0xE80, s26;
	s29 =	rddreg [dreg:$0x10]  }
0x150: {  	[spmem:s2] =	stream.indirect.scatter.add.f32 [tilespmem:s29], [sflag:$0x4], $0x10, s31, s18, $0xb8;
	[tilespmem:$0x16E80] =	vst v63  }
0x151: {  	s30 =	rddreg [dreg:$0x11];
	s31 =	sadd.s32 $0xF80, s26  }
0x152: {  	[spmem:s2] =	stream.indirect.scatter.add.f32 [tilespmem:s30], [sflag:$0x4], $0x10, s31, s18, $0xb8;
	[tilespmem:$0x16E80] =	vst v63  }
0x153: {  	s29 =	rddreg [dreg:$0x12];
	s31 =	sadd.s32 $0x1080, s26  }
0x154: {  	[spmem:s2] =	stream.indirect.scatter.add.f32 [tilespmem:s29], [sflag:$0x4], $0x10, s31, s18, $0xb8;
	[tilespmem:$0x16E80] =	vst v63  }
0x155: {  	s30 =	rddreg [dreg:$0x13];
	s31 =	sadd.s32 $0x1180, s26  }
0x156: {  	[spmem:s2] =	stream.indirect.scatter.add.f32 [tilespmem:s30], [sflag:$0x4], $0x10, s31, s18, $0xb8;
	[tilespmem:$0x16E80] =	vst v63  }
0x157: {  	s29 =	rddreg [dreg:$0x14];
	s31 =	sadd.s32 $0x1280, s26  }
0x158: {  	[spmem:s2] =	stream.indirect.scatter.add.f32 [tilespmem:s29], [sflag:$0x4], $0x10, s31, s18, $0xb8;
	[tilespmem:$0x16E80] =	vst v63  }
0x159: {  	s30 =	rddreg [dreg:$0x15];
	s31 =	sadd.s32 $0x1380, s26  }
0x15a: {  	[spmem:s2] =	stream.indirect.scatter.add.f32 [tilespmem:s30], [sflag:$0x4], $0x10, s31, s18, $0xb8;
	[tilespmem:$0x16E80] =	vst v63  }
0x15b: {  	s29 =	rddreg [dreg:$0x16];
	s31 =	sadd.s32 $0x1480, s26  }
0x15c: {  	[spmem:s2] =	stream.indirect.scatter.add.f32 [tilespmem:s29], [sflag:$0x4], $0x10, s31, s18, $0xb8;
	[tilespmem:$0x16E80] =	vst v63  }
0x15d: {  	s30 =	rddreg [dreg:$0x17];
	s31 =	sadd.s32 $0x1580, s26  }
0x15e: {  	[spmem:s2] =	stream.indirect.scatter.add.f32 [tilespmem:s30], [sflag:$0x4], $0x10, s31, s18, $0xb8;
	[tilespmem:$0x16E80] =	vst v63  }
0x15f: {  	s29 =	rddreg [dreg:$0x18];
	s31 =	sadd.s32 $0x1680, s26  }
0x160: {  	[spmem:s2] =	stream.indirect.scatter.add.f32 [tilespmem:s29], [sflag:$0x4], $0x10, s31, s18, $0xb8;
	[tilespmem:$0x16E80] =	vst v63  }
0x161: {  	s30 =	rddreg [dreg:$0x19];
	s31 =	sadd.s32 $0x1780, s26  }
0x162: {  	[spmem:s2] =	stream.indirect.scatter.add.f32 [tilespmem:s30], [sflag:$0x4], $0x10, s31, s18, $0xb8;
	[tilespmem:$0x16E80] =	vst v63  }
0x163: {  	s28 =	sadd.s32 $0x1880, s26;
	s29 =	rddreg [dreg:$0x1a]  }
0x164: {  	[spmem:s2] =	stream.indirect.scatter.add.f32 [tilespmem:s29], [sflag:$0x4], $0x10, s28, s18, $0xb8;
	[tilespmem:$0x16E80] =	vst v63  }
0x165: {  	s26 =	sadd.s32 $0x1980, s26;
	s31 =	rddreg [dreg:$0x1b]  }
0x166: {  	[spmem:s2] =	stream.indirect.scatter.add.f32 [tilespmem:s31], [sflag:$0x4], $0x10, s26, s18, $0xb8;
	[tilespmem:$0x16E80] =	vst v63  }
0x167: {  	_ =	swait.ge [sflag:s21], $0x800  }
0x168: {  	[sflag:s21] =	ssyncset.done $0x0  }
0x169: {  	[sflag:s21] =	ssyncadd.s32 $0xFFFFF800  }
0x16a: {  	_ =	swait.ge [sflag:s21], $0x800  }
0x16b: {  	[sflag:s21] =	ssyncset.done $0x0  }
0x16c: {  	[sflag:s21] =	ssyncadd.s32 $0xFFFFF800  }
0x16d: {  	_ =	swait.ge [sflag:s21], $0x800  }
0x16e: {  	[sflag:s21] =	ssyncset.done $0x0  }
0x16f: {  	[sflag:s21] =	ssyncadd.s32 $0xFFFFF800  }
0x170: {  	_ =	swait.ge [sflag:s21], $0x800  }
0x171: {  	[sflag:s21] =	ssyncset.done $0x0  }
0x172: {  	[sflag:s21] =	ssyncadd.s32 $0xFFFFF800  }
0x173: {  	_ =	swait.ge [sflag:s21], $0x800  }
0x174: {  	[sflag:s21] =	ssyncset.done $0x0  }
0x175: {  	[sflag:s21] =	ssyncadd.s32 $0xFFFFF800  }
0x176: {  	_ =	swait.ge [sflag:s21], $0x800  }
0x177: {  	[sflag:s21] =	ssyncset.done $0x0  }
0x178: {  	[sflag:s21] =	ssyncadd.s32 $0xFFFFF800  }
0x179: {  	_ =	swait.ge [sflag:s21], $0x800  }
0x17a: {  	[sflag:s21] =	ssyncset.done $0x0  }
0x17b: {  	[sflag:s21] =	ssyncadd.s32 $0xFFFFF800  }
0x17c: {  	_ =	swait.ge [sflag:s21], $0x800  }
0x17d: {  	[sflag:s21] =	ssyncset.done $0x0  }
0x17e: {  	[sflag:s21] =	ssyncadd.s32 $0xFFFFF800  }
0x17f: {  	_ =	swait.ge [sflag:s21], $0x800  }
0x180: {  	[sflag:s21] =	ssyncset.done $0x0  }
0x181: {  	[sflag:s21] =	ssyncadd.s32 $0xFFFFF800  }
0x182: {  	_ =	swait.ge [sflag:s21], $0x800  }
0x183: {  	[sflag:s21] =	ssyncset.done $0x0  }
0x184: {  	[sflag:s21] =	ssyncadd.s32 $0xFFFFF800  }
0x185: {  	_ =	swait.ge [sflag:s21], $0x800  }
0x186: {  	s25 =	sadd.s32 $0x6800, s25;
	[sflag:s21] =	ssyncset.done $0x0  }
0x187: {  	p1 =	sne.s32 s25, $0x13800;
	[sflag:s21] =	ssyncadd.s32 $0xFFFFF800  }
.Ltmp1:
0x188: {  	_ =	swait.ge [sflag:s21], $0x800;
	(pc) =	sbr.rel @p1 .LBB2_4-.Ltmp1, $4  }
0x189: {  	[sflag:s21] =	ssyncset.done $0x0  }
0x18a: {  	[sflag:s21] =	ssyncadd.s32 $0xFFFFF800  }
0x18b: {  	_ =	swait.ge [sflag:s21], $0x800  }
0x18c: {  	[sflag:s21] =	ssyncset.done $0x0  }
0x18d: {  	[sflag:s21] =	ssyncadd.s32 $0xFFFFF800  }
0x18e: {  	s24 =	simm.s32 @!p0 $0x80;
	s25 =	simm.s32 @!p0 $0x7600;
	s26 =	simm.s32 @!p0 $0x7680  }
0x18f: {  	[tilespmem:s26], [sflag:$0x1] =	stream.indirect.gather @!p0 [hbm4b:s4+s24], $0x10, s25, s24, $0xb8;
	[tilespmem:$0x16E80] =	vst v63  }
0x190: {  	s25 =	simm.s32 @!p0 $0x1  }
0x191: {  	_ =	swait.ge @!p0 [sflag:s25], $0x800  }
0x192: {  	[sflag:s25] =	ssyncset.done @!p0 $0x0  }
0x193: {  	[sflag:s25] =	ssyncadd.s32 @!p0 $0xFFFFF800;
	s25 =	simm.s32 @!p0 $0x4E80  }
0x194: {  	[spmem:s2] =	stream.indirect.scatter.add.f32 @!p0 [tilespmem:s26], [sflag:$0x3], $0x10, s25, s24, $0xb8;
	[tilespmem:$0x16E80] =	vst v63  }
0x195: {  	s24 =	simm.s32 @!p0 $0x3  }
0x196: {  	_ =	swait.ge @!p0 [sflag:s24], $0x800  }
0x197: {  	s23 =	sadd.s32 $0x1, s23;
	[sflag:s24] =	ssyncset.done @!p0 $0x0  }
0x198: {  	p1 =	sne.s32 s23, s10;
	[sflag:s24] =	ssyncadd.s32 @!p0 $0xFFFFF800  }
.Ltmp2:
0x199: {  	[bflag:$0x0] =	sbarrier.arrive $0xFFFF;
	(pc) =	sbr.rel @p1 .LBB2_1-.Ltmp2, $4  }
0x19a: {  	[hbm:s9@s22], [sflag:s6] =	dma.strided [spmem:s11@s20], $0x500, s16, $0x2   }
0x19b: {  	_ =	swait.ge [sflag:s12], $0x500  }
0x19c: {  	[sflag:s12] =	ssyncset.done $0x0  }
0x19d: {  	[sflag:s12] =	ssyncadd.s32 $0xFFFFFB00  }
0x19e: {  	_ =	sfence.sel $0x180000  }
0x19f: {  	[bflag:$0x0] =	sbarrier.arrive $0xFFFF  }
0x1a0: {  	p0 =	sne.s32 s0, $0x0;
	_ =	strace $0x9000004D  }
0x1a1: {  	s0 =	sadd.s32 @!p0 $0x100000, s1;
	[bflag:$0x2] =	sbarrier.arrive $0xFFFF  }
0x1a2: {  	[sflag:s0] =	ssyncadd.tile.s32 @!p0 $0x1;
	_ =	shalt  }
.Lfunc_end2:
_tile_overlayer_lowered:
.L_overlay_start_2:
0x1a3: {  	(tag) =	ssettag $0x2  }
0x1a4: {  	s0 =	rddreg [dreg:$0x0];
	s2 =	stileid.u32  }
0x1a5: {  	s1 =	rddreg [dreg:$0x1];
	p0 =	sne.s32 s2, $0x0  }
0x1a6: {  	s3 =	rddreg [dreg:$0x2];
	[bflag:$0x3] =	sbarrier.arrive $0xFFFF;
	s2 =	simm.s32 @!p0 $0x1C05  }
0x1a7: {  	[timem:s3], [sflag:s2] =	dma.local @!p0 [hbm:s0], s1  }
0x1a8: {  	s0 =	simm.s32 @!p0 $0x5  }
0x1a9: {  	_ =	swait.ge @!p0 [sflag:s0], s1  }
0x1aa: {  	s1 =	ssub.s32 @!p0 $0x0, s1;
	[sflag:s0] =	ssyncset.done @!p0 $0x0  }
0x1ab: {  	[sflag:s0] =	ssyncadd.s32 @!p0 s1  }
0x1ac: {  	[bflag:$0x3] =	sbarrier.arrive $0xFFFF  }
0x1ad: {  	_ =	shalt  }

// kernel: kernel.8.cloned.1.call-start
scs
__scs_entry_jumppad:
0x0: {  	(pc) =	sbr.rel $0x88, $3  }
0x1: {  	(tag) =	ssettag $0x0;
	lr =	simm.s32 $0x1  }
0x2: {  	[smem:$0x3F9B] =	sst lr;
	_ =	strace $0xD0000000  }
0x3: {  	_ = 	snop  }
0x4: {  	_ = 	snop  }
0x5: {  	_ = 	snop  }
0x6: {  	_ = 	snop  }
0x7: {  	_ = 	snop  }
__scs_overlays_trampoline_lowered:
0x8: {  	[smem:$0x3FAA] =	sst s0  }
0x9: {  	[smem:$0x3FAB] =	sst s1  }
0xa: {  	[smem:$0x3FAC] =	sst s2  }
0xb: {  	[smem:$0x3FAD] =	sst s3  }
0xc: {  	[smem:$0x3FAE] =	sst s4  }
0xd: {  	[smem:$0x3FAF] =	sst s5  }
0xe: {  	[smem:$0x3FB0] =	sst s6  }
0xf: {  	[smem:$0x3FB1] =	sst s7  }
0x10: {  	[smem:$0x3FB2] =	sst s8  }
0x11: {  	[smem:$0x3FB3] =	sst s9;
	s0 =	simm.s32 @!p0 $0x0  }
0x12: {  	s1 =	sld [smem:$0x3F99];
	s0 =	simm.s32 @p0 $0x1  }
0x13: {  	[smem:$0x3FB4] =	sst s0;
	s0 =	simm.s32 @!p1 $0x0  }
0x14: {  	s2 =	sld [smem:$0x3F98];
	s0 =	simm.s32 @p1 $0x1  }
0x15: {  	[smem:$0x3FB5] =	sst s0;
	s0 =	simm.s32 @!p2 $0x0  }
0x16: {  	s3 =	sld [smem:$0x3FDB];
	s0 =	simm.s32 @p2 $0x1  }
0x17: {  	s4 =	simm.s32 $0x1BF5;
	[smem:$0x3FB7] =	sst s0  }
0x18: {  	s0 =	sld [smem:$0x3F9A];
	_ =	swait.ge [sflag:s4], $0x0  }
0x19: {  	s7 =	sld [smem:$0x3F9B]  }
0x1a: {  	s8 =	sadd.s32 $0xFFFFE003, lr  }
0x1b: {  	s9 =	sadd.s32 $0xFFFFFEF7, lr;
	s5 =	simm.s32 $0xFFFFFFFF;
	p2 =	slt.u32 s8, $0xFFFFF086  }
0x1c: {  	p1 =	slt.u32 s9, $0xF7A;
	s5 =	simm.s32 @!p2 $0x0  }
0x1d: {  	s5 =	simm.s32 @p1 $0x1;
	p0 =	seq.s32 s7, s2  }
0x1e: {  	s7 =	smul.u32 @!p0 $0xF7A, s2;
	p2 =	seq.s32 @!p0 s5, $0x0  }
0x1f: {  	s9 =	smul.u32 $0xF7A, s1;
	s8 =	simm.s32 @!p0 $0x1BF5;
	p2 =	por !p2, p0  }
0x20: {  	[sflag:s8] =	ssyncset.s32 @!p0 $0xFFFFF086;
	s6 =	sadd.s32 @!p0 s3, s7;
	s7 =	simm.s32 @!p0 $0x108  }
0x21: {  	s3 =	sadd.s32 s3, s9;
	s6 =	sadd.s32 @!p0 $0x88, s6;
	s7 =	simm.s32 @p2 $0x1082  }
0x22: {  	[simem:s7], [sflag:s8] =	dma.local @!p0 [hbm:s6], $0xF7A  }
0x23: {  	s9 =	sor.u32 $0xD0000000, s2;
	s6 =	simm.s32 $0x108;
	_ =	swait.ge @!p0 [sflag:s8], $0x0  }
0x24: {  	s3 =	sadd.s32 $0x88, s3;
	s6 =	simm.s32 @!p1 $0x1082;
	[sflag:s4] =	ssyncset.s32 $0xFFFFF086  }
0x25: {  	[simem:s6], [sflag:s4] =	dma.local [hbm:s3], $0xF7A  }
0x26: {  	[smem:$0x3F9B] =	sst s1;
	(tag) =	ssettag s2;
	_ =	strace s9  }
0x27: {  	s1 =	sld [smem:$0x3FAB]  }
0x28: {  	s2 =	sld [smem:$0x3FAC]  }
0x29: {  	s4 =	sld [smem:$0x3FAE]  }
0x2a: {  	p0 =	seq.s32 s5, $0x0;
	s5 =	sld [smem:$0x3FAF]  }
0x2b: {  	s6 =	sld [smem:$0x3FB0]  }
0x2c: {  	s7 =	sld [smem:$0x3FB1]  }
0x2d: {  	s3 =	simm.s32 $0x108;
	s8 =	sld [smem:$0x3FB2]  }
0x2e: {  	s3 =	simm.s32 @!p0 $0x1082;
	s9 =	sld [smem:$0x3FB3]  }
0x2f: {  	lr =	sadd.s32 s0, s3;
	s0 =	sld [smem:$0x3FAA]  }
0x30: {  	s3 =	sld [smem:$0x3FAD]  }
0x31: {  	[smem:$0x3FB6] =	sst s10  }
0x32: {  	s10 =	sld [smem:$0x3FB4];
	_ =	sdelay $0x3  }
0x33: {  	p0 =	seq.s32 s10, $0x1;
	s10 =	sld [smem:$0x3FB6];
	_ =	sdelay $0x3  }
0x34: {  	[smem:$0x3FB6] =	sst s10  }
0x35: {  	s10 =	sld [smem:$0x3FB5];
	_ =	sdelay $0x3  }
0x36: {  	p1 =	seq.s32 s10, $0x1;
	s10 =	sld [smem:$0x3FB6];
	_ =	sdelay $0x3  }
0x37: {  	[smem:$0x3FB6] =	sst s10  }
0x38: {  	s10 =	sld [smem:$0x3FB7]  }
0x39: {  	_ = 	snop;
	(pc) =	sbr.ind lr, $3  }
0x3a: {  	_ = 	snop  }
0x3b: {  	_ = 	snop  }
0x3c: {  	p2 =	seq.s32 s10, $0x1;
	s10 =	sld [smem:$0x3FB6]  }
0x3d: {  	_ =	shalt  }
0x3e: {  	_ =	shalt  }
0x3f: {  	_ =	shalt  }
0x40: {  	_ =	shalt  }
0x41: {  	_ =	shalt  }
0x42: {  	_ =	shalt  }
0x43: {  	_ =	shalt  }
0x44: {  	_ =	shalt  }
0x45: {  	_ =	shalt  }
0x46: {  	_ =	shalt  }
0x47: {  	_ =	shalt  }
0x48: {  	_ =	shalt  }
0x49: {  	_ =	shalt  }
0x4a: {  	_ =	shalt  }
0x4b: {  	_ =	shalt  }
0x4c: {  	_ =	shalt  }
0x4d: {  	_ =	shalt  }
0x4e: {  	_ =	shalt  }
0x4f: {  	_ =	shalt  }
0x50: {  	_ =	shalt  }
0x51: {  	_ =	shalt  }
0x52: {  	_ =	shalt  }
0x53: {  	_ =	shalt  }
0x54: {  	_ =	shalt  }
0x55: {  	_ =	shalt  }
0x56: {  	_ =	shalt  }
0x57: {  	_ =	shalt  }
0x58: {  	_ =	shalt  }
0x59: {  	_ =	shalt  }
0x5a: {  	_ =	shalt  }
0x5b: {  	_ =	shalt  }
0x5c: {  	_ =	shalt  }
0x5d: {  	_ =	shalt  }
0x5e: {  	_ =	shalt  }
0x5f: {  	_ =	shalt  }
0x60: {  	_ =	shalt  }
0x61: {  	_ =	shalt  }
0x62: {  	_ =	shalt  }
0x63: {  	_ =	shalt  }
0x64: {  	_ =	shalt  }
0x65: {  	_ =	shalt  }
0x66: {  	_ =	shalt  }
0x67: {  	_ =	shalt  }
0x68: {  	_ =	shalt  }
0x69: {  	_ =	shalt  }
0x6a: {  	_ =	shalt  }
0x6b: {  	_ =	shalt  }
0x6c: {  	_ =	shalt  }
0x6d: {  	_ =	shalt  }
0x6e: {  	_ =	shalt  }
0x6f: {  	_ =	shalt  }
0x70: {  	_ =	shalt  }
0x71: {  	_ =	shalt  }
0x72: {  	_ =	shalt  }
0x73: {  	_ =	shalt  }
0x74: {  	_ =	shalt  }
0x75: {  	_ =	shalt  }
0x76: {  	_ =	shalt  }
0x77: {  	_ =	shalt  }
0x78: {  	_ =	shalt  }
0x79: {  	_ =	shalt  }
0x7a: {  	_ =	shalt  }
0x7b: {  	_ =	shalt  }
0x7c: {  	_ =	shalt  }
0x7d: {  	_ =	shalt  }
0x7e: {  	_ =	shalt  }
0x7f: {  	_ =	shalt  }
0x80: {  	_ =	shalt  }
0x81: {  	_ =	shalt  }
0x82: {  	_ =	shalt  }
0x83: {  	_ =	shalt  }
0x84: {  	_ =	shalt  }
0x85: {  	_ =	shalt  }
0x86: {  	_ =	shalt  }
0x87: {  	_ =	shalt  }
.Lfunc_end0:
.L_simem_size_0:
called_computation_lowered:
.L_overlay_start_0:
0x88: {  	s2 =	sld [smem:$0x3FD9]  }
0x89: {  	s3 =	sld [smem:$0x3FFE];
	_ =	sdelay $0x1  }
0x8a: {  	s1 =	srdreg.scid  }
0x8b: {  	s0 =	sand.u32 $0x1, s1  }
0x8c: {  	s17 =	sshll.u32 s0, $0xA;
	s2 =	sadd.s32 s3, s2  }
0x8d: {  	s2 =	sadd.s32 s2, s17  }
0x8e: {  	[smem:$0x3FC2] =	sst s2  }
0x8f: {  	_ = 	snop  }
0x90: {  	s2 =	sld [smem:$0x3FC8]  }
0x91: {  	s18 =	sld [smem:$0x3FD0];
	(tm) =	ssettm $0x1  }
0x92: {  	s4 =	sld [smem:$0x3FFB];
	_ =	sdelay $0x3  }
0x93: {  	_ =	strace s4  }
0x94: {  	s4 =	sld [smem:$0x3FFC];
	_ =	sdelay $0x3  }
0x95: {  	_ =	strace s4  }
0x96: {  	s4 =	sld [smem:$0x3FFD];
	_ =	sdelay $0x3  }
0x97: {  	_ =	strace s4  }
0x98: {  	_ =	strace $0x8FFFFFFF  }
0x99: {  	s19 =	sld [smem:$0x3FDB];
	_ =	sdelay $0x1  }
0x9a: {  	s5 =	simm.s32 $_scs_section_size  }
0x9b: {  	s6 =	simm.s32 $_size__tile_overlayer_lowered;
	s7 =	simm.s32 $_tile_overlayer_lowered  }
0x9c: {  	s22 =	simm.s32 $0x1BFF;
	s21 =	sshll.u32 s7, $0x1;
	s4 =	sadd.s32 s5, s19  }
0x9d: {  	s8 =	simm.s32 $0x0;
	s20 =	sshll.u32 s6, $0x1;
	s6 =	sadd.s32 s21, s4  }
0x9e: {  	[timem:s8], [sflag:s22] =	dma.local [hbm:s6], s20  }
0x9f: {  	_ =	swait.ge [sflag:s22], s20  }
0xa0: {  	s5 =	ssub.s32 $0x0, s20;
	[sflag:s22] =	ssyncset.done $0x0  }
0xa1: {  	[sflag:s22] =	ssyncadd.s32 s5;
	_ =	sdelay $0x1  }
0xa2: {  	s23 =	simm.s32 $0x1B8B  }
0xa3: {  	_ =	swait.ge [sflag:s23], $0x1  }
0xa4: {  	[sflag:s23] =	ssyncset.done $0x0  }
0xa5: {  	s25 =	simm.s32 $0x1B8E;
	s24 =	sld [smem:$0x3FFE];
	[sflag:s23] =	ssyncadd.s32 $0xFFFFFFFF  }
0xa6: {  	s26 =	simm.s32 $execute0_lowered;
	[smem:$0x3FD2] =	sst s25  }
0xa7: {  	s6 =	sshll.u32 s26, $0x1;
	_ =	strace $0x80000046;
	[dreg:$0x1] =	wrdreg $0xFFFFFFFF  }
0xa8: {  	s28 =	simm.s32 $_size_execute0_lowered;
	s4 =	sadd.s32 s4, s6;
	[dreg:$0x0] =	wrdreg $0x0  }
0xa9: {  	s6 =	sshll.u32 s28, $0x1;
	[dreg:$0x2] =	wrdreg s4  }
0xaa: {  	[dreg:$0x3] =	wrdreg s6  }
0xab: {  	[dreg:$0x4] =	wrdreg $0xC0  }
0xac: {  	_ =	task [dreg:s8], $0x5FFFF  }
0xad: {  	[dreg:$0x1] =	wrdreg $0xFFFFFFFF  }
0xae: {  	[dreg:$0x0] =	wrdreg $0x60  }
0xaf: {  	[dreg:$0x2] =	wrdreg s2  }
0xb0: {  	[dreg:$0x3] =	wrdreg s24  }
0xb1: {  	[dreg:$0x4] =	wrdreg s18  }
0xb2: {  	[dreg:$0x5] =	wrdreg $0x4F800  }
0xb3: {  	[dreg:$0x6] =	wrdreg $0x9  }
0xb4: {  	_ =	task.clear_ibuf [dreg:s8], $0x7FFFF;
	_ =	strace $0x90000046  }
0xb5: {  	s29 =	simm.s32 $0x9;
	_ =	strace $0x80000048  }
0xb6: {  	_ =	swait.ge [sflag:s29], $0x1  }
0xb7: {  	[sflag:s29] =	ssyncadd.s32 $0xFFFFFFFF  }
0xb8: {  	_ =	strace $0x90000048  }
0xb9: {  	_ =	sfence  }
0xba: {  	s30 =	sld [smem:$0x0];
	_ =	sdelay $0x2  }
0xbb: {  	s31 =	sshll.u32 s1, $0xD;
	s1 =	sshrl.u32 s1, $0x2  }
0xbc: {  	s3 =	sand.u32 $0x4000, s31;
	s1 =	sadd.s32 s1, s30  }
0xbd: {  	s0 =	sor.u32 s3, s0;
	s1 =	sshll.u32 s1, $0x11  }
0xbe: {  	s0 =	sor.u32 s1, s0  }
0xbf: {  	s0 =	sadd.s32 $0x8F2B, s0  }
0xc0: {  	[sflag:s0] =	ssyncadd.remote.s32 $0x1  }
0xc1: {  	_ =	sfence.sel $0xFFFF  }
0xc2: {  	[dreg:$0x0] =	wrdreg $0xFFFFFFFF;
	(pc) =	sbr.abs _section_cstart, $3  }
0xc3: {  	[dreg:$0x1] =	wrdreg $0xFFFFFFFF  }
0xc4: {  	_ =	task.clear_ibuf [dreg:s8], $0x2FFFF;
	_ =	strace $0x9FFFFFFF  }
0xc5: {  	(tm) =	ssettm $0x7FFFFFFF  }
tec
execute0_lowered:
.L_overlay_start_1:
0x0: {  	(tag) =	ssettag $0x1  }
0x1: {  	s7 =	rddreg [dreg:$0x0]  }
0x2: {  	s5 =	rddreg [dreg:$0x1]  }
0x3: {  	s6 =	rddreg [dreg:$0x2]  }
0x4: {  	s1 =	srdreg.scid;
	s0 =	stileid.u32  }
0x5: {  	s2 =	rddreg [dreg:$0x3];
	s3 =	simm.s32 $0x0;
	s14 =	simm.s32 $0x80  }
0x6: {  	s15 =	simm.s32 $0x1;
	s8 =	sand.u32 $0x1, s1;
	s1 =	rddreg [dreg:$0x4]  }
0x7: {  	s16 =	simm.s32 $0x0;
	s9 =	smul.u32 $0x280, s0;
	[smem:$0x7FF] =	sst s3  }
0x8: {  	s30 =	sshll.u32 s0, $0x5;
	s31 =	sshll.u32 s0, $0x6;
	s4 =	smul.u32 $0x2800, s8  }
0x9: {  	_ =	strace $0x80000047;
	s11 =	ssub.s32 $0x2, s8;
	s8 =	sshll.u32 s8, $0x4  }
0xa: {  	s28 =	sshrl.u32 s11, $0x1;
	s12 =	sor.u32 s0, s8;
	s13 =	sadd.s32 s9, s2  }
0xb: {  	s29 =	sshrl.u32 s9, $0x3;
	s10 =	sadd.s32 s9, s4;
	s4 =	sadd.s32 $0x2800, s5  }
0xc: {  	s11 =	ssub.s32 s11, s28;
	s8 =	smul.u32 $0x9C0, s12;
	s9 =	sadd.s32 s30, s7  }
0xd: {  	p0 =	sgt.u32 s12, $0x3;
	s12 =	simm.s32 $0x2;
	s10 =	sshrl.u32 s10, $0x3  }
0xe: {  	s10 =	sadd.s32 s10, s5;
	s5 =	sadd.s32 s6, s29;
	s6 =	sor.u32 $0x1C02, s31  }
0xf: {  	s7 =	sadd.s32 s7, s8;
	s8 =	sadd.s32 $0x13800, s9;
	s9 =	sadd.s32 $0x2A00, s10  }
0x10: {  	s10 =	smax.u32 s11, $0x1;
	s11 =	sshrl.u32 s13, $0x3;
	s13 =	simm.s32 $0x4F00  }
.LBB2_1:
0x11: {  	[spmem:s11], [sflag:s6] =	dma.local [hbm:s5], $0x50  }
0x12: {  	_ =	swait.ge [sflag:s12], $0x50  }
0x13: {  	[sflag:s12] =	ssyncset.done $0x0  }
0x14: {  	[sflag:s12] =	ssyncadd.s32 $0xFFFFFFB0  }
0x15: {  	[tilespmem:s13], [sflag:$0x2] =	stream.linear.gather [hbm4b:s4+s3], $0x80, $0x38;
	[tilespmem:$0x5200] =	vst v63  }
0x16: {  	_ =	swait.ge [sflag:s12], $0x80  }
0x17: {  	[sflag:s12] =	ssyncset.done $0x0  }
0x18: {  	[sflag:s12] =	ssyncadd.s32 $0xFFFFFF80  }
0x19: {  	[tilespmem:s3], [sflag:$0x2] =	stream.linear.gather [hbm4b:s7+s3], $0x4E00, $0x38;
	[tilespmem:$0x5200] =	vst v63  }
0x1a: {  	_ =	swait.ge [sflag:s12], $0x4E00  }
0x1b: {  	[sflag:s12] =	ssyncset.done $0x0  }
0x1c: {  	s17 =	simm.s32 @!p0 $0x0;
	s18 =	simm.s32 @!p0 $0x4E00;
	[sflag:s12] =	ssyncadd.s32 $0xFFFFB200  }
0x1d: {  	[tilespmem:s18], [sflag:$0x2] =	stream.linear.gather @!p0 [hbm4b:s8+s17], $0x100, $0x38;
	[tilespmem:$0x5200] =	vst v63  }
0x1e: {  	s17 =	simm.s32 @!p0 $0x2  }
0x1f: {  	_ =	swait.ge @!p0 [sflag:s17], $0x100  }
0x20: {  	[sflag:s17] =	ssyncset.done @!p0 $0x0  }
0x21: {  	[sflag:s17] =	ssyncadd.s32 @!p0 $0xFFFFFF00  }
0x22: {  	s18 =	simm.s32 $0x80;
	[bflag:$0x0] =	sbarrier.arrive $0xFFFF  }
0x23: {  	[spmem:s2] =	stream.indirect.scatter.add.f32 [tilespmem:s13], [sflag:$0x1], $0x1, s18, s14, $0xb8;
	[tilespmem:$0x5200] =	vst v63  }
0x24: {  	s19 =	simm.s32 $0x180  }
0x25: {  	[spmem:s2] =	stream.indirect.scatter.add.f32 [tilespmem:s13], [sflag:$0x1], $0x1, s19, s14, $0xb8;
	[tilespmem:$0x5200] =	vst v63  }
0x26: {  	s20 =	simm.s32 $0x280  }
0x27: {  	[spmem:s2] =	stream.indirect.scatter.add.f32 [tilespmem:s13], [sflag:$0x1], $0x1, s20, s14, $0xb8;
	[tilespmem:$0x5200] =	vst v63  }
0x28: {  	s21 =	simm.s32 $0x380  }
0x29: {  	[spmem:s2] =	stream.indirect.scatter.add.f32 [tilespmem:s13], [sflag:$0x1], $0x1, s21, s14, $0xb8;
	[tilespmem:$0x5200] =	vst v63  }
0x2a: {  	s22 =	simm.s32 $0x480  }
0x2b: {  	[spmem:s2] =	stream.indirect.scatter.add.f32 [tilespmem:s13], [sflag:$0x1], $0x1, s22, s14, $0xb8;
	[tilespmem:$0x5200] =	vst v63  }
0x2c: {  	s23 =	simm.s32 $0x580  }
0x2d: {  	[spmem:s2] =	stream.indirect.scatter.add.f32 [tilespmem:s13], [sflag:$0x1], $0x1, s23, s14, $0xb8;
	[tilespmem:$0x5200] =	vst v63  }
0x2e: {  	s24 =	simm.s32 $0x680  }
0x2f: {  	[spmem:s2] =	stream.indirect.scatter.add.f32 [tilespmem:s13], [sflag:$0x1], $0x1, s24, s14, $0xb8;
	[tilespmem:$0x5200] =	vst v63  }
0x30: {  	s25 =	simm.s32 $0x780  }
0x31: {  	[spmem:s2] =	stream.indirect.scatter.add.f32 [tilespmem:s13], [sflag:$0x1], $0x1, s25, s14, $0xb8;
	[tilespmem:$0x5200] =	vst v63  }
0x32: {  	s26 =	simm.s32 $0x880  }
0x33: {  	[spmem:s2] =	stream.indirect.scatter.add.f32 [tilespmem:s13], [sflag:$0x1], $0x1, s26, s14, $0xb8;
	[tilespmem:$0x5200] =	vst v63  }
0x34: {  	s28 =	simm.s32 $0x980  }
0x35: {  	[spmem:s2] =	stream.indirect.scatter.add.f32 [tilespmem:s13], [sflag:$0x1], $0x1, s28, s14, $0xb8;
	[tilespmem:$0x5200] =	vst v63  }
0x36: {  	s29 =	simm.s32 $0xA80  }
0x37: {  	[spmem:s2] =	stream.indirect.scatter.add.f32 [tilespmem:s13], [sflag:$0x1], $0x1, s29, s14, $0xb8;
	[tilespmem:$0x5200] =	vst v63  }
0x38: {  	s30 =	simm.s32 $0xB80  }
0x39: {  	[spmem:s2] =	stream.indirect.scatter.add.f32 [tilespmem:s13], [sflag:$0x1], $0x1, s30, s14, $0xb8;
	[tilespmem:$0x5200] =	vst v63  }
0x3a: {  	s31 =	simm.s32 $0xC80  }
0x3b: {  	[spmem:s2] =	stream.indirect.scatter.add.f32 [tilespmem:s13], [sflag:$0x1], $0x1, s31, s14, $0xb8;
	[tilespmem:$0x5200] =	vst v63  }
0x3c: {  	_ =	swait.ge [sflag:s15], $0x80  }
0x3d: {  	[sflag:s15] =	ssyncset.done $0x0  }
0x3e: {  	[sflag:s15] =	ssyncadd.s32 $0xFFFFFF80  }
0x3f: {  	_ =	swait.ge [sflag:s15], $0x80  }
0x40: {  	[sflag:s15] =	ssyncset.done $0x0  }
0x41: {  	[sflag:s15] =	ssyncadd.s32 $0xFFFFFF80  }
0x42: {  	_ =	swait.ge [sflag:s15], $0x80  }
0x43: {  	[sflag:s15] =	ssyncset.done $0x0  }
0x44: {  	[sflag:s15] =	ssyncadd.s32 $0xFFFFFF80  }
0x45: {  	_ =	swait.ge [sflag:s15], $0x80  }
0x46: {  	[sflag:s15] =	ssyncset.done $0x0  }
0x47: {  	[sflag:s15] =	ssyncadd.s32 $0xFFFFFF80  }
0x48: {  	_ =	swait.ge [sflag:s15], $0x80  }
0x49: {  	[sflag:s15] =	ssyncset.done $0x0  }
0x4a: {  	[sflag:s15] =	ssyncadd.s32 $0xFFFFFF80  }
0x4b: {  	_ =	swait.ge [sflag:s15], $0x80  }
0x4c: {  	[sflag:s15] =	ssyncset.done $0x0  }
0x4d: {  	[sflag:s15] =	ssyncadd.s32 $0xFFFFFF80  }
0x4e: {  	_ =	swait.ge [sflag:s15], $0x80  }
0x4f: {  	[sflag:s15] =	ssyncset.done $0x0  }
0x50: {  	[sflag:s15] =	ssyncadd.s32 $0xFFFFFF80  }
0x51: {  	_ =	swait.ge [sflag:s15], $0x80  }
0x52: {  	[sflag:s15] =	ssyncset.done $0x0  }
0x53: {  	[sflag:s15] =	ssyncadd.s32 $0xFFFFFF80  }
0x54: {  	_ =	swait.ge [sflag:s15], $0x80  }
0x55: {  	[sflag:s15] =	ssyncset.done $0x0  }
0x56: {  	[sflag:s15] =	ssyncadd.s32 $0xFFFFFF80  }
0x57: {  	_ =	swait.ge [sflag:s15], $0x80  }
0x58: {  	[sflag:s15] =	ssyncset.done $0x0  }
0x59: {  	[sflag:s15] =	ssyncadd.s32 $0xFFFFFF80  }
0x5a: {  	_ =	swait.ge [sflag:s15], $0x80  }
0x5b: {  	[sflag:s15] =	ssyncset.done $0x0  }
0x5c: {  	[sflag:s15] =	ssyncadd.s32 $0xFFFFFF80  }
0x5d: {  	_ =	swait.ge [sflag:s15], $0x80  }
0x5e: {  	[sflag:s15] =	ssyncset.done $0x0  }
0x5f: {  	[sflag:s15] =	ssyncadd.s32 $0xFFFFFF80  }
0x60: {  	_ =	swait.ge [sflag:s15], $0x80  }
0x61: {  	s19 =	simm.s32 $0xD00;
	s20 =	simm.s32 $0x6800;
	[sflag:s15] =	ssyncset.done $0x0  }
.LBB2_2:
0x62: {  	s21 =	sadd.s32 $0x80, s19  }
0x63: {  	[sflag:s15] =	ssyncadd.s32 $0xFFFFFF80;
	s18 =	smov.u32 s20;
	s17 =	sadd.s32 $0x3400, s20  }
0x64: {  	[spmem:s2] =	stream.indirect.scatter.add.f32 [tilespmem:s13], [sflag:$0x1], $0x1, s21, s14, $0xb8;
	[tilespmem:$0x5200] =	vst v63  }
0x65: {  	p1 =	sne.s32 s20, $0x10400;
	s20 =	sadd.s32 $0x180, s19  }
0x66: {  	[spmem:s2] =	stream.indirect.scatter.add.f32 [tilespmem:s13], [sflag:$0x1], $0x1, s20, s14, $0xb8;
	[tilespmem:$0x5200] =	vst v63  }
0x67: {  	s20 =	sadd.s32 $0x280, s19  }
0x68: {  	[spmem:s2] =	stream.indirect.scatter.add.f32 [tilespmem:s13], [sflag:$0x1], $0x1, s20, s14, $0xb8;
	[tilespmem:$0x5200] =	vst v63  }
0x69: {  	s20 =	sadd.s32 $0x380, s19  }
0x6a: {  	[spmem:s2] =	stream.indirect.scatter.add.f32 [tilespmem:s13], [sflag:$0x1], $0x1, s20, s14, $0xb8;
	[tilespmem:$0x5200] =	vst v63  }
0x6b: {  	s20 =	sadd.s32 $0x480, s19  }
0x6c: {  	[spmem:s2] =	stream.indirect.scatter.add.f32 [tilespmem:s13], [sflag:$0x1], $0x1, s20, s14, $0xb8;
	[tilespmem:$0x5200] =	vst v63  }
0x6d: {  	s20 =	sadd.s32 $0x580, s19  }
0x6e: {  	[spmem:s2] =	stream.indirect.scatter.add.f32 [tilespmem:s13], [sflag:$0x1], $0x1, s20, s14, $0xb8;
	[tilespmem:$0x5200] =	vst v63  }
0x6f: {  	s20 =	sadd.s32 $0x680, s19  }
0x70: {  	[spmem:s2] =	stream.indirect.scatter.add.f32 [tilespmem:s13], [sflag:$0x1], $0x1, s20, s14, $0xb8;
	[tilespmem:$0x5200] =	vst v63  }
0x71: {  	s20 =	sadd.s32 $0x780, s19  }
0x72: {  	[spmem:s2] =	stream.indirect.scatter.add.f32 [tilespmem:s13], [sflag:$0x1], $0x1, s20, s14, $0xb8;
	[tilespmem:$0x5200] =	vst v63  }
0x73: {  	s20 =	sadd.s32 $0x880, s19  }
0x74: {  	[spmem:s2] =	stream.indirect.scatter.add.f32 [tilespmem:s13], [sflag:$0x1], $0x1, s20, s14, $0xb8;
	[tilespmem:$0x5200] =	vst v63  }
0x75: {  	s20 =	sadd.s32 $0x980, s19  }
0x76: {  	[spmem:s2] =	stream.indirect.scatter.add.f32 [tilespmem:s13], [sflag:$0x1], $0x1, s20, s14, $0xb8;
	[tilespmem:$0x5200] =	vst v63  }
0x77: {  	s20 =	sadd.s32 $0xA80, s19  }
0x78: {  	[spmem:s2] =	stream.indirect.scatter.add.f32 [tilespmem:s13], [sflag:$0x1], $0x1, s20, s14, $0xb8;
	[tilespmem:$0x5200] =	vst v63  }
0x79: {  	s20 =	sadd.s32 $0xB80, s19  }
0x7a: {  	[spmem:s2] =	stream.indirect.scatter.add.f32 [tilespmem:s13], [sflag:$0x1], $0x1, s20, s14, $0xb8;
	[tilespmem:$0x5200] =	vst v63  }
0x7b: {  	s19 =	sadd.s32 $0xC80, s19  }
0x7c: {  	[spmem:s2] =	stream.indirect.scatter.add.f32 [tilespmem:s13], [sflag:$0x1], $0x1, s19, s14, $0xb8;
	[tilespmem:$0x5200] =	vst v63  }
0x7d: {  	_ =	swait.ge [sflag:s15], $0x80  }
0x7e: {  	[sflag:s15] =	ssyncset.done $0x0  }
0x7f: {  	[sflag:s15] =	ssyncadd.s32 $0xFFFFFF80  }
0x80: {  	_ =	swait.ge [sflag:s15], $0x80  }
0x81: {  	[sflag:s15] =	ssyncset.done $0x0  }
0x82: {  	[sflag:s15] =	ssyncadd.s32 $0xFFFFFF80  }
0x83: {  	_ =	swait.ge [sflag:s15], $0x80  }
0x84: {  	[sflag:s15] =	ssyncset.done $0x0  }
0x85: {  	[sflag:s15] =	ssyncadd.s32 $0xFFFFFF80  }
0x86: {  	_ =	swait.ge [sflag:s15], $0x80  }
0x87: {  	[sflag:s15] =	ssyncset.done $0x0  }
0x88: {  	[sflag:s15] =	ssyncadd.s32 $0xFFFFFF80  }
0x89: {  	_ =	swait.ge [sflag:s15], $0x80  }
0x8a: {  	[sflag:s15] =	ssyncset.done $0x0  }
0x8b: {  	[sflag:s15] =	ssyncadd.s32 $0xFFFFFF80  }
0x8c: {  	_ =	swait.ge [sflag:s15], $0x80  }
0x8d: {  	[sflag:s15] =	ssyncset.done $0x0  }
0x8e: {  	[sflag:s15] =	ssyncadd.s32 $0xFFFFFF80  }
0x8f: {  	_ =	swait.ge [sflag:s15], $0x80  }
0x90: {  	[sflag:s15] =	ssyncset.done $0x0  }
0x91: {  	[sflag:s15] =	ssyncadd.s32 $0xFFFFFF80  }
0x92: {  	_ =	swait.ge [sflag:s15], $0x80  }
0x93: {  	[sflag:s15] =	ssyncset.done $0x0  }
0x94: {  	[sflag:s15] =	ssyncadd.s32 $0xFFFFFF80  }
0x95: {  	_ =	swait.ge [sflag:s15], $0x80  }
0x96: {  	[sflag:s15] =	ssyncset.done $0x0  }
0x97: {  	[sflag:s15] =	ssyncadd.s32 $0xFFFFFF80  }
0x98: {  	_ =	swait.ge [sflag:s15], $0x80  }
0x99: {  	[sflag:s15] =	ssyncset.done $0x0  }
0x9a: {  	[sflag:s15] =	ssyncadd.s32 $0xFFFFFF80  }
0x9b: {  	_ =	swait.ge [sflag:s15], $0x80  }
0x9c: {  	[sflag:s15] =	ssyncset.done $0x0  }
0x9d: {  	[sflag:s15] =	ssyncadd.s32 $0xFFFFFF80  }
.Ltmp0:
0x9e: {  	_ =	swait.ge [sflag:s15], $0x80;
	(pc) =	sbr.rel @p1 .LBB2_2-.Ltmp0, $4  }
0x9f: {  	[sflag:s15] =	ssyncset.done $0x0  }
0xa0: {  	[sflag:s15] =	ssyncadd.s32 $0xFFFFFF80  }
0xa1: {  	_ =	swait.ge [sflag:s15], $0x80  }
0xa2: {  	s20 =	smov.u32 s17;
	s19 =	sshra.s32 s18, $0x2;
	[sflag:s15] =	ssyncset.done $0x0  }
0xa3: {  	s17 =	sadd.s32 $0x80, s19;
	[sflag:s15] =	ssyncadd.s32 $0xFFFFFF80  }
0xa4: {  	[spmem:s2] =	stream.indirect.scatter.add.f32 [tilespmem:s13], [sflag:$0x1], $0x1, s17, s14, $0xb8;
	[tilespmem:$0x5200] =	vst v63  }
0xa5: {  	s18 =	sadd.s32 $0x180, s19  }
0xa6: {  	[spmem:s2] =	stream.indirect.scatter.add.f32 [tilespmem:s13], [sflag:$0x1], $0x1, s18, s14, $0xb8;
	[tilespmem:$0x5200] =	vst v63  }
0xa7: {  	s20 =	sadd.s32 $0x280, s19  }
0xa8: {  	[spmem:s2] =	stream.indirect.scatter.add.f32 [tilespmem:s13], [sflag:$0x1], $0x1, s20, s14, $0xb8;
	[tilespmem:$0x5200] =	vst v63  }
0xa9: {  	s21 =	sadd.s32 $0x380, s19  }
0xaa: {  	[spmem:s2] =	stream.indirect.scatter.add.f32 [tilespmem:s13], [sflag:$0x1], $0x1, s21, s14, $0xb8;
	[tilespmem:$0x5200] =	vst v63  }
0xab: {  	s22 =	sadd.s32 $0x480, s19  }
0xac: {  	[spmem:s2] =	stream.indirect.scatter.add.f32 [tilespmem:s13], [sflag:$0x1], $0x1, s22, s14, $0xb8;
	[tilespmem:$0x5200] =	vst v63  }
0xad: {  	s23 =	sadd.s32 $0x580, s19  }
0xae: {  	[spmem:s2] =	stream.indirect.scatter.add.f32 [tilespmem:s13], [sflag:$0x1], $0x1, s23, s14, $0xb8;
	[tilespmem:$0x5200] =	vst v63  }
0xaf: {  	s24 =	sadd.s32 $0x680, s19  }
0xb0: {  	[spmem:s2] =	stream.indirect.scatter.add.f32 [tilespmem:s13], [sflag:$0x1], $0x1, s24, s14, $0xb8;
	[tilespmem:$0x5200] =	vst v63  }
0xb1: {  	s25 =	sadd.s32 $0x780, s19  }
0xb2: {  	[spmem:s2] =	stream.indirect.scatter.add.f32 [tilespmem:s13], [sflag:$0x1], $0x1, s25, s14, $0xb8;
	[tilespmem:$0x5200] =	vst v63  }
0xb3: {  	s26 =	sadd.s32 $0x880, s19  }
0xb4: {  	[spmem:s2] =	stream.indirect.scatter.add.f32 [tilespmem:s13], [sflag:$0x1], $0x1, s26, s14, $0xb8;
	[tilespmem:$0x5200] =	vst v63  }
0xb5: {  	s28 =	sadd.s32 $0x980, s19  }
0xb6: {  	[spmem:s2] =	stream.indirect.scatter.add.f32 [tilespmem:s13], [sflag:$0x1], $0x1, s28, s14, $0xb8;
	[tilespmem:$0x5200] =	vst v63  }
0xb7: {  	s29 =	sadd.s32 $0xA80, s19  }
0xb8: {  	[spmem:s2] =	stream.indirect.scatter.add.f32 [tilespmem:s13], [sflag:$0x1], $0x1, s29, s14, $0xb8;
	[tilespmem:$0x5200] =	vst v63  }
0xb9: {  	s30 =	sadd.s32 $0xB80, s19  }
0xba: {  	[spmem:s2] =	stream.indirect.scatter.add.f32 [tilespmem:s13], [sflag:$0x1], $0x1, s30, s14, $0xb8;
	[tilespmem:$0x5200] =	vst v63  }
0xbb: {  	s31 =	sadd.s32 $0xC80, s19  }
0xbc: {  	[spmem:s2] =	stream.indirect.scatter.add.f32 [tilespmem:s13], [sflag:$0x1], $0x1, s31, s14, $0xb8;
	[tilespmem:$0x5200] =	vst v63  }
0xbd: {  	_ =	swait.ge [sflag:s15], $0x80  }
0xbe: {  	[sflag:s15] =	ssyncset.done $0x0  }
0xbf: {  	[sflag:s15] =	ssyncadd.s32 $0xFFFFFF80  }
0xc0: {  	_ =	swait.ge [sflag:s15], $0x80  }
0xc1: {  	[sflag:s15] =	ssyncset.done $0x0  }
0xc2: {  	[sflag:s15] =	ssyncadd.s32 $0xFFFFFF80  }
0xc3: {  	_ =	swait.ge [sflag:s15], $0x80  }
0xc4: {  	[sflag:s15] =	ssyncset.done $0x0  }
0xc5: {  	[sflag:s15] =	ssyncadd.s32 $0xFFFFFF80  }
0xc6: {  	_ =	swait.ge [sflag:s15], $0x80  }
0xc7: {  	[sflag:s15] =	ssyncset.done $0x0  }
0xc8: {  	[sflag:s15] =	ssyncadd.s32 $0xFFFFFF80  }
0xc9: {  	_ =	swait.ge [sflag:s15], $0x80  }
0xca: {  	[sflag:s15] =	ssyncset.done $0x0  }
0xcb: {  	[sflag:s15] =	ssyncadd.s32 $0xFFFFFF80  }
0xcc: {  	_ =	swait.ge [sflag:s15], $0x80  }
0xcd: {  	[sflag:s15] =	ssyncset.done $0x0  }
0xce: {  	[sflag:s15] =	ssyncadd.s32 $0xFFFFFF80  }
0xcf: {  	_ =	swait.ge [sflag:s15], $0x80  }
0xd0: {  	[sflag:s15] =	ssyncset.done $0x0  }
0xd1: {  	[sflag:s15] =	ssyncadd.s32 $0xFFFFFF80  }
0xd2: {  	_ =	swait.ge [sflag:s15], $0x80  }
0xd3: {  	[sflag:s15] =	ssyncset.done $0x0  }
0xd4: {  	[sflag:s15] =	ssyncadd.s32 $0xFFFFFF80  }
0xd5: {  	_ =	swait.ge [sflag:s15], $0x80  }
0xd6: {  	[sflag:s15] =	ssyncset.done $0x0  }
0xd7: {  	[sflag:s15] =	ssyncadd.s32 $0xFFFFFF80  }
0xd8: {  	_ =	swait.ge [sflag:s15], $0x80  }
0xd9: {  	[sflag:s15] =	ssyncset.done $0x0  }
0xda: {  	[sflag:s15] =	ssyncadd.s32 $0xFFFFFF80  }
0xdb: {  	_ =	swait.ge [sflag:s15], $0x80  }
0xdc: {  	[sflag:s15] =	ssyncset.done $0x0  }
0xdd: {  	[sflag:s15] =	ssyncadd.s32 $0xFFFFFF80  }
0xde: {  	_ =	swait.ge [sflag:s15], $0x80  }
0xdf: {  	[sflag:s15] =	ssyncset.done $0x0  }
0xe0: {  	[sflag:s15] =	ssyncadd.s32 $0xFFFFFF80  }
0xe1: {  	_ =	swait.ge [sflag:s15], $0x80  }
0xe2: {  	s19 =	simm.s32 @!p0 $0x4F00;
	[sflag:s15] =	ssyncset.done $0x0  }
0xe3: {  	s17 =	simm.s32 @!p0 $0x80;
	s18 =	simm.s32 @!p0 $0x4E80;
	[sflag:s15] =	ssyncadd.s32 $0xFFFFFF80  }
0xe4: {  	[spmem:s2] =	stream.indirect.scatter.add.f32 @!p0 [tilespmem:s19], [sflag:$0x2], $0x1, s18, s17, $0xb8;
	[tilespmem:$0x5200] =	vst v63  }
0xe5: {  	s17 =	simm.s32 @!p0 $0x2  }
0xe6: {  	_ =	swait.ge @!p0 [sflag:s17], $0x80  }
0xe7: {  	s16 =	sadd.s32 $0x1, s16;
	[sflag:s17] =	ssyncset.done @!p0 $0x0  }
0xe8: {  	p1 =	sne.s32 s16, s10;
	[sflag:s17] =	ssyncadd.s32 @!p0 $0xFFFFFF80  }
.Ltmp1:
0xe9: {  	[bflag:$0x0] =	sbarrier.arrive $0xFFFF;
	(pc) =	sbr.rel @p1 .LBB2_1-.Ltmp1, $4  }
0xea: {  	[hbm:s9], [sflag:s6] =	dma.local [spmem:s11], $0x50  }
0xeb: {  	_ =	swait.ge [sflag:s12], $0x50  }
0xec: {  	[sflag:s12] =	ssyncset.done $0x0  }
0xed: {  	[sflag:s12] =	ssyncadd.s32 $0xFFFFFFB0  }
0xee: {  	_ =	sfence.sel $0x180000  }
0xef: {  	[bflag:$0x0] =	sbarrier.arrive $0xFFFF  }
0xf0: {  	p0 =	sne.s32 s0, $0x0;
	_ =	strace $0x90000047  }
0xf1: {  	s0 =	sadd.s32 @!p0 $0x100000, s1;
	[bflag:$0x2] =	sbarrier.arrive $0xFFFF  }
0xf2: {  	[sflag:s0] =	ssyncadd.tile.s32 @!p0 $0x1;
	_ =	shalt  }
.Lfunc_end2:
_tile_overlayer_lowered:
.L_overlay_start_2:
0xf3: {  	(tag) =	ssettag $0x2  }
0xf4: {  	s0 =	rddreg [dreg:$0x0];
	s2 =	stileid.u32  }
0xf5: {  	s1 =	rddreg [dreg:$0x1];
	p0 =	sne.s32 s2, $0x0  }
0xf6: {  	s3 =	rddreg [dreg:$0x2];
	[bflag:$0x3] =	sbarrier.arrive $0xFFFF;
	s2 =	simm.s32 @!p0 $0x1C02  }
0xf7: {  	[timem:s3], [sflag:s2] =	dma.local @!p0 [hbm:s0], s1  }
0xf8: {  	s0 =	simm.s32 @!p0 $0x2  }
0xf9: {  	_ =	swait.ge @!p0 [sflag:s0], s1  }
0xfa: {  	s1 =	ssub.s32 @!p0 $0x0, s1;
	[sflag:s0] =	ssyncset.done @!p0 $0x0  }
0xfb: {  	[sflag:s0] =	ssyncadd.s32 @!p0 s1  }
0xfc: {  	[bflag:$0x3] =	sbarrier.arrive $0xFFFF  }
0xfd: {  	_ =	shalt  }

</sc_bundles>
